<compile_context>
chip_gen: v7x
topology: tpu7x:2x2x1
jax: 0.10.2.dev20260603
libtpu: 0.0.44.dev20260713+nightly
codegen_flags: <defaults>
</compile_context>

<pallas_src>
import functools

import jax
import jax.numpy as jnp
from jax import lax
from jax.experimental import pallas as pl
from jax.experimental.pallas import tpu as pltpu
from jax.experimental.pallas import tpu_sc as plsc

_B = 1024
_L = 200
_D = 64
_V = 100000
_N = _B * _L
_NC, _NS = 2, 16
_NW = _NC * _NS
_G = 128
_GW = _N // (_NW * _G)
_SS = 5
_NSS = _GW // _SS


_VC = 12544


def _prep_body(x_ref, m_ref, out_ref):
    cat = jnp.concatenate([x_ref[...], m_ref[...]], axis=0)
    out_ref[...] = cat.T * 8.0


def _prep(xt_t, mt_t):
    return pl.pallas_call(
        _prep_body,
        grid=((_V + _VC - 1) // _VC,),
        in_specs=[
            pl.BlockSpec((_D, _VC), lambda j: (0, j)),
            pl.BlockSpec((_D, _VC), lambda j: (0, j)),
        ],
        out_specs=pl.BlockSpec((_VC, 2 * _D), lambda j: (j, 0)),
        out_shape=jax.ShapeDtypeStruct((_V, 2 * _D), jnp.float32),
    )(xt_t, mt_t)



_SC_MESH = plsc.VectorSubcoreMesh(
    core_axis_name="c", subcore_axis_name="s", num_cores=_NC, num_subcores=_NS
)


@functools.partial(
    pl.kernel,
    out_type=jax.ShapeDtypeStruct((_N, _D), jnp.float32),
    mesh=_SC_MESH,
    scratch_types=[
        pltpu.VMEM((_GW, _G), jnp.int32),
        pltpu.VMEM((_SS * _G, _D), jnp.float32),
        pltpu.VMEM((_SS * _G, _D), jnp.float32),
        pltpu.SemaphoreType.DMA,
        pltpu.SemaphoreType.DMA,
    ],
    compiler_params=pltpu.CompilerParams(use_tc_tiling_on_sc=False),
)
def _gather(table, idx_hbm, out_hbm, idx_v, buf_a, buf_b, sem_a, sem_b):
    c = lax.axis_index("c")
    s = lax.axis_index("s")
    w = c * _NS + s
    base = w * (_GW * _G)
    pltpu.sync_copy(idx_hbm.at[w], idx_v)

    bufs = (buf_a, buf_b)
    sems = (sem_a, sem_b)

    def fire(k):
        bb, ss = bufs[k % 2], sems[k % 2]
        return [
            pltpu.async_copy(
                table.at[idx_v.at[k * _SS + b]],
                bb.at[pl.ds(b * _G, _G)],
                ss,
            )
            for b in range(_SS)
        ]

    pending = fire(0)
    for k in range(_NSS):
        for h in pending:
            h.wait()
        pending = fire(k + 1) if k + 1 < _NSS else []
        pltpu.sync_copy(
            bufs[k % 2], out_hbm.at[pl.ds(base + k * _SS * _G, _SS * _G)]
        )



_BC = 128
_NJ = _B // _BC
_HR = 50
_RB = _HR * _BC


def _emit(o, ref):
    t = o.T.reshape(2, _D, _HR, _BC)
    ref[0] = jnp.transpose(t, (2, 0, 1, 3)).reshape(_RB, _BC)


def _dense_main_body(ex_ref, pe_ref, w_ref, b_ref, out_ref, ox_ref):
    ex = ex_ref[...]
    pe3 = pe_ref[0][:, None, :]
    xx = (ex.reshape(_HR, _BC, 2 * _D) + pe3).reshape(_RB, 2 * _D)
    r = jnp.dot(xx, w_ref[...], preferred_element_type=jnp.float32) + b_ref[...]
    _emit(xx * r, out_ref)
    _emit(ex, ox_ref)


def _dense_m_body(em_ref, om_ref):
    _emit(em_ref[...], om_ref)


_OUT_BLK = pl.BlockSpec((1, _RB, _BC), lambda j, hf: (hf, 0, j))
_IN_BLK = pl.BlockSpec((_RB, 2 * _D), lambda j, hf: (2 * j + hf, 0))


def _dense_main(gx2, pe2, w2, b2):
    out_sds = jax.ShapeDtypeStruct((2, _RB, _B), jnp.float32)
    return pl.pallas_call(
        _dense_main_body,
        grid=(_NJ, 2),
        in_specs=[
            _IN_BLK,
            pl.BlockSpec((1, _HR, 2 * _D), lambda j, hf: (hf, 0, 0)),
            pl.BlockSpec((2 * _D, 2 * _D), lambda j, hf: (0, 0)),
            pl.BlockSpec((1, 2 * _D), lambda j, hf: (0, 0)),
        ],
        out_specs=[_OUT_BLK, _OUT_BLK],
        out_shape=[out_sds, out_sds],
    )(gx2, pe2, w2, b2)


def _dense_m(gm2):
    out_sds = jax.ShapeDtypeStruct((2, _RB, _B), jnp.float32)
    return pl.pallas_call(
        _dense_m_body,
        grid=(_NJ, 2),
        in_specs=[_IN_BLK],
        out_specs=[_OUT_BLK],
        out_shape=[out_sds],
    )(gm2)




def _perm_tokens(a):
    return jnp.transpose(
        a.reshape(_NJ, _BC, _L // 2, 2), (0, 2, 1, 3)
    ).reshape(_NW, _GW, _G)


def kernel(x, m, x_table, m_table, W, b, pe):
    xq = _perm_tokens(x.astype(jnp.int32))
    mq = _perm_tokens(m.astype(jnp.int32))

    tables_pack = _prep(x_table.T, m_table.T)
    tflat = tables_pack.reshape(2 * _V, _D)
    gm = _gather(tflat, 2 * mq + 1)
    gx = _gather(tflat, 2 * xq)

    pe2 = pe[0, :_L, :].reshape(2, _L // 4, 2 * _D)
    wt = W.T
    w2 = (
        jnp.zeros((2 * _D, 2 * _D), jnp.float32)
        .at[:_D, :_D].set(wt)
        .at[_D:, _D:].set(wt)
    )
    b2 = (jnp.concatenate([b, b]) + 1.0).reshape(1, 2 * _D)

    (om_p,) = _dense_m(gm.reshape(_N // 2, 2 * _D))
    out_p, ox_p = _dense_main(gx.reshape(_N // 2, 2 * _D), pe2, w2, b2)

    def unpack(p):
        return jnp.transpose(p.reshape(_L, _D, _B), (2, 0, 1))

    return ((unpack(out_p), unpack(ox_p)), unpack(om_p))

# --- scband reference (transcript-rebuilt; emitter-appended) ---
"""Pipeline reference for scband-embedding-multilinear-sinusoidal-55585466745418 (READ-ONLY COPY).

The authoritative reference and input builder live on the scoring server;
editing this copy changes nothing except your own understanding.
"""

import jax, jax.numpy as jnp
import numpy as np
import math

D_VOCAB = 100000
D_X = 64
MAX_LEN = 512
B = 1024
L = 200

def _make_pe():
    position = np.arange(MAX_LEN, dtype=np.float32)[:, None]
    div_term = np.exp(np.arange(0, D_X, 2, dtype=np.float32) * (-math.log(10000.0) / D_X))
    pe = np.zeros((MAX_LEN, D_X), dtype=np.float32)
    pe[:, 0::2] = np.sin(position * div_term)
    pe[:, 1::2] = np.cos(position * div_term)
    return jnp.asarray(pe[None])  # [1, MAX_LEN, D_X]

def setup_inputs(seed: int = 0) -> dict:
    key = jax.random.key(seed)
    k1, k2, k3, k4, k5 = jax.random.split(key, 5)
    std = 1.0 / math.sqrt(D_X)
    x = jax.random.randint(k1, (B, L), 0, D_VOCAB, dtype=jnp.int64) if jax.config.jax_enable_x64 else jax.random.randint(k1, (B, L), 0, D_VOCAB).astype(jnp.int32)
    m = jax.random.randint(k2, (B, L), 0, D_VOCAB).astype(x.dtype)
    x_table = jax.random.normal(k3, (D_VOCAB, D_X), dtype=jnp.float32) * std
    m_table = jax.random.normal(k4, (D_VOCAB, D_X), dtype=jnp.float32) * std
    W = jax.random.normal(k5, (D_X, D_X), dtype=jnp.float32) * std
    b = jnp.zeros((D_X,), dtype=jnp.float32)
    pe = _make_pe()
    return {"x": x, "m": m, "x_table": x_table, "m_table": m_table, "W": W, "b": b, "pe": pe}

def reference(x, m, x_table, m_table, W, b, pe):
    scale = jnp.sqrt(jnp.float32(D_X))
    emb_x = jnp.take(x_table, x, axis=0) * scale          # gather -> SparseCore
    emb_m = jnp.take(m_table, m, axis=0) * scale          # gather -> SparseCore
    # scheme == 'absolute': add sinusoidal positional encoding
    xx = emb_x + pe[:, :x.shape[1]]
    r = jnp.dot(xx, W.T) + b + 1.0
    out = xx * r
    # dropout p=0.0 -> identity
    return ((out, emb_x), emb_m)

if __name__ == "__main__":
    import jax
    _d = setup_inputs()
    print(jax.jit(kernel)(*tuple(_d.values())))

</pallas_src>

<mosaic_0001>
#map = affine_map<(d0, d1) -> (0, 0)>
#map1 = affine_map<(d0, d1) -> (0, 0, 0)>
module attributes {stable_mosaic.version = 14 : i64} {
  func.func @_gather(%arg0: i32, %arg1: i32, %arg2: memref<200000x64xf32, #tpu.memory_space<hbm>>, %arg3: memref<32x50x128xi32, #tpu.memory_space<hbm>>, %arg4: memref<204800x64xf32, #tpu.memory_space<hbm>>, %arg5: memref<50x128xi32, #tpu.memory_space<vmem>>, %arg6: memref<640x64xf32, #tpu.memory_space<vmem>>, %arg7: memref<640x64xf32, #tpu.memory_space<vmem>>, %arg8: memref<!tpu.dma_semaphore, #tpu.memory_space<semaphore_mem>>, %arg9: memref<!tpu.dma_semaphore, #tpu.memory_space<semaphore_mem>>) attributes {dimension_semantics = [#tpu.dimension_semantics<core_parallel>, #tpu.dimension_semantics<subcore_parallel>], iteration_bounds = array<i64: 2, 16>, scalar_prefetch = 0 : i64, scratch_operands = 5 : i64, tpu.core_type = #tpu.core_type<sc_vector_subcore>, window_params = [{transform_indices = #map}, {transform_indices = #map1}, {transform_indices = #map}]} {
    %mul3A = arith.constant 16 : i32
    %mul3A_0 = arith.muli %arg0, %mul3A : i32
    %add3A = arith.addi %mul3A_0, %arg1 : i32
    %mul3A_1 = arith.constant 6400 : i32
    %mul3A_2 = arith.muli %add3A, %mul3A_1 : i32
    "tpu.region"() ({
      %run_scoped3A = tpu.sem_alloc : memref<!tpu.dma_semaphore, #tpu.memory_space<semaphore_mem>>
      %dma_start3A_1021 = arith.constant 0 : i32
      %dma_start3A_1022 = arith.constant 0 : i32
      %dma_start3A_1023 = tpu.memref_slice %arg3[%add3A, %dma_start3A_1021, %dma_start3A_1022] : memref<32x50x128xi32, #tpu.memory_space<hbm>> -> memref<1x50x128xi32, #tpu.memory_space<hbm>>
      %dma_start3A_1024 = tpu.memref_squeeze %dma_start3A_1023 : memref<1x50x128xi32, #tpu.memory_space<hbm>> -> memref<50x128xi32, #tpu.memory_space<hbm>>
      %dma_start3A_1025 = arith.constant 0 : i32
      %dma_start3A_1026 = arith.constant 0 : i32
      %dma_start3A_1027 = tpu.memref_slice %arg3[%add3A, %dma_start3A_1025, %dma_start3A_1026] : memref<32x50x128xi32, #tpu.memory_space<hbm>> -> memref<1x50x128xi32, #tpu.memory_space<hbm>>
      %dma_start3A_1028 = tpu.memref_squeeze %dma_start3A_1027 : memref<1x50x128xi32, #tpu.memory_space<hbm>> -> memref<50x128xi32, #tpu.memory_space<hbm>>
      tpu.enqueue_dma source(%dma_start3A_1028 : memref<50x128xi32, #tpu.memory_space<hbm>>) target(%arg5 : memref<50x128xi32, #tpu.memory_space<vmem>>) target_semaphore(%run_scoped3A : memref<!tpu.dma_semaphore, #tpu.memory_space<semaphore_mem>>)
      %dma_wait3A_1029 = arith.constant 0 : i32
      %dma_wait3A_1030 = arith.constant 0 : i32
      %dma_wait3A_1031 = tpu.memref_slice %arg3[%add3A, %dma_wait3A_1029, %dma_wait3A_1030] : memref<32x50x128xi32, #tpu.memory_space<hbm>> -> memref<1x50x128xi32, #tpu.memory_space<hbm>>
      %dma_wait3A_1032 = tpu.memref_squeeze %dma_wait3A_1031 : memref<1x50x128xi32, #tpu.memory_space<hbm>> -> memref<50x128xi32, #tpu.memory_space<hbm>>
      %dma_wait3A_1033 = arith.constant 0 : i32
      %dma_wait3A_1034 = arith.constant 0 : i32
      %dma_wait3A_1035 = tpu.memref_slice %arg3[%add3A, %dma_wait3A_1033, %dma_wait3A_1034] : memref<32x50x128xi32, #tpu.memory_space<hbm>> -> memref<1x50x128xi32, #tpu.memory_space<hbm>>
      %dma_wait3A_1036 = tpu.memref_squeeze %dma_wait3A_1035 : memref<1x50x128xi32, #tpu.memory_space<hbm>> -> memref<50x128xi32, #tpu.memory_space<hbm>>
      tpu.wait_dma2 semaphore(%run_scoped3A : memref<!tpu.dma_semaphore, #tpu.memory_space<semaphore_mem>>) src(%dma_wait3A_1036 : memref<50x128xi32, #tpu.memory_space<hbm>>) dst(%arg5 : memref<50x128xi32, #tpu.memory_space<vmem>>)
      tpu.yield
    }) : () -> ()
    %dma_start3A = arith.constant 0 : i32
    %dma_start3A_3 = arith.constant 0 : i32
    %dma_start3A_4 = arith.constant 0 : i32
    %dma_start3A_5 = tpu.memref_slice %arg6[%dma_start3A_3, %dma_start3A_4] : memref<640x64xf32, #tpu.memory_space<vmem>> -> memref<128x64xf32, #tpu.memory_space<vmem>>
    %dma_start3A_6 = arith.constant 0 : i32
    %dma_start3A_7 = tpu.memref_slice %arg5[%dma_start3A, %dma_start3A_6] : memref<50x128xi32, #tpu.memory_space<vmem>> -> memref<1x128xi32, #tpu.memory_space<vmem>>
    %dma_start3A_8 = tpu.memref_squeeze %dma_start3A_7 : memref<1x128xi32, #tpu.memory_space<vmem>> -> memref<128xi32, #tpu.memory_space<vmem>>
    %dma_start3A_9 = arith.constant 0 : i32
    %dma_start3A_10 = arith.constant 0 : i32
    %dma_start3A_11 = tpu.memref_slice %arg2[%dma_start3A_9, %dma_start3A_10] : memref<200000x64xf32, #tpu.memory_space<hbm>> -> memref<200000x64xf32, #tpu.memory_space<hbm>>
    tpu.enqueue_indirect_dma source(%dma_start3A_11 : memref<200000x64xf32, #tpu.memory_space<hbm>>) target(%dma_start3A_5 : memref<128x64xf32, #tpu.memory_space<vmem>>) offsets(%dma_start3A_8 : memref<128xi32, #tpu.memory_space<vmem>>) semaphore(%arg8 : memref<!tpu.dma_semaphore, #tpu.memory_space<semaphore_mem>>)
    %dma_start3A_12 = arith.constant 1 : i32
    %dma_start3A_13 = arith.constant 128 : i32
    %dma_start3A_14 = arith.constant 0 : i32
    %dma_start3A_15 = tpu.memref_slice %arg6[%dma_start3A_13, %dma_start3A_14] : memref<640x64xf32, #tpu.memory_space<vmem>> -> memref<128x64xf32, #tpu.memory_space<vmem>>
    %dma_start3A_16 = arith.constant 0 : i32
    %dma_start3A_17 = tpu.memref_slice %arg5[%dma_start3A_12, %dma_start3A_16] : memref<50x128xi32, #tpu.memory_space<vmem>> -> memref<1x128xi32, #tpu.memory_space<vmem>>
    %dma_start3A_18 = tpu.memref_squeeze %dma_start3A_17 : memref<1x128xi32, #tpu.memory_space<vmem>> -> memref<128xi32, #tpu.memory_space<vmem>>
    %dma_start3A_19 = arith.constant 0 : i32
    %dma_start3A_20 = arith.constant 0 : i32
    %dma_start3A_21 = tpu.memref_slice %arg2[%dma_start3A_19, %dma_start3A_20] : memref<200000x64xf32, #tpu.memory_space<hbm>> -> memref<200000x64xf32, #tpu.memory_space<hbm>>
    tpu.enqueue_indirect_dma source(%dma_start3A_21 : memref<200000x64xf32, #tpu.memory_space<hbm>>) target(%dma_start3A_15 : memref<128x64xf32, #tpu.memory_space<vmem>>) offsets(%dma_start3A_18 : memref<128xi32, #tpu.memory_space<vmem>>) semaphore(%arg8 : memref<!tpu.dma_semaphore, #tpu.memory_space<semaphore_mem>>)
    %dma_start3A_22 = arith.constant 2 : i32
    %dma_start3A_23 = arith.constant 256 : i32
    %dma_start3A_24 = arith.constant 0 : i32
    %dma_start3A_25 = tpu.memref_slice %arg6[%dma_start3A_23, %dma_start3A_24] : memref<640x64xf32, #tpu.memory_space<vmem>> -> memref<128x64xf32, #tpu.memory_space<vmem>>
    %dma_start3A_26 = arith.constant 0 : i32
    %dma_start3A_27 = tpu.memref_slice %arg5[%dma_start3A_22, %dma_start3A_26] : memref<50x128xi32, #tpu.memory_space<vmem>> -> memref<1x128xi32, #tpu.memory_space<vmem>>
    %dma_start3A_28 = tpu.memref_squeeze %dma_start3A_27 : memref<1x128xi32, #tpu.memory_space<vmem>> -> memref<128xi32, #tpu.memory_space<vmem>>
    %dma_start3A_29 = arith.constant 0 : i32
    %dma_start3A_30 = arith.constant 0 : i32
    %dma_start3A_31 = tpu.memref_slice %arg2[%dma_start3A_29, %dma_start3A_30] : memref<200000x64xf32, #tpu.memory_space<hbm>> -> memref<200000x64xf32, #tpu.memory_space<hbm>>
    tpu.enqueue_indirect_dma source(%dma_start3A_31 : memref<200000x64xf32, #tpu.memory_space<hbm>>) target(%dma_start3A_25 : memref<128x64xf32, #tpu.memory_space<vmem>>) offsets(%dma_start3A_28 : memref<128xi32, #tpu.memory_space<vmem>>) semaphore(%arg8 : memref<!tpu.dma_semaphore, #tpu.memory_space<semaphore_mem>>)
    %dma_start3A_32 = arith.constant 3 : i32
    %dma_start3A_33 = arith.constant 384 : i32
    %dma_start3A_34 = arith.constant 0 : i32
    %dma_start3A_35 = tpu.memref_slice %arg6[%dma_start3A_33, %dma_start3A_34] : memref<640x64xf32, #tpu.memory_space<vmem>> -> memref<128x64xf32, #tpu.memory_space<vmem>>
    %dma_start3A_36 = arith.constant 0 : i32
    %dma_start3A_37 = tpu.memref_slice %arg5[%dma_start3A_32, %dma_start3A_36] : memref<50x128xi32, #tpu.memory_space<vmem>> -> memref<1x128xi32, #tpu.memory_space<vmem>>
    %dma_start3A_38 = tpu.memref_squeeze %dma_start3A_37 : memref<1x128xi32, #tpu.memory_space<vmem>> -> memref<128xi32, #tpu.memory_space<vmem>>
    %dma_start3A_39 = arith.constant 0 : i32
    %dma_start3A_40 = arith.constant 0 : i32
    %dma_start3A_41 = tpu.memref_slice %arg2[%dma_start3A_39, %dma_start3A_40] : memref<200000x64xf32, #tpu.memory_space<hbm>> -> memref<200000x64xf32, #tpu.memory_space<hbm>>
    tpu.enqueue_indirect_dma source(%dma_start3A_41 : memref<200000x64xf32, #tpu.memory_space<hbm>>) target(%dma_start3A_35 : memref<128x64xf32, #tpu.memory_space<vmem>>) offsets(%dma_start3A_38 : memref<128xi32, #tpu.memory_space<vmem>>) semaphore(%arg8 : memref<!tpu.dma_semaphore, #tpu.memory_space<semaphore_mem>>)
    %dma_start3A_42 = arith.constant 4 : i32
    %dma_start3A_43 = arith.constant 512 : i32
    %dma_start3A_44 = arith.constant 0 : i32
    %dma_start3A_45 = tpu.memref_slice %arg6[%dma_start3A_43, %dma_start3A_44] : memref<640x64xf32, #tpu.memory_space<vmem>> -> memref<128x64xf32, #tpu.memory_space<vmem>>
    %dma_start3A_46 = arith.constant 0 : i32
    %dma_start3A_47 = tpu.memref_slice %arg5[%dma_start3A_42, %dma_start3A_46] : memref<50x128xi32, #tpu.memory_space<vmem>> -> memref<1x128xi32, #tpu.memory_space<vmem>>
    %dma_start3A_48 = tpu.memref_squeeze %dma_start3A_47 : memref<1x128xi32, #tpu.memory_space<vmem>> -> memref<128xi32, #tpu.memory_space<vmem>>
    %dma_start3A_49 = arith.constant 0 : i32
    %dma_start3A_50 = arith.constant 0 : i32
    %dma_start3A_51 = tpu.memref_slice %arg2[%dma_start3A_49, %dma_start3A_50] : memref<200000x64xf32, #tpu.memory_space<hbm>> -> memref<200000x64xf32, #tpu.memory_space<hbm>>
    tpu.enqueue_indirect_dma source(%dma_start3A_51 : memref<200000x64xf32, #tpu.memory_space<hbm>>) target(%dma_start3A_45 : memref<128x64xf32, #tpu.memory_space<vmem>>) offsets(%dma_start3A_48 : memref<128xi32, #tpu.memory_space<vmem>>) semaphore(%arg8 : memref<!tpu.dma_semaphore, #tpu.memory_space<semaphore_mem>>)
    %dma_wait3A = arith.constant 0 : i32
    %dma_wait3A_52 = arith.constant 0 : i32
    %dma_wait3A_53 = arith.constant 0 : i32
    %dma_wait3A_54 = tpu.memref_slice %arg6[%dma_wait3A_52, %dma_wait3A_53] : memref<640x64xf32, #tpu.memory_space<vmem>> -> memref<128x64xf32, #tpu.memory_space<vmem>>
    %dma_wait3A_55 = arith.constant 0 : i32
    %dma_wait3A_56 = tpu.memref_slice %arg5[%dma_wait3A, %dma_wait3A_55] : memref<50x128xi32, #tpu.memory_space<vmem>> -> memref<1x128xi32, #tpu.memory_space<vmem>>
    %dma_wait3A_57 = tpu.memref_squeeze %dma_wait3A_56 : memref<1x128xi32, #tpu.memory_space<vmem>> -> memref<128xi32, #tpu.memory_space<vmem>>
    %dma_wait3A_58 = arith.constant 0 : i32
    %dma_wait3A_59 = arith.constant 0 : i32
    %dma_wait3A_60 = tpu.memref_slice %arg2[%dma_wait3A_58, %dma_wait3A_59] : memref<200000x64xf32, #tpu.memory_space<hbm>> -> memref<200000x64xf32, #tpu.memory_space<hbm>>
    tpu.wait_indirect_dma semaphore(%arg8 : memref<!tpu.dma_semaphore, #tpu.memory_space<semaphore_mem>>) src(%dma_wait3A_60 : memref<200000x64xf32, #tpu.memory_space<hbm>>) dst(%dma_wait3A_54 : memref<128x64xf32, #tpu.memory_space<vmem>>)
    %dma_wait3A_61 = arith.constant 1 : i32
    %dma_wait3A_62 = arith.constant 128 : i32
    %dma_wait3A_63 = arith.constant 0 : i32
    %dma_wait3A_64 = tpu.memref_slice %arg6[%dma_wait3A_62, %dma_wait3A_63] : memref<640x64xf32, #tpu.memory_space<vmem>> -> memref<128x64xf32, #tpu.memory_space<vmem>>
    %dma_wait3A_65 = arith.constant 0 : i32
    %dma_wait3A_66 = tpu.memref_slice %arg5[%dma_wait3A_61, %dma_wait3A_65] : memref<50x128xi32, #tpu.memory_space<vmem>> -> memref<1x128xi32, #tpu.memory_space<vmem>>
    %dma_wait3A_67 = tpu.memref_squeeze %dma_wait3A_66 : memref<1x128xi32, #tpu.memory_space<vmem>> -> memref<128xi32, #tpu.memory_space<vmem>>
    %dma_wait3A_68 = arith.constant 0 : i32
    %dma_wait3A_69 = arith.constant 0 : i32
    %dma_wait3A_70 = tpu.memref_slice %arg2[%dma_wait3A_68, %dma_wait3A_69] : memref<200000x64xf32, #tpu.memory_space<hbm>> -> memref<200000x64xf32, #tpu.memory_space<hbm>>
    tpu.wait_indirect_dma semaphore(%arg8 : memref<!tpu.dma_semaphore, #tpu.memory_space<semaphore_mem>>) src(%dma_wait3A_70 : memref<200000x64xf32, #tpu.memory_space<hbm>>) dst(%dma_wait3A_64 : memref<128x64xf32, #tpu.memory_space<vmem>>)
    %dma_wait3A_71 = arith.constant 2 : i32
    %dma_wait3A_72 = arith.constant 256 : i32
    %dma_wait3A_73 = arith.constant 0 : i32
    %dma_wait3A_74 = tpu.memref_slice %arg6[%dma_wait3A_72, %dma_wait3A_73] : memref<640x64xf32, #tpu.memory_space<vmem>> -> memref<128x64xf32, #tpu.memory_space<vmem>>
    %dma_wait3A_75 = arith.constant 0 : i32
    %dma_wait3A_76 = tpu.memref_slice %arg5[%dma_wait3A_71, %dma_wait3A_75] : memref<50x128xi32, #tpu.memory_space<vmem>> -> memref<1x128xi32, #tpu.memory_space<vmem>>
    %dma_wait3A_77 = tpu.memref_squeeze %dma_wait3A_76 : memref<1x128xi32, #tpu.memory_space<vmem>> -> memref<128xi32, #tpu.memory_space<vmem>>
    %dma_wait3A_78 = arith.constant 0 : i32
    %dma_wait3A_79 = arith.constant 0 : i32
    %dma_wait3A_80 = tpu.memref_slice %arg2[%dma_wait3A_78, %dma_wait3A_79] : memref<200000x64xf32, #tpu.memory_space<hbm>> -> memref<200000x64xf32, #tpu.memory_space<hbm>>
    tpu.wait_indirect_dma semaphore(%arg8 : memref<!tpu.dma_semaphore, #tpu.memory_space<semaphore_mem>>) src(%dma_wait3A_80 : memref<200000x64xf32, #tpu.memory_space<hbm>>) dst(%dma_wait3A_74 : memref<128x64xf32, #tpu.memory_space<vmem>>)
    %dma_wait3A_81 = arith.constant 3 : i32
    %dma_wait3A_82 = arith.constant 384 : i32
    %dma_wait3A_83 = arith.constant 0 : i32
    %dma_wait3A_84 = tpu.memref_slice %arg6[%dma_wait3A_82, %dma_wait3A_83] : memref<640x64xf32, #tpu.memory_space<vmem>> -> memref<128x64xf32, #tpu.memory_space<vmem>>
    %dma_wait3A_85 = arith.constant 0 : i32
    %dma_wait3A_86 = tpu.memref_slice %arg5[%dma_wait3A_81, %dma_wait3A_85] : memref<50x128xi32, #tpu.memory_space<vmem>> -> memref<1x128xi32, #tpu.memory_space<vmem>>
    %dma_wait3A_87 = tpu.memref_squeeze %dma_wait3A_86 : memref<1x128xi32, #tpu.memory_space<vmem>> -> memref<128xi32, #tpu.memory_space<vmem>>
    %dma_wait3A_88 = arith.constant 0 : i32
    %dma_wait3A_89 = arith.constant 0 : i32
    %dma_wait3A_90 = tpu.memref_slice %arg2[%dma_wait3A_88, %dma_wait3A_89] : memref<200000x64xf32, #tpu.memory_space<hbm>> -> memref<200000x64xf32, #tpu.memory_space<hbm>>
    tpu.wait_indirect_dma semaphore(%arg8 : memref<!tpu.dma_semaphore, #tpu.memory_space<semaphore_mem>>) src(%dma_wait3A_90 : memref<200000x64xf32, #tpu.memory_space<hbm>>) dst(%dma_wait3A_84 : memref<128x64xf32, #tpu.memory_space<vmem>>)
    %dma_wait3A_91 = arith.constant 4 : i32
    %dma_wait3A_92 = arith.constant 512 : i32
    %dma_wait3A_93 = arith.constant 0 : i32
    %dma_wait3A_94 = tpu.memref_slice %arg6[%dma_wait3A_92, %dma_wait3A_93] : memref<640x64xf32, #tpu.memory_space<vmem>> -> memref<128x64xf32, #tpu.memory_space<vmem>>
    %dma_wait3A_95 = arith.constant 0 : i32
    %dma_wait3A_96 = tpu.memref_slice %arg5[%dma_wait3A_91, %dma_wait3A_95] : memref<50x128xi32, #tpu.memory_space<vmem>> -> memref<1x128xi32, #tpu.memory_space<vmem>>
    %dma_wait3A_97 = tpu.memref_squeeze %dma_wait3A_96 : memref<1x128xi32, #tpu.memory_space<vmem>> -> memref<128xi32, #tpu.memory_space<vmem>>
    %dma_wait3A_98 = arith.constant 0 : i32
    %dma_wait3A_99 = arith.constant 0 : i32
    %dma_wait3A_100 = tpu.memref_slice %arg2[%dma_wait3A_98, %dma_wait3A_99] : memref<200000x64xf32, #tpu.memory_space<hbm>> -> memref<200000x64xf32, #tpu.memory_space<hbm>>
    tpu.wait_indirect_dma semaphore(%arg8 : memref<!tpu.dma_semaphore, #tpu.memory_space<semaphore_mem>>) src(%dma_wait3A_100 : memref<200000x64xf32, #tpu.memory_space<hbm>>) dst(%dma_wait3A_94 : memref<128x64xf32, #tpu.memory_space<vmem>>)
    %dma_start3A_101 = arith.constant 5 : i32
    %dma_start3A_102 = arith.constant 0 : i32
    %dma_start3A_103 = arith.constant 0 : i32
    %dma_start3A_104 = tpu.memref_slice %arg7[%dma_start3A_102, %dma_start3A_103] : memref<640x64xf32, #tpu.memory_space<vmem>> -> memref<128x64xf32, #tpu.memory_space<vmem>>
    %dma_start3A_105 = arith.constant 0 : i32
    %dma_start3A_106 = tpu.memref_slice %arg5[%dma_start3A_101, %dma_start3A_105] : memref<50x128xi32, #tpu.memory_space<vmem>> -> memref<1x128xi32, #tpu.memory_space<vmem>>
    %dma_start3A_107 = tpu.memref_squeeze %dma_start3A_106 : memref<1x128xi32, #tpu.memory_space<vmem>> -> memref<128xi32, #tpu.memory_space<vmem>>
    %dma_start3A_108 = arith.constant 0 : i32
    %dma_start3A_109 = arith.constant 0 : i32
    %dma_start3A_110 = tpu.memref_slice %arg2[%dma_start3A_108, %dma_start3A_109] : memref<200000x64xf32, #tpu.memory_space<hbm>> -> memref<200000x64xf32, #tpu.memory_space<hbm>>
    tpu.enqueue_indirect_dma source(%dma_start3A_110 : memref<200000x64xf32, #tpu.memory_space<hbm>>) target(%dma_start3A_104 : memref<128x64xf32, #tpu.memory_space<vmem>>) offsets(%dma_start3A_107 : memref<128xi32, #tpu.memory_space<vmem>>) semaphore(%arg9 : memref<!tpu.dma_semaphore, #tpu.memory_space<semaphore_mem>>)
    %dma_start3A_111 = arith.constant 6 : i32
    %dma_start3A_112 = arith.constant 128 : i32
    %dma_start3A_113 = arith.constant 0 : i32
    %dma_start3A_114 = tpu.memref_slice %arg7[%dma_start3A_112, %dma_start3A_113] : memref<640x64xf32, #tpu.memory_space<vmem>> -> memref<128x64xf32, #tpu.memory_space<vmem>>
    %dma_start3A_115 = arith.constant 0 : i32
    %dma_start3A_116 = tpu.memref_slice %arg5[%dma_start3A_111, %dma_start3A_115] : memref<50x128xi32, #tpu.memory_space<vmem>> -> memref<1x128xi32, #tpu.memory_space<vmem>>
    %dma_start3A_117 = tpu.memref_squeeze %dma_start3A_116 : memref<1x128xi32, #tpu.memory_space<vmem>> -> memref<128xi32, #tpu.memory_space<vmem>>
    %dma_start3A_118 = arith.constant 0 : i32
    %dma_start3A_119 = arith.constant 0 : i32
    %dma_start3A_120 = tpu.memref_slice %arg2[%dma_start3A_118, %dma_start3A_119] : memref<200000x64xf32, #tpu.memory_space<hbm>> -> memref<200000x64xf32, #tpu.memory_space<hbm>>
    tpu.enqueue_indirect_dma source(%dma_start3A_120 : memref<200000x64xf32, #tpu.memory_space<hbm>>) target(%dma_start3A_114 : memref<128x64xf32, #tpu.memory_space<vmem>>) offsets(%dma_start3A_117 : memref<128xi32, #tpu.memory_space<vmem>>) semaphore(%arg9 : memref<!tpu.dma_semaphore, #tpu.memory_space<semaphore_mem>>)
    %dma_start3A_121 = arith.constant 7 : i32
    %dma_start3A_122 = arith.constant 256 : i32
    %dma_start3A_123 = arith.constant 0 : i32
    %dma_start3A_124 = tpu.memref_slice %arg7[%dma_start3A_122, %dma_start3A_123] : memref<640x64xf32, #tpu.memory_space<vmem>> -> memref<128x64xf32, #tpu.memory_space<vmem>>
    %dma_start3A_125 = arith.constant 0 : i32
    %dma_start3A_126 = tpu.memref_slice %arg5[%dma_start3A_121, %dma_start3A_125] : memref<50x128xi32, #tpu.memory_space<vmem>> -> memref<1x128xi32, #tpu.memory_space<vmem>>
    %dma_start3A_127 = tpu.memref_squeeze %dma_start3A_126 : memref<1x128xi32, #tpu.memory_space<vmem>> -> memref<128xi32, #tpu.memory_space<vmem>>
    %dma_start3A_128 = arith.constant 0 : i32
    %dma_start3A_129 = arith.constant 0 : i32
    %dma_start3A_130 = tpu.memref_slice %arg2[%dma_start3A_128, %dma_start3A_129] : memref<200000x64xf32, #tpu.memory_space<hbm>> -> memref<200000x64xf32, #tpu.memory_space<hbm>>
    tpu.enqueue_indirect_dma source(%dma_start3A_130 : memref<200000x64xf32, #tpu.memory_space<hbm>>) target(%dma_start3A_124 : memref<128x64xf32, #tpu.memory_space<vmem>>) offsets(%dma_start3A_127 : memref<128xi32, #tpu.memory_space<vmem>>) semaphore(%arg9 : memref<!tpu.dma_semaphore, #tpu.memory_space<semaphore_mem>>)
    %dma_start3A_131 = arith.constant 8 : i32
    %dma_start3A_132 = arith.constant 384 : i32
    %dma_start3A_133 = arith.constant 0 : i32
    %dma_start3A_134 = tpu.memref_slice %arg7[%dma_start3A_132, %dma_start3A_133] : memref<640x64xf32, #tpu.memory_space<vmem>> -> memref<128x64xf32, #tpu.memory_space<vmem>>
    %dma_start3A_135 = arith.constant 0 : i32
    %dma_start3A_136 = tpu.memref_slice %arg5[%dma_start3A_131, %dma_start3A_135] : memref<50x128xi32, #tpu.memory_space<vmem>> -> memref<1x128xi32, #tpu.memory_space<vmem>>
    %dma_start3A_137 = tpu.memref_squeeze %dma_start3A_136 : memref<1x128xi32, #tpu.memory_space<vmem>> -> memref<128xi32, #tpu.memory_space<vmem>>
    %dma_start3A_138 = arith.constant 0 : i32
    %dma_start3A_139 = arith.constant 0 : i32
    %dma_start3A_140 = tpu.memref_slice %arg2[%dma_start3A_138, %dma_start3A_139] : memref<200000x64xf32, #tpu.memory_space<hbm>> -> memref<200000x64xf32, #tpu.memory_space<hbm>>
    tpu.enqueue_indirect_dma source(%dma_start3A_140 : memref<200000x64xf32, #tpu.memory_space<hbm>>) target(%dma_start3A_134 : memref<128x64xf32, #tpu.memory_space<vmem>>) offsets(%dma_start3A_137 : memref<128xi32, #tpu.memory_space<vmem>>) semaphore(%arg9 : memref<!tpu.dma_semaphore, #tpu.memory_space<semaphore_mem>>)
    %dma_start3A_141 = arith.constant 9 : i32
    %dma_start3A_142 = arith.constant 512 : i32
    %dma_start3A_143 = arith.constant 0 : i32
    %dma_start3A_144 = tpu.memref_slice %arg7[%dma_start3A_142, %dma_start3A_143] : memref<640x64xf32, #tpu.memory_space<vmem>> -> memref<128x64xf32, #tpu.memory_space<vmem>>
    %dma_start3A_145 = arith.constant 0 : i32
    %dma_start3A_146 = tpu.memref_slice %arg5[%dma_start3A_141, %dma_start3A_145] : memref<50x128xi32, #tpu.memory_space<vmem>> -> memref<1x128xi32, #tpu.memory_space<vmem>>
    %dma_start3A_147 = tpu.memref_squeeze %dma_start3A_146 : memref<1x128xi32, #tpu.memory_space<vmem>> -> memref<128xi32, #tpu.memory_space<vmem>>
    %dma_start3A_148 = arith.constant 0 : i32
    %dma_start3A_149 = arith.constant 0 : i32
    %dma_start3A_150 = tpu.memref_slice %arg2[%dma_start3A_148, %dma_start3A_149] : memref<200000x64xf32, #tpu.memory_space<hbm>> -> memref<200000x64xf32, #tpu.memory_space<hbm>>
    tpu.enqueue_indirect_dma source(%dma_start3A_150 : memref<200000x64xf32, #tpu.memory_space<hbm>>) target(%dma_start3A_144 : memref<128x64xf32, #tpu.memory_space<vmem>>) offsets(%dma_start3A_147 : memref<128xi32, #tpu.memory_space<vmem>>) semaphore(%arg9 : memref<!tpu.dma_semaphore, #tpu.memory_space<semaphore_mem>>)
    %add3A_151 = arith.constant 0 : i32
    %add3A_152 = arith.addi %mul3A_2, %add3A_151 : i32
    "tpu.region"() ({
      %run_scoped3A = tpu.sem_alloc : memref<!tpu.dma_semaphore, #tpu.memory_space<semaphore_mem>>
      %dma_start3A_1021 = arith.constant 0 : i32
      %dma_start3A_1022 = tpu.memref_slice %arg4[%add3A_152, %dma_start3A_1021] : memref<204800x64xf32, #tpu.memory_space<hbm>> -> memref<640x64xf32, #tpu.memory_space<hbm>>
      %dma_start3A_1023 = arith.constant 0 : i32
      %dma_start3A_1024 = tpu.memref_slice %arg4[%add3A_152, %dma_start3A_1023] : memref<204800x64xf32, #tpu.memory_space<hbm>> -> memref<640x64xf32, #tpu.memory_space<hbm>>
      tpu.enqueue_dma source(%arg6 : memref<640x64xf32, #tpu.memory_space<vmem>>) target(%dma_start3A_1024 : memref<640x64xf32, #tpu.memory_space<hbm>>) target_semaphore(%run_scoped3A : memref<!tpu.dma_semaphore, #tpu.memory_space<semaphore_mem>>)
      %dma_wait3A_1025 = arith.constant 0 : i32
      %dma_wait3A_1026 = tpu.memref_slice %arg4[%add3A_152, %dma_wait3A_1025] : memref<204800x64xf32, #tpu.memory_space<hbm>> -> memref<640x64xf32, #tpu.memory_space<hbm>>
      %dma_wait3A_1027 = arith.constant 0 : i32
      %dma_wait3A_1028 = tpu.memref_slice %arg4[%add3A_152, %dma_wait3A_1027] : memref<204800x64xf32, #tpu.memory_space<hbm>> -> memref<640x64xf32, #tpu.memory_space<hbm>>
      tpu.wait_dma2 semaphore(%run_scoped3A : memref<!tpu.dma_semaphore, #tpu.memory_space<semaphore_mem>>) src(%arg6 : memref<640x64xf32, #tpu.memory_space<vmem>>) dst(%dma_wait3A_1028 : memref<640x64xf32, #tpu.memory_space<hbm>>)
      tpu.yield
    }) : () -> ()
    %dma_wait3A_153 = arith.constant 5 : i32
    %dma_wait3A_154 = arith.constant 0 : i32
    %dma_wait3A_155 = arith.constant 0 : i32
    %dma_wait3A_156 = tpu.memref_slice %arg7[%dma_wait3A_154, %dma_wait3A_155] : memref<640x64xf32, #tpu.memory_space<vmem>> -> memref<128x64xf32, #tpu.memory_space<vmem>>
    %dma_wait3A_157 = arith.constant 0 : i32
    %dma_wait3A_158 = tpu.memref_slice %arg5[%dma_wait3A_153, %dma_wait3A_157] : memref<50x128xi32, #tpu.memory_space<vmem>> -> memref<1x128xi32, #tpu.memory_space<vmem>>
    %dma_wait3A_159 = tpu.memref_squeeze %dma_wait3A_158 : memref<1x128xi32, #tpu.memory_space<vmem>> -> memref<128xi32, #tpu.memory_space<vmem>>
    %dma_wait3A_160 = arith.constant 0 : i32
    %dma_wait3A_161 = arith.constant 0 : i32
    %dma_wait3A_162 = tpu.memref_slice %arg2[%dma_wait3A_160, %dma_wait3A_161] : memref<200000x64xf32, #tpu.memory_space<hbm>> -> memref<200000x64xf32, #tpu.memory_space<hbm>>
    tpu.wait_indirect_dma semaphore(%arg9 : memref<!tpu.dma_semaphore, #tpu.memory_space<semaphore_mem>>) src(%dma_wait3A_162 : memref<200000x64xf32, #tpu.memory_space<hbm>>) dst(%dma_wait3A_156 : memref<128x64xf32, #tpu.memory_space<vmem>>)
    %dma_wait3A_163 = arith.constant 6 : i32
    %dma_wait3A_164 = arith.constant 128 : i32
    %dma_wait3A_165 = arith.constant 0 : i32
    %dma_wait3A_166 = tpu.memref_slice %arg7[%dma_wait3A_164, %dma_wait3A_165] : memref<640x64xf32, #tpu.memory_space<vmem>> -> memref<128x64xf32, #tpu.memory_space<vmem>>
    %dma_wait3A_167 = arith.constant 0 : i32
    %dma_wait3A_168 = tpu.memref_slice %arg5[%dma_wait3A_163, %dma_wait3A_167] : memref<50x128xi32, #tpu.memory_space<vmem>> -> memref<1x128xi32, #tpu.memory_space<vmem>>
    %dma_wait3A_169 = tpu.memref_squeeze %dma_wait3A_168 : memref<1x128xi32, #tpu.memory_space<vmem>> -> memref<128xi32, #tpu.memory_space<vmem>>
    %dma_wait3A_170 = arith.constant 0 : i32
    %dma_wait3A_171 = arith.constant 0 : i32
    %dma_wait3A_172 = tpu.memref_slice %arg2[%dma_wait3A_170, %dma_wait3A_171] : memref<200000x64xf32, #tpu.memory_space<hbm>> -> memref<200000x64xf32, #tpu.memory_space<hbm>>
    tpu.wait_indirect_dma semaphore(%arg9 : memref<!tpu.dma_semaphore, #tpu.memory_space<semaphore_mem>>) src(%dma_wait3A_172 : memref<200000x64xf32, #tpu.memory_space<hbm>>) dst(%dma_wait3A_166 : memref<128x64xf32, #tpu.memory_space<vmem>>)
    %dma_wait3A_173 = arith.constant 7 : i32
    %dma_wait3A_174 = arith.constant 256 : i32
    %dma_wait3A_175 = arith.constant 0 : i32
    %dma_wait3A_176 = tpu.memref_slice %arg7[%dma_wait3A_174, %dma_wait3A_175] : memref<640x64xf32, #tpu.memory_space<vmem>> -> memref<128x64xf32, #tpu.memory_space<vmem>>
    %dma_wait3A_177 = arith.constant 0 : i32
    %dma_wait3A_178 = tpu.memref_slice %arg5[%dma_wait3A_173, %dma_wait3A_177] : memref<50x128xi32, #tpu.memory_space<vmem>> -> memref<1x128xi32, #tpu.memory_space<vmem>>
    %dma_wait3A_179 = tpu.memref_squeeze %dma_wait3A_178 : memref<1x128xi32, #tpu.memory_space<vmem>> -> memref<128xi32, #tpu.memory_space<vmem>>
    %dma_wait3A_180 = arith.constant 0 : i32
    %dma_wait3A_181 = arith.constant 0 : i32
    %dma_wait3A_182 = tpu.memref_slice %arg2[%dma_wait3A_180, %dma_wait3A_181] : memref<200000x64xf32, #tpu.memory_space<hbm>> -> memref<200000x64xf32, #tpu.memory_space<hbm>>
    tpu.wait_indirect_dma semaphore(%arg9 : memref<!tpu.dma_semaphore, #tpu.memory_space<semaphore_mem>>) src(%dma_wait3A_182 : memref<200000x64xf32, #tpu.memory_space<hbm>>) dst(%dma_wait3A_176 : memref<128x64xf32, #tpu.memory_space<vmem>>)
    %dma_wait3A_183 = arith.constant 8 : i32
    %dma_wait3A_184 = arith.constant 384 : i32
    %dma_wait3A_185 = arith.constant 0 : i32
    %dma_wait3A_186 = tpu.memref_slice %arg7[%dma_wait3A_184, %dma_wait3A_185] : memref<640x64xf32, #tpu.memory_space<vmem>> -> memref<128x64xf32, #tpu.memory_space<vmem>>
    %dma_wait3A_187 = arith.constant 0 : i32
    %dma_wait3A_188 = tpu.memref_slice %arg5[%dma_wait3A_183, %dma_wait3A_187] : memref<50x128xi32, #tpu.memory_space<vmem>> -> memref<1x128xi32, #tpu.memory_space<vmem>>
    %dma_wait3A_189 = tpu.memref_squeeze %dma_wait3A_188 : memref<1x128xi32, #tpu.memory_space<vmem>> -> memref<128xi32, #tpu.memory_space<vmem>>
    %dma_wait3A_190 = arith.constant 0 : i32
    %dma_wait3A_191 = arith.constant 0 : i32
    %dma_wait3A_192 = tpu.memref_slice %arg2[%dma_wait3A_190, %dma_wait3A_191] : memref<200000x64xf32, #tpu.memory_space<hbm>> -> memref<200000x64xf32, #tpu.memory_space<hbm>>
    tpu.wait_indirect_dma semaphore(%arg9 : memref<!tpu.dma_semaphore, #tpu.memory_space<semaphore_mem>>) src(%dma_wait3A_192 : memref<200000x64xf32, #tpu.memory_space<hbm>>) dst(%dma_wait3A_186 : memref<128x64xf32, #tpu.memory_space<vmem>>)
    %dma_wait3A_193 = arith.constant 9 : i32
    %dma_wait3A_194 = arith.constant 512 : i32
    %dma_wait3A_195 = arith.constant 0 : i32
    %dma_wait3A_196 = tpu.memref_slice %arg7[%dma_wait3A_194, %dma_wait3A_195] : memref<640x64xf32, #tpu.memory_space<vmem>> -> memref<128x64xf32, #tpu.memory_space<vmem>>
    %dma_wait3A_197 = arith.constant 0 : i32
    %dma_wait3A_198 = tpu.memref_slice %arg5[%dma_wait3A_193, %dma_wait3A_197] : memref<50x128xi32, #tpu.memory_space<vmem>> -> memref<1x128xi32, #tpu.memory_space<vmem>>
    %dma_wait3A_199 = tpu.memref_squeeze %dma_wait3A_198 : memref<1x128xi32, #tpu.memory_space<vmem>> -> memref<128xi32, #tpu.memory_space<vmem>>
    %dma_wait3A_200 = arith.constant 0 : i32
    %dma_wait3A_201 = arith.constant 0 : i32
    %dma_wait3A_202 = tpu.memref_slice %arg2[%dma_wait3A_200, %dma_wait3A_201] : memref<200000x64xf32, #tpu.memory_space<hbm>> -> memref<200000x64xf32, #tpu.memory_space<hbm>>
    tpu.wait_indirect_dma semaphore(%arg9 : memref<!tpu.dma_semaphore, #tpu.memory_space<semaphore_mem>>) src(%dma_wait3A_202 : memref<200000x64xf32, #tpu.memory_space<hbm>>) dst(%dma_wait3A_196 : memref<128x64xf32, #tpu.memory_space<vmem>>)
    %dma_start3A_203 = arith.constant 10 : i32
    %dma_start3A_204 = arith.constant 0 : i32
    %dma_start3A_205 = arith.constant 0 : i32
    %dma_start3A_206 = tpu.memref_slice %arg6[%dma_start3A_204, %dma_start3A_205] : memref<640x64xf32, #tpu.memory_space<vmem>> -> memref<128x64xf32, #tpu.memory_space<vmem>>
    %dma_start3A_207 = arith.constant 0 : i32
    %dma_start3A_208 = tpu.memref_slice %arg5[%dma_start3A_203, %dma_start3A_207] : memref<50x128xi32, #tpu.memory_space<vmem>> -> memref<1x128xi32, #tpu.memory_space<vmem>>
    %dma_start3A_209 = tpu.memref_squeeze %dma_start3A_208 : memref<1x128xi32, #tpu.memory_space<vmem>> -> memref<128xi32, #tpu.memory_space<vmem>>
    %dma_start3A_210 = arith.constant 0 : i32
    %dma_start3A_211 = arith.constant 0 : i32
    %dma_start3A_212 = tpu.memref_slice %arg2[%dma_start3A_210, %dma_start3A_211] : memref<200000x64xf32, #tpu.memory_space<hbm>> -> memref<200000x64xf32, #tpu.memory_space<hbm>>
    tpu.enqueue_indirect_dma source(%dma_start3A_212 : memref<200000x64xf32, #tpu.memory_space<hbm>>) target(%dma_start3A_206 : memref<128x64xf32, #tpu.memory_space<vmem>>) offsets(%dma_start3A_209 : memref<128xi32, #tpu.memory_space<vmem>>) semaphore(%arg8 : memref<!tpu.dma_semaphore, #tpu.memory_space<semaphore_mem>>)
    %dma_start3A_213 = arith.constant 11 : i32
    %dma_start3A_214 = arith.constant 128 : i32
    %dma_start3A_215 = arith.constant 0 : i32
    %dma_start3A_216 = tpu.memref_slice %arg6[%dma_start3A_214, %dma_start3A_215] : memref<640x64xf32, #tpu.memory_space<vmem>> -> memref<128x64xf32, #tpu.memory_space<vmem>>
    %dma_start3A_217 = arith.constant 0 : i32
    %dma_start3A_218 = tpu.memref_slice %arg5[%dma_start3A_213, %dma_start3A_217] : memref<50x128xi32, #tpu.memory_space<vmem>> -> memref<1x128xi32, #tpu.memory_space<vmem>>
    %dma_start3A_219 = tpu.memref_squeeze %dma_start3A_218 : memref<1x128xi32, #tpu.memory_space<vmem>> -> memref<128xi32, #tpu.memory_space<vmem>>
    %dma_start3A_220 = arith.constant 0 : i32
    %dma_start3A_221 = arith.constant 0 : i32
    %dma_start3A_222 = tpu.memref_slice %arg2[%dma_start3A_220, %dma_start3A_221] : memref<200000x64xf32, #tpu.memory_space<hbm>> -> memref<200000x64xf32, #tpu.memory_space<hbm>>
    tpu.enqueue_indirect_dma source(%dma_start3A_222 : memref<200000x64xf32, #tpu.memory_space<hbm>>) target(%dma_start3A_216 : memref<128x64xf32, #tpu.memory_space<vmem>>) offsets(%dma_start3A_219 : memref<128xi32, #tpu.memory_space<vmem>>) semaphore(%arg8 : memref<!tpu.dma_semaphore, #tpu.memory_space<semaphore_mem>>)
    %dma_start3A_223 = arith.constant 12 : i32
    %dma_start3A_224 = arith.constant 256 : i32
    %dma_start3A_225 = arith.constant 0 : i32
    %dma_start3A_226 = tpu.memref_slice %arg6[%dma_start3A_224, %dma_start3A_225] : memref<640x64xf32, #tpu.memory_space<vmem>> -> memref<128x64xf32, #tpu.memory_space<vmem>>
    %dma_start3A_227 = arith.constant 0 : i32
    %dma_start3A_228 = tpu.memref_slice %arg5[%dma_start3A_223, %dma_start3A_227] : memref<50x128xi32, #tpu.memory_space<vmem>> -> memref<1x128xi32, #tpu.memory_space<vmem>>
    %dma_start3A_229 = tpu.memref_squeeze %dma_start3A_228 : memref<1x128xi32, #tpu.memory_space<vmem>> -> memref<128xi32, #tpu.memory_space<vmem>>
    %dma_start3A_230 = arith.constant 0 : i32
    %dma_start3A_231 = arith.constant 0 : i32
    %dma_start3A_232 = tpu.memref_slice %arg2[%dma_start3A_230, %dma_start3A_231] : memref<200000x64xf32, #tpu.memory_space<hbm>> -> memref<200000x64xf32, #tpu.memory_space<hbm>>
    tpu.enqueue_indirect_dma source(%dma_start3A_232 : memref<200000x64xf32, #tpu.memory_space<hbm>>) target(%dma_start3A_226 : memref<128x64xf32, #tpu.memory_space<vmem>>) offsets(%dma_start3A_229 : memref<128xi32, #tpu.memory_space<vmem>>) semaphore(%arg8 : memref<!tpu.dma_semaphore, #tpu.memory_space<semaphore_mem>>)
    %dma_start3A_233 = arith.constant 13 : i32
    %dma_start3A_234 = arith.constant 384 : i32
    %dma_start3A_235 = arith.constant 0 : i32
    %dma_start3A_236 = tpu.memref_slice %arg6[%dma_start3A_234, %dma_start3A_235] : memref<640x64xf32, #tpu.memory_space<vmem>> -> memref<128x64xf32, #tpu.memory_space<vmem>>
    %dma_start3A_237 = arith.constant 0 : i32
    %dma_start3A_238 = tpu.memref_slice %arg5[%dma_start3A_233, %dma_start3A_237] : memref<50x128xi32, #tpu.memory_space<vmem>> -> memref<1x128xi32, #tpu.memory_space<vmem>>
    %dma_start3A_239 = tpu.memref_squeeze %dma_start3A_238 : memref<1x128xi32, #tpu.memory_space<vmem>> -> memref<128xi32, #tpu.memory_space<vmem>>
    %dma_start3A_240 = arith.constant 0 : i32
    %dma_start3A_241 = arith.constant 0 : i32
    %dma_start3A_242 = tpu.memref_slice %arg2[%dma_start3A_240, %dma_start3A_241] : memref<200000x64xf32, #tpu.memory_space<hbm>> -> memref<200000x64xf32, #tpu.memory_space<hbm>>
    tpu.enqueue_indirect_dma source(%dma_start3A_242 : memref<200000x64xf32, #tpu.memory_space<hbm>>) target(%dma_start3A_236 : memref<128x64xf32, #tpu.memory_space<vmem>>) offsets(%dma_start3A_239 : memref<128xi32, #tpu.memory_space<vmem>>) semaphore(%arg8 : memref<!tpu.dma_semaphore, #tpu.memory_space<semaphore_mem>>)
    %dma_start3A_243 = arith.constant 14 : i32
    %dma_start3A_244 = arith.constant 512 : i32
    %dma_start3A_245 = arith.constant 0 : i32
    %dma_start3A_246 = tpu.memref_slice %arg6[%dma_start3A_244, %dma_start3A_245] : memref<640x64xf32, #tpu.memory_space<vmem>> -> memref<128x64xf32, #tpu.memory_space<vmem>>
    %dma_start3A_247 = arith.constant 0 : i32
    %dma_start3A_248 = tpu.memref_slice %arg5[%dma_start3A_243, %dma_start3A_247] : memref<50x128xi32, #tpu.memory_space<vmem>> -> memref<1x128xi32, #tpu.memory_space<vmem>>
    %dma_start3A_249 = tpu.memref_squeeze %dma_start3A_248 : memref<1x128xi32, #tpu.memory_space<vmem>> -> memref<128xi32, #tpu.memory_space<vmem>>
    %dma_start3A_250 = arith.constant 0 : i32
    %dma_start3A_251 = arith.constant 0 : i32
    %dma_start3A_252 = tpu.memref_slice %arg2[%dma_start3A_250, %dma_start3A_251] : memref<200000x64xf32, #tpu.memory_space<hbm>> -> memref<200000x64xf32, #tpu.memory_space<hbm>>
    tpu.enqueue_indirect_dma source(%dma_start3A_252 : memref<200000x64xf32, #tpu.memory_space<hbm>>) target(%dma_start3A_246 : memref<128x64xf32, #tpu.memory_space<vmem>>) offsets(%dma_start3A_249 : memref<128xi32, #tpu.memory_space<vmem>>) semaphore(%arg8 : memref<!tpu.dma_semaphore, #tpu.memory_space<semaphore_mem>>)
    %add3A_253 = arith.constant 640 : i32
    %add3A_254 = arith.addi %mul3A_2, %add3A_253 : i32
    "tpu.region"() ({
      %run_scoped3A = tpu.sem_alloc : memref<!tpu.dma_semaphore, #tpu.memory_space<semaphore_mem>>
      %dma_start3A_1021 = arith.constant 0 : i32
      %dma_start3A_1022 = tpu.memref_slice %arg4[%add3A_254, %dma_start3A_1021] : memref<204800x64xf32, #tpu.memory_space<hbm>> -> memref<640x64xf32, #tpu.memory_space<hbm>>
      %dma_start3A_1023 = arith.constant 0 : i32
      %dma_start3A_1024 = tpu.memref_slice %arg4[%add3A_254, %dma_start3A_1023] : memref<204800x64xf32, #tpu.memory_space<hbm>> -> memref<640x64xf32, #tpu.memory_space<hbm>>
      tpu.enqueue_dma source(%arg7 : memref<640x64xf32, #tpu.memory_space<vmem>>) target(%dma_start3A_1024 : memref<640x64xf32, #tpu.memory_space<hbm>>) target_semaphore(%run_scoped3A : memref<!tpu.dma_semaphore, #tpu.memory_space<semaphore_mem>>)
      %dma_wait3A_1025 = arith.constant 0 : i32
      %dma_wait3A_1026 = tpu.memref_slice %arg4[%add3A_254, %dma_wait3A_1025] : memref<204800x64xf32, #tpu.memory_space<hbm>> -> memref<640x64xf32, #tpu.memory_space<hbm>>
      %dma_wait3A_1027 = arith.constant 0 : i32
      %dma_wait3A_1028 = tpu.memref_slice %arg4[%add3A_254, %dma_wait3A_1027] : memref<204800x64xf32, #tpu.memory_space<hbm>> -> memref<640x64xf32, #tpu.memory_space<hbm>>
      tpu.wait_dma2 semaphore(%run_scoped3A : memref<!tpu.dma_semaphore, #tpu.memory_space<semaphore_mem>>) src(%arg7 : memref<640x64xf32, #tpu.memory_space<vmem>>) dst(%dma_wait3A_1028 : memref<640x64xf32, #tpu.memory_space<hbm>>)
      tpu.yield
    }) : () -> ()
    %dma_wait3A_255 = arith.constant 10 : i32
    %dma_wait3A_256 = arith.constant 0 : i32
    %dma_wait3A_257 = arith.constant 0 : i32
    %dma_wait3A_258 = tpu.memref_slice %arg6[%dma_wait3A_256, %dma_wait3A_257] : memref<640x64xf32, #tpu.memory_space<vmem>> -> memref<128x64xf32, #tpu.memory_space<vmem>>
    %dma_wait3A_259 = arith.constant 0 : i32
    %dma_wait3A_260 = tpu.memref_slice %arg5[%dma_wait3A_255, %dma_wait3A_259] : memref<50x128xi32, #tpu.memory_space<vmem>> -> memref<1x128xi32, #tpu.memory_space<vmem>>
    %dma_wait3A_261 = tpu.memref_squeeze %dma_wait3A_260 : memref<1x128xi32, #tpu.memory_space<vmem>> -> memref<128xi32, #tpu.memory_space<vmem>>
    %dma_wait3A_262 = arith.constant 0 : i32
    %dma_wait3A_263 = arith.constant 0 : i32
    %dma_wait3A_264 = tpu.memref_slice %arg2[%dma_wait3A_262, %dma_wait3A_263] : memref<200000x64xf32, #tpu.memory_space<hbm>> -> memref<200000x64xf32, #tpu.memory_space<hbm>>
    tpu.wait_indirect_dma semaphore(%arg8 : memref<!tpu.dma_semaphore, #tpu.memory_space<semaphore_mem>>) src(%dma_wait3A_264 : memref<200000x64xf32, #tpu.memory_space<hbm>>) dst(%dma_wait3A_258 : memref<128x64xf32, #tpu.memory_space<vmem>>)
    %dma_wait3A_265 = arith.constant 11 : i32
    %dma_wait3A_266 = arith.constant 128 : i32
    %dma_wait3A_267 = arith.constant 0 : i32
    %dma_wait3A_268 = tpu.memref_slice %arg6[%dma_wait3A_266, %dma_wait3A_267] : memref<640x64xf32, #tpu.memory_space<vmem>> -> memref<128x64xf32, #tpu.memory_space<vmem>>
    %dma_wait3A_269 = arith.constant 0 : i32
    %dma_wait3A_270 = tpu.memref_slice %arg5[%dma_wait3A_265, %dma_wait3A_269] : memref<50x128xi32, #tpu.memory_space<vmem>> -> memref<1x128xi32, #tpu.memory_space<vmem>>
    %dma_wait3A_271 = tpu.memref_squeeze %dma_wait3A_270 : memref<1x128xi32, #tpu.memory_space<vmem>> -> memref<128xi32, #tpu.memory_space<vmem>>
    %dma_wait3A_272 = arith.constant 0 : i32
    %dma_wait3A_273 = arith.constant 0 : i32
    %dma_wait3A_274 = tpu.memref_slice %arg2[%dma_wait3A_272, %dma_wait3A_273] : memref<200000x64xf32, #tpu.memory_space<hbm>> -> memref<200000x64xf32, #tpu.memory_space<hbm>>
    tpu.wait_indirect_dma semaphore(%arg8 : memref<!tpu.dma_semaphore, #tpu.memory_space<semaphore_mem>>) src(%dma_wait3A_274 : memref<200000x64xf32, #tpu.memory_space<hbm>>) dst(%dma_wait3A_268 : memref<128x64xf32, #tpu.memory_space<vmem>>)
    %dma_wait3A_275 = arith.constant 12 : i32
    %dma_wait3A_276 = arith.constant 256 : i32
    %dma_wait3A_277 = arith.constant 0 : i32
    %dma_wait3A_278 = tpu.memref_slice %arg6[%dma_wait3A_276, %dma_wait3A_277] : memref<640x64xf32, #tpu.memory_space<vmem>> -> memref<128x64xf32, #tpu.memory_space<vmem>>
    %dma_wait3A_279 = arith.constant 0 : i32
    %dma_wait3A_280 = tpu.memref_slice %arg5[%dma_wait3A_275, %dma_wait3A_279] : memref<50x128xi32, #tpu.memory_space<vmem>> -> memref<1x128xi32, #tpu.memory_space<vmem>>
    %dma_wait3A_281 = tpu.memref_squeeze %dma_wait3A_280 : memref<1x128xi32, #tpu.memory_space<vmem>> -> memref<128xi32, #tpu.memory_space<vmem>>
    %dma_wait3A_282 = arith.constant 0 : i32
    %dma_wait3A_283 = arith.constant 0 : i32
    %dma_wait3A_284 = tpu.memref_slice %arg2[%dma_wait3A_282, %dma_wait3A_283] : memref<200000x64xf32, #tpu.memory_space<hbm>> -> memref<200000x64xf32, #tpu.memory_space<hbm>>
    tpu.wait_indirect_dma semaphore(%arg8 : memref<!tpu.dma_semaphore, #tpu.memory_space<semaphore_mem>>) src(%dma_wait3A_284 : memref<200000x64xf32, #tpu.memory_space<hbm>>) dst(%dma_wait3A_278 : memref<128x64xf32, #tpu.memory_space<vmem>>)
    %dma_wait3A_285 = arith.constant 13 : i32
    %dma_wait3A_286 = arith.constant 384 : i32
    %dma_wait3A_287 = arith.constant 0 : i32
    %dma_wait3A_288 = tpu.memref_slice %arg6[%dma_wait3A_286, %dma_wait3A_287] : memref<640x64xf32, #tpu.memory_space<vmem>> -> memref<128x64xf32, #tpu.memory_space<vmem>>
    %dma_wait3A_289 = arith.constant 0 : i32
    %dma_wait3A_290 = tpu.memref_slice %arg5[%dma_wait3A_285, %dma_wait3A_289] : memref<50x128xi32, #tpu.memory_space<vmem>> -> memref<1x128xi32, #tpu.memory_space<vmem>>
    %dma_wait3A_291 = tpu.memref_squeeze %dma_wait3A_290 : memref<1x128xi32, #tpu.memory_space<vmem>> -> memref<128xi32, #tpu.memory_space<vmem>>
    %dma_wait3A_292 = arith.constant 0 : i32
    %dma_wait3A_293 = arith.constant 0 : i32
    %dma_wait3A_294 = tpu.memref_slice %arg2[%dma_wait3A_292, %dma_wait3A_293] : memref<200000x64xf32, #tpu.memory_space<hbm>> -> memref<200000x64xf32, #tpu.memory_space<hbm>>
    tpu.wait_indirect_dma semaphore(%arg8 : memref<!tpu.dma_semaphore, #tpu.memory_space<semaphore_mem>>) src(%dma_wait3A_294 : memref<200000x64xf32, #tpu.memory_space<hbm>>) dst(%dma_wait3A_288 : memref<128x64xf32, #tpu.memory_space<vmem>>)
    %dma_wait3A_295 = arith.constant 14 : i32
    %dma_wait3A_296 = arith.constant 512 : i32
    %dma_wait3A_297 = arith.constant 0 : i32
    %dma_wait3A_298 = tpu.memref_slice %arg6[%dma_wait3A_296, %dma_wait3A_297] : memref<640x64xf32, #tpu.memory_space<vmem>> -> memref<128x64xf32, #tpu.memory_space<vmem>>
    %dma_wait3A_299 = arith.constant 0 : i32
    %dma_wait3A_300 = tpu.memref_slice %arg5[%dma_wait3A_295, %dma_wait3A_299] : memref<50x128xi32, #tpu.memory_space<vmem>> -> memref<1x128xi32, #tpu.memory_space<vmem>>
    %dma_wait3A_301 = tpu.memref_squeeze %dma_wait3A_300 : memref<1x128xi32, #tpu.memory_space<vmem>> -> memref<128xi32, #tpu.memory_space<vmem>>
    %dma_wait3A_302 = arith.constant 0 : i32
    %dma_wait3A_303 = arith.constant 0 : i32
    %dma_wait3A_304 = tpu.memref_slice %arg2[%dma_wait3A_302, %dma_wait3A_303] : memref<200000x64xf32, #tpu.memory_space<hbm>> -> memref<200000x64xf32, #tpu.memory_space<hbm>>
    tpu.wait_indirect_dma semaphore(%arg8 : memref<!tpu.dma_semaphore, #tpu.memory_space<semaphore_mem>>) src(%dma_wait3A_304 : memref<200000x64xf32, #tpu.memory_space<hbm>>) dst(%dma_wait3A_298 : memref<128x64xf32, #tpu.memory_space<vmem>>)
    %dma_start3A_305 = arith.constant 15 : i32
    %dma_start3A_306 = arith.constant 0 : i32
    %dma_start3A_307 = arith.constant 0 : i32
    %dma_start3A_308 = tpu.memref_slice %arg7[%dma_start3A_306, %dma_start3A_307] : memref<640x64xf32, #tpu.memory_space<vmem>> -> memref<128x64xf32, #tpu.memory_space<vmem>>
    %dma_start3A_309 = arith.constant 0 : i32
    %dma_start3A_310 = tpu.memref_slice %arg5[%dma_start3A_305, %dma_start3A_309] : memref<50x128xi32, #tpu.memory_space<vmem>> -> memref<1x128xi32, #tpu.memory_space<vmem>>
    %dma_start3A_311 = tpu.memref_squeeze %dma_start3A_310 : memref<1x128xi32, #tpu.memory_space<vmem>> -> memref<128xi32, #tpu.memory_space<vmem>>
    %dma_start3A_312 = arith.constant 0 : i32
    %dma_start3A_313 = arith.constant 0 : i32
    %dma_start3A_314 = tpu.memref_slice %arg2[%dma_start3A_312, %dma_start3A_313] : memref<200000x64xf32, #tpu.memory_space<hbm>> -> memref<200000x64xf32, #tpu.memory_space<hbm>>
    tpu.enqueue_indirect_dma source(%dma_start3A_314 : memref<200000x64xf32, #tpu.memory_space<hbm>>) target(%dma_start3A_308 : memref<128x64xf32, #tpu.memory_space<vmem>>) offsets(%dma_start3A_311 : memref<128xi32, #tpu.memory_space<vmem>>) semaphore(%arg9 : memref<!tpu.dma_semaphore, #tpu.memory_space<semaphore_mem>>)
    %dma_start3A_315 = arith.constant 16 : i32
    %dma_start3A_316 = arith.constant 128 : i32
    %dma_start3A_317 = arith.constant 0 : i32
    %dma_start3A_318 = tpu.memref_slice %arg7[%dma_start3A_316, %dma_start3A_317] : memref<640x64xf32, #tpu.memory_space<vmem>> -> memref<128x64xf32, #tpu.memory_space<vmem>>
    %dma_start3A_319 = arith.constant 0 : i32
    %dma_start3A_320 = tpu.memref_slice %arg5[%dma_start3A_315, %dma_start3A_319] : memref<50x128xi32, #tpu.memory_space<vmem>> -> memref<1x128xi32, #tpu.memory_space<vmem>>
    %dma_start3A_321 = tpu.memref_squeeze %dma_start3A_320 : memref<1x128xi32, #tpu.memory_space<vmem>> -> memref<128xi32, #tpu.memory_space<vmem>>
    %dma_start3A_322 = arith.constant 0 : i32
    %dma_start3A_323 = arith.constant 0 : i32
    %dma_start3A_324 = tpu.memref_slice %arg2[%dma_start3A_322, %dma_start3A_323] : memref<200000x64xf32, #tpu.memory_space<hbm>> -> memref<200000x64xf32, #tpu.memory_space<hbm>>
    tpu.enqueue_indirect_dma source(%dma_start3A_324 : memref<200000x64xf32, #tpu.memory_space<hbm>>) target(%dma_start3A_318 : memref<128x64xf32, #tpu.memory_space<vmem>>) offsets(%dma_start3A_321 : memref<128xi32, #tpu.memory_space<vmem>>) semaphore(%arg9 : memref<!tpu.dma_semaphore, #tpu.memory_space<semaphore_mem>>)
    %dma_start3A_325 = arith.constant 17 : i32
    %dma_start3A_326 = arith.constant 256 : i32
    %dma_start3A_327 = arith.constant 0 : i32
    %dma_start3A_328 = tpu.memref_slice %arg7[%dma_start3A_326, %dma_start3A_327] : memref<640x64xf32, #tpu.memory_space<vmem>> -> memref<128x64xf32, #tpu.memory_space<vmem>>
    %dma_start3A_329 = arith.constant 0 : i32
    %dma_start3A_330 = tpu.memref_slice %arg5[%dma_start3A_325, %dma_start3A_329] : memref<50x128xi32, #tpu.memory_space<vmem>> -> memref<1x128xi32, #tpu.memory_space<vmem>>
    %dma_start3A_331 = tpu.memref_squeeze %dma_start3A_330 : memref<1x128xi32, #tpu.memory_space<vmem>> -> memref<128xi32, #tpu.memory_space<vmem>>
    %dma_start3A_332 = arith.constant 0 : i32
    %dma_start3A_333 = arith.constant 0 : i32
    %dma_start3A_334 = tpu.memref_slice %arg2[%dma_start3A_332, %dma_start3A_333] : memref<200000x64xf32, #tpu.memory_space<hbm>> -> memref<200000x64xf32, #tpu.memory_space<hbm>>
    tpu.enqueue_indirect_dma source(%dma_start3A_334 : memref<200000x64xf32, #tpu.memory_space<hbm>>) target(%dma_start3A_328 : memref<128x64xf32, #tpu.memory_space<vmem>>) offsets(%dma_start3A_331 : memref<128xi32, #tpu.memory_space<vmem>>) semaphore(%arg9 : memref<!tpu.dma_semaphore, #tpu.memory_space<semaphore_mem>>)
    %dma_start3A_335 = arith.constant 18 : i32
    %dma_start3A_336 = arith.constant 384 : i32
    %dma_start3A_337 = arith.constant 0 : i32
    %dma_start3A_338 = tpu.memref_slice %arg7[%dma_start3A_336, %dma_start3A_337] : memref<640x64xf32, #tpu.memory_space<vmem>> -> memref<128x64xf32, #tpu.memory_space<vmem>>
    %dma_start3A_339 = arith.constant 0 : i32
    %dma_start3A_340 = tpu.memref_slice %arg5[%dma_start3A_335, %dma_start3A_339] : memref<50x128xi32, #tpu.memory_space<vmem>> -> memref<1x128xi32, #tpu.memory_space<vmem>>
    %dma_start3A_341 = tpu.memref_squeeze %dma_start3A_340 : memref<1x128xi32, #tpu.memory_space<vmem>> -> memref<128xi32, #tpu.memory_space<vmem>>
    %dma_start3A_342 = arith.constant 0 : i32
    %dma_start3A_343 = arith.constant 0 : i32
    %dma_start3A_344 = tpu.memref_slice %arg2[%dma_start3A_342, %dma_start3A_343] : memref<200000x64xf32, #tpu.memory_space<hbm>> -> memref<200000x64xf32, #tpu.memory_space<hbm>>
    tpu.enqueue_indirect_dma source(%dma_start3A_344 : memref<200000x64xf32, #tpu.memory_space<hbm>>) target(%dma_start3A_338 : memref<128x64xf32, #tpu.memory_space<vmem>>) offsets(%dma_start3A_341 : memref<128xi32, #tpu.memory_space<vmem>>) semaphore(%arg9 : memref<!tpu.dma_semaphore, #tpu.memory_space<semaphore_mem>>)
    %dma_start3A_345 = arith.constant 19 : i32
    %dma_start3A_346 = arith.constant 512 : i32
    %dma_start3A_347 = arith.constant 0 : i32
    %dma_start3A_348 = tpu.memref_slice %arg7[%dma_start3A_346, %dma_start3A_347] : memref<640x64xf32, #tpu.memory_space<vmem>> -> memref<128x64xf32, #tpu.memory_space<vmem>>
    %dma_start3A_349 = arith.constant 0 : i32
    %dma_start3A_350 = tpu.memref_slice %arg5[%dma_start3A_345, %dma_start3A_349] : memref<50x128xi32, #tpu.memory_space<vmem>> -> memref<1x128xi32, #tpu.memory_space<vmem>>
    %dma_start3A_351 = tpu.memref_squeeze %dma_start3A_350 : memref<1x128xi32, #tpu.memory_space<vmem>> -> memref<128xi32, #tpu.memory_space<vmem>>
    %dma_start3A_352 = arith.constant 0 : i32
    %dma_start3A_353 = arith.constant 0 : i32
    %dma_start3A_354 = tpu.memref_slice %arg2[%dma_start3A_352, %dma_start3A_353] : memref<200000x64xf32, #tpu.memory_space<hbm>> -> memref<200000x64xf32, #tpu.memory_space<hbm>>
    tpu.enqueue_indirect_dma source(%dma_start3A_354 : memref<200000x64xf32, #tpu.memory_space<hbm>>) target(%dma_start3A_348 : memref<128x64xf32, #tpu.memory_space<vmem>>) offsets(%dma_start3A_351 : memref<128xi32, #tpu.memory_space<vmem>>) semaphore(%arg9 : memref<!tpu.dma_semaphore, #tpu.memory_space<semaphore_mem>>)
    %add3A_355 = arith.constant 1280 : i32
    %add3A_356 = arith.addi %mul3A_2, %add3A_355 : i32
    "tpu.region"() ({
      %run_scoped3A = tpu.sem_alloc : memref<!tpu.dma_semaphore, #tpu.memory_space<semaphore_mem>>
      %dma_start3A_1021 = arith.constant 0 : i32
      %dma_start3A_1022 = tpu.memref_slice %arg4[%add3A_356, %dma_start3A_1021] : memref<204800x64xf32, #tpu.memory_space<hbm>> -> memref<640x64xf32, #tpu.memory_space<hbm>>
      %dma_start3A_1023 = arith.constant 0 : i32
      %dma_start3A_1024 = tpu.memref_slice %arg4[%add3A_356, %dma_start3A_1023] : memref<204800x64xf32, #tpu.memory_space<hbm>> -> memref<640x64xf32, #tpu.memory_space<hbm>>
      tpu.enqueue_dma source(%arg6 : memref<640x64xf32, #tpu.memory_space<vmem>>) target(%dma_start3A_1024 : memref<640x64xf32, #tpu.memory_space<hbm>>) target_semaphore(%run_scoped3A : memref<!tpu.dma_semaphore, #tpu.memory_space<semaphore_mem>>)
      %dma_wait3A_1025 = arith.constant 0 : i32
      %dma_wait3A_1026 = tpu.memref_slice %arg4[%add3A_356, %dma_wait3A_1025] : memref<204800x64xf32, #tpu.memory_space<hbm>> -> memref<640x64xf32, #tpu.memory_space<hbm>>
      %dma_wait3A_1027 = arith.constant 0 : i32
      %dma_wait3A_1028 = tpu.memref_slice %arg4[%add3A_356, %dma_wait3A_1027] : memref<204800x64xf32, #tpu.memory_space<hbm>> -> memref<640x64xf32, #tpu.memory_space<hbm>>
      tpu.wait_dma2 semaphore(%run_scoped3A : memref<!tpu.dma_semaphore, #tpu.memory_space<semaphore_mem>>) src(%arg6 : memref<640x64xf32, #tpu.memory_space<vmem>>) dst(%dma_wait3A_1028 : memref<640x64xf32, #tpu.memory_space<hbm>>)
      tpu.yield
    }) : () -> ()
    %dma_wait3A_357 = arith.constant 15 : i32
    %dma_wait3A_358 = arith.constant 0 : i32
    %dma_wait3A_359 = arith.constant 0 : i32
    %dma_wait3A_360 = tpu.memref_slice %arg7[%dma_wait3A_358, %dma_wait3A_359] : memref<640x64xf32, #tpu.memory_space<vmem>> -> memref<128x64xf32, #tpu.memory_space<vmem>>
    %dma_wait3A_361 = arith.constant 0 : i32
    %dma_wait3A_362 = tpu.memref_slice %arg5[%dma_wait3A_357, %dma_wait3A_361] : memref<50x128xi32, #tpu.memory_space<vmem>> -> memref<1x128xi32, #tpu.memory_space<vmem>>
    %dma_wait3A_363 = tpu.memref_squeeze %dma_wait3A_362 : memref<1x128xi32, #tpu.memory_space<vmem>> -> memref<128xi32, #tpu.memory_space<vmem>>
    %dma_wait3A_364 = arith.constant 0 : i32
    %dma_wait3A_365 = arith.constant 0 : i32
    %dma_wait3A_366 = tpu.memref_slice %arg2[%dma_wait3A_364, %dma_wait3A_365] : memref<200000x64xf32, #tpu.memory_space<hbm>> -> memref<200000x64xf32, #tpu.memory_space<hbm>>
    tpu.wait_indirect_dma semaphore(%arg9 : memref<!tpu.dma_semaphore, #tpu.memory_space<semaphore_mem>>) src(%dma_wait3A_366 : memref<200000x64xf32, #tpu.memory_space<hbm>>) dst(%dma_wait3A_360 : memref<128x64xf32, #tpu.memory_space<vmem>>)
    %dma_wait3A_367 = arith.constant 16 : i32
    %dma_wait3A_368 = arith.constant 128 : i32
    %dma_wait3A_369 = arith.constant 0 : i32
    %dma_wait3A_370 = tpu.memref_slice %arg7[%dma_wait3A_368, %dma_wait3A_369] : memref<640x64xf32, #tpu.memory_space<vmem>> -> memref<128x64xf32, #tpu.memory_space<vmem>>
    %dma_wait3A_371 = arith.constant 0 : i32
    %dma_wait3A_372 = tpu.memref_slice %arg5[%dma_wait3A_367, %dma_wait3A_371] : memref<50x128xi32, #tpu.memory_space<vmem>> -> memref<1x128xi32, #tpu.memory_space<vmem>>
    %dma_wait3A_373 = tpu.memref_squeeze %dma_wait3A_372 : memref<1x128xi32, #tpu.memory_space<vmem>> -> memref<128xi32, #tpu.memory_space<vmem>>
    %dma_wait3A_374 = arith.constant 0 : i32
    %dma_wait3A_375 = arith.constant 0 : i32
    %dma_wait3A_376 = tpu.memref_slice %arg2[%dma_wait3A_374, %dma_wait3A_375] : memref<200000x64xf32, #tpu.memory_space<hbm>> -> memref<200000x64xf32, #tpu.memory_space<hbm>>
    tpu.wait_indirect_dma semaphore(%arg9 : memref<!tpu.dma_semaphore, #tpu.memory_space<semaphore_mem>>) src(%dma_wait3A_376 : memref<200000x64xf32, #tpu.memory_space<hbm>>) dst(%dma_wait3A_370 : memref<128x64xf32, #tpu.memory_space<vmem>>)
    %dma_wait3A_377 = arith.constant 17 : i32
    %dma_wait3A_378 = arith.constant 256 : i32
    %dma_wait3A_379 = arith.constant 0 : i32
    %dma_wait3A_380 = tpu.memref_slice %arg7[%dma_wait3A_378, %dma_wait3A_379] : memref<640x64xf32, #tpu.memory_space<vmem>> -> memref<128x64xf32, #tpu.memory_space<vmem>>
    %dma_wait3A_381 = arith.constant 0 : i32
    %dma_wait3A_382 = tpu.memref_slice %arg5[%dma_wait3A_377, %dma_wait3A_381] : memref<50x128xi32, #tpu.memory_space<vmem>> -> memref<1x128xi32, #tpu.memory_space<vmem>>
    %dma_wait3A_383 = tpu.memref_squeeze %dma_wait3A_382 : memref<1x128xi32, #tpu.memory_space<vmem>> -> memref<128xi32, #tpu.memory_space<vmem>>
    %dma_wait3A_384 = arith.constant 0 : i32
    %dma_wait3A_385 = arith.constant 0 : i32
    %dma_wait3A_386 = tpu.memref_slice %arg2[%dma_wait3A_384, %dma_wait3A_385] : memref<200000x64xf32, #tpu.memory_space<hbm>> -> memref<200000x64xf32, #tpu.memory_space<hbm>>
    tpu.wait_indirect_dma semaphore(%arg9 : memref<!tpu.dma_semaphore, #tpu.memory_space<semaphore_mem>>) src(%dma_wait3A_386 : memref<200000x64xf32, #tpu.memory_space<hbm>>) dst(%dma_wait3A_380 : memref<128x64xf32, #tpu.memory_space<vmem>>)
    %dma_wait3A_387 = arith.constant 18 : i32
    %dma_wait3A_388 = arith.constant 384 : i32
    %dma_wait3A_389 = arith.constant 0 : i32
    %dma_wait3A_390 = tpu.memref_slice %arg7[%dma_wait3A_388, %dma_wait3A_389] : memref<640x64xf32, #tpu.memory_space<vmem>> -> memref<128x64xf32, #tpu.memory_space<vmem>>
    %dma_wait3A_391 = arith.constant 0 : i32
    %dma_wait3A_392 = tpu.memref_slice %arg5[%dma_wait3A_387, %dma_wait3A_391] : memref<50x128xi32, #tpu.memory_space<vmem>> -> memref<1x128xi32, #tpu.memory_space<vmem>>
    %dma_wait3A_393 = tpu.memref_squeeze %dma_wait3A_392 : memref<1x128xi32, #tpu.memory_space<vmem>> -> memref<128xi32, #tpu.memory_space<vmem>>
    %dma_wait3A_394 = arith.constant 0 : i32
    %dma_wait3A_395 = arith.constant 0 : i32
    %dma_wait3A_396 = tpu.memref_slice %arg2[%dma_wait3A_394, %dma_wait3A_395] : memref<200000x64xf32, #tpu.memory_space<hbm>> -> memref<200000x64xf32, #tpu.memory_space<hbm>>
    tpu.wait_indirect_dma semaphore(%arg9 : memref<!tpu.dma_semaphore, #tpu.memory_space<semaphore_mem>>) src(%dma_wait3A_396 : memref<200000x64xf32, #tpu.memory_space<hbm>>) dst(%dma_wait3A_390 : memref<128x64xf32, #tpu.memory_space<vmem>>)
    %dma_wait3A_397 = arith.constant 19 : i32
    %dma_wait3A_398 = arith.constant 512 : i32
    %dma_wait3A_399 = arith.constant 0 : i32
    %dma_wait3A_400 = tpu.memref_slice %arg7[%dma_wait3A_398, %dma_wait3A_399] : memref<640x64xf32, #tpu.memory_space<vmem>> -> memref<128x64xf32, #tpu.memory_space<vmem>>
    %dma_wait3A_401 = arith.constant 0 : i32
    %dma_wait3A_402 = tpu.memref_slice %arg5[%dma_wait3A_397, %dma_wait3A_401] : memref<50x128xi32, #tpu.memory_space<vmem>> -> memref<1x128xi32, #tpu.memory_space<vmem>>
    %dma_wait3A_403 = tpu.memref_squeeze %dma_wait3A_402 : memref<1x128xi32, #tpu.memory_space<vmem>> -> memref<128xi32, #tpu.memory_space<vmem>>
    %dma_wait3A_404 = arith.constant 0 : i32
    %dma_wait3A_405 = arith.constant 0 : i32
    %dma_wait3A_406 = tpu.memref_slice %arg2[%dma_wait3A_404, %dma_wait3A_405] : memref<200000x64xf32, #tpu.memory_space<hbm>> -> memref<200000x64xf32, #tpu.memory_space<hbm>>
    tpu.wait_indirect_dma semaphore(%arg9 : memref<!tpu.dma_semaphore, #tpu.memory_space<semaphore_mem>>) src(%dma_wait3A_406 : memref<200000x64xf32, #tpu.memory_space<hbm>>) dst(%dma_wait3A_400 : memref<128x64xf32, #tpu.memory_space<vmem>>)
    %dma_start3A_407 = arith.constant 20 : i32
    %dma_start3A_408 = arith.constant 0 : i32
    %dma_start3A_409 = arith.constant 0 : i32
    %dma_start3A_410 = tpu.memref_slice %arg6[%dma_start3A_408, %dma_start3A_409] : memref<640x64xf32, #tpu.memory_space<vmem>> -> memref<128x64xf32, #tpu.memory_space<vmem>>
    %dma_start3A_411 = arith.constant 0 : i32
    %dma_start3A_412 = tpu.memref_slice %arg5[%dma_start3A_407, %dma_start3A_411] : memref<50x128xi32, #tpu.memory_space<vmem>> -> memref<1x128xi32, #tpu.memory_space<vmem>>
    %dma_start3A_413 = tpu.memref_squeeze %dma_start3A_412 : memref<1x128xi32, #tpu.memory_space<vmem>> -> memref<128xi32, #tpu.memory_space<vmem>>
    %dma_start3A_414 = arith.constant 0 : i32
    %dma_start3A_415 = arith.constant 0 : i32
    %dma_start3A_416 = tpu.memref_slice %arg2[%dma_start3A_414, %dma_start3A_415] : memref<200000x64xf32, #tpu.memory_space<hbm>> -> memref<200000x64xf32, #tpu.memory_space<hbm>>
    tpu.enqueue_indirect_dma source(%dma_start3A_416 : memref<200000x64xf32, #tpu.memory_space<hbm>>) target(%dma_start3A_410 : memref<128x64xf32, #tpu.memory_space<vmem>>) offsets(%dma_start3A_413 : memref<128xi32, #tpu.memory_space<vmem>>) semaphore(%arg8 : memref<!tpu.dma_semaphore, #tpu.memory_space<semaphore_mem>>)
    %dma_start3A_417 = arith.constant 21 : i32
    %dma_start3A_418 = arith.constant 128 : i32
    %dma_start3A_419 = arith.constant 0 : i32
    %dma_start3A_420 = tpu.memref_slice %arg6[%dma_start3A_418, %dma_start3A_419] : memref<640x64xf32, #tpu.memory_space<vmem>> -> memref<128x64xf32, #tpu.memory_space<vmem>>
    %dma_start3A_421 = arith.constant 0 : i32
    %dma_start3A_422 = tpu.memref_slice %arg5[%dma_start3A_417, %dma_start3A_421] : memref<50x128xi32, #tpu.memory_space<vmem>> -> memref<1x128xi32, #tpu.memory_space<vmem>>
    %dma_start3A_423 = tpu.memref_squeeze %dma_start3A_422 : memref<1x128xi32, #tpu.memory_space<vmem>> -> memref<128xi32, #tpu.memory_space<vmem>>
    %dma_start3A_424 = arith.constant 0 : i32
    %dma_start3A_425 = arith.constant 0 : i32
    %dma_start3A_426 = tpu.memref_slice %arg2[%dma_start3A_424, %dma_start3A_425] : memref<200000x64xf32, #tpu.memory_space<hbm>> -> memref<200000x64xf32, #tpu.memory_space<hbm>>
    tpu.enqueue_indirect_dma source(%dma_start3A_426 : memref<200000x64xf32, #tpu.memory_space<hbm>>) target(%dma_start3A_420 : memref<128x64xf32, #tpu.memory_space<vmem>>) offsets(%dma_start3A_423 : memref<128xi32, #tpu.memory_space<vmem>>) semaphore(%arg8 : memref<!tpu.dma_semaphore, #tpu.memory_space<semaphore_mem>>)
    %dma_start3A_427 = arith.constant 22 : i32
    %dma_start3A_428 = arith.constant 256 : i32
    %dma_start3A_429 = arith.constant 0 : i32
    %dma_start3A_430 = tpu.memref_slice %arg6[%dma_start3A_428, %dma_start3A_429] : memref<640x64xf32, #tpu.memory_space<vmem>> -> memref<128x64xf32, #tpu.memory_space<vmem>>
    %dma_start3A_431 = arith.constant 0 : i32
    %dma_start3A_432 = tpu.memref_slice %arg5[%dma_start3A_427, %dma_start3A_431] : memref<50x128xi32, #tpu.memory_space<vmem>> -> memref<1x128xi32, #tpu.memory_space<vmem>>
    %dma_start3A_433 = tpu.memref_squeeze %dma_start3A_432 : memref<1x128xi32, #tpu.memory_space<vmem>> -> memref<128xi32, #tpu.memory_space<vmem>>
    %dma_start3A_434 = arith.constant 0 : i32
    %dma_start3A_435 = arith.constant 0 : i32
    %dma_start3A_436 = tpu.memref_slice %arg2[%dma_start3A_434, %dma_start3A_435] : memref<200000x64xf32, #tpu.memory_space<hbm>> -> memref<200000x64xf32, #tpu.memory_space<hbm>>
    tpu.enqueue_indirect_dma source(%dma_start3A_436 : memref<200000x64xf32, #tpu.memory_space<hbm>>) target(%dma_start3A_430 : memref<128x64xf32, #tpu.memory_space<vmem>>) offsets(%dma_start3A_433 : memref<128xi32, #tpu.memory_space<vmem>>) semaphore(%arg8 : memref<!tpu.dma_semaphore, #tpu.memory_space<semaphore_mem>>)
    %dma_start3A_437 = arith.constant 23 : i32
    %dma_start3A_438 = arith.constant 384 : i32
    %dma_start3A_439 = arith.constant 0 : i32
    %dma_start3A_440 = tpu.memref_slice %arg6[%dma_start3A_438, %dma_start3A_439] : memref<640x64xf32, #tpu.memory_space<vmem>> -> memref<128x64xf32, #tpu.memory_space<vmem>>
    %dma_start3A_441 = arith.constant 0 : i32
    %dma_start3A_442 = tpu.memref_slice %arg5[%dma_start3A_437, %dma_start3A_441] : memref<50x128xi32, #tpu.memory_space<vmem>> -> memref<1x128xi32, #tpu.memory_space<vmem>>
    %dma_start3A_443 = tpu.memref_squeeze %dma_start3A_442 : memref<1x128xi32, #tpu.memory_space<vmem>> -> memref<128xi32, #tpu.memory_space<vmem>>
    %dma_start3A_444 = arith.constant 0 : i32
    %dma_start3A_445 = arith.constant 0 : i32
    %dma_start3A_446 = tpu.memref_slice %arg2[%dma_start3A_444, %dma_start3A_445] : memref<200000x64xf32, #tpu.memory_space<hbm>> -> memref<200000x64xf32, #tpu.memory_space<hbm>>
    tpu.enqueue_indirect_dma source(%dma_start3A_446 : memref<200000x64xf32, #tpu.memory_space<hbm>>) target(%dma_start3A_440 : memref<128x64xf32, #tpu.memory_space<vmem>>) offsets(%dma_start3A_443 : memref<128xi32, #tpu.memory_space<vmem>>) semaphore(%arg8 : memref<!tpu.dma_semaphore, #tpu.memory_space<semaphore_mem>>)
    %dma_start3A_447 = arith.constant 24 : i32
    %dma_start3A_448 = arith.constant 512 : i32
    %dma_start3A_449 = arith.constant 0 : i32
    %dma_start3A_450 = tpu.memref_slice %arg6[%dma_start3A_448, %dma_start3A_449] : memref<640x64xf32, #tpu.memory_space<vmem>> -> memref<128x64xf32, #tpu.memory_space<vmem>>
    %dma_start3A_451 = arith.constant 0 : i32
    %dma_start3A_452 = tpu.memref_slice %arg5[%dma_start3A_447, %dma_start3A_451] : memref<50x128xi32, #tpu.memory_space<vmem>> -> memref<1x128xi32, #tpu.memory_space<vmem>>
    %dma_start3A_453 = tpu.memref_squeeze %dma_start3A_452 : memref<1x128xi32, #tpu.memory_space<vmem>> -> memref<128xi32, #tpu.memory_space<vmem>>
    %dma_start3A_454 = arith.constant 0 : i32
    %dma_start3A_455 = arith.constant 0 : i32
    %dma_start3A_456 = tpu.memref_slice %arg2[%dma_start3A_454, %dma_start3A_455] : memref<200000x64xf32, #tpu.memory_space<hbm>> -> memref<200000x64xf32, #tpu.memory_space<hbm>>
    tpu.enqueue_indirect_dma source(%dma_start3A_456 : memref<200000x64xf32, #tpu.memory_space<hbm>>) target(%dma_start3A_450 : memref<128x64xf32, #tpu.memory_space<vmem>>) offsets(%dma_start3A_453 : memref<128xi32, #tpu.memory_space<vmem>>) semaphore(%arg8 : memref<!tpu.dma_semaphore, #tpu.memory_space<semaphore_mem>>)
    %add3A_457 = arith.constant 1920 : i32
    %add3A_458 = arith.addi %mul3A_2, %add3A_457 : i32
    "tpu.region"() ({
      %run_scoped3A = tpu.sem_alloc : memref<!tpu.dma_semaphore, #tpu.memory_space<semaphore_mem>>
      %dma_start3A_1021 = arith.constant 0 : i32
      %dma_start3A_1022 = tpu.memref_slice %arg4[%add3A_458, %dma_start3A_1021] : memref<204800x64xf32, #tpu.memory_space<hbm>> -> memref<640x64xf32, #tpu.memory_space<hbm>>
      %dma_start3A_1023 = arith.constant 0 : i32
      %dma_start3A_1024 = tpu.memref_slice %arg4[%add3A_458, %dma_start3A_1023] : memref<204800x64xf32, #tpu.memory_space<hbm>> -> memref<640x64xf32, #tpu.memory_space<hbm>>
      tpu.enqueue_dma source(%arg7 : memref<640x64xf32, #tpu.memory_space<vmem>>) target(%dma_start3A_1024 : memref<640x64xf32, #tpu.memory_space<hbm>>) target_semaphore(%run_scoped3A : memref<!tpu.dma_semaphore, #tpu.memory_space<semaphore_mem>>)
      %dma_wait3A_1025 = arith.constant 0 : i32
      %dma_wait3A_1026 = tpu.memref_slice %arg4[%add3A_458, %dma_wait3A_1025] : memref<204800x64xf32, #tpu.memory_space<hbm>> -> memref<640x64xf32, #tpu.memory_space<hbm>>
      %dma_wait3A_1027 = arith.constant 0 : i32
      %dma_wait3A_1028 = tpu.memref_slice %arg4[%add3A_458, %dma_wait3A_1027] : memref<204800x64xf32, #tpu.memory_space<hbm>> -> memref<640x64xf32, #tpu.memory_space<hbm>>
      tpu.wait_dma2 semaphore(%run_scoped3A : memref<!tpu.dma_semaphore, #tpu.memory_space<semaphore_mem>>) src(%arg7 : memref<640x64xf32, #tpu.memory_space<vmem>>) dst(%dma_wait3A_1028 : memref<640x64xf32, #tpu.memory_space<hbm>>)
      tpu.yield
    }) : () -> ()
    %dma_wait3A_459 = arith.constant 20 : i32
    %dma_wait3A_460 = arith.constant 0 : i32
    %dma_wait3A_461 = arith.constant 0 : i32
    %dma_wait3A_462 = tpu.memref_slice %arg6[%dma_wait3A_460, %dma_wait3A_461] : memref<640x64xf32, #tpu.memory_space<vmem>> -> memref<128x64xf32, #tpu.memory_space<vmem>>
    %dma_wait3A_463 = arith.constant 0 : i32
    %dma_wait3A_464 = tpu.memref_slice %arg5[%dma_wait3A_459, %dma_wait3A_463] : memref<50x128xi32, #tpu.memory_space<vmem>> -> memref<1x128xi32, #tpu.memory_space<vmem>>
    %dma_wait3A_465 = tpu.memref_squeeze %dma_wait3A_464 : memref<1x128xi32, #tpu.memory_space<vmem>> -> memref<128xi32, #tpu.memory_space<vmem>>
    %dma_wait3A_466 = arith.constant 0 : i32
    %dma_wait3A_467 = arith.constant 0 : i32
    %dma_wait3A_468 = tpu.memref_slice %arg2[%dma_wait3A_466, %dma_wait3A_467] : memref<200000x64xf32, #tpu.memory_space<hbm>> -> memref<200000x64xf32, #tpu.memory_space<hbm>>
    tpu.wait_indirect_dma semaphore(%arg8 : memref<!tpu.dma_semaphore, #tpu.memory_space<semaphore_mem>>) src(%dma_wait3A_468 : memref<200000x64xf32, #tpu.memory_space<hbm>>) dst(%dma_wait3A_462 : memref<128x64xf32, #tpu.memory_space<vmem>>)
    %dma_wait3A_469 = arith.constant 21 : i32
    %dma_wait3A_470 = arith.constant 128 : i32
    %dma_wait3A_471 = arith.constant 0 : i32
    %dma_wait3A_472 = tpu.memref_slice %arg6[%dma_wait3A_470, %dma_wait3A_471] : memref<640x64xf32, #tpu.memory_space<vmem>> -> memref<128x64xf32, #tpu.memory_space<vmem>>
    %dma_wait3A_473 = arith.constant 0 : i32
    %dma_wait3A_474 = tpu.memref_slice %arg5[%dma_wait3A_469, %dma_wait3A_473] : memref<50x128xi32, #tpu.memory_space<vmem>> -> memref<1x128xi32, #tpu.memory_space<vmem>>
    %dma_wait3A_475 = tpu.memref_squeeze %dma_wait3A_474 : memref<1x128xi32, #tpu.memory_space<vmem>> -> memref<128xi32, #tpu.memory_space<vmem>>
    %dma_wait3A_476 = arith.constant 0 : i32
    %dma_wait3A_477 = arith.constant 0 : i32
    %dma_wait3A_478 = tpu.memref_slice %arg2[%dma_wait3A_476, %dma_wait3A_477] : memref<200000x64xf32, #tpu.memory_space<hbm>> -> memref<200000x64xf32, #tpu.memory_space<hbm>>
    tpu.wait_indirect_dma semaphore(%arg8 : memref<!tpu.dma_semaphore, #tpu.memory_space<semaphore_mem>>) src(%dma_wait3A_478 : memref<200000x64xf32, #tpu.memory_space<hbm>>) dst(%dma_wait3A_472 : memref<128x64xf32, #tpu.memory_space<vmem>>)
    %dma_wait3A_479 = arith.constant 22 : i32
    %dma_wait3A_480 = arith.constant 256 : i32
    %dma_wait3A_481 = arith.constant 0 : i32
    %dma_wait3A_482 = tpu.memref_slice %arg6[%dma_wait3A_480, %dma_wait3A_481] : memref<640x64xf32, #tpu.memory_space<vmem>> -> memref<128x64xf32, #tpu.memory_space<vmem>>
    %dma_wait3A_483 = arith.constant 0 : i32
    %dma_wait3A_484 = tpu.memref_slice %arg5[%dma_wait3A_479, %dma_wait3A_483] : memref<50x128xi32, #tpu.memory_space<vmem>> -> memref<1x128xi32, #tpu.memory_space<vmem>>
    %dma_wait3A_485 = tpu.memref_squeeze %dma_wait3A_484 : memref<1x128xi32, #tpu.memory_space<vmem>> -> memref<128xi32, #tpu.memory_space<vmem>>
    %dma_wait3A_486 = arith.constant 0 : i32
    %dma_wait3A_487 = arith.constant 0 : i32
    %dma_wait3A_488 = tpu.memref_slice %arg2[%dma_wait3A_486, %dma_wait3A_487] : memref<200000x64xf32, #tpu.memory_space<hbm>> -> memref<200000x64xf32, #tpu.memory_space<hbm>>
    tpu.wait_indirect_dma semaphore(%arg8 : memref<!tpu.dma_semaphore, #tpu.memory_space<semaphore_mem>>) src(%dma_wait3A_488 : memref<200000x64xf32, #tpu.memory_space<hbm>>) dst(%dma_wait3A_482 : memref<128x64xf32, #tpu.memory_space<vmem>>)
    %dma_wait3A_489 = arith.constant 23 : i32
    %dma_wait3A_490 = arith.constant 384 : i32
    %dma_wait3A_491 = arith.constant 0 : i32
    %dma_wait3A_492 = tpu.memref_slice %arg6[%dma_wait3A_490, %dma_wait3A_491] : memref<640x64xf32, #tpu.memory_space<vmem>> -> memref<128x64xf32, #tpu.memory_space<vmem>>
    %dma_wait3A_493 = arith.constant 0 : i32
    %dma_wait3A_494 = tpu.memref_slice %arg5[%dma_wait3A_489, %dma_wait3A_493] : memref<50x128xi32, #tpu.memory_space<vmem>> -> memref<1x128xi32, #tpu.memory_space<vmem>>
    %dma_wait3A_495 = tpu.memref_squeeze %dma_wait3A_494 : memref<1x128xi32, #tpu.memory_space<vmem>> -> memref<128xi32, #tpu.memory_space<vmem>>
    %dma_wait3A_496 = arith.constant 0 : i32
    %dma_wait3A_497 = arith.constant 0 : i32
    %dma_wait3A_498 = tpu.memref_slice %arg2[%dma_wait3A_496, %dma_wait3A_497] : memref<200000x64xf32, #tpu.memory_space<hbm>> -> memref<200000x64xf32, #tpu.memory_space<hbm>>
    tpu.wait_indirect_dma semaphore(%arg8 : memref<!tpu.dma_semaphore, #tpu.memory_space<semaphore_mem>>) src(%dma_wait3A_498 : memref<200000x64xf32, #tpu.memory_space<hbm>>) dst(%dma_wait3A_492 : memref<128x64xf32, #tpu.memory_space<vmem>>)
    %dma_wait3A_499 = arith.constant 24 : i32
    %dma_wait3A_500 = arith.constant 512 : i32
    %dma_wait3A_501 = arith.constant 0 : i32
    %dma_wait3A_502 = tpu.memref_slice %arg6[%dma_wait3A_500, %dma_wait3A_501] : memref<640x64xf32, #tpu.memory_space<vmem>> -> memref<128x64xf32, #tpu.memory_space<vmem>>
    %dma_wait3A_503 = arith.constant 0 : i32
    %dma_wait3A_504 = tpu.memref_slice %arg5[%dma_wait3A_499, %dma_wait3A_503] : memref<50x128xi32, #tpu.memory_space<vmem>> -> memref<1x128xi32, #tpu.memory_space<vmem>>
    %dma_wait3A_505 = tpu.memref_squeeze %dma_wait3A_504 : memref<1x128xi32, #tpu.memory_space<vmem>> -> memref<128xi32, #tpu.memory_space<vmem>>
    %dma_wait3A_506 = arith.constant 0 : i32
    %dma_wait3A_507 = arith.constant 0 : i32
    %dma_wait3A_508 = tpu.memref_slice %arg2[%dma_wait3A_506, %dma_wait3A_507] : memref<200000x64xf32, #tpu.memory_space<hbm>> -> memref<200000x64xf32, #tpu.memory_space<hbm>>
    tpu.wait_indirect_dma semaphore(%arg8 : memref<!tpu.dma_semaphore, #tpu.memory_space<semaphore_mem>>) src(%dma_wait3A_508 : memref<200000x64xf32, #tpu.memory_space<hbm>>) dst(%dma_wait3A_502 : memref<128x64xf32, #tpu.memory_space<vmem>>)
    %dma_start3A_509 = arith.constant 25 : i32
    %dma_start3A_510 = arith.constant 0 : i32
    %dma_start3A_511 = arith.constant 0 : i32
    %dma_start3A_512 = tpu.memref_slice %arg7[%dma_start3A_510, %dma_start3A_511] : memref<640x64xf32, #tpu.memory_space<vmem>> -> memref<128x64xf32, #tpu.memory_space<vmem>>
    %dma_start3A_513 = arith.constant 0 : i32
    %dma_start3A_514 = tpu.memref_slice %arg5[%dma_start3A_509, %dma_start3A_513] : memref<50x128xi32, #tpu.memory_space<vmem>> -> memref<1x128xi32, #tpu.memory_space<vmem>>
    %dma_start3A_515 = tpu.memref_squeeze %dma_start3A_514 : memref<1x128xi32, #tpu.memory_space<vmem>> -> memref<128xi32, #tpu.memory_space<vmem>>
    %dma_start3A_516 = arith.constant 0 : i32
    %dma_start3A_517 = arith.constant 0 : i32
    %dma_start3A_518 = tpu.memref_slice %arg2[%dma_start3A_516, %dma_start3A_517] : memref<200000x64xf32, #tpu.memory_space<hbm>> -> memref<200000x64xf32, #tpu.memory_space<hbm>>
    tpu.enqueue_indirect_dma source(%dma_start3A_518 : memref<200000x64xf32, #tpu.memory_space<hbm>>) target(%dma_start3A_512 : memref<128x64xf32, #tpu.memory_space<vmem>>) offsets(%dma_start3A_515 : memref<128xi32, #tpu.memory_space<vmem>>) semaphore(%arg9 : memref<!tpu.dma_semaphore, #tpu.memory_space<semaphore_mem>>)
    %dma_start3A_519 = arith.constant 26 : i32
    %dma_start3A_520 = arith.constant 128 : i32
    %dma_start3A_521 = arith.constant 0 : i32
    %dma_start3A_522 = tpu.memref_slice %arg7[%dma_start3A_520, %dma_start3A_521] : memref<640x64xf32, #tpu.memory_space<vmem>> -> memref<128x64xf32, #tpu.memory_space<vmem>>
    %dma_start3A_523 = arith.constant 0 : i32
    %dma_start3A_524 = tpu.memref_slice %arg5[%dma_start3A_519, %dma_start3A_523] : memref<50x128xi32, #tpu.memory_space<vmem>> -> memref<1x128xi32, #tpu.memory_space<vmem>>
    %dma_start3A_525 = tpu.memref_squeeze %dma_start3A_524 : memref<1x128xi32, #tpu.memory_space<vmem>> -> memref<128xi32, #tpu.memory_space<vmem>>
    %dma_start3A_526 = arith.constant 0 : i32
    %dma_start3A_527 = arith.constant 0 : i32
    %dma_start3A_528 = tpu.memref_slice %arg2[%dma_start3A_526, %dma_start3A_527] : memref<200000x64xf32, #tpu.memory_space<hbm>> -> memref<200000x64xf32, #tpu.memory_space<hbm>>
    tpu.enqueue_indirect_dma source(%dma_start3A_528 : memref<200000x64xf32, #tpu.memory_space<hbm>>) target(%dma_start3A_522 : memref<128x64xf32, #tpu.memory_space<vmem>>) offsets(%dma_start3A_525 : memref<128xi32, #tpu.memory_space<vmem>>) semaphore(%arg9 : memref<!tpu.dma_semaphore, #tpu.memory_space<semaphore_mem>>)
    %dma_start3A_529 = arith.constant 27 : i32
    %dma_start3A_530 = arith.constant 256 : i32
    %dma_start3A_531 = arith.constant 0 : i32
    %dma_start3A_532 = tpu.memref_slice %arg7[%dma_start3A_530, %dma_start3A_531] : memref<640x64xf32, #tpu.memory_space<vmem>> -> memref<128x64xf32, #tpu.memory_space<vmem>>
    %dma_start3A_533 = arith.constant 0 : i32
    %dma_start3A_534 = tpu.memref_slice %arg5[%dma_start3A_529, %dma_start3A_533] : memref<50x128xi32, #tpu.memory_space<vmem>> -> memref<1x128xi32, #tpu.memory_space<vmem>>
    %dma_start3A_535 = tpu.memref_squeeze %dma_start3A_534 : memref<1x128xi32, #tpu.memory_space<vmem>> -> memref<128xi32, #tpu.memory_space<vmem>>
    %dma_start3A_536 = arith.constant 0 : i32
    %dma_start3A_537 = arith.constant 0 : i32
    %dma_start3A_538 = tpu.memref_slice %arg2[%dma_start3A_536, %dma_start3A_537] : memref<200000x64xf32, #tpu.memory_space<hbm>> -> memref<200000x64xf32, #tpu.memory_space<hbm>>
    tpu.enqueue_indirect_dma source(%dma_start3A_538 : memref<200000x64xf32, #tpu.memory_space<hbm>>) target(%dma_start3A_532 : memref<128x64xf32, #tpu.memory_space<vmem>>) offsets(%dma_start3A_535 : memref<128xi32, #tpu.memory_space<vmem>>) semaphore(%arg9 : memref<!tpu.dma_semaphore, #tpu.memory_space<semaphore_mem>>)
    %dma_start3A_539 = arith.constant 28 : i32
    %dma_start3A_540 = arith.constant 384 : i32
    %dma_start3A_541 = arith.constant 0 : i32
    %dma_start3A_542 = tpu.memref_slice %arg7[%dma_start3A_540, %dma_start3A_541] : memref<640x64xf32, #tpu.memory_space<vmem>> -> memref<128x64xf32, #tpu.memory_space<vmem>>
    %dma_start3A_543 = arith.constant 0 : i32
    %dma_start3A_544 = tpu.memref_slice %arg5[%dma_start3A_539, %dma_start3A_543] : memref<50x128xi32, #tpu.memory_space<vmem>> -> memref<1x128xi32, #tpu.memory_space<vmem>>
    %dma_start3A_545 = tpu.memref_squeeze %dma_start3A_544 : memref<1x128xi32, #tpu.memory_space<vmem>> -> memref<128xi32, #tpu.memory_space<vmem>>
    %dma_start3A_546 = arith.constant 0 : i32
    %dma_start3A_547 = arith.constant 0 : i32
    %dma_start3A_548 = tpu.memref_slice %arg2[%dma_start3A_546, %dma_start3A_547] : memref<200000x64xf32, #tpu.memory_space<hbm>> -> memref<200000x64xf32, #tpu.memory_space<hbm>>
    tpu.enqueue_indirect_dma source(%dma_start3A_548 : memref<200000x64xf32, #tpu.memory_space<hbm>>) target(%dma_start3A_542 : memref<128x64xf32, #tpu.memory_space<vmem>>) offsets(%dma_start3A_545 : memref<128xi32, #tpu.memory_space<vmem>>) semaphore(%arg9 : memref<!tpu.dma_semaphore, #tpu.memory_space<semaphore_mem>>)
    %dma_start3A_549 = arith.constant 29 : i32
    %dma_start3A_550 = arith.constant 512 : i32
    %dma_start3A_551 = arith.constant 0 : i32
    %dma_start3A_552 = tpu.memref_slice %arg7[%dma_start3A_550, %dma_start3A_551] : memref<640x64xf32, #tpu.memory_space<vmem>> -> memref<128x64xf32, #tpu.memory_space<vmem>>
    %dma_start3A_553 = arith.constant 0 : i32
    %dma_start3A_554 = tpu.memref_slice %arg5[%dma_start3A_549, %dma_start3A_553] : memref<50x128xi32, #tpu.memory_space<vmem>> -> memref<1x128xi32, #tpu.memory_space<vmem>>
    %dma_start3A_555 = tpu.memref_squeeze %dma_start3A_554 : memref<1x128xi32, #tpu.memory_space<vmem>> -> memref<128xi32, #tpu.memory_space<vmem>>
    %dma_start3A_556 = arith.constant 0 : i32
    %dma_start3A_557 = arith.constant 0 : i32
    %dma_start3A_558 = tpu.memref_slice %arg2[%dma_start3A_556, %dma_start3A_557] : memref<200000x64xf32, #tpu.memory_space<hbm>> -> memref<200000x64xf32, #tpu.memory_space<hbm>>
    tpu.enqueue_indirect_dma source(%dma_start3A_558 : memref<200000x64xf32, #tpu.memory_space<hbm>>) target(%dma_start3A_552 : memref<128x64xf32, #tpu.memory_space<vmem>>) offsets(%dma_start3A_555 : memref<128xi32, #tpu.memory_space<vmem>>) semaphore(%arg9 : memref<!tpu.dma_semaphore, #tpu.memory_space<semaphore_mem>>)
    %add3A_559 = arith.constant 2560 : i32
    %add3A_560 = arith.addi %mul3A_2, %add3A_559 : i32
    "tpu.region"() ({
      %run_scoped3A = tpu.sem_alloc : memref<!tpu.dma_semaphore, #tpu.memory_space<semaphore_mem>>
      %dma_start3A_1021 = arith.constant 0 : i32
      %dma_start3A_1022 = tpu.memref_slice %arg4[%add3A_560, %dma_start3A_1021] : memref<204800x64xf32, #tpu.memory_space<hbm>> -> memref<640x64xf32, #tpu.memory_space<hbm>>
      %dma_start3A_1023 = arith.constant 0 : i32
      %dma_start3A_1024 = tpu.memref_slice %arg4[%add3A_560, %dma_start3A_1023] : memref<204800x64xf32, #tpu.memory_space<hbm>> -> memref<640x64xf32, #tpu.memory_space<hbm>>
      tpu.enqueue_dma source(%arg6 : memref<640x64xf32, #tpu.memory_space<vmem>>) target(%dma_start3A_1024 : memref<640x64xf32, #tpu.memory_space<hbm>>) target_semaphore(%run_scoped3A : memref<!tpu.dma_semaphore, #tpu.memory_space<semaphore_mem>>)
      %dma_wait3A_1025 = arith.constant 0 : i32
      %dma_wait3A_1026 = tpu.memref_slice %arg4[%add3A_560, %dma_wait3A_1025] : memref<204800x64xf32, #tpu.memory_space<hbm>> -> memref<640x64xf32, #tpu.memory_space<hbm>>
      %dma_wait3A_1027 = arith.constant 0 : i32
      %dma_wait3A_1028 = tpu.memref_slice %arg4[%add3A_560, %dma_wait3A_1027] : memref<204800x64xf32, #tpu.memory_space<hbm>> -> memref<640x64xf32, #tpu.memory_space<hbm>>
      tpu.wait_dma2 semaphore(%run_scoped3A : memref<!tpu.dma_semaphore, #tpu.memory_space<semaphore_mem>>) src(%arg6 : memref<640x64xf32, #tpu.memory_space<vmem>>) dst(%dma_wait3A_1028 : memref<640x64xf32, #tpu.memory_space<hbm>>)
      tpu.yield
    }) : () -> ()
    %dma_wait3A_561 = arith.constant 25 : i32
    %dma_wait3A_562 = arith.constant 0 : i32
    %dma_wait3A_563 = arith.constant 0 : i32
    %dma_wait3A_564 = tpu.memref_slice %arg7[%dma_wait3A_562, %dma_wait3A_563] : memref<640x64xf32, #tpu.memory_space<vmem>> -> memref<128x64xf32, #tpu.memory_space<vmem>>
    %dma_wait3A_565 = arith.constant 0 : i32
    %dma_wait3A_566 = tpu.memref_slice %arg5[%dma_wait3A_561, %dma_wait3A_565] : memref<50x128xi32, #tpu.memory_space<vmem>> -> memref<1x128xi32, #tpu.memory_space<vmem>>
    %dma_wait3A_567 = tpu.memref_squeeze %dma_wait3A_566 : memref<1x128xi32, #tpu.memory_space<vmem>> -> memref<128xi32, #tpu.memory_space<vmem>>
    %dma_wait3A_568 = arith.constant 0 : i32
    %dma_wait3A_569 = arith.constant 0 : i32
    %dma_wait3A_570 = tpu.memref_slice %arg2[%dma_wait3A_568, %dma_wait3A_569] : memref<200000x64xf32, #tpu.memory_space<hbm>> -> memref<200000x64xf32, #tpu.memory_space<hbm>>
    tpu.wait_indirect_dma semaphore(%arg9 : memref<!tpu.dma_semaphore, #tpu.memory_space<semaphore_mem>>) src(%dma_wait3A_570 : memref<200000x64xf32, #tpu.memory_space<hbm>>) dst(%dma_wait3A_564 : memref<128x64xf32, #tpu.memory_space<vmem>>)
    %dma_wait3A_571 = arith.constant 26 : i32
    %dma_wait3A_572 = arith.constant 128 : i32
    %dma_wait3A_573 = arith.constant 0 : i32
    %dma_wait3A_574 = tpu.memref_slice %arg7[%dma_wait3A_572, %dma_wait3A_573] : memref<640x64xf32, #tpu.memory_space<vmem>> -> memref<128x64xf32, #tpu.memory_space<vmem>>
    %dma_wait3A_575 = arith.constant 0 : i32
    %dma_wait3A_576 = tpu.memref_slice %arg5[%dma_wait3A_571, %dma_wait3A_575] : memref<50x128xi32, #tpu.memory_space<vmem>> -> memref<1x128xi32, #tpu.memory_space<vmem>>
    %dma_wait3A_577 = tpu.memref_squeeze %dma_wait3A_576 : memref<1x128xi32, #tpu.memory_space<vmem>> -> memref<128xi32, #tpu.memory_space<vmem>>
    %dma_wait3A_578 = arith.constant 0 : i32
    %dma_wait3A_579 = arith.constant 0 : i32
    %dma_wait3A_580 = tpu.memref_slice %arg2[%dma_wait3A_578, %dma_wait3A_579] : memref<200000x64xf32, #tpu.memory_space<hbm>> -> memref<200000x64xf32, #tpu.memory_space<hbm>>
    tpu.wait_indirect_dma semaphore(%arg9 : memref<!tpu.dma_semaphore, #tpu.memory_space<semaphore_mem>>) src(%dma_wait3A_580 : memref<200000x64xf32, #tpu.memory_space<hbm>>) dst(%dma_wait3A_574 : memref<128x64xf32, #tpu.memory_space<vmem>>)
    %dma_wait3A_581 = arith.constant 27 : i32
    %dma_wait3A_582 = arith.constant 256 : i32
    %dma_wait3A_583 = arith.constant 0 : i32
    %dma_wait3A_584 = tpu.memref_slice %arg7[%dma_wait3A_582, %dma_wait3A_583] : memref<640x64xf32, #tpu.memory_space<vmem>> -> memref<128x64xf32, #tpu.memory_space<vmem>>
    %dma_wait3A_585 = arith.constant 0 : i32
    %dma_wait3A_586 = tpu.memref_slice %arg5[%dma_wait3A_581, %dma_wait3A_585] : memref<50x128xi32, #tpu.memory_space<vmem>> -> memref<1x128xi32, #tpu.memory_space<vmem>>
    %dma_wait3A_587 = tpu.memref_squeeze %dma_wait3A_586 : memref<1x128xi32, #tpu.memory_space<vmem>> -> memref<128xi32, #tpu.memory_space<vmem>>
    %dma_wait3A_588 = arith.constant 0 : i32
    %dma_wait3A_589 = arith.constant 0 : i32
    %dma_wait3A_590 = tpu.memref_slice %arg2[%dma_wait3A_588, %dma_wait3A_589] : memref<200000x64xf32, #tpu.memory_space<hbm>> -> memref<200000x64xf32, #tpu.memory_space<hbm>>
    tpu.wait_indirect_dma semaphore(%arg9 : memref<!tpu.dma_semaphore, #tpu.memory_space<semaphore_mem>>) src(%dma_wait3A_590 : memref<200000x64xf32, #tpu.memory_space<hbm>>) dst(%dma_wait3A_584 : memref<128x64xf32, #tpu.memory_space<vmem>>)
    %dma_wait3A_591 = arith.constant 28 : i32
    %dma_wait3A_592 = arith.constant 384 : i32
    %dma_wait3A_593 = arith.constant 0 : i32
    %dma_wait3A_594 = tpu.memref_slice %arg7[%dma_wait3A_592, %dma_wait3A_593] : memref<640x64xf32, #tpu.memory_space<vmem>> -> memref<128x64xf32, #tpu.memory_space<vmem>>
    %dma_wait3A_595 = arith.constant 0 : i32
    %dma_wait3A_596 = tpu.memref_slice %arg5[%dma_wait3A_591, %dma_wait3A_595] : memref<50x128xi32, #tpu.memory_space<vmem>> -> memref<1x128xi32, #tpu.memory_space<vmem>>
    %dma_wait3A_597 = tpu.memref_squeeze %dma_wait3A_596 : memref<1x128xi32, #tpu.memory_space<vmem>> -> memref<128xi32, #tpu.memory_space<vmem>>
    %dma_wait3A_598 = arith.constant 0 : i32
    %dma_wait3A_599 = arith.constant 0 : i32
    %dma_wait3A_600 = tpu.memref_slice %arg2[%dma_wait3A_598, %dma_wait3A_599] : memref<200000x64xf32, #tpu.memory_space<hbm>> -> memref<200000x64xf32, #tpu.memory_space<hbm>>
    tpu.wait_indirect_dma semaphore(%arg9 : memref<!tpu.dma_semaphore, #tpu.memory_space<semaphore_mem>>) src(%dma_wait3A_600 : memref<200000x64xf32, #tpu.memory_space<hbm>>) dst(%dma_wait3A_594 : memref<128x64xf32, #tpu.memory_space<vmem>>)
    %dma_wait3A_601 = arith.constant 29 : i32
    %dma_wait3A_602 = arith.constant 512 : i32
    %dma_wait3A_603 = arith.constant 0 : i32
    %dma_wait3A_604 = tpu.memref_slice %arg7[%dma_wait3A_602, %dma_wait3A_603] : memref<640x64xf32, #tpu.memory_space<vmem>> -> memref<128x64xf32, #tpu.memory_space<vmem>>
    %dma_wait3A_605 = arith.constant 0 : i32
    %dma_wait3A_606 = tpu.memref_slice %arg5[%dma_wait3A_601, %dma_wait3A_605] : memref<50x128xi32, #tpu.memory_space<vmem>> -> memref<1x128xi32, #tpu.memory_space<vmem>>
    %dma_wait3A_607 = tpu.memref_squeeze %dma_wait3A_606 : memref<1x128xi32, #tpu.memory_space<vmem>> -> memref<128xi32, #tpu.memory_space<vmem>>
    %dma_wait3A_608 = arith.constant 0 : i32
    %dma_wait3A_609 = arith.constant 0 : i32
    %dma_wait3A_610 = tpu.memref_slice %arg2[%dma_wait3A_608, %dma_wait3A_609] : memref<200000x64xf32, #tpu.memory_space<hbm>> -> memref<200000x64xf32, #tpu.memory_space<hbm>>
    tpu.wait_indirect_dma semaphore(%arg9 : memref<!tpu.dma_semaphore, #tpu.memory_space<semaphore_mem>>) src(%dma_wait3A_610 : memref<200000x64xf32, #tpu.memory_space<hbm>>) dst(%dma_wait3A_604 : memref<128x64xf32, #tpu.memory_space<vmem>>)
    %dma_start3A_611 = arith.constant 30 : i32
    %dma_start3A_612 = arith.constant 0 : i32
    %dma_start3A_613 = arith.constant 0 : i32
    %dma_start3A_614 = tpu.memref_slice %arg6[%dma_start3A_612, %dma_start3A_613] : memref<640x64xf32, #tpu.memory_space<vmem>> -> memref<128x64xf32, #tpu.memory_space<vmem>>
    %dma_start3A_615 = arith.constant 0 : i32
    %dma_start3A_616 = tpu.memref_slice %arg5[%dma_start3A_611, %dma_start3A_615] : memref<50x128xi32, #tpu.memory_space<vmem>> -> memref<1x128xi32, #tpu.memory_space<vmem>>
    %dma_start3A_617 = tpu.memref_squeeze %dma_start3A_616 : memref<1x128xi32, #tpu.memory_space<vmem>> -> memref<128xi32, #tpu.memory_space<vmem>>
    %dma_start3A_618 = arith.constant 0 : i32
    %dma_start3A_619 = arith.constant 0 : i32
    %dma_start3A_620 = tpu.memref_slice %arg2[%dma_start3A_618, %dma_start3A_619] : memref<200000x64xf32, #tpu.memory_space<hbm>> -> memref<200000x64xf32, #tpu.memory_space<hbm>>
    tpu.enqueue_indirect_dma source(%dma_start3A_620 : memref<200000x64xf32, #tpu.memory_space<hbm>>) target(%dma_start3A_614 : memref<128x64xf32, #tpu.memory_space<vmem>>) offsets(%dma_start3A_617 : memref<128xi32, #tpu.memory_space<vmem>>) semaphore(%arg8 : memref<!tpu.dma_semaphore, #tpu.memory_space<semaphore_mem>>)
    %dma_start3A_621 = arith.constant 31 : i32
    %dma_start3A_622 = arith.constant 128 : i32
    %dma_start3A_623 = arith.constant 0 : i32
    %dma_start3A_624 = tpu.memref_slice %arg6[%dma_start3A_622, %dma_start3A_623] : memref<640x64xf32, #tpu.memory_space<vmem>> -> memref<128x64xf32, #tpu.memory_space<vmem>>
    %dma_start3A_625 = arith.constant 0 : i32
    %dma_start3A_626 = tpu.memref_slice %arg5[%dma_start3A_621, %dma_start3A_625] : memref<50x128xi32, #tpu.memory_space<vmem>> -> memref<1x128xi32, #tpu.memory_space<vmem>>
    %dma_start3A_627 = tpu.memref_squeeze %dma_start3A_626 : memref<1x128xi32, #tpu.memory_space<vmem>> -> memref<128xi32, #tpu.memory_space<vmem>>
    %dma_start3A_628 = arith.constant 0 : i32
    %dma_start3A_629 = arith.constant 0 : i32
    %dma_start3A_630 = tpu.memref_slice %arg2[%dma_start3A_628, %dma_start3A_629] : memref<200000x64xf32, #tpu.memory_space<hbm>> -> memref<200000x64xf32, #tpu.memory_space<hbm>>
    tpu.enqueue_indirect_dma source(%dma_start3A_630 : memref<200000x64xf32, #tpu.memory_space<hbm>>) target(%dma_start3A_624 : memref<128x64xf32, #tpu.memory_space<vmem>>) offsets(%dma_start3A_627 : memref<128xi32, #tpu.memory_space<vmem>>) semaphore(%arg8 : memref<!tpu.dma_semaphore, #tpu.memory_space<semaphore_mem>>)
    %dma_start3A_631 = arith.constant 32 : i32
    %dma_start3A_632 = arith.constant 256 : i32
    %dma_start3A_633 = arith.constant 0 : i32
    %dma_start3A_634 = tpu.memref_slice %arg6[%dma_start3A_632, %dma_start3A_633] : memref<640x64xf32, #tpu.memory_space<vmem>> -> memref<128x64xf32, #tpu.memory_space<vmem>>
    %dma_start3A_635 = arith.constant 0 : i32
    %dma_start3A_636 = tpu.memref_slice %arg5[%dma_start3A_631, %dma_start3A_635] : memref<50x128xi32, #tpu.memory_space<vmem>> -> memref<1x128xi32, #tpu.memory_space<vmem>>
    %dma_start3A_637 = tpu.memref_squeeze %dma_start3A_636 : memref<1x128xi32, #tpu.memory_space<vmem>> -> memref<128xi32, #tpu.memory_space<vmem>>
    %dma_start3A_638 = arith.constant 0 : i32
    %dma_start3A_639 = arith.constant 0 : i32
    %dma_start3A_640 = tpu.memref_slice %arg2[%dma_start3A_638, %dma_start3A_639] : memref<200000x64xf32, #tpu.memory_space<hbm>> -> memref<200000x64xf32, #tpu.memory_space<hbm>>
    tpu.enqueue_indirect_dma source(%dma_start3A_640 : memref<200000x64xf32, #tpu.memory_space<hbm>>) target(%dma_start3A_634 : memref<128x64xf32, #tpu.memory_space<vmem>>) offsets(%dma_start3A_637 : memref<128xi32, #tpu.memory_space<vmem>>) semaphore(%arg8 : memref<!tpu.dma_semaphore, #tpu.memory_space<semaphore_mem>>)
    %dma_start3A_641 = arith.constant 33 : i32
    %dma_start3A_642 = arith.constant 384 : i32
    %dma_start3A_643 = arith.constant 0 : i32
    %dma_start3A_644 = tpu.memref_slice %arg6[%dma_start3A_642, %dma_start3A_643] : memref<640x64xf32, #tpu.memory_space<vmem>> -> memref<128x64xf32, #tpu.memory_space<vmem>>
    %dma_start3A_645 = arith.constant 0 : i32
    %dma_start3A_646 = tpu.memref_slice %arg5[%dma_start3A_641, %dma_start3A_645] : memref<50x128xi32, #tpu.memory_space<vmem>> -> memref<1x128xi32, #tpu.memory_space<vmem>>
    %dma_start3A_647 = tpu.memref_squeeze %dma_start3A_646 : memref<1x128xi32, #tpu.memory_space<vmem>> -> memref<128xi32, #tpu.memory_space<vmem>>
    %dma_start3A_648 = arith.constant 0 : i32
    %dma_start3A_649 = arith.constant 0 : i32
    %dma_start3A_650 = tpu.memref_slice %arg2[%dma_start3A_648, %dma_start3A_649] : memref<200000x64xf32, #tpu.memory_space<hbm>> -> memref<200000x64xf32, #tpu.memory_space<hbm>>
    tpu.enqueue_indirect_dma source(%dma_start3A_650 : memref<200000x64xf32, #tpu.memory_space<hbm>>) target(%dma_start3A_644 : memref<128x64xf32, #tpu.memory_space<vmem>>) offsets(%dma_start3A_647 : memref<128xi32, #tpu.memory_space<vmem>>) semaphore(%arg8 : memref<!tpu.dma_semaphore, #tpu.memory_space<semaphore_mem>>)
    %dma_start3A_651 = arith.constant 34 : i32
    %dma_start3A_652 = arith.constant 512 : i32
    %dma_start3A_653 = arith.constant 0 : i32
    %dma_start3A_654 = tpu.memref_slice %arg6[%dma_start3A_652, %dma_start3A_653] : memref<640x64xf32, #tpu.memory_space<vmem>> -> memref<128x64xf32, #tpu.memory_space<vmem>>
    %dma_start3A_655 = arith.constant 0 : i32
    %dma_start3A_656 = tpu.memref_slice %arg5[%dma_start3A_651, %dma_start3A_655] : memref<50x128xi32, #tpu.memory_space<vmem>> -> memref<1x128xi32, #tpu.memory_space<vmem>>
    %dma_start3A_657 = tpu.memref_squeeze %dma_start3A_656 : memref<1x128xi32, #tpu.memory_space<vmem>> -> memref<128xi32, #tpu.memory_space<vmem>>
    %dma_start3A_658 = arith.constant 0 : i32
    %dma_start3A_659 = arith.constant 0 : i32
    %dma_start3A_660 = tpu.memref_slice %arg2[%dma_start3A_658, %dma_start3A_659] : memref<200000x64xf32, #tpu.memory_space<hbm>> -> memref<200000x64xf32, #tpu.memory_space<hbm>>
    tpu.enqueue_indirect_dma source(%dma_start3A_660 : memref<200000x64xf32, #tpu.memory_space<hbm>>) target(%dma_start3A_654 : memref<128x64xf32, #tpu.memory_space<vmem>>) offsets(%dma_start3A_657 : memref<128xi32, #tpu.memory_space<vmem>>) semaphore(%arg8 : memref<!tpu.dma_semaphore, #tpu.memory_space<semaphore_mem>>)
    %add3A_661 = arith.constant 3200 : i32
    %add3A_662 = arith.addi %mul3A_2, %add3A_661 : i32
    "tpu.region"() ({
      %run_scoped3A = tpu.sem_alloc : memref<!tpu.dma_semaphore, #tpu.memory_space<semaphore_mem>>
      %dma_start3A_1021 = arith.constant 0 : i32
      %dma_start3A_1022 = tpu.memref_slice %arg4[%add3A_662, %dma_start3A_1021] : memref<204800x64xf32, #tpu.memory_space<hbm>> -> memref<640x64xf32, #tpu.memory_space<hbm>>
      %dma_start3A_1023 = arith.constant 0 : i32
      %dma_start3A_1024 = tpu.memref_slice %arg4[%add3A_662, %dma_start3A_1023] : memref<204800x64xf32, #tpu.memory_space<hbm>> -> memref<640x64xf32, #tpu.memory_space<hbm>>
      tpu.enqueue_dma source(%arg7 : memref<640x64xf32, #tpu.memory_space<vmem>>) target(%dma_start3A_1024 : memref<640x64xf32, #tpu.memory_space<hbm>>) target_semaphore(%run_scoped3A : memref<!tpu.dma_semaphore, #tpu.memory_space<semaphore_mem>>)
      %dma_wait3A_1025 = arith.constant 0 : i32
      %dma_wait3A_1026 = tpu.memref_slice %arg4[%add3A_662, %dma_wait3A_1025] : memref<204800x64xf32, #tpu.memory_space<hbm>> -> memref<640x64xf32, #tpu.memory_space<hbm>>
      %dma_wait3A_1027 = arith.constant 0 : i32
      %dma_wait3A_1028 = tpu.memref_slice %arg4[%add3A_662, %dma_wait3A_1027] : memref<204800x64xf32, #tpu.memory_space<hbm>> -> memref<640x64xf32, #tpu.memory_space<hbm>>
      tpu.wait_dma2 semaphore(%run_scoped3A : memref<!tpu.dma_semaphore, #tpu.memory_space<semaphore_mem>>) src(%arg7 : memref<640x64xf32, #tpu.memory_space<vmem>>) dst(%dma_wait3A_1028 : memref<640x64xf32, #tpu.memory_space<hbm>>)
      tpu.yield
    }) : () -> ()
    %dma_wait3A_663 = arith.constant 30 : i32
    %dma_wait3A_664 = arith.constant 0 : i32
    %dma_wait3A_665 = arith.constant 0 : i32
    %dma_wait3A_666 = tpu.memref_slice %arg6[%dma_wait3A_664, %dma_wait3A_665] : memref<640x64xf32, #tpu.memory_space<vmem>> -> memref<128x64xf32, #tpu.memory_space<vmem>>
    %dma_wait3A_667 = arith.constant 0 : i32
    %dma_wait3A_668 = tpu.memref_slice %arg5[%dma_wait3A_663, %dma_wait3A_667] : memref<50x128xi32, #tpu.memory_space<vmem>> -> memref<1x128xi32, #tpu.memory_space<vmem>>
    %dma_wait3A_669 = tpu.memref_squeeze %dma_wait3A_668 : memref<1x128xi32, #tpu.memory_space<vmem>> -> memref<128xi32, #tpu.memory_space<vmem>>
    %dma_wait3A_670 = arith.constant 0 : i32
    %dma_wait3A_671 = arith.constant 0 : i32
    %dma_wait3A_672 = tpu.memref_slice %arg2[%dma_wait3A_670, %dma_wait3A_671] : memref<200000x64xf32, #tpu.memory_space<hbm>> -> memref<200000x64xf32, #tpu.memory_space<hbm>>
    tpu.wait_indirect_dma semaphore(%arg8 : memref<!tpu.dma_semaphore, #tpu.memory_space<semaphore_mem>>) src(%dma_wait3A_672 : memref<200000x64xf32, #tpu.memory_space<hbm>>) dst(%dma_wait3A_666 : memref<128x64xf32, #tpu.memory_space<vmem>>)
    %dma_wait3A_673 = arith.constant 31 : i32
    %dma_wait3A_674 = arith.constant 128 : i32
    %dma_wait3A_675 = arith.constant 0 : i32
    %dma_wait3A_676 = tpu.memref_slice %arg6[%dma_wait3A_674, %dma_wait3A_675] : memref<640x64xf32, #tpu.memory_space<vmem>> -> memref<128x64xf32, #tpu.memory_space<vmem>>
    %dma_wait3A_677 = arith.constant 0 : i32
    %dma_wait3A_678 = tpu.memref_slice %arg5[%dma_wait3A_673, %dma_wait3A_677] : memref<50x128xi32, #tpu.memory_space<vmem>> -> memref<1x128xi32, #tpu.memory_space<vmem>>
    %dma_wait3A_679 = tpu.memref_squeeze %dma_wait3A_678 : memref<1x128xi32, #tpu.memory_space<vmem>> -> memref<128xi32, #tpu.memory_space<vmem>>
    %dma_wait3A_680 = arith.constant 0 : i32
    %dma_wait3A_681 = arith.constant 0 : i32
    %dma_wait3A_682 = tpu.memref_slice %arg2[%dma_wait3A_680, %dma_wait3A_681] : memref<200000x64xf32, #tpu.memory_space<hbm>> -> memref<200000x64xf32, #tpu.memory_space<hbm>>
    tpu.wait_indirect_dma semaphore(%arg8 : memref<!tpu.dma_semaphore, #tpu.memory_space<semaphore_mem>>) src(%dma_wait3A_682 : memref<200000x64xf32, #tpu.memory_space<hbm>>) dst(%dma_wait3A_676 : memref<128x64xf32, #tpu.memory_space<vmem>>)
    %dma_wait3A_683 = arith.constant 32 : i32
    %dma_wait3A_684 = arith.constant 256 : i32
    %dma_wait3A_685 = arith.constant 0 : i32
    %dma_wait3A_686 = tpu.memref_slice %arg6[%dma_wait3A_684, %dma_wait3A_685] : memref<640x64xf32, #tpu.memory_space<vmem>> -> memref<128x64xf32, #tpu.memory_space<vmem>>
    %dma_wait3A_687 = arith.constant 0 : i32
    %dma_wait3A_688 = tpu.memref_slice %arg5[%dma_wait3A_683, %dma_wait3A_687] : memref<50x128xi32, #tpu.memory_space<vmem>> -> memref<1x128xi32, #tpu.memory_space<vmem>>
    %dma_wait3A_689 = tpu.memref_squeeze %dma_wait3A_688 : memref<1x128xi32, #tpu.memory_space<vmem>> -> memref<128xi32, #tpu.memory_space<vmem>>
    %dma_wait3A_690 = arith.constant 0 : i32
    %dma_wait3A_691 = arith.constant 0 : i32
    %dma_wait3A_692 = tpu.memref_slice %arg2[%dma_wait3A_690, %dma_wait3A_691] : memref<200000x64xf32, #tpu.memory_space<hbm>> -> memref<200000x64xf32, #tpu.memory_space<hbm>>
    tpu.wait_indirect_dma semaphore(%arg8 : memref<!tpu.dma_semaphore, #tpu.memory_space<semaphore_mem>>) src(%dma_wait3A_692 : memref<200000x64xf32, #tpu.memory_space<hbm>>) dst(%dma_wait3A_686 : memref<128x64xf32, #tpu.memory_space<vmem>>)
    %dma_wait3A_693 = arith.constant 33 : i32
    %dma_wait3A_694 = arith.constant 384 : i32
    %dma_wait3A_695 = arith.constant 0 : i32
    %dma_wait3A_696 = tpu.memref_slice %arg6[%dma_wait3A_694, %dma_wait3A_695] : memref<640x64xf32, #tpu.memory_space<vmem>> -> memref<128x64xf32, #tpu.memory_space<vmem>>
    %dma_wait3A_697 = arith.constant 0 : i32
    %dma_wait3A_698 = tpu.memref_slice %arg5[%dma_wait3A_693, %dma_wait3A_697] : memref<50x128xi32, #tpu.memory_space<vmem>> -> memref<1x128xi32, #tpu.memory_space<vmem>>
    %dma_wait3A_699 = tpu.memref_squeeze %dma_wait3A_698 : memref<1x128xi32, #tpu.memory_space<vmem>> -> memref<128xi32, #tpu.memory_space<vmem>>
    %dma_wait3A_700 = arith.constant 0 : i32
    %dma_wait3A_701 = arith.constant 0 : i32
    %dma_wait3A_702 = tpu.memref_slice %arg2[%dma_wait3A_700, %dma_wait3A_701] : memref<200000x64xf32, #tpu.memory_space<hbm>> -> memref<200000x64xf32, #tpu.memory_space<hbm>>
    tpu.wait_indirect_dma semaphore(%arg8 : memref<!tpu.dma_semaphore, #tpu.memory_space<semaphore_mem>>) src(%dma_wait3A_702 : memref<200000x64xf32, #tpu.memory_space<hbm>>) dst(%dma_wait3A_696 : memref<128x64xf32, #tpu.memory_space<vmem>>)
    %dma_wait3A_703 = arith.constant 34 : i32
    %dma_wait3A_704 = arith.constant 512 : i32
    %dma_wait3A_705 = arith.constant 0 : i32
    %dma_wait3A_706 = tpu.memref_slice %arg6[%dma_wait3A_704, %dma_wait3A_705] : memref<640x64xf32, #tpu.memory_space<vmem>> -> memref<128x64xf32, #tpu.memory_space<vmem>>
    %dma_wait3A_707 = arith.constant 0 : i32
    %dma_wait3A_708 = tpu.memref_slice %arg5[%dma_wait3A_703, %dma_wait3A_707] : memref<50x128xi32, #tpu.memory_space<vmem>> -> memref<1x128xi32, #tpu.memory_space<vmem>>
    %dma_wait3A_709 = tpu.memref_squeeze %dma_wait3A_708 : memref<1x128xi32, #tpu.memory_space<vmem>> -> memref<128xi32, #tpu.memory_space<vmem>>
    %dma_wait3A_710 = arith.constant 0 : i32
    %dma_wait3A_711 = arith.constant 0 : i32
    %dma_wait3A_712 = tpu.memref_slice %arg2[%dma_wait3A_710, %dma_wait3A_711] : memref<200000x64xf32, #tpu.memory_space<hbm>> -> memref<200000x64xf32, #tpu.memory_space<hbm>>
    tpu.wait_indirect_dma semaphore(%arg8 : memref<!tpu.dma_semaphore, #tpu.memory_space<semaphore_mem>>) src(%dma_wait3A_712 : memref<200000x64xf32, #tpu.memory_space<hbm>>) dst(%dma_wait3A_706 : memref<128x64xf32, #tpu.memory_space<vmem>>)
    %dma_start3A_713 = arith.constant 35 : i32
    %dma_start3A_714 = arith.constant 0 : i32
    %dma_start3A_715 = arith.constant 0 : i32
    %dma_start3A_716 = tpu.memref_slice %arg7[%dma_start3A_714, %dma_start3A_715] : memref<640x64xf32, #tpu.memory_space<vmem>> -> memref<128x64xf32, #tpu.memory_space<vmem>>
    %dma_start3A_717 = arith.constant 0 : i32
    %dma_start3A_718 = tpu.memref_slice %arg5[%dma_start3A_713, %dma_start3A_717] : memref<50x128xi32, #tpu.memory_space<vmem>> -> memref<1x128xi32, #tpu.memory_space<vmem>>
    %dma_start3A_719 = tpu.memref_squeeze %dma_start3A_718 : memref<1x128xi32, #tpu.memory_space<vmem>> -> memref<128xi32, #tpu.memory_space<vmem>>
    %dma_start3A_720 = arith.constant 0 : i32
    %dma_start3A_721 = arith.constant 0 : i32
    %dma_start3A_722 = tpu.memref_slice %arg2[%dma_start3A_720, %dma_start3A_721] : memref<200000x64xf32, #tpu.memory_space<hbm>> -> memref<200000x64xf32, #tpu.memory_space<hbm>>
    tpu.enqueue_indirect_dma source(%dma_start3A_722 : memref<200000x64xf32, #tpu.memory_space<hbm>>) target(%dma_start3A_716 : memref<128x64xf32, #tpu.memory_space<vmem>>) offsets(%dma_start3A_719 : memref<128xi32, #tpu.memory_space<vmem>>) semaphore(%arg9 : memref<!tpu.dma_semaphore, #tpu.memory_space<semaphore_mem>>)
    %dma_start3A_723 = arith.constant 36 : i32
    %dma_start3A_724 = arith.constant 128 : i32
    %dma_start3A_725 = arith.constant 0 : i32
    %dma_start3A_726 = tpu.memref_slice %arg7[%dma_start3A_724, %dma_start3A_725] : memref<640x64xf32, #tpu.memory_space<vmem>> -> memref<128x64xf32, #tpu.memory_space<vmem>>
    %dma_start3A_727 = arith.constant 0 : i32
    %dma_start3A_728 = tpu.memref_slice %arg5[%dma_start3A_723, %dma_start3A_727] : memref<50x128xi32, #tpu.memory_space<vmem>> -> memref<1x128xi32, #tpu.memory_space<vmem>>
    %dma_start3A_729 = tpu.memref_squeeze %dma_start3A_728 : memref<1x128xi32, #tpu.memory_space<vmem>> -> memref<128xi32, #tpu.memory_space<vmem>>
    %dma_start3A_730 = arith.constant 0 : i32
    %dma_start3A_731 = arith.constant 0 : i32
    %dma_start3A_732 = tpu.memref_slice %arg2[%dma_start3A_730, %dma_start3A_731] : memref<200000x64xf32, #tpu.memory_space<hbm>> -> memref<200000x64xf32, #tpu.memory_space<hbm>>
    tpu.enqueue_indirect_dma source(%dma_start3A_732 : memref<200000x64xf32, #tpu.memory_space<hbm>>) target(%dma_start3A_726 : memref<128x64xf32, #tpu.memory_space<vmem>>) offsets(%dma_start3A_729 : memref<128xi32, #tpu.memory_space<vmem>>) semaphore(%arg9 : memref<!tpu.dma_semaphore, #tpu.memory_space<semaphore_mem>>)
    %dma_start3A_733 = arith.constant 37 : i32
    %dma_start3A_734 = arith.constant 256 : i32
    %dma_start3A_735 = arith.constant 0 : i32
    %dma_start3A_736 = tpu.memref_slice %arg7[%dma_start3A_734, %dma_start3A_735] : memref<640x64xf32, #tpu.memory_space<vmem>> -> memref<128x64xf32, #tpu.memory_space<vmem>>
    %dma_start3A_737 = arith.constant 0 : i32
    %dma_start3A_738 = tpu.memref_slice %arg5[%dma_start3A_733, %dma_start3A_737] : memref<50x128xi32, #tpu.memory_space<vmem>> -> memref<1x128xi32, #tpu.memory_space<vmem>>
    %dma_start3A_739 = tpu.memref_squeeze %dma_start3A_738 : memref<1x128xi32, #tpu.memory_space<vmem>> -> memref<128xi32, #tpu.memory_space<vmem>>
    %dma_start3A_740 = arith.constant 0 : i32
    %dma_start3A_741 = arith.constant 0 : i32
    %dma_start3A_742 = tpu.memref_slice %arg2[%dma_start3A_740, %dma_start3A_741] : memref<200000x64xf32, #tpu.memory_space<hbm>> -> memref<200000x64xf32, #tpu.memory_space<hbm>>
    tpu.enqueue_indirect_dma source(%dma_start3A_742 : memref<200000x64xf32, #tpu.memory_space<hbm>>) target(%dma_start3A_736 : memref<128x64xf32, #tpu.memory_space<vmem>>) offsets(%dma_start3A_739 : memref<128xi32, #tpu.memory_space<vmem>>) semaphore(%arg9 : memref<!tpu.dma_semaphore, #tpu.memory_space<semaphore_mem>>)
    %dma_start3A_743 = arith.constant 38 : i32
    %dma_start3A_744 = arith.constant 384 : i32
    %dma_start3A_745 = arith.constant 0 : i32
    %dma_start3A_746 = tpu.memref_slice %arg7[%dma_start3A_744, %dma_start3A_745] : memref<640x64xf32, #tpu.memory_space<vmem>> -> memref<128x64xf32, #tpu.memory_space<vmem>>
    %dma_start3A_747 = arith.constant 0 : i32
    %dma_start3A_748 = tpu.memref_slice %arg5[%dma_start3A_743, %dma_start3A_747] : memref<50x128xi32, #tpu.memory_space<vmem>> -> memref<1x128xi32, #tpu.memory_space<vmem>>
    %dma_start3A_749 = tpu.memref_squeeze %dma_start3A_748 : memref<1x128xi32, #tpu.memory_space<vmem>> -> memref<128xi32, #tpu.memory_space<vmem>>
    %dma_start3A_750 = arith.constant 0 : i32
    %dma_start3A_751 = arith.constant 0 : i32
    %dma_start3A_752 = tpu.memref_slice %arg2[%dma_start3A_750, %dma_start3A_751] : memref<200000x64xf32, #tpu.memory_space<hbm>> -> memref<200000x64xf32, #tpu.memory_space<hbm>>
    tpu.enqueue_indirect_dma source(%dma_start3A_752 : memref<200000x64xf32, #tpu.memory_space<hbm>>) target(%dma_start3A_746 : memref<128x64xf32, #tpu.memory_space<vmem>>) offsets(%dma_start3A_749 : memref<128xi32, #tpu.memory_space<vmem>>) semaphore(%arg9 : memref<!tpu.dma_semaphore, #tpu.memory_space<semaphore_mem>>)
    %dma_start3A_753 = arith.constant 39 : i32
    %dma_start3A_754 = arith.constant 512 : i32
    %dma_start3A_755 = arith.constant 0 : i32
    %dma_start3A_756 = tpu.memref_slice %arg7[%dma_start3A_754, %dma_start3A_755] : memref<640x64xf32, #tpu.memory_space<vmem>> -> memref<128x64xf32, #tpu.memory_space<vmem>>
    %dma_start3A_757 = arith.constant 0 : i32
    %dma_start3A_758 = tpu.memref_slice %arg5[%dma_start3A_753, %dma_start3A_757] : memref<50x128xi32, #tpu.memory_space<vmem>> -> memref<1x128xi32, #tpu.memory_space<vmem>>
    %dma_start3A_759 = tpu.memref_squeeze %dma_start3A_758 : memref<1x128xi32, #tpu.memory_space<vmem>> -> memref<128xi32, #tpu.memory_space<vmem>>
    %dma_start3A_760 = arith.constant 0 : i32
    %dma_start3A_761 = arith.constant 0 : i32
    %dma_start3A_762 = tpu.memref_slice %arg2[%dma_start3A_760, %dma_start3A_761] : memref<200000x64xf32, #tpu.memory_space<hbm>> -> memref<200000x64xf32, #tpu.memory_space<hbm>>
    tpu.enqueue_indirect_dma source(%dma_start3A_762 : memref<200000x64xf32, #tpu.memory_space<hbm>>) target(%dma_start3A_756 : memref<128x64xf32, #tpu.memory_space<vmem>>) offsets(%dma_start3A_759 : memref<128xi32, #tpu.memory_space<vmem>>) semaphore(%arg9 : memref<!tpu.dma_semaphore, #tpu.memory_space<semaphore_mem>>)
    %add3A_763 = arith.constant 3840 : i32
    %add3A_764 = arith.addi %mul3A_2, %add3A_763 : i32
    "tpu.region"() ({
      %run_scoped3A = tpu.sem_alloc : memref<!tpu.dma_semaphore, #tpu.memory_space<semaphore_mem>>
      %dma_start3A_1021 = arith.constant 0 : i32
      %dma_start3A_1022 = tpu.memref_slice %arg4[%add3A_764, %dma_start3A_1021] : memref<204800x64xf32, #tpu.memory_space<hbm>> -> memref<640x64xf32, #tpu.memory_space<hbm>>
      %dma_start3A_1023 = arith.constant 0 : i32
      %dma_start3A_1024 = tpu.memref_slice %arg4[%add3A_764, %dma_start3A_1023] : memref<204800x64xf32, #tpu.memory_space<hbm>> -> memref<640x64xf32, #tpu.memory_space<hbm>>
      tpu.enqueue_dma source(%arg6 : memref<640x64xf32, #tpu.memory_space<vmem>>) target(%dma_start3A_1024 : memref<640x64xf32, #tpu.memory_space<hbm>>) target_semaphore(%run_scoped3A : memref<!tpu.dma_semaphore, #tpu.memory_space<semaphore_mem>>)
      %dma_wait3A_1025 = arith.constant 0 : i32
      %dma_wait3A_1026 = tpu.memref_slice %arg4[%add3A_764, %dma_wait3A_1025] : memref<204800x64xf32, #tpu.memory_space<hbm>> -> memref<640x64xf32, #tpu.memory_space<hbm>>
      %dma_wait3A_1027 = arith.constant 0 : i32
      %dma_wait3A_1028 = tpu.memref_slice %arg4[%add3A_764, %dma_wait3A_1027] : memref<204800x64xf32, #tpu.memory_space<hbm>> -> memref<640x64xf32, #tpu.memory_space<hbm>>
      tpu.wait_dma2 semaphore(%run_scoped3A : memref<!tpu.dma_semaphore, #tpu.memory_space<semaphore_mem>>) src(%arg6 : memref<640x64xf32, #tpu.memory_space<vmem>>) dst(%dma_wait3A_1028 : memref<640x64xf32, #tpu.memory_space<hbm>>)
      tpu.yield
    }) : () -> ()
    %dma_wait3A_765 = arith.constant 35 : i32
    %dma_wait3A_766 = arith.constant 0 : i32
    %dma_wait3A_767 = arith.constant 0 : i32
    %dma_wait3A_768 = tpu.memref_slice %arg7[%dma_wait3A_766, %dma_wait3A_767] : memref<640x64xf32, #tpu.memory_space<vmem>> -> memref<128x64xf32, #tpu.memory_space<vmem>>
    %dma_wait3A_769 = arith.constant 0 : i32
    %dma_wait3A_770 = tpu.memref_slice %arg5[%dma_wait3A_765, %dma_wait3A_769] : memref<50x128xi32, #tpu.memory_space<vmem>> -> memref<1x128xi32, #tpu.memory_space<vmem>>
    %dma_wait3A_771 = tpu.memref_squeeze %dma_wait3A_770 : memref<1x128xi32, #tpu.memory_space<vmem>> -> memref<128xi32, #tpu.memory_space<vmem>>
    %dma_wait3A_772 = arith.constant 0 : i32
    %dma_wait3A_773 = arith.constant 0 : i32
    %dma_wait3A_774 = tpu.memref_slice %arg2[%dma_wait3A_772, %dma_wait3A_773] : memref<200000x64xf32, #tpu.memory_space<hbm>> -> memref<200000x64xf32, #tpu.memory_space<hbm>>
    tpu.wait_indirect_dma semaphore(%arg9 : memref<!tpu.dma_semaphore, #tpu.memory_space<semaphore_mem>>) src(%dma_wait3A_774 : memref<200000x64xf32, #tpu.memory_space<hbm>>) dst(%dma_wait3A_768 : memref<128x64xf32, #tpu.memory_space<vmem>>)
    %dma_wait3A_775 = arith.constant 36 : i32
    %dma_wait3A_776 = arith.constant 128 : i32
    %dma_wait3A_777 = arith.constant 0 : i32
    %dma_wait3A_778 = tpu.memref_slice %arg7[%dma_wait3A_776, %dma_wait3A_777] : memref<640x64xf32, #tpu.memory_space<vmem>> -> memref<128x64xf32, #tpu.memory_space<vmem>>
    %dma_wait3A_779 = arith.constant 0 : i32
    %dma_wait3A_780 = tpu.memref_slice %arg5[%dma_wait3A_775, %dma_wait3A_779] : memref<50x128xi32, #tpu.memory_space<vmem>> -> memref<1x128xi32, #tpu.memory_space<vmem>>
    %dma_wait3A_781 = tpu.memref_squeeze %dma_wait3A_780 : memref<1x128xi32, #tpu.memory_space<vmem>> -> memref<128xi32, #tpu.memory_space<vmem>>
    %dma_wait3A_782 = arith.constant 0 : i32
    %dma_wait3A_783 = arith.constant 0 : i32
    %dma_wait3A_784 = tpu.memref_slice %arg2[%dma_wait3A_782, %dma_wait3A_783] : memref<200000x64xf32, #tpu.memory_space<hbm>> -> memref<200000x64xf32, #tpu.memory_space<hbm>>
    tpu.wait_indirect_dma semaphore(%arg9 : memref<!tpu.dma_semaphore, #tpu.memory_space<semaphore_mem>>) src(%dma_wait3A_784 : memref<200000x64xf32, #tpu.memory_space<hbm>>) dst(%dma_wait3A_778 : memref<128x64xf32, #tpu.memory_space<vmem>>)
    %dma_wait3A_785 = arith.constant 37 : i32
    %dma_wait3A_786 = arith.constant 256 : i32
    %dma_wait3A_787 = arith.constant 0 : i32
    %dma_wait3A_788 = tpu.memref_slice %arg7[%dma_wait3A_786, %dma_wait3A_787] : memref<640x64xf32, #tpu.memory_space<vmem>> -> memref<128x64xf32, #tpu.memory_space<vmem>>
    %dma_wait3A_789 = arith.constant 0 : i32
    %dma_wait3A_790 = tpu.memref_slice %arg5[%dma_wait3A_785, %dma_wait3A_789] : memref<50x128xi32, #tpu.memory_space<vmem>> -> memref<1x128xi32, #tpu.memory_space<vmem>>
    %dma_wait3A_791 = tpu.memref_squeeze %dma_wait3A_790 : memref<1x128xi32, #tpu.memory_space<vmem>> -> memref<128xi32, #tpu.memory_space<vmem>>
    %dma_wait3A_792 = arith.constant 0 : i32
    %dma_wait3A_793 = arith.constant 0 : i32
    %dma_wait3A_794 = tpu.memref_slice %arg2[%dma_wait3A_792, %dma_wait3A_793] : memref<200000x64xf32, #tpu.memory_space<hbm>> -> memref<200000x64xf32, #tpu.memory_space<hbm>>
    tpu.wait_indirect_dma semaphore(%arg9 : memref<!tpu.dma_semaphore, #tpu.memory_space<semaphore_mem>>) src(%dma_wait3A_794 : memref<200000x64xf32, #tpu.memory_space<hbm>>) dst(%dma_wait3A_788 : memref<128x64xf32, #tpu.memory_space<vmem>>)
    %dma_wait3A_795 = arith.constant 38 : i32
    %dma_wait3A_796 = arith.constant 384 : i32
    %dma_wait3A_797 = arith.constant 0 : i32
    %dma_wait3A_798 = tpu.memref_slice %arg7[%dma_wait3A_796, %dma_wait3A_797] : memref<640x64xf32, #tpu.memory_space<vmem>> -> memref<128x64xf32, #tpu.memory_space<vmem>>
    %dma_wait3A_799 = arith.constant 0 : i32
    %dma_wait3A_800 = tpu.memref_slice %arg5[%dma_wait3A_795, %dma_wait3A_799] : memref<50x128xi32, #tpu.memory_space<vmem>> -> memref<1x128xi32, #tpu.memory_space<vmem>>
    %dma_wait3A_801 = tpu.memref_squeeze %dma_wait3A_800 : memref<1x128xi32, #tpu.memory_space<vmem>> -> memref<128xi32, #tpu.memory_space<vmem>>
    %dma_wait3A_802 = arith.constant 0 : i32
    %dma_wait3A_803 = arith.constant 0 : i32
    %dma_wait3A_804 = tpu.memref_slice %arg2[%dma_wait3A_802, %dma_wait3A_803] : memref<200000x64xf32, #tpu.memory_space<hbm>> -> memref<200000x64xf32, #tpu.memory_space<hbm>>
    tpu.wait_indirect_dma semaphore(%arg9 : memref<!tpu.dma_semaphore, #tpu.memory_space<semaphore_mem>>) src(%dma_wait3A_804 : memref<200000x64xf32, #tpu.memory_space<hbm>>) dst(%dma_wait3A_798 : memref<128x64xf32, #tpu.memory_space<vmem>>)
    %dma_wait3A_805 = arith.constant 39 : i32
    %dma_wait3A_806 = arith.constant 512 : i32
    %dma_wait3A_807 = arith.constant 0 : i32
    %dma_wait3A_808 = tpu.memref_slice %arg7[%dma_wait3A_806, %dma_wait3A_807] : memref<640x64xf32, #tpu.memory_space<vmem>> -> memref<128x64xf32, #tpu.memory_space<vmem>>
    %dma_wait3A_809 = arith.constant 0 : i32
    %dma_wait3A_810 = tpu.memref_slice %arg5[%dma_wait3A_805, %dma_wait3A_809] : memref<50x128xi32, #tpu.memory_space<vmem>> -> memref<1x128xi32, #tpu.memory_space<vmem>>
    %dma_wait3A_811 = tpu.memref_squeeze %dma_wait3A_810 : memref<1x128xi32, #tpu.memory_space<vmem>> -> memref<128xi32, #tpu.memory_space<vmem>>
    %dma_wait3A_812 = arith.constant 0 : i32
    %dma_wait3A_813 = arith.constant 0 : i32
    %dma_wait3A_814 = tpu.memref_slice %arg2[%dma_wait3A_812, %dma_wait3A_813] : memref<200000x64xf32, #tpu.memory_space<hbm>> -> memref<200000x64xf32, #tpu.memory_space<hbm>>
    tpu.wait_indirect_dma semaphore(%arg9 : memref<!tpu.dma_semaphore, #tpu.memory_space<semaphore_mem>>) src(%dma_wait3A_814 : memref<200000x64xf32, #tpu.memory_space<hbm>>) dst(%dma_wait3A_808 : memref<128x64xf32, #tpu.memory_space<vmem>>)
    %dma_start3A_815 = arith.constant 40 : i32
    %dma_start3A_816 = arith.constant 0 : i32
    %dma_start3A_817 = arith.constant 0 : i32
    %dma_start3A_818 = tpu.memref_slice %arg6[%dma_start3A_816, %dma_start3A_817] : memref<640x64xf32, #tpu.memory_space<vmem>> -> memref<128x64xf32, #tpu.memory_space<vmem>>
    %dma_start3A_819 = arith.constant 0 : i32
    %dma_start3A_820 = tpu.memref_slice %arg5[%dma_start3A_815, %dma_start3A_819] : memref<50x128xi32, #tpu.memory_space<vmem>> -> memref<1x128xi32, #tpu.memory_space<vmem>>
    %dma_start3A_821 = tpu.memref_squeeze %dma_start3A_820 : memref<1x128xi32, #tpu.memory_space<vmem>> -> memref<128xi32, #tpu.memory_space<vmem>>
    %dma_start3A_822 = arith.constant 0 : i32
    %dma_start3A_823 = arith.constant 0 : i32
    %dma_start3A_824 = tpu.memref_slice %arg2[%dma_start3A_822, %dma_start3A_823] : memref<200000x64xf32, #tpu.memory_space<hbm>> -> memref<200000x64xf32, #tpu.memory_space<hbm>>
    tpu.enqueue_indirect_dma source(%dma_start3A_824 : memref<200000x64xf32, #tpu.memory_space<hbm>>) target(%dma_start3A_818 : memref<128x64xf32, #tpu.memory_space<vmem>>) offsets(%dma_start3A_821 : memref<128xi32, #tpu.memory_space<vmem>>) semaphore(%arg8 : memref<!tpu.dma_semaphore, #tpu.memory_space<semaphore_mem>>)
    %dma_start3A_825 = arith.constant 41 : i32
    %dma_start3A_826 = arith.constant 128 : i32
    %dma_start3A_827 = arith.constant 0 : i32
    %dma_start3A_828 = tpu.memref_slice %arg6[%dma_start3A_826, %dma_start3A_827] : memref<640x64xf32, #tpu.memory_space<vmem>> -> memref<128x64xf32, #tpu.memory_space<vmem>>
    %dma_start3A_829 = arith.constant 0 : i32
    %dma_start3A_830 = tpu.memref_slice %arg5[%dma_start3A_825, %dma_start3A_829] : memref<50x128xi32, #tpu.memory_space<vmem>> -> memref<1x128xi32, #tpu.memory_space<vmem>>
    %dma_start3A_831 = tpu.memref_squeeze %dma_start3A_830 : memref<1x128xi32, #tpu.memory_space<vmem>> -> memref<128xi32, #tpu.memory_space<vmem>>
    %dma_start3A_832 = arith.constant 0 : i32
    %dma_start3A_833 = arith.constant 0 : i32
    %dma_start3A_834 = tpu.memref_slice %arg2[%dma_start3A_832, %dma_start3A_833] : memref<200000x64xf32, #tpu.memory_space<hbm>> -> memref<200000x64xf32, #tpu.memory_space<hbm>>
    tpu.enqueue_indirect_dma source(%dma_start3A_834 : memref<200000x64xf32, #tpu.memory_space<hbm>>) target(%dma_start3A_828 : memref<128x64xf32, #tpu.memory_space<vmem>>) offsets(%dma_start3A_831 : memref<128xi32, #tpu.memory_space<vmem>>) semaphore(%arg8 : memref<!tpu.dma_semaphore, #tpu.memory_space<semaphore_mem>>)
    %dma_start3A_835 = arith.constant 42 : i32
    %dma_start3A_836 = arith.constant 256 : i32
    %dma_start3A_837 = arith.constant 0 : i32
    %dma_start3A_838 = tpu.memref_slice %arg6[%dma_start3A_836, %dma_start3A_837] : memref<640x64xf32, #tpu.memory_space<vmem>> -> memref<128x64xf32, #tpu.memory_space<vmem>>
    %dma_start3A_839 = arith.constant 0 : i32
    %dma_start3A_840 = tpu.memref_slice %arg5[%dma_start3A_835, %dma_start3A_839] : memref<50x128xi32, #tpu.memory_space<vmem>> -> memref<1x128xi32, #tpu.memory_space<vmem>>
    %dma_start3A_841 = tpu.memref_squeeze %dma_start3A_840 : memref<1x128xi32, #tpu.memory_space<vmem>> -> memref<128xi32, #tpu.memory_space<vmem>>
    %dma_start3A_842 = arith.constant 0 : i32
    %dma_start3A_843 = arith.constant 0 : i32
    %dma_start3A_844 = tpu.memref_slice %arg2[%dma_start3A_842, %dma_start3A_843] : memref<200000x64xf32, #tpu.memory_space<hbm>> -> memref<200000x64xf32, #tpu.memory_space<hbm>>
    tpu.enqueue_indirect_dma source(%dma_start3A_844 : memref<200000x64xf32, #tpu.memory_space<hbm>>) target(%dma_start3A_838 : memref<128x64xf32, #tpu.memory_space<vmem>>) offsets(%dma_start3A_841 : memref<128xi32, #tpu.memory_space<vmem>>) semaphore(%arg8 : memref<!tpu.dma_semaphore, #tpu.memory_space<semaphore_mem>>)
    %dma_start3A_845 = arith.constant 43 : i32
    %dma_start3A_846 = arith.constant 384 : i32
    %dma_start3A_847 = arith.constant 0 : i32
    %dma_start3A_848 = tpu.memref_slice %arg6[%dma_start3A_846, %dma_start3A_847] : memref<640x64xf32, #tpu.memory_space<vmem>> -> memref<128x64xf32, #tpu.memory_space<vmem>>
    %dma_start3A_849 = arith.constant 0 : i32
    %dma_start3A_850 = tpu.memref_slice %arg5[%dma_start3A_845, %dma_start3A_849] : memref<50x128xi32, #tpu.memory_space<vmem>> -> memref<1x128xi32, #tpu.memory_space<vmem>>
    %dma_start3A_851 = tpu.memref_squeeze %dma_start3A_850 : memref<1x128xi32, #tpu.memory_space<vmem>> -> memref<128xi32, #tpu.memory_space<vmem>>
    %dma_start3A_852 = arith.constant 0 : i32
    %dma_start3A_853 = arith.constant 0 : i32
    %dma_start3A_854 = tpu.memref_slice %arg2[%dma_start3A_852, %dma_start3A_853] : memref<200000x64xf32, #tpu.memory_space<hbm>> -> memref<200000x64xf32, #tpu.memory_space<hbm>>
    tpu.enqueue_indirect_dma source(%dma_start3A_854 : memref<200000x64xf32, #tpu.memory_space<hbm>>) target(%dma_start3A_848 : memref<128x64xf32, #tpu.memory_space<vmem>>) offsets(%dma_start3A_851 : memref<128xi32, #tpu.memory_space<vmem>>) semaphore(%arg8 : memref<!tpu.dma_semaphore, #tpu.memory_space<semaphore_mem>>)
    %dma_start3A_855 = arith.constant 44 : i32
    %dma_start3A_856 = arith.constant 512 : i32
    %dma_start3A_857 = arith.constant 0 : i32
    %dma_start3A_858 = tpu.memref_slice %arg6[%dma_start3A_856, %dma_start3A_857] : memref<640x64xf32, #tpu.memory_space<vmem>> -> memref<128x64xf32, #tpu.memory_space<vmem>>
    %dma_start3A_859 = arith.constant 0 : i32
    %dma_start3A_860 = tpu.memref_slice %arg5[%dma_start3A_855, %dma_start3A_859] : memref<50x128xi32, #tpu.memory_space<vmem>> -> memref<1x128xi32, #tpu.memory_space<vmem>>
    %dma_start3A_861 = tpu.memref_squeeze %dma_start3A_860 : memref<1x128xi32, #tpu.memory_space<vmem>> -> memref<128xi32, #tpu.memory_space<vmem>>
    %dma_start3A_862 = arith.constant 0 : i32
    %dma_start3A_863 = arith.constant 0 : i32
    %dma_start3A_864 = tpu.memref_slice %arg2[%dma_start3A_862, %dma_start3A_863] : memref<200000x64xf32, #tpu.memory_space<hbm>> -> memref<200000x64xf32, #tpu.memory_space<hbm>>
    tpu.enqueue_indirect_dma source(%dma_start3A_864 : memref<200000x64xf32, #tpu.memory_space<hbm>>) target(%dma_start3A_858 : memref<128x64xf32, #tpu.memory_space<vmem>>) offsets(%dma_start3A_861 : memref<128xi32, #tpu.memory_space<vmem>>) semaphore(%arg8 : memref<!tpu.dma_semaphore, #tpu.memory_space<semaphore_mem>>)
    %add3A_865 = arith.constant 4480 : i32
    %add3A_866 = arith.addi %mul3A_2, %add3A_865 : i32
    "tpu.region"() ({
      %run_scoped3A = tpu.sem_alloc : memref<!tpu.dma_semaphore, #tpu.memory_space<semaphore_mem>>
      %dma_start3A_1021 = arith.constant 0 : i32
      %dma_start3A_1022 = tpu.memref_slice %arg4[%add3A_866, %dma_start3A_1021] : memref<204800x64xf32, #tpu.memory_space<hbm>> -> memref<640x64xf32, #tpu.memory_space<hbm>>
      %dma_start3A_1023 = arith.constant 0 : i32
      %dma_start3A_1024 = tpu.memref_slice %arg4[%add3A_866, %dma_start3A_1023] : memref<204800x64xf32, #tpu.memory_space<hbm>> -> memref<640x64xf32, #tpu.memory_space<hbm>>
      tpu.enqueue_dma source(%arg7 : memref<640x64xf32, #tpu.memory_space<vmem>>) target(%dma_start3A_1024 : memref<640x64xf32, #tpu.memory_space<hbm>>) target_semaphore(%run_scoped3A : memref<!tpu.dma_semaphore, #tpu.memory_space<semaphore_mem>>)
      %dma_wait3A_1025 = arith.constant 0 : i32
      %dma_wait3A_1026 = tpu.memref_slice %arg4[%add3A_866, %dma_wait3A_1025] : memref<204800x64xf32, #tpu.memory_space<hbm>> -> memref<640x64xf32, #tpu.memory_space<hbm>>
      %dma_wait3A_1027 = arith.constant 0 : i32
      %dma_wait3A_1028 = tpu.memref_slice %arg4[%add3A_866, %dma_wait3A_1027] : memref<204800x64xf32, #tpu.memory_space<hbm>> -> memref<640x64xf32, #tpu.memory_space<hbm>>
      tpu.wait_dma2 semaphore(%run_scoped3A : memref<!tpu.dma_semaphore, #tpu.memory_space<semaphore_mem>>) src(%arg7 : memref<640x64xf32, #tpu.memory_space<vmem>>) dst(%dma_wait3A_1028 : memref<640x64xf32, #tpu.memory_space<hbm>>)
      tpu.yield
    }) : () -> ()
    %dma_wait3A_867 = arith.constant 40 : i32
    %dma_wait3A_868 = arith.constant 0 : i32
    %dma_wait3A_869 = arith.constant 0 : i32
    %dma_wait3A_870 = tpu.memref_slice %arg6[%dma_wait3A_868, %dma_wait3A_869] : memref<640x64xf32, #tpu.memory_space<vmem>> -> memref<128x64xf32, #tpu.memory_space<vmem>>
    %dma_wait3A_871 = arith.constant 0 : i32
    %dma_wait3A_872 = tpu.memref_slice %arg5[%dma_wait3A_867, %dma_wait3A_871] : memref<50x128xi32, #tpu.memory_space<vmem>> -> memref<1x128xi32, #tpu.memory_space<vmem>>
    %dma_wait3A_873 = tpu.memref_squeeze %dma_wait3A_872 : memref<1x128xi32, #tpu.memory_space<vmem>> -> memref<128xi32, #tpu.memory_space<vmem>>
    %dma_wait3A_874 = arith.constant 0 : i32
    %dma_wait3A_875 = arith.constant 0 : i32
    %dma_wait3A_876 = tpu.memref_slice %arg2[%dma_wait3A_874, %dma_wait3A_875] : memref<200000x64xf32, #tpu.memory_space<hbm>> -> memref<200000x64xf32, #tpu.memory_space<hbm>>
    tpu.wait_indirect_dma semaphore(%arg8 : memref<!tpu.dma_semaphore, #tpu.memory_space<semaphore_mem>>) src(%dma_wait3A_876 : memref<200000x64xf32, #tpu.memory_space<hbm>>) dst(%dma_wait3A_870 : memref<128x64xf32, #tpu.memory_space<vmem>>)
    %dma_wait3A_877 = arith.constant 41 : i32
    %dma_wait3A_878 = arith.constant 128 : i32
    %dma_wait3A_879 = arith.constant 0 : i32
    %dma_wait3A_880 = tpu.memref_slice %arg6[%dma_wait3A_878, %dma_wait3A_879] : memref<640x64xf32, #tpu.memory_space<vmem>> -> memref<128x64xf32, #tpu.memory_space<vmem>>
    %dma_wait3A_881 = arith.constant 0 : i32
    %dma_wait3A_882 = tpu.memref_slice %arg5[%dma_wait3A_877, %dma_wait3A_881] : memref<50x128xi32, #tpu.memory_space<vmem>> -> memref<1x128xi32, #tpu.memory_space<vmem>>
    %dma_wait3A_883 = tpu.memref_squeeze %dma_wait3A_882 : memref<1x128xi32, #tpu.memory_space<vmem>> -> memref<128xi32, #tpu.memory_space<vmem>>
    %dma_wait3A_884 = arith.constant 0 : i32
    %dma_wait3A_885 = arith.constant 0 : i32
    %dma_wait3A_886 = tpu.memref_slice %arg2[%dma_wait3A_884, %dma_wait3A_885] : memref<200000x64xf32, #tpu.memory_space<hbm>> -> memref<200000x64xf32, #tpu.memory_space<hbm>>
    tpu.wait_indirect_dma semaphore(%arg8 : memref<!tpu.dma_semaphore, #tpu.memory_space<semaphore_mem>>) src(%dma_wait3A_886 : memref<200000x64xf32, #tpu.memory_space<hbm>>) dst(%dma_wait3A_880 : memref<128x64xf32, #tpu.memory_space<vmem>>)
    %dma_wait3A_887 = arith.constant 42 : i32
    %dma_wait3A_888 = arith.constant 256 : i32
    %dma_wait3A_889 = arith.constant 0 : i32
    %dma_wait3A_890 = tpu.memref_slice %arg6[%dma_wait3A_888, %dma_wait3A_889] : memref<640x64xf32, #tpu.memory_space<vmem>> -> memref<128x64xf32, #tpu.memory_space<vmem>>
    %dma_wait3A_891 = arith.constant 0 : i32
    %dma_wait3A_892 = tpu.memref_slice %arg5[%dma_wait3A_887, %dma_wait3A_891] : memref<50x128xi32, #tpu.memory_space<vmem>> -> memref<1x128xi32, #tpu.memory_space<vmem>>
    %dma_wait3A_893 = tpu.memref_squeeze %dma_wait3A_892 : memref<1x128xi32, #tpu.memory_space<vmem>> -> memref<128xi32, #tpu.memory_space<vmem>>
    %dma_wait3A_894 = arith.constant 0 : i32
    %dma_wait3A_895 = arith.constant 0 : i32
    %dma_wait3A_896 = tpu.memref_slice %arg2[%dma_wait3A_894, %dma_wait3A_895] : memref<200000x64xf32, #tpu.memory_space<hbm>> -> memref<200000x64xf32, #tpu.memory_space<hbm>>
    tpu.wait_indirect_dma semaphore(%arg8 : memref<!tpu.dma_semaphore, #tpu.memory_space<semaphore_mem>>) src(%dma_wait3A_896 : memref<200000x64xf32, #tpu.memory_space<hbm>>) dst(%dma_wait3A_890 : memref<128x64xf32, #tpu.memory_space<vmem>>)
    %dma_wait3A_897 = arith.constant 43 : i32
    %dma_wait3A_898 = arith.constant 384 : i32
    %dma_wait3A_899 = arith.constant 0 : i32
    %dma_wait3A_900 = tpu.memref_slice %arg6[%dma_wait3A_898, %dma_wait3A_899] : memref<640x64xf32, #tpu.memory_space<vmem>> -> memref<128x64xf32, #tpu.memory_space<vmem>>
    %dma_wait3A_901 = arith.constant 0 : i32
    %dma_wait3A_902 = tpu.memref_slice %arg5[%dma_wait3A_897, %dma_wait3A_901] : memref<50x128xi32, #tpu.memory_space<vmem>> -> memref<1x128xi32, #tpu.memory_space<vmem>>
    %dma_wait3A_903 = tpu.memref_squeeze %dma_wait3A_902 : memref<1x128xi32, #tpu.memory_space<vmem>> -> memref<128xi32, #tpu.memory_space<vmem>>
    %dma_wait3A_904 = arith.constant 0 : i32
    %dma_wait3A_905 = arith.constant 0 : i32
    %dma_wait3A_906 = tpu.memref_slice %arg2[%dma_wait3A_904, %dma_wait3A_905] : memref<200000x64xf32, #tpu.memory_space<hbm>> -> memref<200000x64xf32, #tpu.memory_space<hbm>>
    tpu.wait_indirect_dma semaphore(%arg8 : memref<!tpu.dma_semaphore, #tpu.memory_space<semaphore_mem>>) src(%dma_wait3A_906 : memref<200000x64xf32, #tpu.memory_space<hbm>>) dst(%dma_wait3A_900 : memref<128x64xf32, #tpu.memory_space<vmem>>)
    %dma_wait3A_907 = arith.constant 44 : i32
    %dma_wait3A_908 = arith.constant 512 : i32
    %dma_wait3A_909 = arith.constant 0 : i32
    %dma_wait3A_910 = tpu.memref_slice %arg6[%dma_wait3A_908, %dma_wait3A_909] : memref<640x64xf32, #tpu.memory_space<vmem>> -> memref<128x64xf32, #tpu.memory_space<vmem>>
    %dma_wait3A_911 = arith.constant 0 : i32
    %dma_wait3A_912 = tpu.memref_slice %arg5[%dma_wait3A_907, %dma_wait3A_911] : memref<50x128xi32, #tpu.memory_space<vmem>> -> memref<1x128xi32, #tpu.memory_space<vmem>>
    %dma_wait3A_913 = tpu.memref_squeeze %dma_wait3A_912 : memref<1x128xi32, #tpu.memory_space<vmem>> -> memref<128xi32, #tpu.memory_space<vmem>>
    %dma_wait3A_914 = arith.constant 0 : i32
    %dma_wait3A_915 = arith.constant 0 : i32
    %dma_wait3A_916 = tpu.memref_slice %arg2[%dma_wait3A_914, %dma_wait3A_915] : memref<200000x64xf32, #tpu.memory_space<hbm>> -> memref<200000x64xf32, #tpu.memory_space<hbm>>
    tpu.wait_indirect_dma semaphore(%arg8 : memref<!tpu.dma_semaphore, #tpu.memory_space<semaphore_mem>>) src(%dma_wait3A_916 : memref<200000x64xf32, #tpu.memory_space<hbm>>) dst(%dma_wait3A_910 : memref<128x64xf32, #tpu.memory_space<vmem>>)
    %dma_start3A_917 = arith.constant 45 : i32
    %dma_start3A_918 = arith.constant 0 : i32
    %dma_start3A_919 = arith.constant 0 : i32
    %dma_start3A_920 = tpu.memref_slice %arg7[%dma_start3A_918, %dma_start3A_919] : memref<640x64xf32, #tpu.memory_space<vmem>> -> memref<128x64xf32, #tpu.memory_space<vmem>>
    %dma_start3A_921 = arith.constant 0 : i32
    %dma_start3A_922 = tpu.memref_slice %arg5[%dma_start3A_917, %dma_start3A_921] : memref<50x128xi32, #tpu.memory_space<vmem>> -> memref<1x128xi32, #tpu.memory_space<vmem>>
    %dma_start3A_923 = tpu.memref_squeeze %dma_start3A_922 : memref<1x128xi32, #tpu.memory_space<vmem>> -> memref<128xi32, #tpu.memory_space<vmem>>
    %dma_start3A_924 = arith.constant 0 : i32
    %dma_start3A_925 = arith.constant 0 : i32
    %dma_start3A_926 = tpu.memref_slice %arg2[%dma_start3A_924, %dma_start3A_925] : memref<200000x64xf32, #tpu.memory_space<hbm>> -> memref<200000x64xf32, #tpu.memory_space<hbm>>
    tpu.enqueue_indirect_dma source(%dma_start3A_926 : memref<200000x64xf32, #tpu.memory_space<hbm>>) target(%dma_start3A_920 : memref<128x64xf32, #tpu.memory_space<vmem>>) offsets(%dma_start3A_923 : memref<128xi32, #tpu.memory_space<vmem>>) semaphore(%arg9 : memref<!tpu.dma_semaphore, #tpu.memory_space<semaphore_mem>>)
    %dma_start3A_927 = arith.constant 46 : i32
    %dma_start3A_928 = arith.constant 128 : i32
    %dma_start3A_929 = arith.constant 0 : i32
    %dma_start3A_930 = tpu.memref_slice %arg7[%dma_start3A_928, %dma_start3A_929] : memref<640x64xf32, #tpu.memory_space<vmem>> -> memref<128x64xf32, #tpu.memory_space<vmem>>
    %dma_start3A_931 = arith.constant 0 : i32
    %dma_start3A_932 = tpu.memref_slice %arg5[%dma_start3A_927, %dma_start3A_931] : memref<50x128xi32, #tpu.memory_space<vmem>> -> memref<1x128xi32, #tpu.memory_space<vmem>>
    %dma_start3A_933 = tpu.memref_squeeze %dma_start3A_932 : memref<1x128xi32, #tpu.memory_space<vmem>> -> memref<128xi32, #tpu.memory_space<vmem>>
    %dma_start3A_934 = arith.constant 0 : i32
    %dma_start3A_935 = arith.constant 0 : i32
    %dma_start3A_936 = tpu.memref_slice %arg2[%dma_start3A_934, %dma_start3A_935] : memref<200000x64xf32, #tpu.memory_space<hbm>> -> memref<200000x64xf32, #tpu.memory_space<hbm>>
    tpu.enqueue_indirect_dma source(%dma_start3A_936 : memref<200000x64xf32, #tpu.memory_space<hbm>>) target(%dma_start3A_930 : memref<128x64xf32, #tpu.memory_space<vmem>>) offsets(%dma_start3A_933 : memref<128xi32, #tpu.memory_space<vmem>>) semaphore(%arg9 : memref<!tpu.dma_semaphore, #tpu.memory_space<semaphore_mem>>)
    %dma_start3A_937 = arith.constant 47 : i32
    %dma_start3A_938 = arith.constant 256 : i32
    %dma_start3A_939 = arith.constant 0 : i32
    %dma_start3A_940 = tpu.memref_slice %arg7[%dma_start3A_938, %dma_start3A_939] : memref<640x64xf32, #tpu.memory_space<vmem>> -> memref<128x64xf32, #tpu.memory_space<vmem>>
    %dma_start3A_941 = arith.constant 0 : i32
    %dma_start3A_942 = tpu.memref_slice %arg5[%dma_start3A_937, %dma_start3A_941] : memref<50x128xi32, #tpu.memory_space<vmem>> -> memref<1x128xi32, #tpu.memory_space<vmem>>
    %dma_start3A_943 = tpu.memref_squeeze %dma_start3A_942 : memref<1x128xi32, #tpu.memory_space<vmem>> -> memref<128xi32, #tpu.memory_space<vmem>>
    %dma_start3A_944 = arith.constant 0 : i32
    %dma_start3A_945 = arith.constant 0 : i32
    %dma_start3A_946 = tpu.memref_slice %arg2[%dma_start3A_944, %dma_start3A_945] : memref<200000x64xf32, #tpu.memory_space<hbm>> -> memref<200000x64xf32, #tpu.memory_space<hbm>>
    tpu.enqueue_indirect_dma source(%dma_start3A_946 : memref<200000x64xf32, #tpu.memory_space<hbm>>) target(%dma_start3A_940 : memref<128x64xf32, #tpu.memory_space<vmem>>) offsets(%dma_start3A_943 : memref<128xi32, #tpu.memory_space<vmem>>) semaphore(%arg9 : memref<!tpu.dma_semaphore, #tpu.memory_space<semaphore_mem>>)
    %dma_start3A_947 = arith.constant 48 : i32
    %dma_start3A_948 = arith.constant 384 : i32
    %dma_start3A_949 = arith.constant 0 : i32
    %dma_start3A_950 = tpu.memref_slice %arg7[%dma_start3A_948, %dma_start3A_949] : memref<640x64xf32, #tpu.memory_space<vmem>> -> memref<128x64xf32, #tpu.memory_space<vmem>>
    %dma_start3A_951 = arith.constant 0 : i32
    %dma_start3A_952 = tpu.memref_slice %arg5[%dma_start3A_947, %dma_start3A_951] : memref<50x128xi32, #tpu.memory_space<vmem>> -> memref<1x128xi32, #tpu.memory_space<vmem>>
    %dma_start3A_953 = tpu.memref_squeeze %dma_start3A_952 : memref<1x128xi32, #tpu.memory_space<vmem>> -> memref<128xi32, #tpu.memory_space<vmem>>
    %dma_start3A_954 = arith.constant 0 : i32
    %dma_start3A_955 = arith.constant 0 : i32
    %dma_start3A_956 = tpu.memref_slice %arg2[%dma_start3A_954, %dma_start3A_955] : memref<200000x64xf32, #tpu.memory_space<hbm>> -> memref<200000x64xf32, #tpu.memory_space<hbm>>
    tpu.enqueue_indirect_dma source(%dma_start3A_956 : memref<200000x64xf32, #tpu.memory_space<hbm>>) target(%dma_start3A_950 : memref<128x64xf32, #tpu.memory_space<vmem>>) offsets(%dma_start3A_953 : memref<128xi32, #tpu.memory_space<vmem>>) semaphore(%arg9 : memref<!tpu.dma_semaphore, #tpu.memory_space<semaphore_mem>>)
    %dma_start3A_957 = arith.constant 49 : i32
    %dma_start3A_958 = arith.constant 512 : i32
    %dma_start3A_959 = arith.constant 0 : i32
    %dma_start3A_960 = tpu.memref_slice %arg7[%dma_start3A_958, %dma_start3A_959] : memref<640x64xf32, #tpu.memory_space<vmem>> -> memref<128x64xf32, #tpu.memory_space<vmem>>
    %dma_start3A_961 = arith.constant 0 : i32
    %dma_start3A_962 = tpu.memref_slice %arg5[%dma_start3A_957, %dma_start3A_961] : memref<50x128xi32, #tpu.memory_space<vmem>> -> memref<1x128xi32, #tpu.memory_space<vmem>>
    %dma_start3A_963 = tpu.memref_squeeze %dma_start3A_962 : memref<1x128xi32, #tpu.memory_space<vmem>> -> memref<128xi32, #tpu.memory_space<vmem>>
    %dma_start3A_964 = arith.constant 0 : i32
    %dma_start3A_965 = arith.constant 0 : i32
    %dma_start3A_966 = tpu.memref_slice %arg2[%dma_start3A_964, %dma_start3A_965] : memref<200000x64xf32, #tpu.memory_space<hbm>> -> memref<200000x64xf32, #tpu.memory_space<hbm>>
    tpu.enqueue_indirect_dma source(%dma_start3A_966 : memref<200000x64xf32, #tpu.memory_space<hbm>>) target(%dma_start3A_960 : memref<128x64xf32, #tpu.memory_space<vmem>>) offsets(%dma_start3A_963 : memref<128xi32, #tpu.memory_space<vmem>>) semaphore(%arg9 : memref<!tpu.dma_semaphore, #tpu.memory_space<semaphore_mem>>)
    %add3A_967 = arith.constant 5120 : i32
    %add3A_968 = arith.addi %mul3A_2, %add3A_967 : i32
    "tpu.region"() ({
      %run_scoped3A = tpu.sem_alloc : memref<!tpu.dma_semaphore, #tpu.memory_space<semaphore_mem>>
      %dma_start3A_1021 = arith.constant 0 : i32
      %dma_start3A_1022 = tpu.memref_slice %arg4[%add3A_968, %dma_start3A_1021] : memref<204800x64xf32, #tpu.memory_space<hbm>> -> memref<640x64xf32, #tpu.memory_space<hbm>>
      %dma_start3A_1023 = arith.constant 0 : i32
      %dma_start3A_1024 = tpu.memref_slice %arg4[%add3A_968, %dma_start3A_1023] : memref<204800x64xf32, #tpu.memory_space<hbm>> -> memref<640x64xf32, #tpu.memory_space<hbm>>
      tpu.enqueue_dma source(%arg6 : memref<640x64xf32, #tpu.memory_space<vmem>>) target(%dma_start3A_1024 : memref<640x64xf32, #tpu.memory_space<hbm>>) target_semaphore(%run_scoped3A : memref<!tpu.dma_semaphore, #tpu.memory_space<semaphore_mem>>)
      %dma_wait3A_1025 = arith.constant 0 : i32
      %dma_wait3A_1026 = tpu.memref_slice %arg4[%add3A_968, %dma_wait3A_1025] : memref<204800x64xf32, #tpu.memory_space<hbm>> -> memref<640x64xf32, #tpu.memory_space<hbm>>
      %dma_wait3A_1027 = arith.constant 0 : i32
      %dma_wait3A_1028 = tpu.memref_slice %arg4[%add3A_968, %dma_wait3A_1027] : memref<204800x64xf32, #tpu.memory_space<hbm>> -> memref<640x64xf32, #tpu.memory_space<hbm>>
      tpu.wait_dma2 semaphore(%run_scoped3A : memref<!tpu.dma_semaphore, #tpu.memory_space<semaphore_mem>>) src(%arg6 : memref<640x64xf32, #tpu.memory_space<vmem>>) dst(%dma_wait3A_1028 : memref<640x64xf32, #tpu.memory_space<hbm>>)
      tpu.yield
    }) : () -> ()
    %dma_wait3A_969 = arith.constant 45 : i32
    %dma_wait3A_970 = arith.constant 0 : i32
    %dma_wait3A_971 = arith.constant 0 : i32
    %dma_wait3A_972 = tpu.memref_slice %arg7[%dma_wait3A_970, %dma_wait3A_971] : memref<640x64xf32, #tpu.memory_space<vmem>> -> memref<128x64xf32, #tpu.memory_space<vmem>>
    %dma_wait3A_973 = arith.constant 0 : i32
    %dma_wait3A_974 = tpu.memref_slice %arg5[%dma_wait3A_969, %dma_wait3A_973] : memref<50x128xi32, #tpu.memory_space<vmem>> -> memref<1x128xi32, #tpu.memory_space<vmem>>
    %dma_wait3A_975 = tpu.memref_squeeze %dma_wait3A_974 : memref<1x128xi32, #tpu.memory_space<vmem>> -> memref<128xi32, #tpu.memory_space<vmem>>
    %dma_wait3A_976 = arith.constant 0 : i32
    %dma_wait3A_977 = arith.constant 0 : i32
    %dma_wait3A_978 = tpu.memref_slice %arg2[%dma_wait3A_976, %dma_wait3A_977] : memref<200000x64xf32, #tpu.memory_space<hbm>> -> memref<200000x64xf32, #tpu.memory_space<hbm>>
    tpu.wait_indirect_dma semaphore(%arg9 : memref<!tpu.dma_semaphore, #tpu.memory_space<semaphore_mem>>) src(%dma_wait3A_978 : memref<200000x64xf32, #tpu.memory_space<hbm>>) dst(%dma_wait3A_972 : memref<128x64xf32, #tpu.memory_space<vmem>>)
    %dma_wait3A_979 = arith.constant 46 : i32
    %dma_wait3A_980 = arith.constant 128 : i32
    %dma_wait3A_981 = arith.constant 0 : i32
    %dma_wait3A_982 = tpu.memref_slice %arg7[%dma_wait3A_980, %dma_wait3A_981] : memref<640x64xf32, #tpu.memory_space<vmem>> -> memref<128x64xf32, #tpu.memory_space<vmem>>
    %dma_wait3A_983 = arith.constant 0 : i32
    %dma_wait3A_984 = tpu.memref_slice %arg5[%dma_wait3A_979, %dma_wait3A_983] : memref<50x128xi32, #tpu.memory_space<vmem>> -> memref<1x128xi32, #tpu.memory_space<vmem>>
    %dma_wait3A_985 = tpu.memref_squeeze %dma_wait3A_984 : memref<1x128xi32, #tpu.memory_space<vmem>> -> memref<128xi32, #tpu.memory_space<vmem>>
    %dma_wait3A_986 = arith.constant 0 : i32
    %dma_wait3A_987 = arith.constant 0 : i32
    %dma_wait3A_988 = tpu.memref_slice %arg2[%dma_wait3A_986, %dma_wait3A_987] : memref<200000x64xf32, #tpu.memory_space<hbm>> -> memref<200000x64xf32, #tpu.memory_space<hbm>>
    tpu.wait_indirect_dma semaphore(%arg9 : memref<!tpu.dma_semaphore, #tpu.memory_space<semaphore_mem>>) src(%dma_wait3A_988 : memref<200000x64xf32, #tpu.memory_space<hbm>>) dst(%dma_wait3A_982 : memref<128x64xf32, #tpu.memory_space<vmem>>)
    %dma_wait3A_989 = arith.constant 47 : i32
    %dma_wait3A_990 = arith.constant 256 : i32
    %dma_wait3A_991 = arith.constant 0 : i32
    %dma_wait3A_992 = tpu.memref_slice %arg7[%dma_wait3A_990, %dma_wait3A_991] : memref<640x64xf32, #tpu.memory_space<vmem>> -> memref<128x64xf32, #tpu.memory_space<vmem>>
    %dma_wait3A_993 = arith.constant 0 : i32
    %dma_wait3A_994 = tpu.memref_slice %arg5[%dma_wait3A_989, %dma_wait3A_993] : memref<50x128xi32, #tpu.memory_space<vmem>> -> memref<1x128xi32, #tpu.memory_space<vmem>>
    %dma_wait3A_995 = tpu.memref_squeeze %dma_wait3A_994 : memref<1x128xi32, #tpu.memory_space<vmem>> -> memref<128xi32, #tpu.memory_space<vmem>>
    %dma_wait3A_996 = arith.constant 0 : i32
    %dma_wait3A_997 = arith.constant 0 : i32
    %dma_wait3A_998 = tpu.memref_slice %arg2[%dma_wait3A_996, %dma_wait3A_997] : memref<200000x64xf32, #tpu.memory_space<hbm>> -> memref<200000x64xf32, #tpu.memory_space<hbm>>
    tpu.wait_indirect_dma semaphore(%arg9 : memref<!tpu.dma_semaphore, #tpu.memory_space<semaphore_mem>>) src(%dma_wait3A_998 : memref<200000x64xf32, #tpu.memory_space<hbm>>) dst(%dma_wait3A_992 : memref<128x64xf32, #tpu.memory_space<vmem>>)
    %dma_wait3A_999 = arith.constant 48 : i32
    %dma_wait3A_1000 = arith.constant 384 : i32
    %dma_wait3A_1001 = arith.constant 0 : i32
    %dma_wait3A_1002 = tpu.memref_slice %arg7[%dma_wait3A_1000, %dma_wait3A_1001] : memref<640x64xf32, #tpu.memory_space<vmem>> -> memref<128x64xf32, #tpu.memory_space<vmem>>
    %dma_wait3A_1003 = arith.constant 0 : i32
    %dma_wait3A_1004 = tpu.memref_slice %arg5[%dma_wait3A_999, %dma_wait3A_1003] : memref<50x128xi32, #tpu.memory_space<vmem>> -> memref<1x128xi32, #tpu.memory_space<vmem>>
    %dma_wait3A_1005 = tpu.memref_squeeze %dma_wait3A_1004 : memref<1x128xi32, #tpu.memory_space<vmem>> -> memref<128xi32, #tpu.memory_space<vmem>>
    %dma_wait3A_1006 = arith.constant 0 : i32
    %dma_wait3A_1007 = arith.constant 0 : i32
    %dma_wait3A_1008 = tpu.memref_slice %arg2[%dma_wait3A_1006, %dma_wait3A_1007] : memref<200000x64xf32, #tpu.memory_space<hbm>> -> memref<200000x64xf32, #tpu.memory_space<hbm>>
    tpu.wait_indirect_dma semaphore(%arg9 : memref<!tpu.dma_semaphore, #tpu.memory_space<semaphore_mem>>) src(%dma_wait3A_1008 : memref<200000x64xf32, #tpu.memory_space<hbm>>) dst(%dma_wait3A_1002 : memref<128x64xf32, #tpu.memory_space<vmem>>)
    %dma_wait3A_1009 = arith.constant 49 : i32
    %dma_wait3A_1010 = arith.constant 512 : i32
    %dma_wait3A_1011 = arith.constant 0 : i32
    %dma_wait3A_1012 = tpu.memref_slice %arg7[%dma_wait3A_1010, %dma_wait3A_1011] : memref<640x64xf32, #tpu.memory_space<vmem>> -> memref<128x64xf32, #tpu.memory_space<vmem>>
    %dma_wait3A_1013 = arith.constant 0 : i32
    %dma_wait3A_1014 = tpu.memref_slice %arg5[%dma_wait3A_1009, %dma_wait3A_1013] : memref<50x128xi32, #tpu.memory_space<vmem>> -> memref<1x128xi32, #tpu.memory_space<vmem>>
    %dma_wait3A_1015 = tpu.memref_squeeze %dma_wait3A_1014 : memref<1x128xi32, #tpu.memory_space<vmem>> -> memref<128xi32, #tpu.memory_space<vmem>>
    %dma_wait3A_1016 = arith.constant 0 : i32
    %dma_wait3A_1017 = arith.constant 0 : i32
    %dma_wait3A_1018 = tpu.memref_slice %arg2[%dma_wait3A_1016, %dma_wait3A_1017] : memref<200000x64xf32, #tpu.memory_space<hbm>> -> memref<200000x64xf32, #tpu.memory_space<hbm>>
    tpu.wait_indirect_dma semaphore(%arg9 : memref<!tpu.dma_semaphore, #tpu.memory_space<semaphore_mem>>) src(%dma_wait3A_1018 : memref<200000x64xf32, #tpu.memory_space<hbm>>) dst(%dma_wait3A_1012 : memref<128x64xf32, #tpu.memory_space<vmem>>)
    %add3A_1019 = arith.constant 5760 : i32
    %add3A_1020 = arith.addi %mul3A_2, %add3A_1019 : i32
    "tpu.region"() ({
      %run_scoped3A = tpu.sem_alloc : memref<!tpu.dma_semaphore, #tpu.memory_space<semaphore_mem>>
      %dma_start3A_1021 = arith.constant 0 : i32
      %dma_start3A_1022 = tpu.memref_slice %arg4[%add3A_1020, %dma_start3A_1021] : memref<204800x64xf32, #tpu.memory_space<hbm>> -> memref<640x64xf32, #tpu.memory_space<hbm>>
      %dma_start3A_1023 = arith.constant 0 : i32
      %dma_start3A_1024 = tpu.memref_slice %arg4[%add3A_1020, %dma_start3A_1023] : memref<204800x64xf32, #tpu.memory_space<hbm>> -> memref<640x64xf32, #tpu.memory_space<hbm>>
      tpu.enqueue_dma source(%arg7 : memref<640x64xf32, #tpu.memory_space<vmem>>) target(%dma_start3A_1024 : memref<640x64xf32, #tpu.memory_space<hbm>>) target_semaphore(%run_scoped3A : memref<!tpu.dma_semaphore, #tpu.memory_space<semaphore_mem>>)
      %dma_wait3A_1025 = arith.constant 0 : i32
      %dma_wait3A_1026 = tpu.memref_slice %arg4[%add3A_1020, %dma_wait3A_1025] : memref<204800x64xf32, #tpu.memory_space<hbm>> -> memref<640x64xf32, #tpu.memory_space<hbm>>
      %dma_wait3A_1027 = arith.constant 0 : i32
      %dma_wait3A_1028 = tpu.memref_slice %arg4[%add3A_1020, %dma_wait3A_1027] : memref<204800x64xf32, #tpu.memory_space<hbm>> -> memref<640x64xf32, #tpu.memory_space<hbm>>
      tpu.wait_dma2 semaphore(%run_scoped3A : memref<!tpu.dma_semaphore, #tpu.memory_space<semaphore_mem>>) src(%arg7 : memref<640x64xf32, #tpu.memory_space<vmem>>) dst(%dma_wait3A_1028 : memref<640x64xf32, #tpu.memory_space<hbm>>)
      tpu.yield
    }) : () -> ()
    return
  }
}

#map = affine_map<(d0, d1) -> (0, 0)>
#map1 = affine_map<(d0, d1) -> (0, 0, 0)>
module attributes {stable_mosaic.version = 14 : i64} {
  func.func @_gather(%arg0: i32, %arg1: i32, %arg2: memref<200000x64xf32, #tpu.memory_space<hbm>>, %arg3: memref<32x50x128xi32, #tpu.memory_space<hbm>>, %arg4: memref<204800x64xf32, #tpu.memory_space<hbm>>, %arg5: memref<50x128xi32, #tpu.memory_space<vmem>>, %arg6: memref<640x64xf32, #tpu.memory_space<vmem>>, %arg7: memref<640x64xf32, #tpu.memory_space<vmem>>, %arg8: memref<!tpu.dma_semaphore, #tpu.memory_space<semaphore_mem>>, %arg9: memref<!tpu.dma_semaphore, #tpu.memory_space<semaphore_mem>>) attributes {dimension_semantics = [#tpu.dimension_semantics<core_parallel>, #tpu.dimension_semantics<subcore_parallel>], iteration_bounds = array<i64: 2, 16>, scalar_prefetch = 0 : i64, scratch_operands = 5 : i64, tpu.core_type = #tpu.core_type<sc_vector_subcore>, window_params = [{transform_indices = #map}, {transform_indices = #map1}, {transform_indices = #map}]} {
    %mul3A = arith.constant 16 : i32
    %mul3A_0 = arith.muli %arg0, %mul3A : i32
    %add3A = arith.addi %mul3A_0, %arg1 : i32
    %mul3A_1 = arith.constant 6400 : i32
    %mul3A_2 = arith.muli %add3A, %mul3A_1 : i32
    "tpu.region"() ({
      %run_scoped3A = tpu.sem_alloc : memref<!tpu.dma_semaphore, #tpu.memory_space<semaphore_mem>>
      %dma_start3A_1021 = arith.constant 0 : i32
      %dma_start3A_1022 = arith.constant 0 : i32
      %dma_start3A_1023 = tpu.memref_slice %arg3[%add3A, %dma_start3A_1021, %dma_start3A_1022] : memref<32x50x128xi32, #tpu.memory_space<hbm>> -> memref<1x50x128xi32, #tpu.memory_space<hbm>>
      %dma_start3A_1024 = tpu.memref_squeeze %dma_start3A_1023 : memref<1x50x128xi32, #tpu.memory_space<hbm>> -> memref<50x128xi32, #tpu.memory_space<hbm>>
      %dma_start3A_1025 = arith.constant 0 : i32
      %dma_start3A_1026 = arith.constant 0 : i32
      %dma_start3A_1027 = tpu.memref_slice %arg3[%add3A, %dma_start3A_1025, %dma_start3A_1026] : memref<32x50x128xi32, #tpu.memory_space<hbm>> -> memref<1x50x128xi32, #tpu.memory_space<hbm>>
      %dma_start3A_1028 = tpu.memref_squeeze %dma_start3A_1027 : memref<1x50x128xi32, #tpu.memory_space<hbm>> -> memref<50x128xi32, #tpu.memory_space<hbm>>
      tpu.enqueue_dma source(%dma_start3A_1028 : memref<50x128xi32, #tpu.memory_space<hbm>>) target(%arg5 : memref<50x128xi32, #tpu.memory_space<vmem>>) target_semaphore(%run_scoped3A : memref<!tpu.dma_semaphore, #tpu.memory_space<semaphore_mem>>)
      %dma_wait3A_1029 = arith.constant 0 : i32
      %dma_wait3A_1030 = arith.constant 0 : i32
      %dma_wait3A_1031 = tpu.memref_slice %arg3[%add3A, %dma_wait3A_1029, %dma_wait3A_1030] : memref<32x50x128xi32, #tpu.memory_space<hbm>> -> memref<1x50x128xi32, #tpu.memory_space<hbm>>
      %dma_wait3A_1032 = tpu.memref_squeeze %dma_wait3A_1031 : memref<1x50x128xi32, #tpu.memory_space<hbm>> -> memref<50x128xi32, #tpu.memory_space<hbm>>
      %dma_wait3A_1033 = arith.constant 0 : i32
      %dma_wait3A_1034 = arith.constant 0 : i32
      %dma_wait3A_1035 = tpu.memref_slice %arg3[%add3A, %dma_wait3A_1033, %dma_wait3A_1034] : memref<32x50x128xi32, #tpu.memory_space<hbm>> -> memref<1x50x128xi32, #tpu.memory_space<hbm>>
      %dma_wait3A_1036 = tpu.memref_squeeze %dma_wait3A_1035 : memref<1x50x128xi32, #tpu.memory_space<hbm>> -> memref<50x128xi32, #tpu.memory_space<hbm>>
      tpu.wait_dma2 semaphore(%run_scoped3A : memref<!tpu.dma_semaphore, #tpu.memory_space<semaphore_mem>>) src(%dma_wait3A_1036 : memref<50x128xi32, #tpu.memory_space<hbm>>) dst(%arg5 : memref<50x128xi32, #tpu.memory_space<vmem>>)
      tpu.yield
    }) : () -> ()
    %dma_start3A = arith.constant 0 : i32
    %dma_start3A_3 = arith.constant 0 : i32
    %dma_start3A_4 = arith.constant 0 : i32
    %dma_start3A_5 = tpu.memref_slice %arg6[%dma_start3A_3, %dma_start3A_4] : memref<640x64xf32, #tpu.memory_space<vmem>> -> memref<128x64xf32, #tpu.memory_space<vmem>>
    %dma_start3A_6 = arith.constant 0 : i32
    %dma_start3A_7 = tpu.memref_slice %arg5[%dma_start3A, %dma_start3A_6] : memref<50x128xi32, #tpu.memory_space<vmem>> -> memref<1x128xi32, #tpu.memory_space<vmem>>
    %dma_start3A_8 = tpu.memref_squeeze %dma_start3A_7 : memref<1x128xi32, #tpu.memory_space<vmem>> -> memref<128xi32, #tpu.memory_space<vmem>>
    %dma_start3A_9 = arith.constant 0 : i32
    %dma_start3A_10 = arith.constant 0 : i32
    %dma_start3A_11 = tpu.memref_slice %arg2[%dma_start3A_9, %dma_start3A_10] : memref<200000x64xf32, #tpu.memory_space<hbm>> -> memref<200000x64xf32, #tpu.memory_space<hbm>>
    tpu.enqueue_indirect_dma source(%dma_start3A_11 : memref<200000x64xf32, #tpu.memory_space<hbm>>) target(%dma_start3A_5 : memref<128x64xf32, #tpu.memory_space<vmem>>) offsets(%dma_start3A_8 : memref<128xi32, #tpu.memory_space<vmem>>) semaphore(%arg8 : memref<!tpu.dma_semaphore, #tpu.memory_space<semaphore_mem>>)
    %dma_start3A_12 = arith.constant 1 : i32
    %dma_start3A_13 = arith.constant 128 : i32
    %dma_start3A_14 = arith.constant 0 : i32
    %dma_start3A_15 = tpu.memref_slice %arg6[%dma_start3A_13, %dma_start3A_14] : memref<640x64xf32, #tpu.memory_space<vmem>> -> memref<128x64xf32, #tpu.memory_space<vmem>>
    %dma_start3A_16 = arith.constant 0 : i32
    %dma_start3A_17 = tpu.memref_slice %arg5[%dma_start3A_12, %dma_start3A_16] : memref<50x128xi32, #tpu.memory_space<vmem>> -> memref<1x128xi32, #tpu.memory_space<vmem>>
    %dma_start3A_18 = tpu.memref_squeeze %dma_start3A_17 : memref<1x128xi32, #tpu.memory_space<vmem>> -> memref<128xi32, #tpu.memory_space<vmem>>
    %dma_start3A_19 = arith.constant 0 : i32
    %dma_start3A_20 = arith.constant 0 : i32
    %dma_start3A_21 = tpu.memref_slice %arg2[%dma_start3A_19, %dma_start3A_20] : memref<200000x64xf32, #tpu.memory_space<hbm>> -> memref<200000x64xf32, #tpu.memory_space<hbm>>
    tpu.enqueue_indirect_dma source(%dma_start3A_21 : memref<200000x64xf32, #tpu.memory_space<hbm>>) target(%dma_start3A_15 : memref<128x64xf32, #tpu.memory_space<vmem>>) offsets(%dma_start3A_18 : memref<128xi32, #tpu.memory_space<vmem>>) semaphore(%arg8 : memref<!tpu.dma_semaphore, #tpu.memory_space<semaphore_mem>>)
    %dma_start3A_22 = arith.constant 2 : i32
    %dma_start3A_23 = arith.constant 256 : i32
    %dma_start3A_24 = arith.constant 0 : i32
    %dma_start3A_25 = tpu.memref_slice %arg6[%dma_start3A_23, %dma_start3A_24] : memref<640x64xf32, #tpu.memory_space<vmem>> -> memref<128x64xf32, #tpu.memory_space<vmem>>
    %dma_start3A_26 = arith.constant 0 : i32
    %dma_start3A_27 = tpu.memref_slice %arg5[%dma_start3A_22, %dma_start3A_26] : memref<50x128xi32, #tpu.memory_space<vmem>> -> memref<1x128xi32, #tpu.memory_space<vmem>>
    %dma_start3A_28 = tpu.memref_squeeze %dma_start3A_27 : memref<1x128xi32, #tpu.memory_space<vmem>> -> memref<128xi32, #tpu.memory_space<vmem>>
    %dma_start3A_29 = arith.constant 0 : i32
    %dma_start3A_30 = arith.constant 0 : i32
    %dma_start3A_31 = tpu.memref_slice %arg2[%dma_start3A_29, %dma_start3A_30] : memref<200000x64xf32, #tpu.memory_space<hbm>> -> memref<200000x64xf32, #tpu.memory_space<hbm>>
    tpu.enqueue_indirect_dma source(%dma_start3A_31 : memref<200000x64xf32, #tpu.memory_space<hbm>>) target(%dma_start3A_25 : memref<128x64xf32, #tpu.memory_space<vmem>>) offsets(%dma_start3A_28 : memref<128xi32, #tpu.memory_space<vmem>>) semaphore(%arg8 : memref<!tpu.dma_semaphore, #tpu.memory_space<semaphore_mem>>)
    %dma_start3A_32 = arith.constant 3 : i32
    %dma_start3A_33 = arith.constant 384 : i32
    %dma_start3A_34 = arith.constant 0 : i32
    %dma_start3A_35 = tpu.memref_slice %arg6[%dma_start3A_33, %dma_start3A_34] : memref<640x64xf32, #tpu.memory_space<vmem>> -> memref<128x64xf32, #tpu.memory_space<vmem>>
    %dma_start3A_36 = arith.constant 0 : i32
    %dma_start3A_37 = tpu.memref_slice %arg5[%dma_start3A_32, %dma_start3A_36] : memref<50x128xi32, #tpu.memory_space<vmem>> -> memref<1x128xi32, #tpu.memory_space<vmem>>
    %dma_start3A_38 = tpu.memref_squeeze %dma_start3A_37 : memref<1x128xi32, #tpu.memory_space<vmem>> -> memref<128xi32, #tpu.memory_space<vmem>>
    %dma_start3A_39 = arith.constant 0 : i32
    %dma_start3A_40 = arith.constant 0 : i32
    %dma_start3A_41 = tpu.memref_slice %arg2[%dma_start3A_39, %dma_start3A_40] : memref<200000x64xf32, #tpu.memory_space<hbm>> -> memref<200000x64xf32, #tpu.memory_space<hbm>>
    tpu.enqueue_indirect_dma source(%dma_start3A_41 : memref<200000x64xf32, #tpu.memory_space<hbm>>) target(%dma_start3A_35 : memref<128x64xf32, #tpu.memory_space<vmem>>) offsets(%dma_start3A_38 : memref<128xi32, #tpu.memory_space<vmem>>) semaphore(%arg8 : memref<!tpu.dma_semaphore, #tpu.memory_space<semaphore_mem>>)
    %dma_start3A_42 = arith.constant 4 : i32
    %dma_start3A_43 = arith.constant 512 : i32
    %dma_start3A_44 = arith.constant 0 : i32
    %dma_start3A_45 = tpu.memref_slice %arg6[%dma_start3A_43, %dma_start3A_44] : memref<640x64xf32, #tpu.memory_space<vmem>> -> memref<128x64xf32, #tpu.memory_space<vmem>>
    %dma_start3A_46 = arith.constant 0 : i32
    %dma_start3A_47 = tpu.memref_slice %arg5[%dma_start3A_42, %dma_start3A_46] : memref<50x128xi32, #tpu.memory_space<vmem>> -> memref<1x128xi32, #tpu.memory_space<vmem>>
    %dma_start3A_48 = tpu.memref_squeeze %dma_start3A_47 : memref<1x128xi32, #tpu.memory_space<vmem>> -> memref<128xi32, #tpu.memory_space<vmem>>
    %dma_start3A_49 = arith.constant 0 : i32
    %dma_start3A_50 = arith.constant 0 : i32
    %dma_start3A_51 = tpu.memref_slice %arg2[%dma_start3A_49, %dma_start3A_50] : memref<200000x64xf32, #tpu.memory_space<hbm>> -> memref<200000x64xf32, #tpu.memory_space<hbm>>
    tpu.enqueue_indirect_dma source(%dma_start3A_51 : memref<200000x64xf32, #tpu.memory_space<hbm>>) target(%dma_start3A_45 : memref<128x64xf32, #tpu.memory_space<vmem>>) offsets(%dma_start3A_48 : memref<128xi32, #tpu.memory_space<vmem>>) semaphore(%arg8 : memref<!tpu.dma_semaphore, #tpu.memory_space<semaphore_mem>>)
    %dma_wait3A = arith.constant 0 : i32
    %dma_wait3A_52 = arith.constant 0 : i32
    %dma_wait3A_53 = arith.constant 0 : i32
    %dma_wait3A_54 = tpu.memref_slice %arg6[%dma_wait3A_52, %dma_wait3A_53] : memref<640x64xf32, #tpu.memory_space<vmem>> -> memref<128x64xf32, #tpu.memory_space<vmem>>
    %dma_wait3A_55 = arith.constant 0 : i32
    %dma_wait3A_56 = tpu.memref_slice %arg5[%dma_wait3A, %dma_wait3A_55] : memref<50x128xi32, #tpu.memory_space<vmem>> -> memref<1x128xi32, #tpu.memory_space<vmem>>
    %dma_wait3A_57 = tpu.memref_squeeze %dma_wait3A_56 : memref<1x128xi32, #tpu.memory_space<vmem>> -> memref<128xi32, #tpu.memory_space<vmem>>
    %dma_wait3A_58 = arith.constant 0 : i32
    %dma_wait3A_59 = arith.constant 0 : i32
    %dma_wait3A_60 = tpu.memref_slice %arg2[%dma_wait3A_58, %dma_wait3A_59] : memref<200000x64xf32, #tpu.memory_space<hbm>> -> memref<200000x64xf32, #tpu.memory_space<hbm>>
    tpu.wait_indirect_dma semaphore(%arg8 : memref<!tpu.dma_semaphore, #tpu.memory_space<semaphore_mem>>) src(%dma_wait3A_60 : memref<200000x64xf32, #tpu.memory_space<hbm>>) dst(%dma_wait3A_54 : memref<128x64xf32, #tpu.memory_space<vmem>>)
    %dma_wait3A_61 = arith.constant 1 : i32
    %dma_wait3A_62 = arith.constant 128 : i32
    %dma_wait3A_63 = arith.constant 0 : i32
    %dma_wait3A_64 = tpu.memref_slice %arg6[%dma_wait3A_62, %dma_wait3A_63] : memref<640x64xf32, #tpu.memory_space<vmem>> -> memref<128x64xf32, #tpu.memory_space<vmem>>
    %dma_wait3A_65 = arith.constant 0 : i32
    %dma_wait3A_66 = tpu.memref_slice %arg5[%dma_wait3A_61, %dma_wait3A_65] : memref<50x128xi32, #tpu.memory_space<vmem>> -> memref<1x128xi32, #tpu.memory_space<vmem>>
    %dma_wait3A_67 = tpu.memref_squeeze %dma_wait3A_66 : memref<1x128xi32, #tpu.memory_space<vmem>> -> memref<128xi32, #tpu.memory_space<vmem>>
    %dma_wait3A_68 = arith.constant 0 : i32
    %dma_wait3A_69 = arith.constant 0 : i32
    %dma_wait3A_70 = tpu.memref_slice %arg2[%dma_wait3A_68, %dma_wait3A_69] : memref<200000x64xf32, #tpu.memory_space<hbm>> -> memref<200000x64xf32, #tpu.memory_space<hbm>>
    tpu.wait_indirect_dma semaphore(%arg8 : memref<!tpu.dma_semaphore, #tpu.memory_space<semaphore_mem>>) src(%dma_wait3A_70 : memref<200000x64xf32, #tpu.memory_space<hbm>>) dst(%dma_wait3A_64 : memref<128x64xf32, #tpu.memory_space<vmem>>)
    %dma_wait3A_71 = arith.constant 2 : i32
    %dma_wait3A_72 = arith.constant 256 : i32
    %dma_wait3A_73 = arith.constant 0 : i32
    %dma_wait3A_74 = tpu.memref_slice %arg6[%dma_wait3A_72, %dma_wait3A_73] : memref<640x64xf32, #tpu.memory_space<vmem>> -> memref<128x64xf32, #tpu.memory_space<vmem>>
    %dma_wait3A_75 = arith.constant 0 : i32
    %dma_wait3A_76 = tpu.memref_slice %arg5[%dma_wait3A_71, %dma_wait3A_75] : memref<50x128xi32, #tpu.memory_space<vmem>> -> memref<1x128xi32, #tpu.memory_space<vmem>>
    %dma_wait3A_77 = tpu.memref_squeeze %dma_wait3A_76 : memref<1x128xi32, #tpu.memory_space<vmem>> -> memref<128xi32, #tpu.memory_space<vmem>>
    %dma_wait3A_78 = arith.constant 0 : i32
    %dma_wait3A_79 = arith.constant 0 : i32
    %dma_wait3A_80 = tpu.memref_slice %arg2[%dma_wait3A_78, %dma_wait3A_79] : memref<200000x64xf32, #tpu.memory_space<hbm>> -> memref<200000x64xf32, #tpu.memory_space<hbm>>
    tpu.wait_indirect_dma semaphore(%arg8 : memref<!tpu.dma_semaphore, #tpu.memory_space<semaphore_mem>>) src(%dma_wait3A_80 : memref<200000x64xf32, #tpu.memory_space<hbm>>) dst(%dma_wait3A_74 : memref<128x64xf32, #tpu.memory_space<vmem>>)
    %dma_wait3A_81 = arith.constant 3 : i32
    %dma_wait3A_82 = arith.constant 384 : i32
    %dma_wait3A_83 = arith.constant 0 : i32
    %dma_wait3A_84 = tpu.memref_slice %arg6[%dma_wait3A_82, %dma_wait3A_83] : memref<640x64xf32, #tpu.memory_space<vmem>> -> memref<128x64xf32, #tpu.memory_space<vmem>>
    %dma_wait3A_85 = arith.constant 0 : i32
    %dma_wait3A_86 = tpu.memref_slice %arg5[%dma_wait3A_81, %dma_wait3A_85] : memref<50x128xi32, #tpu.memory_space<vmem>> -> memref<1x128xi32, #tpu.memory_space<vmem>>
    %dma_wait3A_87 = tpu.memref_squeeze %dma_wait3A_86 : memref<1x128xi32, #tpu.memory_space<vmem>> -> memref<128xi32, #tpu.memory_space<vmem>>
    %dma_wait3A_88 = arith.constant 0 : i32
    %dma_wait3A_89 = arith.constant 0 : i32
    %dma_wait3A_90 = tpu.memref_slice %arg2[%dma_wait3A_88, %dma_wait3A_89] : memref<200000x64xf32, #tpu.memory_space<hbm>> -> memref<200000x64xf32, #tpu.memory_space<hbm>>
    tpu.wait_indirect_dma semaphore(%arg8 : memref<!tpu.dma_semaphore, #tpu.memory_space<semaphore_mem>>) src(%dma_wait3A_90 : memref<200000x64xf32, #tpu.memory_space<hbm>>) dst(%dma_wait3A_84 : memref<128x64xf32, #tpu.memory_space<vmem>>)
    %dma_wait3A_91 = arith.constant 4 : i32
    %dma_wait3A_92 = arith.constant 512 : i32
    %dma_wait3A_93 = arith.constant 0 : i32
    %dma_wait3A_94 = tpu.memref_slice %arg6[%dma_wait3A_92, %dma_wait3A_93] : memref<640x64xf32, #tpu.memory_space<vmem>> -> memref<128x64xf32, #tpu.memory_space<vmem>>
    %dma_wait3A_95 = arith.constant 0 : i32
    %dma_wait3A_96 = tpu.memref_slice %arg5[%dma_wait3A_91, %dma_wait3A_95] : memref<50x128xi32, #tpu.memory_space<vmem>> -> memref<1x128xi32, #tpu.memory_space<vmem>>
    %dma_wait3A_97 = tpu.memref_squeeze %dma_wait3A_96 : memref<1x128xi32, #tpu.memory_space<vmem>> -> memref<128xi32, #tpu.memory_space<vmem>>
    %dma_wait3A_98 = arith.constant 0 : i32
    %dma_wait3A_99 = arith.constant 0 : i32
    %dma_wait3A_100 = tpu.memref_slice %arg2[%dma_wait3A_98, %dma_wait3A_99] : memref<200000x64xf32, #tpu.memory_space<hbm>> -> memref<200000x64xf32, #tpu.memory_space<hbm>>
    tpu.wait_indirect_dma semaphore(%arg8 : memref<!tpu.dma_semaphore, #tpu.memory_space<semaphore_mem>>) src(%dma_wait3A_100 : memref<200000x64xf32, #tpu.memory_space<hbm>>) dst(%dma_wait3A_94 : memref<128x64xf32, #tpu.memory_space<vmem>>)
    %dma_start3A_101 = arith.constant 5 : i32
    %dma_start3A_102 = arith.constant 0 : i32
    %dma_start3A_103 = arith.constant 0 : i32
    %dma_start3A_104 = tpu.memref_slice %arg7[%dma_start3A_102, %dma_start3A_103] : memref<640x64xf32, #tpu.memory_space<vmem>> -> memref<128x64xf32, #tpu.memory_space<vmem>>
    %dma_start3A_105 = arith.constant 0 : i32
    %dma_start3A_106 = tpu.memref_slice %arg5[%dma_start3A_101, %dma_start3A_105] : memref<50x128xi32, #tpu.memory_space<vmem>> -> memref<1x128xi32, #tpu.memory_space<vmem>>
    %dma_start3A_107 = tpu.memref_squeeze %dma_start3A_106 : memref<1x128xi32, #tpu.memory_space<vmem>> -> memref<128xi32, #tpu.memory_space<vmem>>
    %dma_start3A_108 = arith.constant 0 : i32
    %dma_start3A_109 = arith.constant 0 : i32
    %dma_start3A_110 = tpu.memref_slice %arg2[%dma_start3A_108, %dma_start3A_109] : memref<200000x64xf32, #tpu.memory_space<hbm>> -> memref<200000x64xf32, #tpu.memory_space<hbm>>
    tpu.enqueue_indirect_dma source(%dma_start3A_110 : memref<200000x64xf32, #tpu.memory_space<hbm>>) target(%dma_start3A_104 : memref<128x64xf32, #tpu.memory_space<vmem>>) offsets(%dma_start3A_107 : memref<128xi32, #tpu.memory_space<vmem>>) semaphore(%arg9 : memref<!tpu.dma_semaphore, #tpu.memory_space<semaphore_mem>>)
    %dma_start3A_111 = arith.constant 6 : i32
    %dma_start3A_112 = arith.constant 128 : i32
    %dma_start3A_113 = arith.constant 0 : i32
    %dma_start3A_114 = tpu.memref_slice %arg7[%dma_start3A_112, %dma_start3A_113] : memref<640x64xf32, #tpu.memory_space<vmem>> -> memref<128x64xf32, #tpu.memory_space<vmem>>
    %dma_start3A_115 = arith.constant 0 : i32
    %dma_start3A_116 = tpu.memref_slice %arg5[%dma_start3A_111, %dma_start3A_115] : memref<50x128xi32, #tpu.memory_space<vmem>> -> memref<1x128xi32, #tpu.memory_space<vmem>>
    %dma_start3A_117 = tpu.memref_squeeze %dma_start3A_116 : memref<1x128xi32, #tpu.memory_space<vmem>> -> memref<128xi32, #tpu.memory_space<vmem>>
    %dma_start3A_118 = arith.constant 0 : i32
    %dma_start3A_119 = arith.constant 0 : i32
    %dma_start3A_120 = tpu.memref_slice %arg2[%dma_start3A_118, %dma_start3A_119] : memref<200000x64xf32, #tpu.memory_space<hbm>> -> memref<200000x64xf32, #tpu.memory_space<hbm>>
    tpu.enqueue_indirect_dma source(%dma_start3A_120 : memref<200000x64xf32, #tpu.memory_space<hbm>>) target(%dma_start3A_114 : memref<128x64xf32, #tpu.memory_space<vmem>>) offsets(%dma_start3A_117 : memref<128xi32, #tpu.memory_space<vmem>>) semaphore(%arg9 : memref<!tpu.dma_semaphore, #tpu.memory_space<semaphore_mem>>)
    %dma_start3A_121 = arith.constant 7 : i32
    %dma_start3A_122 = arith.constant 256 : i32
    %dma_start3A_123 = arith.constant 0 : i32
    %dma_start3A_124 = tpu.memref_slice %arg7[%dma_start3A_122, %dma_start3A_123] : memref<640x64xf32, #tpu.memory_space<vmem>> -> memref<128x64xf32, #tpu.memory_space<vmem>>
    %dma_start3A_125 = arith.constant 0 : i32
    %dma_start3A_126 = tpu.memref_slice %arg5[%dma_start3A_121, %dma_start3A_125] : memref<50x128xi32, #tpu.memory_space<vmem>> -> memref<1x128xi32, #tpu.memory_space<vmem>>
    %dma_start3A_127 = tpu.memref_squeeze %dma_start3A_126 : memref<1x128xi32, #tpu.memory_space<vmem>> -> memref<128xi32, #tpu.memory_space<vmem>>
    %dma_start3A_128 = arith.constant 0 : i32
    %dma_start3A_129 = arith.constant 0 : i32
    %dma_start3A_130 = tpu.memref_slice %arg2[%dma_start3A_128, %dma_start3A_129] : memref<200000x64xf32, #tpu.memory_space<hbm>> -> memref<200000x64xf32, #tpu.memory_space<hbm>>
    tpu.enqueue_indirect_dma source(%dma_start3A_130 : memref<200000x64xf32, #tpu.memory_space<hbm>>) target(%dma_start3A_124 : memref<128x64xf32, #tpu.memory_space<vmem>>) offsets(%dma_start3A_127 : memref<128xi32, #tpu.memory_space<vmem>>) semaphore(%arg9 : memref<!tpu.dma_semaphore, #tpu.memory_space<semaphore_mem>>)
    %dma_start3A_131 = arith.constant 8 : i32
    %dma_start3A_132 = arith.constant 384 : i32
    %dma_start3A_133 = arith.constant 0 : i32
    %dma_start3A_134 = tpu.memref_slice %arg7[%dma_start3A_132, %dma_start3A_133] : memref<640x64xf32, #tpu.memory_space<vmem>> -> memref<128x64xf32, #tpu.memory_space<vmem>>
    %dma_start3A_135 = arith.constant 0 : i32
    %dma_start3A_136 = tpu.memref_slice %arg5[%dma_start3A_131, %dma_start3A_135] : memref<50x128xi32, #tpu.memory_space<vmem>> -> memref<1x128xi32, #tpu.memory_space<vmem>>
    %dma_start3A_137 = tpu.memref_squeeze %dma_start3A_136 : memref<1x128xi32, #tpu.memory_space<vmem>> -> memref<128xi32, #tpu.memory_space<vmem>>
    %dma_start3A_138 = arith.constant 0 : i32
    %dma_start3A_139 = arith.constant 0 : i32
    %dma_start3A_140 = tpu.memref_slice %arg2[%dma_start3A_138, %dma_start3A_139] : memref<200000x64xf32, #tpu.memory_space<hbm>> -> memref<200000x64xf32, #tpu.memory_space<hbm>>
    tpu.enqueue_indirect_dma source(%dma_start3A_140 : memref<200000x64xf32, #tpu.memory_space<hbm>>) target(%dma_start3A_134 : memref<128x64xf32, #tpu.memory_space<vmem>>) offsets(%dma_start3A_137 : memref<128xi32, #tpu.memory_space<vmem>>) semaphore(%arg9 : memref<!tpu.dma_semaphore, #tpu.memory_space<semaphore_mem>>)
    %dma_start3A_141 = arith.constant 9 : i32
    %dma_start3A_142 = arith.constant 512 : i32
    %dma_start3A_143 = arith.constant 0 : i32
    %dma_start3A_144 = tpu.memref_slice %arg7[%dma_start3A_142, %dma_start3A_143] : memref<640x64xf32, #tpu.memory_space<vmem>> -> memref<128x64xf32, #tpu.memory_space<vmem>>
    %dma_start3A_145 = arith.constant 0 : i32
    %dma_start3A_146 = tpu.memref_slice %arg5[%dma_start3A_141, %dma_start3A_145] : memref<50x128xi32, #tpu.memory_space<vmem>> -> memref<1x128xi32, #tpu.memory_space<vmem>>
    %dma_start3A_147 = tpu.memref_squeeze %dma_start3A_146 : memref<1x128xi32, #tpu.memory_space<vmem>> -> memref<128xi32, #tpu.memory_space<vmem>>
    %dma_start3A_148 = arith.constant 0 : i32
    %dma_start3A_149 = arith.constant 0 : i32
    %dma_start3A_150 = tpu.memref_slice %arg2[%dma_start3A_148, %dma_start3A_149] : memref<200000x64xf32, #tpu.memory_space<hbm>> -> memref<200000x64xf32, #tpu.memory_space<hbm>>
    tpu.enqueue_indirect_dma source(%dma_start3A_150 : memref<200000x64xf32, #tpu.memory_space<hbm>>) target(%dma_start3A_144 : memref<128x64xf32, #tpu.memory_space<vmem>>) offsets(%dma_start3A_147 : memref<128xi32, #tpu.memory_space<vmem>>) semaphore(%arg9 : memref<!tpu.dma_semaphore, #tpu.memory_space<semaphore_mem>>)
    %add3A_151 = arith.constant 0 : i32
    %add3A_152 = arith.addi %mul3A_2, %add3A_151 : i32
    "tpu.region"() ({
      %run_scoped3A = tpu.sem_alloc : memref<!tpu.dma_semaphore, #tpu.memory_space<semaphore_mem>>
      %dma_start3A_1021 = arith.constant 0 : i32
      %dma_start3A_1022 = tpu.memref_slice %arg4[%add3A_152, %dma_start3A_1021] : memref<204800x64xf32, #tpu.memory_space<hbm>> -> memref<640x64xf32, #tpu.memory_space<hbm>>
      %dma_start3A_1023 = arith.constant 0 : i32
      %dma_start3A_1024 = tpu.memref_slice %arg4[%add3A_152, %dma_start3A_1023] : memref<204800x64xf32, #tpu.memory_space<hbm>> -> memref<640x64xf32, #tpu.memory_space<hbm>>
      tpu.enqueue_dma source(%arg6 : memref<640x64xf32, #tpu.memory_space<vmem>>) target(%dma_start3A_1024 : memref<640x64xf32, #tpu.memory_space<hbm>>) target_semaphore(%run_scoped3A : memref<!tpu.dma_semaphore, #tpu.memory_space<semaphore_mem>>)
      %dma_wait3A_1025 = arith.constant 0 : i32
      %dma_wait3A_1026 = tpu.memref_slice %arg4[%add3A_152, %dma_wait3A_1025] : memref<204800x64xf32, #tpu.memory_space<hbm>> -> memref<640x64xf32, #tpu.memory_space<hbm>>
      %dma_wait3A_1027 = arith.constant 0 : i32
      %dma_wait3A_1028 = tpu.memref_slice %arg4[%add3A_152, %dma_wait3A_1027] : memref<204800x64xf32, #tpu.memory_space<hbm>> -> memref<640x64xf32, #tpu.memory_space<hbm>>
      tpu.wait_dma2 semaphore(%run_scoped3A : memref<!tpu.dma_semaphore, #tpu.memory_space<semaphore_mem>>) src(%arg6 : memref<640x64xf32, #tpu.memory_space<vmem>>) dst(%dma_wait3A_1028 : memref<640x64xf32, #tpu.memory_space<hbm>>)
      tpu.yield
    }) : () -> ()
    %dma_wait3A_153 = arith.constant 5 : i32
    %dma_wait3A_154 = arith.constant 0 : i32
    %dma_wait3A_155 = arith.constant 0 : i32
    %dma_wait3A_156 = tpu.memref_slice %arg7[%dma_wait3A_154, %dma_wait3A_155] : memref<640x64xf32, #tpu.memory_space<vmem>> -> memref<128x64xf32, #tpu.memory_space<vmem>>
    %dma_wait3A_157 = arith.constant 0 : i32
    %dma_wait3A_158 = tpu.memref_slice %arg5[%dma_wait3A_153, %dma_wait3A_157] : memref<50x128xi32, #tpu.memory_space<vmem>> -> memref<1x128xi32, #tpu.memory_space<vmem>>
    %dma_wait3A_159 = tpu.memref_squeeze %dma_wait3A_158 : memref<1x128xi32, #tpu.memory_space<vmem>> -> memref<128xi32, #tpu.memory_space<vmem>>
    %dma_wait3A_160 = arith.constant 0 : i32
    %dma_wait3A_161 = arith.constant 0 : i32
    %dma_wait3A_162 = tpu.memref_slice %arg2[%dma_wait3A_160, %dma_wait3A_161] : memref<200000x64xf32, #tpu.memory_space<hbm>> -> memref<200000x64xf32, #tpu.memory_space<hbm>>
    tpu.wait_indirect_dma semaphore(%arg9 : memref<!tpu.dma_semaphore, #tpu.memory_space<semaphore_mem>>) src(%dma_wait3A_162 : memref<200000x64xf32, #tpu.memory_space<hbm>>) dst(%dma_wait3A_156 : memref<128x64xf32, #tpu.memory_space<vmem>>)
    %dma_wait3A_163 = arith.constant 6 : i32
    %dma_wait3A_164 = arith.constant 128 : i32
    %dma_wait3A_165 = arith.constant 0 : i32
    %dma_wait3A_166 = tpu.memref_slice %arg7[%dma_wait3A_164, %dma_wait3A_165] : memref<640x64xf32, #tpu.memory_space<vmem>> -> memref<128x64xf32, #tpu.memory_space<vmem>>
    %dma_wait3A_167 = arith.constant 0 : i32
    %dma_wait3A_168 = tpu.memref_slice %arg5[%dma_wait3A_163, %dma_wait3A_167] : memref<50x128xi32, #tpu.memory_space<vmem>> -> memref<1x128xi32, #tpu.memory_space<vmem>>
    %dma_wait3A_169 = tpu.memref_squeeze %dma_wait3A_168 : memref<1x128xi32, #tpu.memory_space<vmem>> -> memref<128xi32, #tpu.memory_space<vmem>>
    %dma_wait3A_170 = arith.constant 0 : i32
    %dma_wait3A_171 = arith.constant 0 : i32
    %dma_wait3A_172 = tpu.memref_slice %arg2[%dma_wait3A_170, %dma_wait3A_171] : memref<200000x64xf32, #tpu.memory_space<hbm>> -> memref<200000x64xf32, #tpu.memory_space<hbm>>
    tpu.wait_indirect_dma semaphore(%arg9 : memref<!tpu.dma_semaphore, #tpu.memory_space<semaphore_mem>>) src(%dma_wait3A_172 : memref<200000x64xf32, #tpu.memory_space<hbm>>) dst(%dma_wait3A_166 : memref<128x64xf32, #tpu.memory_space<vmem>>)
    %dma_wait3A_173 = arith.constant 7 : i32
    %dma_wait3A_174 = arith.constant 256 : i32
    %dma_wait3A_175 = arith.constant 0 : i32
    %dma_wait3A_176 = tpu.memref_slice %arg7[%dma_wait3A_174, %dma_wait3A_175] : memref<640x64xf32, #tpu.memory_space<vmem>> -> memref<128x64xf32, #tpu.memory_space<vmem>>
    %dma_wait3A_177 = arith.constant 0 : i32
    %dma_wait3A_178 = tpu.memref_slice %arg5[%dma_wait3A_173, %dma_wait3A_177] : memref<50x128xi32, #tpu.memory_space<vmem>> -> memref<1x128xi32, #tpu.memory_space<vmem>>
    %dma_wait3A_179 = tpu.memref_squeeze %dma_wait3A_178 : memref<1x128xi32, #tpu.memory_space<vmem>> -> memref<128xi32, #tpu.memory_space<vmem>>
    %dma_wait3A_180 = arith.constant 0 : i32
    %dma_wait3A_181 = arith.constant 0 : i32
    %dma_wait3A_182 = tpu.memref_slice %arg2[%dma_wait3A_180, %dma_wait3A_181] : memref<200000x64xf32, #tpu.memory_space<hbm>> -> memref<200000x64xf32, #tpu.memory_space<hbm>>
    tpu.wait_indirect_dma semaphore(%arg9 : memref<!tpu.dma_semaphore, #tpu.memory_space<semaphore_mem>>) src(%dma_wait3A_182 : memref<200000x64xf32, #tpu.memory_space<hbm>>) dst(%dma_wait3A_176 : memref<128x64xf32, #tpu.memory_space<vmem>>)
    %dma_wait3A_183 = arith.constant 8 : i32
    %dma_wait3A_184 = arith.constant 384 : i32
    %dma_wait3A_185 = arith.constant 0 : i32
    %dma_wait3A_186 = tpu.memref_slice %arg7[%dma_wait3A_184, %dma_wait3A_185] : memref<640x64xf32, #tpu.memory_space<vmem>> -> memref<128x64xf32, #tpu.memory_space<vmem>>
    %dma_wait3A_187 = arith.constant 0 : i32
    %dma_wait3A_188 = tpu.memref_slice %arg5[%dma_wait3A_183, %dma_wait3A_187] : memref<50x128xi32, #tpu.memory_space<vmem>> -> memref<1x128xi32, #tpu.memory_space<vmem>>
    %dma_wait3A_189 = tpu.memref_squeeze %dma_wait3A_188 : memref<1x128xi32, #tpu.memory_space<vmem>> -> memref<128xi32, #tpu.memory_space<vmem>>
    %dma_wait3A_190 = arith.constant 0 : i32
    %dma_wait3A_191 = arith.constant 0 : i32
    %dma_wait3A_192 = tpu.memref_slice %arg2[%dma_wait3A_190, %dma_wait3A_191] : memref<200000x64xf32, #tpu.memory_space<hbm>> -> memref<200000x64xf32, #tpu.memory_space<hbm>>
    tpu.wait_indirect_dma semaphore(%arg9 : memref<!tpu.dma_semaphore, #tpu.memory_space<semaphore_mem>>) src(%dma_wait3A_192 : memref<200000x64xf32, #tpu.memory_space<hbm>>) dst(%dma_wait3A_186 : memref<128x64xf32, #tpu.memory_space<vmem>>)
    %dma_wait3A_193 = arith.constant 9 : i32
    %dma_wait3A_194 = arith.constant 512 : i32
    %dma_wait3A_195 = arith.constant 0 : i32
    %dma_wait3A_196 = tpu.memref_slice %arg7[%dma_wait3A_194, %dma_wait3A_195] : memref<640x64xf32, #tpu.memory_space<vmem>> -> memref<128x64xf32, #tpu.memory_space<vmem>>
    %dma_wait3A_197 = arith.constant 0 : i32
    %dma_wait3A_198 = tpu.memref_slice %arg5[%dma_wait3A_193, %dma_wait3A_197] : memref<50x128xi32, #tpu.memory_space<vmem>> -> memref<1x128xi32, #tpu.memory_space<vmem>>
    %dma_wait3A_199 = tpu.memref_squeeze %dma_wait3A_198 : memref<1x128xi32, #tpu.memory_space<vmem>> -> memref<128xi32, #tpu.memory_space<vmem>>
    %dma_wait3A_200 = arith.constant 0 : i32
    %dma_wait3A_201 = arith.constant 0 : i32
    %dma_wait3A_202 = tpu.memref_slice %arg2[%dma_wait3A_200, %dma_wait3A_201] : memref<200000x64xf32, #tpu.memory_space<hbm>> -> memref<200000x64xf32, #tpu.memory_space<hbm>>
    tpu.wait_indirect_dma semaphore(%arg9 : memref<!tpu.dma_semaphore, #tpu.memory_space<semaphore_mem>>) src(%dma_wait3A_202 : memref<200000x64xf32, #tpu.memory_space<hbm>>) dst(%dma_wait3A_196 : memref<128x64xf32, #tpu.memory_space<vmem>>)
    %dma_start3A_203 = arith.constant 10 : i32
    %dma_start3A_204 = arith.constant 0 : i32
    %dma_start3A_205 = arith.constant 0 : i32
    %dma_start3A_206 = tpu.memref_slice %arg6[%dma_start3A_204, %dma_start3A_205] : memref<640x64xf32, #tpu.memory_space<vmem>> -> memref<128x64xf32, #tpu.memory_space<vmem>>
    %dma_start3A_207 = arith.constant 0 : i32
    %dma_start3A_208 = tpu.memref_slice %arg5[%dma_start3A_203, %dma_start3A_207] : memref<50x128xi32, #tpu.memory_space<vmem>> -> memref<1x128xi32, #tpu.memory_space<vmem>>
    %dma_start3A_209 = tpu.memref_squeeze %dma_start3A_208 : memref<1x128xi32, #tpu.memory_space<vmem>> -> memref<128xi32, #tpu.memory_space<vmem>>
    %dma_start3A_210 = arith.constant 0 : i32
    %dma_start3A_211 = arith.constant 0 : i32
    %dma_start3A_212 = tpu.memref_slice %arg2[%dma_start3A_210, %dma_start3A_211] : memref<200000x64xf32, #tpu.memory_space<hbm>> -> memref<200000x64xf32, #tpu.memory_space<hbm>>
    tpu.enqueue_indirect_dma source(%dma_start3A_212 : memref<200000x64xf32, #tpu.memory_space<hbm>>) target(%dma_start3A_206 : memref<128x64xf32, #tpu.memory_space<vmem>>) offsets(%dma_start3A_209 : memref<128xi32, #tpu.memory_space<vmem>>) semaphore(%arg8 : memref<!tpu.dma_semaphore, #tpu.memory_space<semaphore_mem>>)
    %dma_start3A_213 = arith.constant 11 : i32
    %dma_start3A_214 = arith.constant 128 : i32
    %dma_start3A_215 = arith.constant 0 : i32
    %dma_start3A_216 = tpu.memref_slice %arg6[%dma_start3A_214, %dma_start3A_215] : memref<640x64xf32, #tpu.memory_space<vmem>> -> memref<128x64xf32, #tpu.memory_space<vmem>>
    %dma_start3A_217 = arith.constant 0 : i32
    %dma_start3A_218 = tpu.memref_slice %arg5[%dma_start3A_213, %dma_start3A_217] : memref<50x128xi32, #tpu.memory_space<vmem>> -> memref<1x128xi32, #tpu.memory_space<vmem>>
    %dma_start3A_219 = tpu.memref_squeeze %dma_start3A_218 : memref<1x128xi32, #tpu.memory_space<vmem>> -> memref<128xi32, #tpu.memory_space<vmem>>
    %dma_start3A_220 = arith.constant 0 : i32
    %dma_start3A_221 = arith.constant 0 : i32
    %dma_start3A_222 = tpu.memref_slice %arg2[%dma_start3A_220, %dma_start3A_221] : memref<200000x64xf32, #tpu.memory_space<hbm>> -> memref<200000x64xf32, #tpu.memory_space<hbm>>
    tpu.enqueue_indirect_dma source(%dma_start3A_222 : memref<200000x64xf32, #tpu.memory_space<hbm>>) target(%dma_start3A_216 : memref<128x64xf32, #tpu.memory_space<vmem>>) offsets(%dma_start3A_219 : memref<128xi32, #tpu.memory_space<vmem>>) semaphore(%arg8 : memref<!tpu.dma_semaphore, #tpu.memory_space<semaphore_mem>>)
    %dma_start3A_223 = arith.constant 12 : i32
    %dma_start3A_224 = arith.constant 256 : i32
    %dma_start3A_225 = arith.constant 0 : i32
    %dma_start3A_226 = tpu.memref_slice %arg6[%dma_start3A_224, %dma_start3A_225] : memref<640x64xf32, #tpu.memory_space<vmem>> -> memref<128x64xf32, #tpu.memory_space<vmem>>
    %dma_start3A_227 = arith.constant 0 : i32
    %dma_start3A_228 = tpu.memref_slice %arg5[%dma_start3A_223, %dma_start3A_227] : memref<50x128xi32, #tpu.memory_space<vmem>> -> memref<1x128xi32, #tpu.memory_space<vmem>>
    %dma_start3A_229 = tpu.memref_squeeze %dma_start3A_228 : memref<1x128xi32, #tpu.memory_space<vmem>> -> memref<128xi32, #tpu.memory_space<vmem>>
    %dma_start3A_230 = arith.constant 0 : i32
    %dma_start3A_231 = arith.constant 0 : i32
    %dma_start3A_232 = tpu.memref_slice %arg2[%dma_start3A_230, %dma_start3A_231] : memref<200000x64xf32, #tpu.memory_space<hbm>> -> memref<200000x64xf32, #tpu.memory_space<hbm>>
    tpu.enqueue_indirect_dma source(%dma_start3A_232 : memref<200000x64xf32, #tpu.memory_space<hbm>>) target(%dma_start3A_226 : memref<128x64xf32, #tpu.memory_space<vmem>>) offsets(%dma_start3A_229 : memref<128xi32, #tpu.memory_space<vmem>>) semaphore(%arg8 : memref<!tpu.dma_semaphore, #tpu.memory_space<semaphore_mem>>)
    %dma_start3A_233 = arith.constant 13 : i32
    %dma_start3A_234 = arith.constant 384 : i32
    %dma_start3A_235 = arith.constant 0 : i32
    %dma_start3A_236 = tpu.memref_slice %arg6[%dma_start3A_234, %dma_start3A_235] : memref<640x64xf32, #tpu.memory_space<vmem>> -> memref<128x64xf32, #tpu.memory_space<vmem>>
    %dma_start3A_237 = arith.constant 0 : i32
    %dma_start3A_238 = tpu.memref_slice %arg5[%dma_start3A_233, %dma_start3A_237] : memref<50x128xi32, #tpu.memory_space<vmem>> -> memref<1x128xi32, #tpu.memory_space<vmem>>
    %dma_start3A_239 = tpu.memref_squeeze %dma_start3A_238 : memref<1x128xi32, #tpu.memory_space<vmem>> -> memref<128xi32, #tpu.memory_space<vmem>>
    %dma_start3A_240 = arith.constant 0 : i32
    %dma_start3A_241 = arith.constant 0 : i32
    %dma_start3A_242 = tpu.memref_slice %arg2[%dma_start3A_240, %dma_start3A_241] : memref<200000x64xf32, #tpu.memory_space<hbm>> -> memref<200000x64xf32, #tpu.memory_space<hbm>>
    tpu.enqueue_indirect_dma source(%dma_start3A_242 : memref<200000x64xf32, #tpu.memory_space<hbm>>) target(%dma_start3A_236 : memref<128x64xf32, #tpu.memory_space<vmem>>) offsets(%dma_start3A_239 : memref<128xi32, #tpu.memory_space<vmem>>) semaphore(%arg8 : memref<!tpu.dma_semaphore, #tpu.memory_space<semaphore_mem>>)
    %dma_start3A_243 = arith.constant 14 : i32
    %dma_start3A_244 = arith.constant 512 : i32
    %dma_start3A_245 = arith.constant 0 : i32
    %dma_start3A_246 = tpu.memref_slice %arg6[%dma_start3A_244, %dma_start3A_245] : memref<640x64xf32, #tpu.memory_space<vmem>> -> memref<128x64xf32, #tpu.memory_space<vmem>>
    %dma_start3A_247 = arith.constant 0 : i32
    %dma_start3A_248 = tpu.memref_slice %arg5[%dma_start3A_243, %dma_start3A_247] : memref<50x128xi32, #tpu.memory_space<vmem>> -> memref<1x128xi32, #tpu.memory_space<vmem>>
    %dma_start3A_249 = tpu.memref_squeeze %dma_start3A_248 : memref<1x128xi32, #tpu.memory_space<vmem>> -> memref<128xi32, #tpu.memory_space<vmem>>
    %dma_start3A_250 = arith.constant 0 : i32
    %dma_start3A_251 = arith.constant 0 : i32
    %dma_start3A_252 = tpu.memref_slice %arg2[%dma_start3A_250, %dma_start3A_251] : memref<200000x64xf32, #tpu.memory_space<hbm>> -> memref<200000x64xf32, #tpu.memory_space<hbm>>
    tpu.enqueue_indirect_dma source(%dma_start3A_252 : memref<200000x64xf32, #tpu.memory_space<hbm>>) target(%dma_start3A_246 : memref<128x64xf32, #tpu.memory_space<vmem>>) offsets(%dma_start3A_249 : memref<128xi32, #tpu.memory_space<vmem>>) semaphore(%arg8 : memref<!tpu.dma_semaphore, #tpu.memory_space<semaphore_mem>>)
    %add3A_253 = arith.constant 640 : i32
    %add3A_254 = arith.addi %mul3A_2, %add3A_253 : i32
    "tpu.region"() ({
      %run_scoped3A = tpu.sem_alloc : memref<!tpu.dma_semaphore, #tpu.memory_space<semaphore_mem>>
      %dma_start3A_1021 = arith.constant 0 : i32
      %dma_start3A_1022 = tpu.memref_slice %arg4[%add3A_254, %dma_start3A_1021] : memref<204800x64xf32, #tpu.memory_space<hbm>> -> memref<640x64xf32, #tpu.memory_space<hbm>>
      %dma_start3A_1023 = arith.constant 0 : i32
      %dma_start3A_1024 = tpu.memref_slice %arg4[%add3A_254, %dma_start3A_1023] : memref<204800x64xf32, #tpu.memory_space<hbm>> -> memref<640x64xf32, #tpu.memory_space<hbm>>
      tpu.enqueue_dma source(%arg7 : memref<640x64xf32, #tpu.memory_space<vmem>>) target(%dma_start3A_1024 : memref<640x64xf32, #tpu.memory_space<hbm>>) target_semaphore(%run_scoped3A : memref<!tpu.dma_semaphore, #tpu.memory_space<semaphore_mem>>)
      %dma_wait3A_1025 = arith.constant 0 : i32
      %dma_wait3A_1026 = tpu.memref_slice %arg4[%add3A_254, %dma_wait3A_1025] : memref<204800x64xf32, #tpu.memory_space<hbm>> -> memref<640x64xf32, #tpu.memory_space<hbm>>
      %dma_wait3A_1027 = arith.constant 0 : i32
      %dma_wait3A_1028 = tpu.memref_slice %arg4[%add3A_254, %dma_wait3A_1027] : memref<204800x64xf32, #tpu.memory_space<hbm>> -> memref<640x64xf32, #tpu.memory_space<hbm>>
      tpu.wait_dma2 semaphore(%run_scoped3A : memref<!tpu.dma_semaphore, #tpu.memory_space<semaphore_mem>>) src(%arg7 : memref<640x64xf32, #tpu.memory_space<vmem>>) dst(%dma_wait3A_1028 : memref<640x64xf32, #tpu.memory_space<hbm>>)
      tpu.yield
    }) : () -> ()
    %dma_wait3A_255 = arith.constant 10 : i32
    %dma_wait3A_256 = arith.constant 0 : i32
    %dma_wait3A_257 = arith.constant 0 : i32
    %dma_wait3A_258 = tpu.memref_slice %arg6[%dma_wait3A_256, %dma_wait3A_257] : memref<640x64xf32, #tpu.memory_space<vmem>> -> memref<128x64xf32, #tpu.memory_space<vmem>>
    %dma_wait3A_259 = arith.constant 0 : i32
    %dma_wait3A_260 = tpu.memref_slice %arg5[%dma_wait3A_255, %dma_wait3A_259] : memref<50x128xi32, #tpu.memory_space<vmem>> -> memref<1x128xi32, #tpu.memory_space<vmem>>
    %dma_wait3A_261 = tpu.memref_squeeze %dma_wait3A_260 : memref<1x128xi32, #tpu.memory_space<vmem>> -> memref<128xi32, #tpu.memory_space<vmem>>
    %dma_wait3A_262 = arith.constant 0 : i32
    %dma_wait3A_263 = arith.constant 0 : i32
    %dma_wait3A_264 = tpu.memref_slice %arg2[%dma_wait3A_262, %dma_wait3A_263] : memref<200000x64xf32, #tpu.memory_space<hbm>> -> memref<200000x64xf32, #tpu.memory_space<hbm>>
    tpu.wait_indirect_dma semaphore(%arg8 : memref<!tpu.dma_semaphore, #tpu.memory_space<semaphore_mem>>) src(%dma_wait3A_264 : memref<200000x64xf32, #tpu.memory_space<hbm>>) dst(%dma_wait3A_258 : memref<128x64xf32, #tpu.memory_space<vmem>>)
    %dma_wait3A_265 = arith.constant 11 : i32
    %dma_wait3A_266 = arith.constant 128 : i32
    %dma_wait3A_267 = arith.constant 0 : i32
    %dma_wait3A_268 = tpu.memref_slice %arg6[%dma_wait3A_266, %dma_wait3A_267] : memref<640x64xf32, #tpu.memory_space<vmem>> -> memref<128x64xf32, #tpu.memory_space<vmem>>
    %dma_wait3A_269 = arith.constant 0 : i32
    %dma_wait3A_270 = tpu.memref_slice %arg5[%dma_wait3A_265, %dma_wait3A_269] : memref<50x128xi32, #tpu.memory_space<vmem>> -> memref<1x128xi32, #tpu.memory_space<vmem>>
    %dma_wait3A_271 = tpu.memref_squeeze %dma_wait3A_270 : memref<1x128xi32, #tpu.memory_space<vmem>> -> memref<128xi32, #tpu.memory_space<vmem>>
    %dma_wait3A_272 = arith.constant 0 : i32
    %dma_wait3A_273 = arith.constant 0 : i32
    %dma_wait3A_274 = tpu.memref_slice %arg2[%dma_wait3A_272, %dma_wait3A_273] : memref<200000x64xf32, #tpu.memory_space<hbm>> -> memref<200000x64xf32, #tpu.memory_space<hbm>>
    tpu.wait_indirect_dma semaphore(%arg8 : memref<!tpu.dma_semaphore, #tpu.memory_space<semaphore_mem>>) src(%dma_wait3A_274 : memref<200000x64xf32, #tpu.memory_space<hbm>>) dst(%dma_wait3A_268 : memref<128x64xf32, #tpu.memory_space<vmem>>)
    %dma_wait3A_275 = arith.constant 12 : i32
    %dma_wait3A_276 = arith.constant 256 : i32
    %dma_wait3A_277 = arith.constant 0 : i32
    %dma_wait3A_278 = tpu.memref_slice %arg6[%dma_wait3A_276, %dma_wait3A_277] : memref<640x64xf32, #tpu.memory_space<vmem>> -> memref<128x64xf32, #tpu.memory_space<vmem>>
    %dma_wait3A_279 = arith.constant 0 : i32
    %dma_wait3A_280 = tpu.memref_slice %arg5[%dma_wait3A_275, %dma_wait3A_279] : memref<50x128xi32, #tpu.memory_space<vmem>> -> memref<1x128xi32, #tpu.memory_space<vmem>>
    %dma_wait3A_281 = tpu.memref_squeeze %dma_wait3A_280 : memref<1x128xi32, #tpu.memory_space<vmem>> -> memref<128xi32, #tpu.memory_space<vmem>>
    %dma_wait3A_282 = arith.constant 0 : i32
    %dma_wait3A_283 = arith.constant 0 : i32
    %dma_wait3A_284 = tpu.memref_slice %arg2[%dma_wait3A_282, %dma_wait3A_283] : memref<200000x64xf32, #tpu.memory_space<hbm>> -> memref<200000x64xf32, #tpu.memory_space<hbm>>
    tpu.wait_indirect_dma semaphore(%arg8 : memref<!tpu.dma_semaphore, #tpu.memory_space<semaphore_mem>>) src(%dma_wait3A_284 : memref<200000x64xf32, #tpu.memory_space<hbm>>) dst(%dma_wait3A_278 : memref<128x64xf32, #tpu.memory_space<vmem>>)
    %dma_wait3A_285 = arith.constant 13 : i32
    %dma_wait3A_286 = arith.constant 384 : i32
    %dma_wait3A_287 = arith.constant 0 : i32
    %dma_wait3A_288 = tpu.memref_slice %arg6[%dma_wait3A_286, %dma_wait3A_287] : memref<640x64xf32, #tpu.memory_space<vmem>> -> memref<128x64xf32, #tpu.memory_space<vmem>>
    %dma_wait3A_289 = arith.constant 0 : i32
    %dma_wait3A_290 = tpu.memref_slice %arg5[%dma_wait3A_285, %dma_wait3A_289] : memref<50x128xi32, #tpu.memory_space<vmem>> -> memref<1x128xi32, #tpu.memory_space<vmem>>
    %dma_wait3A_291 = tpu.memref_squeeze %dma_wait3A_290 : memref<1x128xi32, #tpu.memory_space<vmem>> -> memref<128xi32, #tpu.memory_space<vmem>>
    %dma_wait3A_292 = arith.constant 0 : i32
    %dma_wait3A_293 = arith.constant 0 : i32
    %dma_wait3A_294 = tpu.memref_slice %arg2[%dma_wait3A_292, %dma_wait3A_293] : memref<200000x64xf32, #tpu.memory_space<hbm>> -> memref<200000x64xf32, #tpu.memory_space<hbm>>
    tpu.wait_indirect_dma semaphore(%arg8 : memref<!tpu.dma_semaphore, #tpu.memory_space<semaphore_mem>>) src(%dma_wait3A_294 : memref<200000x64xf32, #tpu.memory_space<hbm>>) dst(%dma_wait3A_288 : memref<128x64xf32, #tpu.memory_space<vmem>>)
    %dma_wait3A_295 = arith.constant 14 : i32
    %dma_wait3A_296 = arith.constant 512 : i32
    %dma_wait3A_297 = arith.constant 0 : i32
    %dma_wait3A_298 = tpu.memref_slice %arg6[%dma_wait3A_296, %dma_wait3A_297] : memref<640x64xf32, #tpu.memory_space<vmem>> -> memref<128x64xf32, #tpu.memory_space<vmem>>
    %dma_wait3A_299 = arith.constant 0 : i32
    %dma_wait3A_300 = tpu.memref_slice %arg5[%dma_wait3A_295, %dma_wait3A_299] : memref<50x128xi32, #tpu.memory_space<vmem>> -> memref<1x128xi32, #tpu.memory_space<vmem>>
    %dma_wait3A_301 = tpu.memref_squeeze %dma_wait3A_300 : memref<1x128xi32, #tpu.memory_space<vmem>> -> memref<128xi32, #tpu.memory_space<vmem>>
    %dma_wait3A_302 = arith.constant 0 : i32
    %dma_wait3A_303 = arith.constant 0 : i32
    %dma_wait3A_304 = tpu.memref_slice %arg2[%dma_wait3A_302, %dma_wait3A_303] : memref<200000x64xf32, #tpu.memory_space<hbm>> -> memref<200000x64xf32, #tpu.memory_space<hbm>>
    tpu.wait_indirect_dma semaphore(%arg8 : memref<!tpu.dma_semaphore, #tpu.memory_space<semaphore_mem>>) src(%dma_wait3A_304 : memref<200000x64xf32, #tpu.memory_space<hbm>>) dst(%dma_wait3A_298 : memref<128x64xf32, #tpu.memory_space<vmem>>)
    %dma_start3A_305 = arith.constant 15 : i32
    %dma_start3A_306 = arith.constant 0 : i32
    %dma_start3A_307 = arith.constant 0 : i32
    %dma_start3A_308 = tpu.memref_slice %arg7[%dma_start3A_306, %dma_start3A_307] : memref<640x64xf32, #tpu.memory_space<vmem>> -> memref<128x64xf32, #tpu.memory_space<vmem>>
    %dma_start3A_309 = arith.constant 0 : i32
    %dma_start3A_310 = tpu.memref_slice %arg5[%dma_start3A_305, %dma_start3A_309] : memref<50x128xi32, #tpu.memory_space<vmem>> -> memref<1x128xi32, #tpu.memory_space<vmem>>
    %dma_start3A_311 = tpu.memref_squeeze %dma_start3A_310 : memref<1x128xi32, #tpu.memory_space<vmem>> -> memref<128xi32, #tpu.memory_space<vmem>>
    %dma_start3A_312 = arith.constant 0 : i32
    %dma_start3A_313 = arith.constant 0 : i32
    %dma_start3A_314 = tpu.memref_slice %arg2[%dma_start3A_312, %dma_start3A_313] : memref<200000x64xf32, #tpu.memory_space<hbm>> -> memref<200000x64xf32, #tpu.memory_space<hbm>>
    tpu.enqueue_indirect_dma source(%dma_start3A_314 : memref<200000x64xf32, #tpu.memory_space<hbm>>) target(%dma_start3A_308 : memref<128x64xf32, #tpu.memory_space<vmem>>) offsets(%dma_start3A_311 : memref<128xi32, #tpu.memory_space<vmem>>) semaphore(%arg9 : memref<!tpu.dma_semaphore, #tpu.memory_space<semaphore_mem>>)
    %dma_start3A_315 = arith.constant 16 : i32
    %dma_start3A_316 = arith.constant 128 : i32
    %dma_start3A_317 = arith.constant 0 : i32
    %dma_start3A_318 = tpu.memref_slice %arg7[%dma_start3A_316, %dma_start3A_317] : memref<640x64xf32, #tpu.memory_space<vmem>> -> memref<128x64xf32, #tpu.memory_space<vmem>>
    %dma_start3A_319 = arith.constant 0 : i32
    %dma_start3A_320 = tpu.memref_slice %arg5[%dma_start3A_315, %dma_start3A_319] : memref<50x128xi32, #tpu.memory_space<vmem>> -> memref<1x128xi32, #tpu.memory_space<vmem>>
    %dma_start3A_321 = tpu.memref_squeeze %dma_start3A_320 : memref<1x128xi32, #tpu.memory_space<vmem>> -> memref<128xi32, #tpu.memory_space<vmem>>
    %dma_start3A_322 = arith.constant 0 : i32
    %dma_start3A_323 = arith.constant 0 : i32
    %dma_start3A_324 = tpu.memref_slice %arg2[%dma_start3A_322, %dma_start3A_323] : memref<200000x64xf32, #tpu.memory_space<hbm>> -> memref<200000x64xf32, #tpu.memory_space<hbm>>
    tpu.enqueue_indirect_dma source(%dma_start3A_324 : memref<200000x64xf32, #tpu.memory_space<hbm>>) target(%dma_start3A_318 : memref<128x64xf32, #tpu.memory_space<vmem>>) offsets(%dma_start3A_321 : memref<128xi32, #tpu.memory_space<vmem>>) semaphore(%arg9 : memref<!tpu.dma_semaphore, #tpu.memory_space<semaphore_mem>>)
    %dma_start3A_325 = arith.constant 17 : i32
    %dma_start3A_326 = arith.constant 256 : i32
    %dma_start3A_327 = arith.constant 0 : i32
    %dma_start3A_328 = tpu.memref_slice %arg7[%dma_start3A_326, %dma_start3A_327] : memref<640x64xf32, #tpu.memory_space<vmem>> -> memref<128x64xf32, #tpu.memory_space<vmem>>
    %dma_start3A_329 = arith.constant 0 : i32
    %dma_start3A_330 = tpu.memref_slice %arg5[%dma_start3A_325, %dma_start3A_329] : memref<50x128xi32, #tpu.memory_space<vmem>> -> memref<1x128xi32, #tpu.memory_space<vmem>>
    %dma_start3A_331 = tpu.memref_squeeze %dma_start3A_330 : memref<1x128xi32, #tpu.memory_space<vmem>> -> memref<128xi32, #tpu.memory_space<vmem>>
    %dma_start3A_332 = arith.constant 0 : i32
    %dma_start3A_333 = arith.constant 0 : i32
    %dma_start3A_334 = tpu.memref_slice %arg2[%dma_start3A_332, %dma_start3A_333] : memref<200000x64xf32, #tpu.memory_space<hbm>> -> memref<200000x64xf32, #tpu.memory_space<hbm>>
    tpu.enqueue_indirect_dma source(%dma_start3A_334 : memref<200000x64xf32, #tpu.memory_space<hbm>>) target(%dma_start3A_328 : memref<128x64xf32, #tpu.memory_space<vmem>>) offsets(%dma_start3A_331 : memref<128xi32, #tpu.memory_space<vmem>>) semaphore(%arg9 : memref<!tpu.dma_semaphore, #tpu.memory_space<semaphore_mem>>)
    %dma_start3A_335 = arith.constant 18 : i32
    %dma_start3A_336 = arith.constant 384 : i32
    %dma_start3A_337 = arith.constant 0 : i32
    %dma_start3A_338 = tpu.memref_slice %arg7[%dma_start3A_336, %dma_start3A_337] : memref<640x64xf32, #tpu.memory_space<vmem>> -> memref<128x64xf32, #tpu.memory_space<vmem>>
    %dma_start3A_339 = arith.constant 0 : i32
    %dma_start3A_340 = tpu.memref_slice %arg5[%dma_start3A_335, %dma_start3A_339] : memref<50x128xi32, #tpu.memory_space<vmem>> -> memref<1x128xi32, #tpu.memory_space<vmem>>
    %dma_start3A_341 = tpu.memref_squeeze %dma_start3A_340 : memref<1x128xi32, #tpu.memory_space<vmem>> -> memref<128xi32, #tpu.memory_space<vmem>>
    %dma_start3A_342 = arith.constant 0 : i32
    %dma_start3A_343 = arith.constant 0 : i32
    %dma_start3A_344 = tpu.memref_slice %arg2[%dma_start3A_342, %dma_start3A_343] : memref<200000x64xf32, #tpu.memory_space<hbm>> -> memref<200000x64xf32, #tpu.memory_space<hbm>>
    tpu.enqueue_indirect_dma source(%dma_start3A_344 : memref<200000x64xf32, #tpu.memory_space<hbm>>) target(%dma_start3A_338 : memref<128x64xf32, #tpu.memory_space<vmem>>) offsets(%dma_start3A_341 : memref<128xi32, #tpu.memory_space<vmem>>) semaphore(%arg9 : memref<!tpu.dma_semaphore, #tpu.memory_space<semaphore_mem>>)
    %dma_start3A_345 = arith.constant 19 : i32
    %dma_start3A_346 = arith.constant 512 : i32
    %dma_start3A_347 = arith.constant 0 : i32
    %dma_start3A_348 = tpu.memref_slice %arg7[%dma_start3A_346, %dma_start3A_347] : memref<640x64xf32, #tpu.memory_space<vmem>> -> memref<128x64xf32, #tpu.memory_space<vmem>>
    %dma_start3A_349 = arith.constant 0 : i32
    %dma_start3A_350 = tpu.memref_slice %arg5[%dma_start3A_345, %dma_start3A_349] : memref<50x128xi32, #tpu.memory_space<vmem>> -> memref<1x128xi32, #tpu.memory_space<vmem>>
    %dma_start3A_351 = tpu.memref_squeeze %dma_start3A_350 : memref<1x128xi32, #tpu.memory_space<vmem>> -> memref<128xi32, #tpu.memory_space<vmem>>
    %dma_start3A_352 = arith.constant 0 : i32
    %dma_start3A_353 = arith.constant 0 : i32
    %dma_start3A_354 = tpu.memref_slice %arg2[%dma_start3A_352, %dma_start3A_353] : memref<200000x64xf32, #tpu.memory_space<hbm>> -> memref<200000x64xf32, #tpu.memory_space<hbm>>
    tpu.enqueue_indirect_dma source(%dma_start3A_354 : memref<200000x64xf32, #tpu.memory_space<hbm>>) target(%dma_start3A_348 : memref<128x64xf32, #tpu.memory_space<vmem>>) offsets(%dma_start3A_351 : memref<128xi32, #tpu.memory_space<vmem>>) semaphore(%arg9 : memref<!tpu.dma_semaphore, #tpu.memory_space<semaphore_mem>>)
    %add3A_355 = arith.constant 1280 : i32
    %add3A_356 = arith.addi %mul3A_2, %add3A_355 : i32
    "tpu.region"() ({
      %run_scoped3A = tpu.sem_alloc : memref<!tpu.dma_semaphore, #tpu.memory_space<semaphore_mem>>
      %dma_start3A_1021 = arith.constant 0 : i32
      %dma_start3A_1022 = tpu.memref_slice %arg4[%add3A_356, %dma_start3A_1021] : memref<204800x64xf32, #tpu.memory_space<hbm>> -> memref<640x64xf32, #tpu.memory_space<hbm>>
      %dma_start3A_1023 = arith.constant 0 : i32
      %dma_start3A_1024 = tpu.memref_slice %arg4[%add3A_356, %dma_start3A_1023] : memref<204800x64xf32, #tpu.memory_space<hbm>> -> memref<640x64xf32, #tpu.memory_space<hbm>>
      tpu.enqueue_dma source(%arg6 : memref<640x64xf32, #tpu.memory_space<vmem>>) target(%dma_start3A_1024 : memref<640x64xf32, #tpu.memory_space<hbm>>) target_semaphore(%run_scoped3A : memref<!tpu.dma_semaphore, #tpu.memory_space<semaphore_mem>>)
      %dma_wait3A_1025 = arith.constant 0 : i32
      %dma_wait3A_1026 = tpu.memref_slice %arg4[%add3A_356, %dma_wait3A_1025] : memref<204800x64xf32, #tpu.memory_space<hbm>> -> memref<640x64xf32, #tpu.memory_space<hbm>>
      %dma_wait3A_1027 = arith.constant 0 : i32
      %dma_wait3A_1028 = tpu.memref_slice %arg4[%add3A_356, %dma_wait3A_1027] : memref<204800x64xf32, #tpu.memory_space<hbm>> -> memref<640x64xf32, #tpu.memory_space<hbm>>
      tpu.wait_dma2 semaphore(%run_scoped3A : memref<!tpu.dma_semaphore, #tpu.memory_space<semaphore_mem>>) src(%arg6 : memref<640x64xf32, #tpu.memory_space<vmem>>) dst(%dma_wait3A_1028 : memref<640x64xf32, #tpu.memory_space<hbm>>)
      tpu.yield
    }) : () -> ()
    %dma_wait3A_357 = arith.constant 15 : i32
    %dma_wait3A_358 = arith.constant 0 : i32
    %dma_wait3A_359 = arith.constant 0 : i32
    %dma_wait3A_360 = tpu.memref_slice %arg7[%dma_wait3A_358, %dma_wait3A_359] : memref<640x64xf32, #tpu.memory_space<vmem>> -> memref<128x64xf32, #tpu.memory_space<vmem>>
    %dma_wait3A_361 = arith.constant 0 : i32
    %dma_wait3A_362 = tpu.memref_slice %arg5[%dma_wait3A_357, %dma_wait3A_361] : memref<50x128xi32, #tpu.memory_space<vmem>> -> memref<1x128xi32, #tpu.memory_space<vmem>>
    %dma_wait3A_363 = tpu.memref_squeeze %dma_wait3A_362 : memref<1x128xi32, #tpu.memory_space<vmem>> -> memref<128xi32, #tpu.memory_space<vmem>>
    %dma_wait3A_364 = arith.constant 0 : i32
    %dma_wait3A_365 = arith.constant 0 : i32
    %dma_wait3A_366 = tpu.memref_slice %arg2[%dma_wait3A_364, %dma_wait3A_365] : memref<200000x64xf32, #tpu.memory_space<hbm>> -> memref<200000x64xf32, #tpu.memory_space<hbm>>
    tpu.wait_indirect_dma semaphore(%arg9 : memref<!tpu.dma_semaphore, #tpu.memory_space<semaphore_mem>>) src(%dma_wait3A_366 : memref<200000x64xf32, #tpu.memory_space<hbm>>) dst(%dma_wait3A_360 : memref<128x64xf32, #tpu.memory_space<vmem>>)
    %dma_wait3A_367 = arith.constant 16 : i32
    %dma_wait3A_368 = arith.constant 128 : i32
    %dma_wait3A_369 = arith.constant 0 : i32
    %dma_wait3A_370 = tpu.memref_slice %arg7[%dma_wait3A_368, %dma_wait3A_369] : memref<640x64xf32, #tpu.memory_space<vmem>> -> memref<128x64xf32, #tpu.memory_space<vmem>>
    %dma_wait3A_371 = arith.constant 0 : i32
    %dma_wait3A_372 = tpu.memref_slice %arg5[%dma_wait3A_367, %dma_wait3A_371] : memref<50x128xi32, #tpu.memory_space<vmem>> -> memref<1x128xi32, #tpu.memory_space<vmem>>
    %dma_wait3A_373 = tpu.memref_squeeze %dma_wait3A_372 : memref<1x128xi32, #tpu.memory_space<vmem>> -> memref<128xi32, #tpu.memory_space<vmem>>
    %dma_wait3A_374 = arith.constant 0 : i32
    %dma_wait3A_375 = arith.constant 0 : i32
    %dma_wait3A_376 = tpu.memref_slice %arg2[%dma_wait3A_374, %dma_wait3A_375] : memref<200000x64xf32, #tpu.memory_space<hbm>> -> memref<200000x64xf32, #tpu.memory_space<hbm>>
    tpu.wait_indirect_dma semaphore(%arg9 : memref<!tpu.dma_semaphore, #tpu.memory_space<semaphore_mem>>) src(%dma_wait3A_376 : memref<200000x64xf32, #tpu.memory_space<hbm>>) dst(%dma_wait3A_370 : memref<128x64xf32, #tpu.memory_space<vmem>>)
    %dma_wait3A_377 = arith.constant 17 : i32
    %dma_wait3A_378 = arith.constant 256 : i32
    %dma_wait3A_379 = arith.constant 0 : i32
    %dma_wait3A_380 = tpu.memref_slice %arg7[%dma_wait3A_378, %dma_wait3A_379] : memref<640x64xf32, #tpu.memory_space<vmem>> -> memref<128x64xf32, #tpu.memory_space<vmem>>
    %dma_wait3A_381 = arith.constant 0 : i32
    %dma_wait3A_382 = tpu.memref_slice %arg5[%dma_wait3A_377, %dma_wait3A_381] : memref<50x128xi32, #tpu.memory_space<vmem>> -> memref<1x128xi32, #tpu.memory_space<vmem>>
    %dma_wait3A_383 = tpu.memref_squeeze %dma_wait3A_382 : memref<1x128xi32, #tpu.memory_space<vmem>> -> memref<128xi32, #tpu.memory_space<vmem>>
    %dma_wait3A_384 = arith.constant 0 : i32
    %dma_wait3A_385 = arith.constant 0 : i32
    %dma_wait3A_386 = tpu.memref_slice %arg2[%dma_wait3A_384, %dma_wait3A_385] : memref<200000x64xf32, #tpu.memory_space<hbm>> -> memref<200000x64xf32, #tpu.memory_space<hbm>>
    tpu.wait_indirect_dma semaphore(%arg9 : memref<!tpu.dma_semaphore, #tpu.memory_space<semaphore_mem>>) src(%dma_wait3A_386 : memref<200000x64xf32, #tpu.memory_space<hbm>>) dst(%dma_wait3A_380 : memref<128x64xf32, #tpu.memory_space<vmem>>)
    %dma_wait3A_387 = arith.constant 18 : i32
    %dma_wait3A_388 = arith.constant 384 : i32
    %dma_wait3A_389 = arith.constant 0 : i32
    %dma_wait3A_390 = tpu.memref_slice %arg7[%dma_wait3A_388, %dma_wait3A_389] : memref<640x64xf32, #tpu.memory_space<vmem>> -> memref<128x64xf32, #tpu.memory_space<vmem>>
    %dma_wait3A_391 = arith.constant 0 : i32
    %dma_wait3A_392 = tpu.memref_slice %arg5[%dma_wait3A_387, %dma_wait3A_391] : memref<50x128xi32, #tpu.memory_space<vmem>> -> memref<1x128xi32, #tpu.memory_space<vmem>>
    %dma_wait3A_393 = tpu.memref_squeeze %dma_wait3A_392 : memref<1x128xi32, #tpu.memory_space<vmem>> -> memref<128xi32, #tpu.memory_space<vmem>>
    %dma_wait3A_394 = arith.constant 0 : i32
    %dma_wait3A_395 = arith.constant 0 : i32
    %dma_wait3A_396 = tpu.memref_slice %arg2[%dma_wait3A_394, %dma_wait3A_395] : memref<200000x64xf32, #tpu.memory_space<hbm>> -> memref<200000x64xf32, #tpu.memory_space<hbm>>
    tpu.wait_indirect_dma semaphore(%arg9 : memref<!tpu.dma_semaphore, #tpu.memory_space<semaphore_mem>>) src(%dma_wait3A_396 : memref<200000x64xf32, #tpu.memory_space<hbm>>) dst(%dma_wait3A_390 : memref<128x64xf32, #tpu.memory_space<vmem>>)
    %dma_wait3A_397 = arith.constant 19 : i32
    %dma_wait3A_398 = arith.constant 512 : i32
    %dma_wait3A_399 = arith.constant 0 : i32
    %dma_wait3A_400 = tpu.memref_slice %arg7[%dma_wait3A_398, %dma_wait3A_399] : memref<640x64xf32, #tpu.memory_space<vmem>> -> memref<128x64xf32, #tpu.memory_space<vmem>>
    %dma_wait3A_401 = arith.constant 0 : i32
    %dma_wait3A_402 = tpu.memref_slice %arg5[%dma_wait3A_397, %dma_wait3A_401] : memref<50x128xi32, #tpu.memory_space<vmem>> -> memref<1x128xi32, #tpu.memory_space<vmem>>
    %dma_wait3A_403 = tpu.memref_squeeze %dma_wait3A_402 : memref<1x128xi32, #tpu.memory_space<vmem>> -> memref<128xi32, #tpu.memory_space<vmem>>
    %dma_wait3A_404 = arith.constant 0 : i32
    %dma_wait3A_405 = arith.constant 0 : i32
    %dma_wait3A_406 = tpu.memref_slice %arg2[%dma_wait3A_404, %dma_wait3A_405] : memref<200000x64xf32, #tpu.memory_space<hbm>> -> memref<200000x64xf32, #tpu.memory_space<hbm>>
    tpu.wait_indirect_dma semaphore(%arg9 : memref<!tpu.dma_semaphore, #tpu.memory_space<semaphore_mem>>) src(%dma_wait3A_406 : memref<200000x64xf32, #tpu.memory_space<hbm>>) dst(%dma_wait3A_400 : memref<128x64xf32, #tpu.memory_space<vmem>>)
    %dma_start3A_407 = arith.constant 20 : i32
    %dma_start3A_408 = arith.constant 0 : i32
    %dma_start3A_409 = arith.constant 0 : i32
    %dma_start3A_410 = tpu.memref_slice %arg6[%dma_start3A_408, %dma_start3A_409] : memref<640x64xf32, #tpu.memory_space<vmem>> -> memref<128x64xf32, #tpu.memory_space<vmem>>
    %dma_start3A_411 = arith.constant 0 : i32
    %dma_start3A_412 = tpu.memref_slice %arg5[%dma_start3A_407, %dma_start3A_411] : memref<50x128xi32, #tpu.memory_space<vmem>> -> memref<1x128xi32, #tpu.memory_space<vmem>>
    %dma_start3A_413 = tpu.memref_squeeze %dma_start3A_412 : memref<1x128xi32, #tpu.memory_space<vmem>> -> memref<128xi32, #tpu.memory_space<vmem>>
    %dma_start3A_414 = arith.constant 0 : i32
    %dma_start3A_415 = arith.constant 0 : i32
    %dma_start3A_416 = tpu.memref_slice %arg2[%dma_start3A_414, %dma_start3A_415] : memref<200000x64xf32, #tpu.memory_space<hbm>> -> memref<200000x64xf32, #tpu.memory_space<hbm>>
    tpu.enqueue_indirect_dma source(%dma_start3A_416 : memref<200000x64xf32, #tpu.memory_space<hbm>>) target(%dma_start3A_410 : memref<128x64xf32, #tpu.memory_space<vmem>>) offsets(%dma_start3A_413 : memref<128xi32, #tpu.memory_space<vmem>>) semaphore(%arg8 : memref<!tpu.dma_semaphore, #tpu.memory_space<semaphore_mem>>)
    %dma_start3A_417 = arith.constant 21 : i32
    %dma_start3A_418 = arith.constant 128 : i32
    %dma_start3A_419 = arith.constant 0 : i32
    %dma_start3A_420 = tpu.memref_slice %arg6[%dma_start3A_418, %dma_start3A_419] : memref<640x64xf32, #tpu.memory_space<vmem>> -> memref<128x64xf32, #tpu.memory_space<vmem>>
    %dma_start3A_421 = arith.constant 0 : i32
    %dma_start3A_422 = tpu.memref_slice %arg5[%dma_start3A_417, %dma_start3A_421] : memref<50x128xi32, #tpu.memory_space<vmem>> -> memref<1x128xi32, #tpu.memory_space<vmem>>
    %dma_start3A_423 = tpu.memref_squeeze %dma_start3A_422 : memref<1x128xi32, #tpu.memory_space<vmem>> -> memref<128xi32, #tpu.memory_space<vmem>>
    %dma_start3A_424 = arith.constant 0 : i32
    %dma_start3A_425 = arith.constant 0 : i32
    %dma_start3A_426 = tpu.memref_slice %arg2[%dma_start3A_424, %dma_start3A_425] : memref<200000x64xf32, #tpu.memory_space<hbm>> -> memref<200000x64xf32, #tpu.memory_space<hbm>>
    tpu.enqueue_indirect_dma source(%dma_start3A_426 : memref<200000x64xf32, #tpu.memory_space<hbm>>) target(%dma_start3A_420 : memref<128x64xf32, #tpu.memory_space<vmem>>) offsets(%dma_start3A_423 : memref<128xi32, #tpu.memory_space<vmem>>) semaphore(%arg8 : memref<!tpu.dma_semaphore, #tpu.memory_space<semaphore_mem>>)
    %dma_start3A_427 = arith.constant 22 : i32
    %dma_start3A_428 = arith.constant 256 : i32
    %dma_start3A_429 = arith.constant 0 : i32
    %dma_start3A_430 = tpu.memref_slice %arg6[%dma_start3A_428, %dma_start3A_429] : memref<640x64xf32, #tpu.memory_space<vmem>> -> memref<128x64xf32, #tpu.memory_space<vmem>>
    %dma_start3A_431 = arith.constant 0 : i32
    %dma_start3A_432 = tpu.memref_slice %arg5[%dma_start3A_427, %dma_start3A_431] : memref<50x128xi32, #tpu.memory_space<vmem>> -> memref<1x128xi32, #tpu.memory_space<vmem>>
    %dma_start3A_433 = tpu.memref_squeeze %dma_start3A_432 : memref<1x128xi32, #tpu.memory_space<vmem>> -> memref<128xi32, #tpu.memory_space<vmem>>
    %dma_start3A_434 = arith.constant 0 : i32
    %dma_start3A_435 = arith.constant 0 : i32
    %dma_start3A_436 = tpu.memref_slice %arg2[%dma_start3A_434, %dma_start3A_435] : memref<200000x64xf32, #tpu.memory_space<hbm>> -> memref<200000x64xf32, #tpu.memory_space<hbm>>
    tpu.enqueue_indirect_dma source(%dma_start3A_436 : memref<200000x64xf32, #tpu.memory_space<hbm>>) target(%dma_start3A_430 : memref<128x64xf32, #tpu.memory_space<vmem>>) offsets(%dma_start3A_433 : memref<128xi32, #tpu.memory_space<vmem>>) semaphore(%arg8 : memref<!tpu.dma_semaphore, #tpu.memory_space<semaphore_mem>>)
    %dma_start3A_437 = arith.constant 23 : i32
    %dma_start3A_438 = arith.constant 384 : i32
    %dma_start3A_439 = arith.constant 0 : i32
    %dma_start3A_440 = tpu.memref_slice %arg6[%dma_start3A_438, %dma_start3A_439] : memref<640x64xf32, #tpu.memory_space<vmem>> -> memref<128x64xf32, #tpu.memory_space<vmem>>
    %dma_start3A_441 = arith.constant 0 : i32
    %dma_start3A_442 = tpu.memref_slice %arg5[%dma_start3A_437, %dma_start3A_441] : memref<50x128xi32, #tpu.memory_space<vmem>> -> memref<1x128xi32, #tpu.memory_space<vmem>>
    %dma_start3A_443 = tpu.memref_squeeze %dma_start3A_442 : memref<1x128xi32, #tpu.memory_space<vmem>> -> memref<128xi32, #tpu.memory_space<vmem>>
    %dma_start3A_444 = arith.constant 0 : i32
    %dma_start3A_445 = arith.constant 0 : i32
    %dma_start3A_446 = tpu.memref_slice %arg2[%dma_start3A_444, %dma_start3A_445] : memref<200000x64xf32, #tpu.memory_space<hbm>> -> memref<200000x64xf32, #tpu.memory_space<hbm>>
    tpu.enqueue_indirect_dma source(%dma_start3A_446 : memref<200000x64xf32, #tpu.memory_space<hbm>>) target(%dma_start3A_440 : memref<128x64xf32, #tpu.memory_space<vmem>>) offsets(%dma_start3A_443 : memref<128xi32, #tpu.memory_space<vmem>>) semaphore(%arg8 : memref<!tpu.dma_semaphore, #tpu.memory_space<semaphore_mem>>)
    %dma_start3A_447 = arith.constant 24 : i32
    %dma_start3A_448 = arith.constant 512 : i32
    %dma_start3A_449 = arith.constant 0 : i32
    %dma_start3A_450 = tpu.memref_slice %arg6[%dma_start3A_448, %dma_start3A_449] : memref<640x64xf32, #tpu.memory_space<vmem>> -> memref<128x64xf32, #tpu.memory_space<vmem>>
    %dma_start3A_451 = arith.constant 0 : i32
    %dma_start3A_452 = tpu.memref_slice %arg5[%dma_start3A_447, %dma_start3A_451] : memref<50x128xi32, #tpu.memory_space<vmem>> -> memref<1x128xi32, #tpu.memory_space<vmem>>
    %dma_start3A_453 = tpu.memref_squeeze %dma_start3A_452 : memref<1x128xi32, #tpu.memory_space<vmem>> -> memref<128xi32, #tpu.memory_space<vmem>>
    %dma_start3A_454 = arith.constant 0 : i32
    %dma_start3A_455 = arith.constant 0 : i32
    %dma_start3A_456 = tpu.memref_slice %arg2[%dma_start3A_454, %dma_start3A_455] : memref<200000x64xf32, #tpu.memory_space<hbm>> -> memref<200000x64xf32, #tpu.memory_space<hbm>>
    tpu.enqueue_indirect_dma source(%dma_start3A_456 : memref<200000x64xf32, #tpu.memory_space<hbm>>) target(%dma_start3A_450 : memref<128x64xf32, #tpu.memory_space<vmem>>) offsets(%dma_start3A_453 : memref<128xi32, #tpu.memory_space<vmem>>) semaphore(%arg8 : memref<!tpu.dma_semaphore, #tpu.memory_space<semaphore_mem>>)
    %add3A_457 = arith.constant 1920 : i32
    %add3A_458 = arith.addi %mul3A_2, %add3A_457 : i32
    "tpu.region"() ({
      %run_scoped3A = tpu.sem_alloc : memref<!tpu.dma_semaphore, #tpu.memory_space<semaphore_mem>>
      %dma_start3A_1021 = arith.constant 0 : i32
      %dma_start3A_1022 = tpu.memref_slice %arg4[%add3A_458, %dma_start3A_1021] : memref<204800x64xf32, #tpu.memory_space<hbm>> -> memref<640x64xf32, #tpu.memory_space<hbm>>
      %dma_start3A_1023 = arith.constant 0 : i32
      %dma_start3A_1024 = tpu.memref_slice %arg4[%add3A_458, %dma_start3A_1023] : memref<204800x64xf32, #tpu.memory_space<hbm>> -> memref<640x64xf32, #tpu.memory_space<hbm>>
      tpu.enqueue_dma source(%arg7 : memref<640x64xf32, #tpu.memory_space<vmem>>) target(%dma_start3A_1024 : memref<640x64xf32, #tpu.memory_space<hbm>>) target_semaphore(%run_scoped3A : memref<!tpu.dma_semaphore, #tpu.memory_space<semaphore_mem>>)
      %dma_wait3A_1025 = arith.constant 0 : i32
      %dma_wait3A_1026 = tpu.memref_slice %arg4[%add3A_458, %dma_wait3A_1025] : memref<204800x64xf32, #tpu.memory_space<hbm>> -> memref<640x64xf32, #tpu.memory_space<hbm>>
      %dma_wait3A_1027 = arith.constant 0 : i32
      %dma_wait3A_1028 = tpu.memref_slice %arg4[%add3A_458, %dma_wait3A_1027] : memref<204800x64xf32, #tpu.memory_space<hbm>> -> memref<640x64xf32, #tpu.memory_space<hbm>>
      tpu.wait_dma2 semaphore(%run_scoped3A : memref<!tpu.dma_semaphore, #tpu.memory_space<semaphore_mem>>) src(%arg7 : memref<640x64xf32, #tpu.memory_space<vmem>>) dst(%dma_wait3A_1028 : memref<640x64xf32, #tpu.memory_space<hbm>>)
      tpu.yield
    }) : () -> ()
    %dma_wait3A_459 = arith.constant 20 : i32
    %dma_wait3A_460 = arith.constant 0 : i32
    %dma_wait3A_461 = arith.constant 0 : i32
    %dma_wait3A_462 = tpu.memref_slice %arg6[%dma_wait3A_460, %dma_wait3A_461] : memref<640x64xf32, #tpu.memory_space<vmem>> -> memref<128x64xf32, #tpu.memory_space<vmem>>
    %dma_wait3A_463 = arith.constant 0 : i32
    %dma_wait3A_464 = tpu.memref_slice %arg5[%dma_wait3A_459, %dma_wait3A_463] : memref<50x128xi32, #tpu.memory_space<vmem>> -> memref<1x128xi32, #tpu.memory_space<vmem>>
    %dma_wait3A_465 = tpu.memref_squeeze %dma_wait3A_464 : memref<1x128xi32, #tpu.memory_space<vmem>> -> memref<128xi32, #tpu.memory_space<vmem>>
    %dma_wait3A_466 = arith.constant 0 : i32
    %dma_wait3A_467 = arith.constant 0 : i32
    %dma_wait3A_468 = tpu.memref_slice %arg2[%dma_wait3A_466, %dma_wait3A_467] : memref<200000x64xf32, #tpu.memory_space<hbm>> -> memref<200000x64xf32, #tpu.memory_space<hbm>>
    tpu.wait_indirect_dma semaphore(%arg8 : memref<!tpu.dma_semaphore, #tpu.memory_space<semaphore_mem>>) src(%dma_wait3A_468 : memref<200000x64xf32, #tpu.memory_space<hbm>>) dst(%dma_wait3A_462 : memref<128x64xf32, #tpu.memory_space<vmem>>)
    %dma_wait3A_469 = arith.constant 21 : i32
    %dma_wait3A_470 = arith.constant 128 : i32
    %dma_wait3A_471 = arith.constant 0 : i32
    %dma_wait3A_472 = tpu.memref_slice %arg6[%dma_wait3A_470, %dma_wait3A_471] : memref<640x64xf32, #tpu.memory_space<vmem>> -> memref<128x64xf32, #tpu.memory_space<vmem>>
    %dma_wait3A_473 = arith.constant 0 : i32
    %dma_wait3A_474 = tpu.memref_slice %arg5[%dma_wait3A_469, %dma_wait3A_473] : memref<50x128xi32, #tpu.memory_space<vmem>> -> memref<1x128xi32, #tpu.memory_space<vmem>>
    %dma_wait3A_475 = tpu.memref_squeeze %dma_wait3A_474 : memref<1x128xi32, #tpu.memory_space<vmem>> -> memref<128xi32, #tpu.memory_space<vmem>>
    %dma_wait3A_476 = arith.constant 0 : i32
    %dma_wait3A_477 = arith.constant 0 : i32
    %dma_wait3A_478 = tpu.memref_slice %arg2[%dma_wait3A_476, %dma_wait3A_477] : memref<200000x64xf32, #tpu.memory_space<hbm>> -> memref<200000x64xf32, #tpu.memory_space<hbm>>
    tpu.wait_indirect_dma semaphore(%arg8 : memref<!tpu.dma_semaphore, #tpu.memory_space<semaphore_mem>>) src(%dma_wait3A_478 : memref<200000x64xf32, #tpu.memory_space<hbm>>) dst(%dma_wait3A_472 : memref<128x64xf32, #tpu.memory_space<vmem>>)
    %dma_wait3A_479 = arith.constant 22 : i32
    %dma_wait3A_480 = arith.constant 256 : i32
    %dma_wait3A_481 = arith.constant 0 : i32
    %dma_wait3A_482 = tpu.memref_slice %arg6[%dma_wait3A_480, %dma_wait3A_481] : memref<640x64xf32, #tpu.memory_space<vmem>> -> memref<128x64xf32, #tpu.memory_space<vmem>>
    %dma_wait3A_483 = arith.constant 0 : i32
    %dma_wait3A_484 = tpu.memref_slice %arg5[%dma_wait3A_479, %dma_wait3A_483] : memref<50x128xi32, #tpu.memory_space<vmem>> -> memref<1x128xi32, #tpu.memory_space<vmem>>
    %dma_wait3A_485 = tpu.memref_squeeze %dma_wait3A_484 : memref<1x128xi32, #tpu.memory_space<vmem>> -> memref<128xi32, #tpu.memory_space<vmem>>
    %dma_wait3A_486 = arith.constant 0 : i32
    %dma_wait3A_487 = arith.constant 0 : i32
    %dma_wait3A_488 = tpu.memref_slice %arg2[%dma_wait3A_486, %dma_wait3A_487] : memref<200000x64xf32, #tpu.memory_space<hbm>> -> memref<200000x64xf32, #tpu.memory_space<hbm>>
    tpu.wait_indirect_dma semaphore(%arg8 : memref<!tpu.dma_semaphore, #tpu.memory_space<semaphore_mem>>) src(%dma_wait3A_488 : memref<200000x64xf32, #tpu.memory_space<hbm>>) dst(%dma_wait3A_482 : memref<128x64xf32, #tpu.memory_space<vmem>>)
    %dma_wait3A_489 = arith.constant 23 : i32
    %dma_wait3A_490 = arith.constant 384 : i32
    %dma_wait3A_491 = arith.constant 0 : i32
    %dma_wait3A_492 = tpu.memref_slice %arg6[%dma_wait3A_490, %dma_wait3A_491] : memref<640x64xf32, #tpu.memory_space<vmem>> -> memref<128x64xf32, #tpu.memory_space<vmem>>
    %dma_wait3A_493 = arith.constant 0 : i32
    %dma_wait3A_494 = tpu.memref_slice %arg5[%dma_wait3A_489, %dma_wait3A_493] : memref<50x128xi32, #tpu.memory_space<vmem>> -> memref<1x128xi32, #tpu.memory_space<vmem>>
    %dma_wait3A_495 = tpu.memref_squeeze %dma_wait3A_494 : memref<1x128xi32, #tpu.memory_space<vmem>> -> memref<128xi32, #tpu.memory_space<vmem>>
    %dma_wait3A_496 = arith.constant 0 : i32
    %dma_wait3A_497 = arith.constant 0 : i32
    %dma_wait3A_498 = tpu.memref_slice %arg2[%dma_wait3A_496, %dma_wait3A_497] : memref<200000x64xf32, #tpu.memory_space<hbm>> -> memref<200000x64xf32, #tpu.memory_space<hbm>>
    tpu.wait_indirect_dma semaphore(%arg8 : memref<!tpu.dma_semaphore, #tpu.memory_space<semaphore_mem>>) src(%dma_wait3A_498 : memref<200000x64xf32, #tpu.memory_space<hbm>>) dst(%dma_wait3A_492 : memref<128x64xf32, #tpu.memory_space<vmem>>)
    %dma_wait3A_499 = arith.constant 24 : i32
    %dma_wait3A_500 = arith.constant 512 : i32
    %dma_wait3A_501 = arith.constant 0 : i32
    %dma_wait3A_502 = tpu.memref_slice %arg6[%dma_wait3A_500, %dma_wait3A_501] : memref<640x64xf32, #tpu.memory_space<vmem>> -> memref<128x64xf32, #tpu.memory_space<vmem>>
    %dma_wait3A_503 = arith.constant 0 : i32
    %dma_wait3A_504 = tpu.memref_slice %arg5[%dma_wait3A_499, %dma_wait3A_503] : memref<50x128xi32, #tpu.memory_space<vmem>> -> memref<1x128xi32, #tpu.memory_space<vmem>>
    %dma_wait3A_505 = tpu.memref_squeeze %dma_wait3A_504 : memref<1x128xi32, #tpu.memory_space<vmem>> -> memref<128xi32, #tpu.memory_space<vmem>>
    %dma_wait3A_506 = arith.constant 0 : i32
    %dma_wait3A_507 = arith.constant 0 : i32
    %dma_wait3A_508 = tpu.memref_slice %arg2[%dma_wait3A_506, %dma_wait3A_507] : memref<200000x64xf32, #tpu.memory_space<hbm>> -> memref<200000x64xf32, #tpu.memory_space<hbm>>
    tpu.wait_indirect_dma semaphore(%arg8 : memref<!tpu.dma_semaphore, #tpu.memory_space<semaphore_mem>>) src(%dma_wait3A_508 : memref<200000x64xf32, #tpu.memory_space<hbm>>) dst(%dma_wait3A_502 : memref<128x64xf32, #tpu.memory_space<vmem>>)
    %dma_start3A_509 = arith.constant 25 : i32
    %dma_start3A_510 = arith.constant 0 : i32
    %dma_start3A_511 = arith.constant 0 : i32
    %dma_start3A_512 = tpu.memref_slice %arg7[%dma_start3A_510, %dma_start3A_511] : memref<640x64xf32, #tpu.memory_space<vmem>> -> memref<128x64xf32, #tpu.memory_space<vmem>>
    %dma_start3A_513 = arith.constant 0 : i32
    %dma_start3A_514 = tpu.memref_slice %arg5[%dma_start3A_509, %dma_start3A_513] : memref<50x128xi32, #tpu.memory_space<vmem>> -> memref<1x128xi32, #tpu.memory_space<vmem>>
    %dma_start3A_515 = tpu.memref_squeeze %dma_start3A_514 : memref<1x128xi32, #tpu.memory_space<vmem>> -> memref<128xi32, #tpu.memory_space<vmem>>
    %dma_start3A_516 = arith.constant 0 : i32
    %dma_start3A_517 = arith.constant 0 : i32
    %dma_start3A_518 = tpu.memref_slice %arg2[%dma_start3A_516, %dma_start3A_517] : memref<200000x64xf32, #tpu.memory_space<hbm>> -> memref<200000x64xf32, #tpu.memory_space<hbm>>
    tpu.enqueue_indirect_dma source(%dma_start3A_518 : memref<200000x64xf32, #tpu.memory_space<hbm>>) target(%dma_start3A_512 : memref<128x64xf32, #tpu.memory_space<vmem>>) offsets(%dma_start3A_515 : memref<128xi32, #tpu.memory_space<vmem>>) semaphore(%arg9 : memref<!tpu.dma_semaphore, #tpu.memory_space<semaphore_mem>>)
    %dma_start3A_519 = arith.constant 26 : i32
    %dma_start3A_520 = arith.constant 128 : i32
    %dma_start3A_521 = arith.constant 0 : i32
    %dma_start3A_522 = tpu.memref_slice %arg7[%dma_start3A_520, %dma_start3A_521] : memref<640x64xf32, #tpu.memory_space<vmem>> -> memref<128x64xf32, #tpu.memory_space<vmem>>
    %dma_start3A_523 = arith.constant 0 : i32
    %dma_start3A_524 = tpu.memref_slice %arg5[%dma_start3A_519, %dma_start3A_523] : memref<50x128xi32, #tpu.memory_space<vmem>> -> memref<1x128xi32, #tpu.memory_space<vmem>>
    %dma_start3A_525 = tpu.memref_squeeze %dma_start3A_524 : memref<1x128xi32, #tpu.memory_space<vmem>> -> memref<128xi32, #tpu.memory_space<vmem>>
    %dma_start3A_526 = arith.constant 0 : i32
    %dma_start3A_527 = arith.constant 0 : i32
    %dma_start3A_528 = tpu.memref_slice %arg2[%dma_start3A_526, %dma_start3A_527] : memref<200000x64xf32, #tpu.memory_space<hbm>> -> memref<200000x64xf32, #tpu.memory_space<hbm>>
    tpu.enqueue_indirect_dma source(%dma_start3A_528 : memref<200000x64xf32, #tpu.memory_space<hbm>>) target(%dma_start3A_522 : memref<128x64xf32, #tpu.memory_space<vmem>>) offsets(%dma_start3A_525 : memref<128xi32, #tpu.memory_space<vmem>>) semaphore(%arg9 : memref<!tpu.dma_semaphore, #tpu.memory_space<semaphore_mem>>)
    %dma_start3A_529 = arith.constant 27 : i32
    %dma_start3A_530 = arith.constant 256 : i32
    %dma_start3A_531 = arith.constant 0 : i32
    %dma_start3A_532 = tpu.memref_slice %arg7[%dma_start3A_530, %dma_start3A_531] : memref<640x64xf32, #tpu.memory_space<vmem>> -> memref<128x64xf32, #tpu.memory_space<vmem>>
    %dma_start3A_533 = arith.constant 0 : i32
    %dma_start3A_534 = tpu.memref_slice %arg5[%dma_start3A_529, %dma_start3A_533] : memref<50x128xi32, #tpu.memory_space<vmem>> -> memref<1x128xi32, #tpu.memory_space<vmem>>
    %dma_start3A_535 = tpu.memref_squeeze %dma_start3A_534 : memref<1x128xi32, #tpu.memory_space<vmem>> -> memref<128xi32, #tpu.memory_space<vmem>>
    %dma_start3A_536 = arith.constant 0 : i32
    %dma_start3A_537 = arith.constant 0 : i32
    %dma_start3A_538 = tpu.memref_slice %arg2[%dma_start3A_536, %dma_start3A_537] : memref<200000x64xf32, #tpu.memory_space<hbm>> -> memref<200000x64xf32, #tpu.memory_space<hbm>>
    tpu.enqueue_indirect_dma source(%dma_start3A_538 : memref<200000x64xf32, #tpu.memory_space<hbm>>) target(%dma_start3A_532 : memref<128x64xf32, #tpu.memory_space<vmem>>) offsets(%dma_start3A_535 : memref<128xi32, #tpu.memory_space<vmem>>) semaphore(%arg9 : memref<!tpu.dma_semaphore, #tpu.memory_space<semaphore_mem>>)
    %dma_start3A_539 = arith.constant 28 : i32
    %dma_start3A_540 = arith.constant 384 : i32
    %dma_start3A_541 = arith.constant 0 : i32
    %dma_start3A_542 = tpu.memref_slice %arg7[%dma_start3A_540, %dma_start3A_541] : memref<640x64xf32, #tpu.memory_space<vmem>> -> memref<128x64xf32, #tpu.memory_space<vmem>>
    %dma_start3A_543 = arith.constant 0 : i32
    %dma_start3A_544 = tpu.memref_slice %arg5[%dma_start3A_539, %dma_start3A_543] : memref<50x128xi32, #tpu.memory_space<vmem>> -> memref<1x128xi32, #tpu.memory_space<vmem>>
    %dma_start3A_545 = tpu.memref_squeeze %dma_start3A_544 : memref<1x128xi32, #tpu.memory_space<vmem>> -> memref<128xi32, #tpu.memory_space<vmem>>
    %dma_start3A_546 = arith.constant 0 : i32
    %dma_start3A_547 = arith.constant 0 : i32
    %dma_start3A_548 = tpu.memref_slice %arg2[%dma_start3A_546, %dma_start3A_547] : memref<200000x64xf32, #tpu.memory_space<hbm>> -> memref<200000x64xf32, #tpu.memory_space<hbm>>
    tpu.enqueue_indirect_dma source(%dma_start3A_548 : memref<200000x64xf32, #tpu.memory_space<hbm>>) target(%dma_start3A_542 : memref<128x64xf32, #tpu.memory_space<vmem>>) offsets(%dma_start3A_545 : memref<128xi32, #tpu.memory_space<vmem>>) semaphore(%arg9 : memref<!tpu.dma_semaphore, #tpu.memory_space<semaphore_mem>>)
    %dma_start3A_549 = arith.constant 29 : i32
    %dma_start3A_550 = arith.constant 512 : i32
    %dma_start3A_551 = arith.constant 0 : i32
    %dma_start3A_552 = tpu.memref_slice %arg7[%dma_start3A_550, %dma_start3A_551] : memref<640x64xf32, #tpu.memory_space<vmem>> -> memref<128x64xf32, #tpu.memory_space<vmem>>
    %dma_start3A_553 = arith.constant 0 : i32
    %dma_start3A_554 = tpu.memref_slice %arg5[%dma_start3A_549, %dma_start3A_553] : memref<50x128xi32, #tpu.memory_space<vmem>> -> memref<1x128xi32, #tpu.memory_space<vmem>>
    %dma_start3A_555 = tpu.memref_squeeze %dma_start3A_554 : memref<1x128xi32, #tpu.memory_space<vmem>> -> memref<128xi32, #tpu.memory_space<vmem>>
    %dma_start3A_556 = arith.constant 0 : i32
    %dma_start3A_557 = arith.constant 0 : i32
    %dma_start3A_558 = tpu.memref_slice %arg2[%dma_start3A_556, %dma_start3A_557] : memref<200000x64xf32, #tpu.memory_space<hbm>> -> memref<200000x64xf32, #tpu.memory_space<hbm>>
    tpu.enqueue_indirect_dma source(%dma_start3A_558 : memref<200000x64xf32, #tpu.memory_space<hbm>>) target(%dma_start3A_552 : memref<128x64xf32, #tpu.memory_space<vmem>>) offsets(%dma_start3A_555 : memref<128xi32, #tpu.memory_space<vmem>>) semaphore(%arg9 : memref<!tpu.dma_semaphore, #tpu.memory_space<semaphore_mem>>)
    %add3A_559 = arith.constant 2560 : i32
    %add3A_560 = arith.addi %mul3A_2, %add3A_559 : i32
    "tpu.region"() ({
      %run_scoped3A = tpu.sem_alloc : memref<!tpu.dma_semaphore, #tpu.memory_space<semaphore_mem>>
      %dma_start3A_1021 = arith.constant 0 : i32
      %dma_start3A_1022 = tpu.memref_slice %arg4[%add3A_560, %dma_start3A_1021] : memref<204800x64xf32, #tpu.memory_space<hbm>> -> memref<640x64xf32, #tpu.memory_space<hbm>>
      %dma_start3A_1023 = arith.constant 0 : i32
      %dma_start3A_1024 = tpu.memref_slice %arg4[%add3A_560, %dma_start3A_1023] : memref<204800x64xf32, #tpu.memory_space<hbm>> -> memref<640x64xf32, #tpu.memory_space<hbm>>
      tpu.enqueue_dma source(%arg6 : memref<640x64xf32, #tpu.memory_space<vmem>>) target(%dma_start3A_1024 : memref<640x64xf32, #tpu.memory_space<hbm>>) target_semaphore(%run_scoped3A : memref<!tpu.dma_semaphore, #tpu.memory_space<semaphore_mem>>)
      %dma_wait3A_1025 = arith.constant 0 : i32
      %dma_wait3A_1026 = tpu.memref_slice %arg4[%add3A_560, %dma_wait3A_1025] : memref<204800x64xf32, #tpu.memory_space<hbm>> -> memref<640x64xf32, #tpu.memory_space<hbm>>
      %dma_wait3A_1027 = arith.constant 0 : i32
      %dma_wait3A_1028 = tpu.memref_slice %arg4[%add3A_560, %dma_wait3A_1027] : memref<204800x64xf32, #tpu.memory_space<hbm>> -> memref<640x64xf32, #tpu.memory_space<hbm>>
      tpu.wait_dma2 semaphore(%run_scoped3A : memref<!tpu.dma_semaphore, #tpu.memory_space<semaphore_mem>>) src(%arg6 : memref<640x64xf32, #tpu.memory_space<vmem>>) dst(%dma_wait3A_1028 : memref<640x64xf32, #tpu.memory_space<hbm>>)
      tpu.yield
    }) : () -> ()
    %dma_wait3A_561 = arith.constant 25 : i32
    %dma_wait3A_562 = arith.constant 0 : i32
    %dma_wait3A_563 = arith.constant 0 : i32
    %dma_wait3A_564 = tpu.memref_slice %arg7[%dma_wait3A_562, %dma_wait3A_563] : memref<640x64xf32, #tpu.memory_space<vmem>> -> memref<128x64xf32, #tpu.memory_space<vmem>>
    %dma_wait3A_565 = arith.constant 0 : i32
    %dma_wait3A_566 = tpu.memref_slice %arg5[%dma_wait3A_561, %dma_wait3A_565] : memref<50x128xi32, #tpu.memory_space<vmem>> -> memref<1x128xi32, #tpu.memory_space<vmem>>
    %dma_wait3A_567 = tpu.memref_squeeze %dma_wait3A_566 : memref<1x128xi32, #tpu.memory_space<vmem>> -> memref<128xi32, #tpu.memory_space<vmem>>
    %dma_wait3A_568 = arith.constant 0 : i32
    %dma_wait3A_569 = arith.constant 0 : i32
    %dma_wait3A_570 = tpu.memref_slice %arg2[%dma_wait3A_568, %dma_wait3A_569] : memref<200000x64xf32, #tpu.memory_space<hbm>> -> memref<200000x64xf32, #tpu.memory_space<hbm>>
    tpu.wait_indirect_dma semaphore(%arg9 : memref<!tpu.dma_semaphore, #tpu.memory_space<semaphore_mem>>) src(%dma_wait3A_570 : memref<200000x64xf32, #tpu.memory_space<hbm>>) dst(%dma_wait3A_564 : memref<128x64xf32, #tpu.memory_space<vmem>>)
    %dma_wait3A_571 = arith.constant 26 : i32
    %dma_wait3A_572 = arith.constant 128 : i32
    %dma_wait3A_573 = arith.constant 0 : i32
    %dma_wait3A_574 = tpu.memref_slice %arg7[%dma_wait3A_572, %dma_wait3A_573] : memref<640x64xf32, #tpu.memory_space<vmem>> -> memref<128x64xf32, #tpu.memory_space<vmem>>
    %dma_wait3A_575 = arith.constant 0 : i32
    %dma_wait3A_576 = tpu.memref_slice %arg5[%dma_wait3A_571, %dma_wait3A_575] : memref<50x128xi32, #tpu.memory_space<vmem>> -> memref<1x128xi32, #tpu.memory_space<vmem>>
    %dma_wait3A_577 = tpu.memref_squeeze %dma_wait3A_576 : memref<1x128xi32, #tpu.memory_space<vmem>> -> memref<128xi32, #tpu.memory_space<vmem>>
    %dma_wait3A_578 = arith.constant 0 : i32
    %dma_wait3A_579 = arith.constant 0 : i32
    %dma_wait3A_580 = tpu.memref_slice %arg2[%dma_wait3A_578, %dma_wait3A_579] : memref<200000x64xf32, #tpu.memory_space<hbm>> -> memref<200000x64xf32, #tpu.memory_space<hbm>>
    tpu.wait_indirect_dma semaphore(%arg9 : memref<!tpu.dma_semaphore, #tpu.memory_space<semaphore_mem>>) src(%dma_wait3A_580 : memref<200000x64xf32, #tpu.memory_space<hbm>>) dst(%dma_wait3A_574 : memref<128x64xf32, #tpu.memory_space<vmem>>)
    %dma_wait3A_581 = arith.constant 27 : i32
    %dma_wait3A_582 = arith.constant 256 : i32
    %dma_wait3A_583 = arith.constant 0 : i32
    %dma_wait3A_584 = tpu.memref_slice %arg7[%dma_wait3A_582, %dma_wait3A_583] : memref<640x64xf32, #tpu.memory_space<vmem>> -> memref<128x64xf32, #tpu.memory_space<vmem>>
    %dma_wait3A_585 = arith.constant 0 : i32
    %dma_wait3A_586 = tpu.memref_slice %arg5[%dma_wait3A_581, %dma_wait3A_585] : memref<50x128xi32, #tpu.memory_space<vmem>> -> memref<1x128xi32, #tpu.memory_space<vmem>>
    %dma_wait3A_587 = tpu.memref_squeeze %dma_wait3A_586 : memref<1x128xi32, #tpu.memory_space<vmem>> -> memref<128xi32, #tpu.memory_space<vmem>>
    %dma_wait3A_588 = arith.constant 0 : i32
    %dma_wait3A_589 = arith.constant 0 : i32
    %dma_wait3A_590 = tpu.memref_slice %arg2[%dma_wait3A_588, %dma_wait3A_589] : memref<200000x64xf32, #tpu.memory_space<hbm>> -> memref<200000x64xf32, #tpu.memory_space<hbm>>
    tpu.wait_indirect_dma semaphore(%arg9 : memref<!tpu.dma_semaphore, #tpu.memory_space<semaphore_mem>>) src(%dma_wait3A_590 : memref<200000x64xf32, #tpu.memory_space<hbm>>) dst(%dma_wait3A_584 : memref<128x64xf32, #tpu.memory_space<vmem>>)
    %dma_wait3A_591 = arith.constant 28 : i32
    %dma_wait3A_592 = arith.constant 384 : i32
    %dma_wait3A_593 = arith.constant 0 : i32
    %dma_wait3A_594 = tpu.memref_slice %arg7[%dma_wait3A_592, %dma_wait3A_593] : memref<640x64xf32, #tpu.memory_space<vmem>> -> memref<128x64xf32, #tpu.memory_space<vmem>>
    %dma_wait3A_595 = arith.constant 0 : i32
    %dma_wait3A_596 = tpu.memref_slice %arg5[%dma_wait3A_591, %dma_wait3A_595] : memref<50x128xi32, #tpu.memory_space<vmem>> -> memref<1x128xi32, #tpu.memory_space<vmem>>
    %dma_wait3A_597 = tpu.memref_squeeze %dma_wait3A_596 : memref<1x128xi32, #tpu.memory_space<vmem>> -> memref<128xi32, #tpu.memory_space<vmem>>
    %dma_wait3A_598 = arith.constant 0 : i32
    %dma_wait3A_599 = arith.constant 0 : i32
    %dma_wait3A_600 = tpu.memref_slice %arg2[%dma_wait3A_598, %dma_wait3A_599] : memref<200000x64xf32, #tpu.memory_space<hbm>> -> memref<200000x64xf32, #tpu.memory_space<hbm>>
    tpu.wait_indirect_dma semaphore(%arg9 : memref<!tpu.dma_semaphore, #tpu.memory_space<semaphore_mem>>) src(%dma_wait3A_600 : memref<200000x64xf32, #tpu.memory_space<hbm>>) dst(%dma_wait3A_594 : memref<128x64xf32, #tpu.memory_space<vmem>>)
    %dma_wait3A_601 = arith.constant 29 : i32
    %dma_wait3A_602 = arith.constant 512 : i32
    %dma_wait3A_603 = arith.constant 0 : i32
    %dma_wait3A_604 = tpu.memref_slice %arg7[%dma_wait3A_602, %dma_wait3A_603] : memref<640x64xf32, #tpu.memory_space<vmem>> -> memref<128x64xf32, #tpu.memory_space<vmem>>
    %dma_wait3A_605 = arith.constant 0 : i32
    %dma_wait3A_606 = tpu.memref_slice %arg5[%dma_wait3A_601, %dma_wait3A_605] : memref<50x128xi32, #tpu.memory_space<vmem>> -> memref<1x128xi32, #tpu.memory_space<vmem>>
    %dma_wait3A_607 = tpu.memref_squeeze %dma_wait3A_606 : memref<1x128xi32, #tpu.memory_space<vmem>> -> memref<128xi32, #tpu.memory_space<vmem>>
    %dma_wait3A_608 = arith.constant 0 : i32
    %dma_wait3A_609 = arith.constant 0 : i32
    %dma_wait3A_610 = tpu.memref_slice %arg2[%dma_wait3A_608, %dma_wait3A_609] : memref<200000x64xf32, #tpu.memory_space<hbm>> -> memref<200000x64xf32, #tpu.memory_space<hbm>>
    tpu.wait_indirect_dma semaphore(%arg9 : memref<!tpu.dma_semaphore, #tpu.memory_space<semaphore_mem>>) src(%dma_wait3A_610 : memref<200000x64xf32, #tpu.memory_space<hbm>>) dst(%dma_wait3A_604 : memref<128x64xf32, #tpu.memory_space<vmem>>)
    %dma_start3A_611 = arith.constant 30 : i32
    %dma_start3A_612 = arith.constant 0 : i32
    %dma_start3A_613 = arith.constant 0 : i32
    %dma_start3A_614 = tpu.memref_slice %arg6[%dma_start3A_612, %dma_start3A_613] : memref<640x64xf32, #tpu.memory_space<vmem>> -> memref<128x64xf32, #tpu.memory_space<vmem>>
    %dma_start3A_615 = arith.constant 0 : i32
    %dma_start3A_616 = tpu.memref_slice %arg5[%dma_start3A_611, %dma_start3A_615] : memref<50x128xi32, #tpu.memory_space<vmem>> -> memref<1x128xi32, #tpu.memory_space<vmem>>
    %dma_start3A_617 = tpu.memref_squeeze %dma_start3A_616 : memref<1x128xi32, #tpu.memory_space<vmem>> -> memref<128xi32, #tpu.memory_space<vmem>>
    %dma_start3A_618 = arith.constant 0 : i32
    %dma_start3A_619 = arith.constant 0 : i32
    %dma_start3A_620 = tpu.memref_slice %arg2[%dma_start3A_618, %dma_start3A_619] : memref<200000x64xf32, #tpu.memory_space<hbm>> -> memref<200000x64xf32, #tpu.memory_space<hbm>>
    tpu.enqueue_indirect_dma source(%dma_start3A_620 : memref<200000x64xf32, #tpu.memory_space<hbm>>) target(%dma_start3A_614 : memref<128x64xf32, #tpu.memory_space<vmem>>) offsets(%dma_start3A_617 : memref<128xi32, #tpu.memory_space<vmem>>) semaphore(%arg8 : memref<!tpu.dma_semaphore, #tpu.memory_space<semaphore_mem>>)
    %dma_start3A_621 = arith.constant 31 : i32
    %dma_start3A_622 = arith.constant 128 : i32
    %dma_start3A_623 = arith.constant 0 : i32
    %dma_start3A_624 = tpu.memref_slice %arg6[%dma_start3A_622, %dma_start3A_623] : memref<640x64xf32, #tpu.memory_space<vmem>> -> memref<128x64xf32, #tpu.memory_space<vmem>>
    %dma_start3A_625 = arith.constant 0 : i32
    %dma_start3A_626 = tpu.memref_slice %arg5[%dma_start3A_621, %dma_start3A_625] : memref<50x128xi32, #tpu.memory_space<vmem>> -> memref<1x128xi32, #tpu.memory_space<vmem>>
    %dma_start3A_627 = tpu.memref_squeeze %dma_start3A_626 : memref<1x128xi32, #tpu.memory_space<vmem>> -> memref<128xi32, #tpu.memory_space<vmem>>
    %dma_start3A_628 = arith.constant 0 : i32
    %dma_start3A_629 = arith.constant 0 : i32
    %dma_start3A_630 = tpu.memref_slice %arg2[%dma_start3A_628, %dma_start3A_629] : memref<200000x64xf32, #tpu.memory_space<hbm>> -> memref<200000x64xf32, #tpu.memory_space<hbm>>
    tpu.enqueue_indirect_dma source(%dma_start3A_630 : memref<200000x64xf32, #tpu.memory_space<hbm>>) target(%dma_start3A_624 : memref<128x64xf32, #tpu.memory_space<vmem>>) offsets(%dma_start3A_627 : memref<128xi32, #tpu.memory_space<vmem>>) semaphore(%arg8 : memref<!tpu.dma_semaphore, #tpu.memory_space<semaphore_mem>>)
    %dma_start3A_631 = arith.constant 32 : i32
    %dma_start3A_632 = arith.constant 256 : i32
    %dma_start3A_633 = arith.constant 0 : i32
    %dma_start3A_634 = tpu.memref_slice %arg6[%dma_start3A_632, %dma_start3A_633] : memref<640x64xf32, #tpu.memory_space<vmem>> -> memref<128x64xf32, #tpu.memory_space<vmem>>
    %dma_start3A_635 = arith.constant 0 : i32
    %dma_start3A_636 = tpu.memref_slice %arg5[%dma_start3A_631, %dma_start3A_635] : memref<50x128xi32, #tpu.memory_space<vmem>> -> memref<1x128xi32, #tpu.memory_space<vmem>>
    %dma_start3A_637 = tpu.memref_squeeze %dma_start3A_636 : memref<1x128xi32, #tpu.memory_space<vmem>> -> memref<128xi32, #tpu.memory_space<vmem>>
    %dma_start3A_638 = arith.constant 0 : i32
    %dma_start3A_639 = arith.constant 0 : i32
    %dma_start3A_640 = tpu.memref_slice %arg2[%dma_start3A_638, %dma_start3A_639] : memref<200000x64xf32, #tpu.memory_space<hbm>> -> memref<200000x64xf32, #tpu.memory_space<hbm>>
    tpu.enqueue_indirect_dma source(%dma_start3A_640 : memref<200000x64xf32, #tpu.memory_space<hbm>>) target(%dma_start3A_634 : memref<128x64xf32, #tpu.memory_space<vmem>>) offsets(%dma_start3A_637 : memref<128xi32, #tpu.memory_space<vmem>>) semaphore(%arg8 : memref<!tpu.dma_semaphore, #tpu.memory_space<semaphore_mem>>)
    %dma_start3A_641 = arith.constant 33 : i32
    %dma_start3A_642 = arith.constant 384 : i32
    %dma_start3A_643 = arith.constant 0 : i32
    %dma_start3A_644 = tpu.memref_slice %arg6[%dma_start3A_642, %dma_start3A_643] : memref<640x64xf32, #tpu.memory_space<vmem>> -> memref<128x64xf32, #tpu.memory_space<vmem>>
    %dma_start3A_645 = arith.constant 0 : i32
    %dma_start3A_646 = tpu.memref_slice %arg5[%dma_start3A_641, %dma_start3A_645] : memref<50x128xi32, #tpu.memory_space<vmem>> -> memref<1x128xi32, #tpu.memory_space<vmem>>
    %dma_start3A_647 = tpu.memref_squeeze %dma_start3A_646 : memref<1x128xi32, #tpu.memory_space<vmem>> -> memref<128xi32, #tpu.memory_space<vmem>>
    %dma_start3A_648 = arith.constant 0 : i32
    %dma_start3A_649 = arith.constant 0 : i32
    %dma_start3A_650 = tpu.memref_slice %arg2[%dma_start3A_648, %dma_start3A_649] : memref<200000x64xf32, #tpu.memory_space<hbm>> -> memref<200000x64xf32, #tpu.memory_space<hbm>>
    tpu.enqueue_indirect_dma source(%dma_start3A_650 : memref<200000x64xf32, #tpu.memory_space<hbm>>) target(%dma_start3A_644 : memref<128x64xf32, #tpu.memory_space<vmem>>) offsets(%dma_start3A_647 : memref<128xi32, #tpu.memory_space<vmem>>) semaphore(%arg8 : memref<!tpu.dma_semaphore, #tpu.memory_space<semaphore_mem>>)
    %dma_start3A_651 = arith.constant 34 : i32
    %dma_start3A_652 = arith.constant 512 : i32
    %dma_start3A_653 = arith.constant 0 : i32
    %dma_start3A_654 = tpu.memref_slice %arg6[%dma_start3A_652, %dma_start3A_653] : memref<640x64xf32, #tpu.memory_space<vmem>> -> memref<128x64xf32, #tpu.memory_space<vmem>>
    %dma_start3A_655 = arith.constant 0 : i32
    %dma_start3A_656 = tpu.memref_slice %arg5[%dma_start3A_651, %dma_start3A_655] : memref<50x128xi32, #tpu.memory_space<vmem>> -> memref<1x128xi32, #tpu.memory_space<vmem>>
    %dma_start3A_657 = tpu.memref_squeeze %dma_start3A_656 : memref<1x128xi32, #tpu.memory_space<vmem>> -> memref<128xi32, #tpu.memory_space<vmem>>
    %dma_start3A_658 = arith.constant 0 : i32
    %dma_start3A_659 = arith.constant 0 : i32
    %dma_start3A_660 = tpu.memref_slice %arg2[%dma_start3A_658, %dma_start3A_659] : memref<200000x64xf32, #tpu.memory_space<hbm>> -> memref<200000x64xf32, #tpu.memory_space<hbm>>
    tpu.enqueue_indirect_dma source(%dma_start3A_660 : memref<200000x64xf32, #tpu.memory_space<hbm>>) target(%dma_start3A_654 : memref<128x64xf32, #tpu.memory_space<vmem>>) offsets(%dma_start3A_657 : memref<128xi32, #tpu.memory_space<vmem>>) semaphore(%arg8 : memref<!tpu.dma_semaphore, #tpu.memory_space<semaphore_mem>>)
    %add3A_661 = arith.constant 3200 : i32
    %add3A_662 = arith.addi %mul3A_2, %add3A_661 : i32
    "tpu.region"() ({
      %run_scoped3A = tpu.sem_alloc : memref<!tpu.dma_semaphore, #tpu.memory_space<semaphore_mem>>
      %dma_start3A_1021 = arith.constant 0 : i32
      %dma_start3A_1022 = tpu.memref_slice %arg4[%add3A_662, %dma_start3A_1021] : memref<204800x64xf32, #tpu.memory_space<hbm>> -> memref<640x64xf32, #tpu.memory_space<hbm>>
      %dma_start3A_1023 = arith.constant 0 : i32
      %dma_start3A_1024 = tpu.memref_slice %arg4[%add3A_662, %dma_start3A_1023] : memref<204800x64xf32, #tpu.memory_space<hbm>> -> memref<640x64xf32, #tpu.memory_space<hbm>>
      tpu.enqueue_dma source(%arg7 : memref<640x64xf32, #tpu.memory_space<vmem>>) target(%dma_start3A_1024 : memref<640x64xf32, #tpu.memory_space<hbm>>) target_semaphore(%run_scoped3A : memref<!tpu.dma_semaphore, #tpu.memory_space<semaphore_mem>>)
      %dma_wait3A_1025 = arith.constant 0 : i32
      %dma_wait3A_1026 = tpu.memref_slice %arg4[%add3A_662, %dma_wait3A_1025] : memref<204800x64xf32, #tpu.memory_space<hbm>> -> memref<640x64xf32, #tpu.memory_space<hbm>>
      %dma_wait3A_1027 = arith.constant 0 : i32
      %dma_wait3A_1028 = tpu.memref_slice %arg4[%add3A_662, %dma_wait3A_1027] : memref<204800x64xf32, #tpu.memory_space<hbm>> -> memref<640x64xf32, #tpu.memory_space<hbm>>
      tpu.wait_dma2 semaphore(%run_scoped3A : memref<!tpu.dma_semaphore, #tpu.memory_space<semaphore_mem>>) src(%arg7 : memref<640x64xf32, #tpu.memory_space<vmem>>) dst(%dma_wait3A_1028 : memref<640x64xf32, #tpu.memory_space<hbm>>)
      tpu.yield
    }) : () -> ()
    %dma_wait3A_663 = arith.constant 30 : i32
    %dma_wait3A_664 = arith.constant 0 : i32
    %dma_wait3A_665 = arith.constant 0 : i32
    %dma_wait3A_666 = tpu.memref_slice %arg6[%dma_wait3A_664, %dma_wait3A_665] : memref<640x64xf32, #tpu.memory_space<vmem>> -> memref<128x64xf32, #tpu.memory_space<vmem>>
    %dma_wait3A_667 = arith.constant 0 : i32
    %dma_wait3A_668 = tpu.memref_slice %arg5[%dma_wait3A_663, %dma_wait3A_667] : memref<50x128xi32, #tpu.memory_space<vmem>> -> memref<1x128xi32, #tpu.memory_space<vmem>>
    %dma_wait3A_669 = tpu.memref_squeeze %dma_wait3A_668 : memref<1x128xi32, #tpu.memory_space<vmem>> -> memref<128xi32, #tpu.memory_space<vmem>>
    %dma_wait3A_670 = arith.constant 0 : i32
    %dma_wait3A_671 = arith.constant 0 : i32
    %dma_wait3A_672 = tpu.memref_slice %arg2[%dma_wait3A_670, %dma_wait3A_671] : memref<200000x64xf32, #tpu.memory_space<hbm>> -> memref<200000x64xf32, #tpu.memory_space<hbm>>
    tpu.wait_indirect_dma semaphore(%arg8 : memref<!tpu.dma_semaphore, #tpu.memory_space<semaphore_mem>>) src(%dma_wait3A_672 : memref<200000x64xf32, #tpu.memory_space<hbm>>) dst(%dma_wait3A_666 : memref<128x64xf32, #tpu.memory_space<vmem>>)
    %dma_wait3A_673 = arith.constant 31 : i32
    %dma_wait3A_674 = arith.constant 128 : i32
    %dma_wait3A_675 = arith.constant 0 : i32
    %dma_wait3A_676 = tpu.memref_slice %arg6[%dma_wait3A_674, %dma_wait3A_675] : memref<640x64xf32, #tpu.memory_space<vmem>> -> memref<128x64xf32, #tpu.memory_space<vmem>>
    %dma_wait3A_677 = arith.constant 0 : i32
    %dma_wait3A_678 = tpu.memref_slice %arg5[%dma_wait3A_673, %dma_wait3A_677] : memref<50x128xi32, #tpu.memory_space<vmem>> -> memref<1x128xi32, #tpu.memory_space<vmem>>
    %dma_wait3A_679 = tpu.memref_squeeze %dma_wait3A_678 : memref<1x128xi32, #tpu.memory_space<vmem>> -> memref<128xi32, #tpu.memory_space<vmem>>
    %dma_wait3A_680 = arith.constant 0 : i32
    %dma_wait3A_681 = arith.constant 0 : i32
    %dma_wait3A_682 = tpu.memref_slice %arg2[%dma_wait3A_680, %dma_wait3A_681] : memref<200000x64xf32, #tpu.memory_space<hbm>> -> memref<200000x64xf32, #tpu.memory_space<hbm>>
    tpu.wait_indirect_dma semaphore(%arg8 : memref<!tpu.dma_semaphore, #tpu.memory_space<semaphore_mem>>) src(%dma_wait3A_682 : memref<200000x64xf32, #tpu.memory_space<hbm>>) dst(%dma_wait3A_676 : memref<128x64xf32, #tpu.memory_space<vmem>>)
    %dma_wait3A_683 = arith.constant 32 : i32
    %dma_wait3A_684 = arith.constant 256 : i32
    %dma_wait3A_685 = arith.constant 0 : i32
    %dma_wait3A_686 = tpu.memref_slice %arg6[%dma_wait3A_684, %dma_wait3A_685] : memref<640x64xf32, #tpu.memory_space<vmem>> -> memref<128x64xf32, #tpu.memory_space<vmem>>
    %dma_wait3A_687 = arith.constant 0 : i32
    %dma_wait3A_688 = tpu.memref_slice %arg5[%dma_wait3A_683, %dma_wait3A_687] : memref<50x128xi32, #tpu.memory_space<vmem>> -> memref<1x128xi32, #tpu.memory_space<vmem>>
    %dma_wait3A_689 = tpu.memref_squeeze %dma_wait3A_688 : memref<1x128xi32, #tpu.memory_space<vmem>> -> memref<128xi32, #tpu.memory_space<vmem>>
    %dma_wait3A_690 = arith.constant 0 : i32
    %dma_wait3A_691 = arith.constant 0 : i32
    %dma_wait3A_692 = tpu.memref_slice %arg2[%dma_wait3A_690, %dma_wait3A_691] : memref<200000x64xf32, #tpu.memory_space<hbm>> -> memref<200000x64xf32, #tpu.memory_space<hbm>>
    tpu.wait_indirect_dma semaphore(%arg8 : memref<!tpu.dma_semaphore, #tpu.memory_space<semaphore_mem>>) src(%dma_wait3A_692 : memref<200000x64xf32, #tpu.memory_space<hbm>>) dst(%dma_wait3A_686 : memref<128x64xf32, #tpu.memory_space<vmem>>)
    %dma_wait3A_693 = arith.constant 33 : i32
    %dma_wait3A_694 = arith.constant 384 : i32
    %dma_wait3A_695 = arith.constant 0 : i32
    %dma_wait3A_696 = tpu.memref_slice %arg6[%dma_wait3A_694, %dma_wait3A_695] : memref<640x64xf32, #tpu.memory_space<vmem>> -> memref<128x64xf32, #tpu.memory_space<vmem>>
    %dma_wait3A_697 = arith.constant 0 : i32
    %dma_wait3A_698 = tpu.memref_slice %arg5[%dma_wait3A_693, %dma_wait3A_697] : memref<50x128xi32, #tpu.memory_space<vmem>> -> memref<1x128xi32, #tpu.memory_space<vmem>>
    %dma_wait3A_699 = tpu.memref_squeeze %dma_wait3A_698 : memref<1x128xi32, #tpu.memory_space<vmem>> -> memref<128xi32, #tpu.memory_space<vmem>>
    %dma_wait3A_700 = arith.constant 0 : i32
    %dma_wait3A_701 = arith.constant 0 : i32
    %dma_wait3A_702 = tpu.memref_slice %arg2[%dma_wait3A_700, %dma_wait3A_701] : memref<200000x64xf32, #tpu.memory_space<hbm>> -> memref<200000x64xf32, #tpu.memory_space<hbm>>
    tpu.wait_indirect_dma semaphore(%arg8 : memref<!tpu.dma_semaphore, #tpu.memory_space<semaphore_mem>>) src(%dma_wait3A_702 : memref<200000x64xf32, #tpu.memory_space<hbm>>) dst(%dma_wait3A_696 : memref<128x64xf32, #tpu.memory_space<vmem>>)
    %dma_wait3A_703 = arith.constant 34 : i32
    %dma_wait3A_704 = arith.constant 512 : i32
    %dma_wait3A_705 = arith.constant 0 : i32
    %dma_wait3A_706 = tpu.memref_slice %arg6[%dma_wait3A_704, %dma_wait3A_705] : memref<640x64xf32, #tpu.memory_space<vmem>> -> memref<128x64xf32, #tpu.memory_space<vmem>>
    %dma_wait3A_707 = arith.constant 0 : i32
    %dma_wait3A_708 = tpu.memref_slice %arg5[%dma_wait3A_703, %dma_wait3A_707] : memref<50x128xi32, #tpu.memory_space<vmem>> -> memref<1x128xi32, #tpu.memory_space<vmem>>
    %dma_wait3A_709 = tpu.memref_squeeze %dma_wait3A_708 : memref<1x128xi32, #tpu.memory_space<vmem>> -> memref<128xi32, #tpu.memory_space<vmem>>
    %dma_wait3A_710 = arith.constant 0 : i32
    %dma_wait3A_711 = arith.constant 0 : i32
    %dma_wait3A_712 = tpu.memref_slice %arg2[%dma_wait3A_710, %dma_wait3A_711] : memref<200000x64xf32, #tpu.memory_space<hbm>> -> memref<200000x64xf32, #tpu.memory_space<hbm>>
    tpu.wait_indirect_dma semaphore(%arg8 : memref<!tpu.dma_semaphore, #tpu.memory_space<semaphore_mem>>) src(%dma_wait3A_712 : memref<200000x64xf32, #tpu.memory_space<hbm>>) dst(%dma_wait3A_706 : memref<128x64xf32, #tpu.memory_space<vmem>>)
    %dma_start3A_713 = arith.constant 35 : i32
    %dma_start3A_714 = arith.constant 0 : i32
    %dma_start3A_715 = arith.constant 0 : i32
    %dma_start3A_716 = tpu.memref_slice %arg7[%dma_start3A_714, %dma_start3A_715] : memref<640x64xf32, #tpu.memory_space<vmem>> -> memref<128x64xf32, #tpu.memory_space<vmem>>
    %dma_start3A_717 = arith.constant 0 : i32
    %dma_start3A_718 = tpu.memref_slice %arg5[%dma_start3A_713, %dma_start3A_717] : memref<50x128xi32, #tpu.memory_space<vmem>> -> memref<1x128xi32, #tpu.memory_space<vmem>>
    %dma_start3A_719 = tpu.memref_squeeze %dma_start3A_718 : memref<1x128xi32, #tpu.memory_space<vmem>> -> memref<128xi32, #tpu.memory_space<vmem>>
    %dma_start3A_720 = arith.constant 0 : i32
    %dma_start3A_721 = arith.constant 0 : i32
    %dma_start3A_722 = tpu.memref_slice %arg2[%dma_start3A_720, %dma_start3A_721] : memref<200000x64xf32, #tpu.memory_space<hbm>> -> memref<200000x64xf32, #tpu.memory_space<hbm>>
    tpu.enqueue_indirect_dma source(%dma_start3A_722 : memref<200000x64xf32, #tpu.memory_space<hbm>>) target(%dma_start3A_716 : memref<128x64xf32, #tpu.memory_space<vmem>>) offsets(%dma_start3A_719 : memref<128xi32, #tpu.memory_space<vmem>>) semaphore(%arg9 : memref<!tpu.dma_semaphore, #tpu.memory_space<semaphore_mem>>)
    %dma_start3A_723 = arith.constant 36 : i32
    %dma_start3A_724 = arith.constant 128 : i32
    %dma_start3A_725 = arith.constant 0 : i32
    %dma_start3A_726 = tpu.memref_slice %arg7[%dma_start3A_724, %dma_start3A_725] : memref<640x64xf32, #tpu.memory_space<vmem>> -> memref<128x64xf32, #tpu.memory_space<vmem>>
    %dma_start3A_727 = arith.constant 0 : i32
    %dma_start3A_728 = tpu.memref_slice %arg5[%dma_start3A_723, %dma_start3A_727] : memref<50x128xi32, #tpu.memory_space<vmem>> -> memref<1x128xi32, #tpu.memory_space<vmem>>
    %dma_start3A_729 = tpu.memref_squeeze %dma_start3A_728 : memref<1x128xi32, #tpu.memory_space<vmem>> -> memref<128xi32, #tpu.memory_space<vmem>>
    %dma_start3A_730 = arith.constant 0 : i32
    %dma_start3A_731 = arith.constant 0 : i32
    %dma_start3A_732 = tpu.memref_slice %arg2[%dma_start3A_730, %dma_start3A_731] : memref<200000x64xf32, #tpu.memory_space<hbm>> -> memref<200000x64xf32, #tpu.memory_space<hbm>>
    tpu.enqueue_indirect_dma source(%dma_start3A_732 : memref<200000x64xf32, #tpu.memory_space<hbm>>) target(%dma_start3A_726 : memref<128x64xf32, #tpu.memory_space<vmem>>) offsets(%dma_start3A_729 : memref<128xi32, #tpu.memory_space<vmem>>) semaphore(%arg9 : memref<!tpu.dma_semaphore, #tpu.memory_space<semaphore_mem>>)
    %dma_start3A_733 = arith.constant 37 : i32
    %dma_start3A_734 = arith.constant 256 : i32
    %dma_start3A_735 = arith.constant 0 : i32
    %dma_start3A_736 = tpu.memref_slice %arg7[%dma_start3A_734, %dma_start3A_735] : memref<640x64xf32, #tpu.memory_space<vmem>> -> memref<128x64xf32, #tpu.memory_space<vmem>>
    %dma_start3A_737 = arith.constant 0 : i32
    %dma_start3A_738 = tpu.memref_slice %arg5[%dma_start3A_733, %dma_start3A_737] : memref<50x128xi32, #tpu.memory_space<vmem>> -> memref<1x128xi32, #tpu.memory_space<vmem>>
    %dma_start3A_739 = tpu.memref_squeeze %dma_start3A_738 : memref<1x128xi32, #tpu.memory_space<vmem>> -> memref<128xi32, #tpu.memory_space<vmem>>
    %dma_start3A_740 = arith.constant 0 : i32
    %dma_start3A_741 = arith.constant 0 : i32
    %dma_start3A_742 = tpu.memref_slice %arg2[%dma_start3A_740, %dma_start3A_741] : memref<200000x64xf32, #tpu.memory_space<hbm>> -> memref<200000x64xf32, #tpu.memory_space<hbm>>
    tpu.enqueue_indirect_dma source(%dma_start3A_742 : memref<200000x64xf32, #tpu.memory_space<hbm>>) target(%dma_start3A_736 : memref<128x64xf32, #tpu.memory_space<vmem>>) offsets(%dma_start3A_739 : memref<128xi32, #tpu.memory_space<vmem>>) semaphore(%arg9 : memref<!tpu.dma_semaphore, #tpu.memory_space<semaphore_mem>>)
    %dma_start3A_743 = arith.constant 38 : i32
    %dma_start3A_744 = arith.constant 384 : i32
    %dma_start3A_745 = arith.constant 0 : i32
    %dma_start3A_746 = tpu.memref_slice %arg7[%dma_start3A_744, %dma_start3A_745] : memref<640x64xf32, #tpu.memory_space<vmem>> -> memref<128x64xf32, #tpu.memory_space<vmem>>
    %dma_start3A_747 = arith.constant 0 : i32
    %dma_start3A_748 = tpu.memref_slice %arg5[%dma_start3A_743, %dma_start3A_747] : memref<50x128xi32, #tpu.memory_space<vmem>> -> memref<1x128xi32, #tpu.memory_space<vmem>>
    %dma_start3A_749 = tpu.memref_squeeze %dma_start3A_748 : memref<1x128xi32, #tpu.memory_space<vmem>> -> memref<128xi32, #tpu.memory_space<vmem>>
    %dma_start3A_750 = arith.constant 0 : i32
    %dma_start3A_751 = arith.constant 0 : i32
    %dma_start3A_752 = tpu.memref_slice %arg2[%dma_start3A_750, %dma_start3A_751] : memref<200000x64xf32, #tpu.memory_space<hbm>> -> memref<200000x64xf32, #tpu.memory_space<hbm>>
    tpu.enqueue_indirect_dma source(%dma_start3A_752 : memref<200000x64xf32, #tpu.memory_space<hbm>>) target(%dma_start3A_746 : memref<128x64xf32, #tpu.memory_space<vmem>>) offsets(%dma_start3A_749 : memref<128xi32, #tpu.memory_space<vmem>>) semaphore(%arg9 : memref<!tpu.dma_semaphore, #tpu.memory_space<semaphore_mem>>)
    %dma_start3A_753 = arith.constant 39 : i32
    %dma_start3A_754 = arith.constant 512 : i32
    %dma_start3A_755 = arith.constant 0 : i32
    %dma_start3A_756 = tpu.memref_slice %arg7[%dma_start3A_754, %dma_start3A_755] : memref<640x64xf32, #tpu.memory_space<vmem>> -> memref<128x64xf32, #tpu.memory_space<vmem>>
    %dma_start3A_757 = arith.constant 0 : i32
    %dma_start3A_758 = tpu.memref_slice %arg5[%dma_start3A_753, %dma_start3A_757] : memref<50x128xi32, #tpu.memory_space<vmem>> -> memref<1x128xi32, #tpu.memory_space<vmem>>
    %dma_start3A_759 = tpu.memref_squeeze %dma_start3A_758 : memref<1x128xi32, #tpu.memory_space<vmem>> -> memref<128xi32, #tpu.memory_space<vmem>>
    %dma_start3A_760 = arith.constant 0 : i32
    %dma_start3A_761 = arith.constant 0 : i32
    %dma_start3A_762 = tpu.memref_slice %arg2[%dma_start3A_760, %dma_start3A_761] : memref<200000x64xf32, #tpu.memory_space<hbm>> -> memref<200000x64xf32, #tpu.memory_space<hbm>>
    tpu.enqueue_indirect_dma source(%dma_start3A_762 : memref<200000x64xf32, #tpu.memory_space<hbm>>) target(%dma_start3A_756 : memref<128x64xf32, #tpu.memory_space<vmem>>) offsets(%dma_start3A_759 : memref<128xi32, #tpu.memory_space<vmem>>) semaphore(%arg9 : memref<!tpu.dma_semaphore, #tpu.memory_space<semaphore_mem>>)
    %add3A_763 = arith.constant 3840 : i32
    %add3A_764 = arith.addi %mul3A_2, %add3A_763 : i32
    "tpu.region"() ({
      %run_scoped3A = tpu.sem_alloc : memref<!tpu.dma_semaphore, #tpu.memory_space<semaphore_mem>>
      %dma_start3A_1021 = arith.constant 0 : i32
      %dma_start3A_1022 = tpu.memref_slice %arg4[%add3A_764, %dma_start3A_1021] : memref<204800x64xf32, #tpu.memory_space<hbm>> -> memref<640x64xf32, #tpu.memory_space<hbm>>
      %dma_start3A_1023 = arith.constant 0 : i32
      %dma_start3A_1024 = tpu.memref_slice %arg4[%add3A_764, %dma_start3A_1023] : memref<204800x64xf32, #tpu.memory_space<hbm>> -> memref<640x64xf32, #tpu.memory_space<hbm>>
      tpu.enqueue_dma source(%arg6 : memref<640x64xf32, #tpu.memory_space<vmem>>) target(%dma_start3A_1024 : memref<640x64xf32, #tpu.memory_space<hbm>>) target_semaphore(%run_scoped3A : memref<!tpu.dma_semaphore, #tpu.memory_space<semaphore_mem>>)
      %dma_wait3A_1025 = arith.constant 0 : i32
      %dma_wait3A_1026 = tpu.memref_slice %arg4[%add3A_764, %dma_wait3A_1025] : memref<204800x64xf32, #tpu.memory_space<hbm>> -> memref<640x64xf32, #tpu.memory_space<hbm>>
      %dma_wait3A_1027 = arith.constant 0 : i32
      %dma_wait3A_1028 = tpu.memref_slice %arg4[%add3A_764, %dma_wait3A_1027] : memref<204800x64xf32, #tpu.memory_space<hbm>> -> memref<640x64xf32, #tpu.memory_space<hbm>>
      tpu.wait_dma2 semaphore(%run_scoped3A : memref<!tpu.dma_semaphore, #tpu.memory_space<semaphore_mem>>) src(%arg6 : memref<640x64xf32, #tpu.memory_space<vmem>>) dst(%dma_wait3A_1028 : memref<640x64xf32, #tpu.memory_space<hbm>>)
      tpu.yield
    }) : () -> ()
    %dma_wait3A_765 = arith.constant 35 : i32
    %dma_wait3A_766 = arith.constant 0 : i32
    %dma_wait3A_767 = arith.constant 0 : i32
    %dma_wait3A_768 = tpu.memref_slice %arg7[%dma_wait3A_766, %dma_wait3A_767] : memref<640x64xf32, #tpu.memory_space<vmem>> -> memref<128x64xf32, #tpu.memory_space<vmem>>
    %dma_wait3A_769 = arith.constant 0 : i32
    %dma_wait3A_770 = tpu.memref_slice %arg5[%dma_wait3A_765, %dma_wait3A_769] : memref<50x128xi32, #tpu.memory_space<vmem>> -> memref<1x128xi32, #tpu.memory_space<vmem>>
    %dma_wait3A_771 = tpu.memref_squeeze %dma_wait3A_770 : memref<1x128xi32, #tpu.memory_space<vmem>> -> memref<128xi32, #tpu.memory_space<vmem>>
    %dma_wait3A_772 = arith.constant 0 : i32
    %dma_wait3A_773 = arith.constant 0 : i32
    %dma_wait3A_774 = tpu.memref_slice %arg2[%dma_wait3A_772, %dma_wait3A_773] : memref<200000x64xf32, #tpu.memory_space<hbm>> -> memref<200000x64xf32, #tpu.memory_space<hbm>>
    tpu.wait_indirect_dma semaphore(%arg9 : memref<!tpu.dma_semaphore, #tpu.memory_space<semaphore_mem>>) src(%dma_wait3A_774 : memref<200000x64xf32, #tpu.memory_space<hbm>>) dst(%dma_wait3A_768 : memref<128x64xf32, #tpu.memory_space<vmem>>)
    %dma_wait3A_775 = arith.constant 36 : i32
    %dma_wait3A_776 = arith.constant 128 : i32
    %dma_wait3A_777 = arith.constant 0 : i32
    %dma_wait3A_778 = tpu.memref_slice %arg7[%dma_wait3A_776, %dma_wait3A_777] : memref<640x64xf32, #tpu.memory_space<vmem>> -> memref<128x64xf32, #tpu.memory_space<vmem>>
    %dma_wait3A_779 = arith.constant 0 : i32
    %dma_wait3A_780 = tpu.memref_slice %arg5[%dma_wait3A_775, %dma_wait3A_779] : memref<50x128xi32, #tpu.memory_space<vmem>> -> memref<1x128xi32, #tpu.memory_space<vmem>>
    %dma_wait3A_781 = tpu.memref_squeeze %dma_wait3A_780 : memref<1x128xi32, #tpu.memory_space<vmem>> -> memref<128xi32, #tpu.memory_space<vmem>>
    %dma_wait3A_782 = arith.constant 0 : i32
    %dma_wait3A_783 = arith.constant 0 : i32
    %dma_wait3A_784 = tpu.memref_slice %arg2[%dma_wait3A_782, %dma_wait3A_783] : memref<200000x64xf32, #tpu.memory_space<hbm>> -> memref<200000x64xf32, #tpu.memory_space<hbm>>
    tpu.wait_indirect_dma semaphore(%arg9 : memref<!tpu.dma_semaphore, #tpu.memory_space<semaphore_mem>>) src(%dma_wait3A_784 : memref<200000x64xf32, #tpu.memory_space<hbm>>) dst(%dma_wait3A_778 : memref<128x64xf32, #tpu.memory_space<vmem>>)
    %dma_wait3A_785 = arith.constant 37 : i32
    %dma_wait3A_786 = arith.constant 256 : i32
    %dma_wait3A_787 = arith.constant 0 : i32
    %dma_wait3A_788 = tpu.memref_slice %arg7[%dma_wait3A_786, %dma_wait3A_787] : memref<640x64xf32, #tpu.memory_space<vmem>> -> memref<128x64xf32, #tpu.memory_space<vmem>>
    %dma_wait3A_789 = arith.constant 0 : i32
    %dma_wait3A_790 = tpu.memref_slice %arg5[%dma_wait3A_785, %dma_wait3A_789] : memref<50x128xi32, #tpu.memory_space<vmem>> -> memref<1x128xi32, #tpu.memory_space<vmem>>
    %dma_wait3A_791 = tpu.memref_squeeze %dma_wait3A_790 : memref<1x128xi32, #tpu.memory_space<vmem>> -> memref<128xi32, #tpu.memory_space<vmem>>
    %dma_wait3A_792 = arith.constant 0 : i32
    %dma_wait3A_793 = arith.constant 0 : i32
    %dma_wait3A_794 = tpu.memref_slice %arg2[%dma_wait3A_792, %dma_wait3A_793] : memref<200000x64xf32, #tpu.memory_space<hbm>> -> memref<200000x64xf32, #tpu.memory_space<hbm>>
    tpu.wait_indirect_dma semaphore(%arg9 : memref<!tpu.dma_semaphore, #tpu.memory_space<semaphore_mem>>) src(%dma_wait3A_794 : memref<200000x64xf32, #tpu.memory_space<hbm>>) dst(%dma_wait3A_788 : memref<128x64xf32, #tpu.memory_space<vmem>>)
    %dma_wait3A_795 = arith.constant 38 : i32
    %dma_wait3A_796 = arith.constant 384 : i32
    %dma_wait3A_797 = arith.constant 0 : i32
    %dma_wait3A_798 = tpu.memref_slice %arg7[%dma_wait3A_796, %dma_wait3A_797] : memref<640x64xf32, #tpu.memory_space<vmem>> -> memref<128x64xf32, #tpu.memory_space<vmem>>
    %dma_wait3A_799 = arith.constant 0 : i32
    %dma_wait3A_800 = tpu.memref_slice %arg5[%dma_wait3A_795, %dma_wait3A_799] : memref<50x128xi32, #tpu.memory_space<vmem>> -> memref<1x128xi32, #tpu.memory_space<vmem>>
    %dma_wait3A_801 = tpu.memref_squeeze %dma_wait3A_800 : memref<1x128xi32, #tpu.memory_space<vmem>> -> memref<128xi32, #tpu.memory_space<vmem>>
    %dma_wait3A_802 = arith.constant 0 : i32
    %dma_wait3A_803 = arith.constant 0 : i32
    %dma_wait3A_804 = tpu.memref_slice %arg2[%dma_wait3A_802, %dma_wait3A_803] : memref<200000x64xf32, #tpu.memory_space<hbm>> -> memref<200000x64xf32, #tpu.memory_space<hbm>>
    tpu.wait_indirect_dma semaphore(%arg9 : memref<!tpu.dma_semaphore, #tpu.memory_space<semaphore_mem>>) src(%dma_wait3A_804 : memref<200000x64xf32, #tpu.memory_space<hbm>>) dst(%dma_wait3A_798 : memref<128x64xf32, #tpu.memory_space<vmem>>)
    %dma_wait3A_805 = arith.constant 39 : i32
    %dma_wait3A_806 = arith.constant 512 : i32
    %dma_wait3A_807 = arith.constant 0 : i32
    %dma_wait3A_808 = tpu.memref_slice %arg7[%dma_wait3A_806, %dma_wait3A_807] : memref<640x64xf32, #tpu.memory_space<vmem>> -> memref<128x64xf32, #tpu.memory_space<vmem>>
    %dma_wait3A_809 = arith.constant 0 : i32
    %dma_wait3A_810 = tpu.memref_slice %arg5[%dma_wait3A_805, %dma_wait3A_809] : memref<50x128xi32, #tpu.memory_space<vmem>> -> memref<1x128xi32, #tpu.memory_space<vmem>>
    %dma_wait3A_811 = tpu.memref_squeeze %dma_wait3A_810 : memref<1x128xi32, #tpu.memory_space<vmem>> -> memref<128xi32, #tpu.memory_space<vmem>>
    %dma_wait3A_812 = arith.constant 0 : i32
    %dma_wait3A_813 = arith.constant 0 : i32
    %dma_wait3A_814 = tpu.memref_slice %arg2[%dma_wait3A_812, %dma_wait3A_813] : memref<200000x64xf32, #tpu.memory_space<hbm>> -> memref<200000x64xf32, #tpu.memory_space<hbm>>
    tpu.wait_indirect_dma semaphore(%arg9 : memref<!tpu.dma_semaphore, #tpu.memory_space<semaphore_mem>>) src(%dma_wait3A_814 : memref<200000x64xf32, #tpu.memory_space<hbm>>) dst(%dma_wait3A_808 : memref<128x64xf32, #tpu.memory_space<vmem>>)
    %dma_start3A_815 = arith.constant 40 : i32
    %dma_start3A_816 = arith.constant 0 : i32
    %dma_start3A_817 = arith.constant 0 : i32
    %dma_start3A_818 = tpu.memref_slice %arg6[%dma_start3A_816, %dma_start3A_817] : memref<640x64xf32, #tpu.memory_space<vmem>> -> memref<128x64xf32, #tpu.memory_space<vmem>>
    %dma_start3A_819 = arith.constant 0 : i32
    %dma_start3A_820 = tpu.memref_slice %arg5[%dma_start3A_815, %dma_start3A_819] : memref<50x128xi32, #tpu.memory_space<vmem>> -> memref<1x128xi32, #tpu.memory_space<vmem>>
    %dma_start3A_821 = tpu.memref_squeeze %dma_start3A_820 : memref<1x128xi32, #tpu.memory_space<vmem>> -> memref<128xi32, #tpu.memory_space<vmem>>
    %dma_start3A_822 = arith.constant 0 : i32
    %dma_start3A_823 = arith.constant 0 : i32
    %dma_start3A_824 = tpu.memref_slice %arg2[%dma_start3A_822, %dma_start3A_823] : memref<200000x64xf32, #tpu.memory_space<hbm>> -> memref<200000x64xf32, #tpu.memory_space<hbm>>
    tpu.enqueue_indirect_dma source(%dma_start3A_824 : memref<200000x64xf32, #tpu.memory_space<hbm>>) target(%dma_start3A_818 : memref<128x64xf32, #tpu.memory_space<vmem>>) offsets(%dma_start3A_821 : memref<128xi32, #tpu.memory_space<vmem>>) semaphore(%arg8 : memref<!tpu.dma_semaphore, #tpu.memory_space<semaphore_mem>>)
    %dma_start3A_825 = arith.constant 41 : i32
    %dma_start3A_826 = arith.constant 128 : i32
    %dma_start3A_827 = arith.constant 0 : i32
    %dma_start3A_828 = tpu.memref_slice %arg6[%dma_start3A_826, %dma_start3A_827] : memref<640x64xf32, #tpu.memory_space<vmem>> -> memref<128x64xf32, #tpu.memory_space<vmem>>
    %dma_start3A_829 = arith.constant 0 : i32
    %dma_start3A_830 = tpu.memref_slice %arg5[%dma_start3A_825, %dma_start3A_829] : memref<50x128xi32, #tpu.memory_space<vmem>> -> memref<1x128xi32, #tpu.memory_space<vmem>>
    %dma_start3A_831 = tpu.memref_squeeze %dma_start3A_830 : memref<1x128xi32, #tpu.memory_space<vmem>> -> memref<128xi32, #tpu.memory_space<vmem>>
    %dma_start3A_832 = arith.constant 0 : i32
    %dma_start3A_833 = arith.constant 0 : i32
    %dma_start3A_834 = tpu.memref_slice %arg2[%dma_start3A_832, %dma_start3A_833] : memref<200000x64xf32, #tpu.memory_space<hbm>> -> memref<200000x64xf32, #tpu.memory_space<hbm>>
    tpu.enqueue_indirect_dma source(%dma_start3A_834 : memref<200000x64xf32, #tpu.memory_space<hbm>>) target(%dma_start3A_828 : memref<128x64xf32, #tpu.memory_space<vmem>>) offsets(%dma_start3A_831 : memref<128xi32, #tpu.memory_space<vmem>>) semaphore(%arg8 : memref<!tpu.dma_semaphore, #tpu.memory_space<semaphore_mem>>)
    %dma_start3A_835 = arith.constant 42 : i32
    %dma_start3A_836 = arith.constant 256 : i32
    %dma_start3A_837 = arith.constant 0 : i32
    %dma_start3A_838 = tpu.memref_slice %arg6[%dma_start3A_836, %dma_start3A_837] : memref<640x64xf32, #tpu.memory_space<vmem>> -> memref<128x64xf32, #tpu.memory_space<vmem>>
    %dma_start3A_839 = arith.constant 0 : i32
    %dma_start3A_840 = tpu.memref_slice %arg5[%dma_start3A_835, %dma_start3A_839] : memref<50x128xi32, #tpu.memory_space<vmem>> -> memref<1x128xi32, #tpu.memory_space<vmem>>
    %dma_start3A_841 = tpu.memref_squeeze %dma_start3A_840 : memref<1x128xi32, #tpu.memory_space<vmem>> -> memref<128xi32, #tpu.memory_space<vmem>>
    %dma_start3A_842 = arith.constant 0 : i32
    %dma_start3A_843 = arith.constant 0 : i32
    %dma_start3A_844 = tpu.memref_slice %arg2[%dma_start3A_842, %dma_start3A_843] : memref<200000x64xf32, #tpu.memory_space<hbm>> -> memref<200000x64xf32, #tpu.memory_space<hbm>>
    tpu.enqueue_indirect_dma source(%dma_start3A_844 : memref<200000x64xf32, #tpu.memory_space<hbm>>) target(%dma_start3A_838 : memref<128x64xf32, #tpu.memory_space<vmem>>) offsets(%dma_start3A_841 : memref<128xi32, #tpu.memory_space<vmem>>) semaphore(%arg8 : memref<!tpu.dma_semaphore, #tpu.memory_space<semaphore_mem>>)
    %dma_start3A_845 = arith.constant 43 : i32
    %dma_start3A_846 = arith.constant 384 : i32
    %dma_start3A_847 = arith.constant 0 : i32
    %dma_start3A_848 = tpu.memref_slice %arg6[%dma_start3A_846, %dma_start3A_847] : memref<640x64xf32, #tpu.memory_space<vmem>> -> memref<128x64xf32, #tpu.memory_space<vmem>>
    %dma_start3A_849 = arith.constant 0 : i32
    %dma_start3A_850 = tpu.memref_slice %arg5[%dma_start3A_845, %dma_start3A_849] : memref<50x128xi32, #tpu.memory_space<vmem>> -> memref<1x128xi32, #tpu.memory_space<vmem>>
    %dma_start3A_851 = tpu.memref_squeeze %dma_start3A_850 : memref<1x128xi32, #tpu.memory_space<vmem>> -> memref<128xi32, #tpu.memory_space<vmem>>
    %dma_start3A_852 = arith.constant 0 : i32
    %dma_start3A_853 = arith.constant 0 : i32
    %dma_start3A_854 = tpu.memref_slice %arg2[%dma_start3A_852, %dma_start3A_853] : memref<200000x64xf32, #tpu.memory_space<hbm>> -> memref<200000x64xf32, #tpu.memory_space<hbm>>
    tpu.enqueue_indirect_dma source(%dma_start3A_854 : memref<200000x64xf32, #tpu.memory_space<hbm>>) target(%dma_start3A_848 : memref<128x64xf32, #tpu.memory_space<vmem>>) offsets(%dma_start3A_851 : memref<128xi32, #tpu.memory_space<vmem>>) semaphore(%arg8 : memref<!tpu.dma_semaphore, #tpu.memory_space<semaphore_mem>>)
    %dma_start3A_855 = arith.constant 44 : i32
    %dma_start3A_856 = arith.constant 512 : i32
    %dma_start3A_857 = arith.constant 0 : i32
    %dma_start3A_858 = tpu.memref_slice %arg6[%dma_start3A_856, %dma_start3A_857] : memref<640x64xf32, #tpu.memory_space<vmem>> -> memref<128x64xf32, #tpu.memory_space<vmem>>
    %dma_start3A_859 = arith.constant 0 : i32
    %dma_start3A_860 = tpu.memref_slice %arg5[%dma_start3A_855, %dma_start3A_859] : memref<50x128xi32, #tpu.memory_space<vmem>> -> memref<1x128xi32, #tpu.memory_space<vmem>>
    %dma_start3A_861 = tpu.memref_squeeze %dma_start3A_860 : memref<1x128xi32, #tpu.memory_space<vmem>> -> memref<128xi32, #tpu.memory_space<vmem>>
    %dma_start3A_862 = arith.constant 0 : i32
    %dma_start3A_863 = arith.constant 0 : i32
    %dma_start3A_864 = tpu.memref_slice %arg2[%dma_start3A_862, %dma_start3A_863] : memref<200000x64xf32, #tpu.memory_space<hbm>> -> memref<200000x64xf32, #tpu.memory_space<hbm>>
    tpu.enqueue_indirect_dma source(%dma_start3A_864 : memref<200000x64xf32, #tpu.memory_space<hbm>>) target(%dma_start3A_858 : memref<128x64xf32, #tpu.memory_space<vmem>>) offsets(%dma_start3A_861 : memref<128xi32, #tpu.memory_space<vmem>>) semaphore(%arg8 : memref<!tpu.dma_semaphore, #tpu.memory_space<semaphore_mem>>)
    %add3A_865 = arith.constant 4480 : i32
    %add3A_866 = arith.addi %mul3A_2, %add3A_865 : i32
    "tpu.region"() ({
      %run_scoped3A = tpu.sem_alloc : memref<!tpu.dma_semaphore, #tpu.memory_space<semaphore_mem>>
      %dma_start3A_1021 = arith.constant 0 : i32
      %dma_start3A_1022 = tpu.memref_slice %arg4[%add3A_866, %dma_start3A_1021] : memref<204800x64xf32, #tpu.memory_space<hbm>> -> memref<640x64xf32, #tpu.memory_space<hbm>>
      %dma_start3A_1023 = arith.constant 0 : i32
      %dma_start3A_1024 = tpu.memref_slice %arg4[%add3A_866, %dma_start3A_1023] : memref<204800x64xf32, #tpu.memory_space<hbm>> -> memref<640x64xf32, #tpu.memory_space<hbm>>
      tpu.enqueue_dma source(%arg7 : memref<640x64xf32, #tpu.memory_space<vmem>>) target(%dma_start3A_1024 : memref<640x64xf32, #tpu.memory_space<hbm>>) target_semaphore(%run_scoped3A : memref<!tpu.dma_semaphore, #tpu.memory_space<semaphore_mem>>)
      %dma_wait3A_1025 = arith.constant 0 : i32
      %dma_wait3A_1026 = tpu.memref_slice %arg4[%add3A_866, %dma_wait3A_1025] : memref<204800x64xf32, #tpu.memory_space<hbm>> -> memref<640x64xf32, #tpu.memory_space<hbm>>
      %dma_wait3A_1027 = arith.constant 0 : i32
      %dma_wait3A_1028 = tpu.memref_slice %arg4[%add3A_866, %dma_wait3A_1027] : memref<204800x64xf32, #tpu.memory_space<hbm>> -> memref<640x64xf32, #tpu.memory_space<hbm>>
      tpu.wait_dma2 semaphore(%run_scoped3A : memref<!tpu.dma_semaphore, #tpu.memory_space<semaphore_mem>>) src(%arg7 : memref<640x64xf32, #tpu.memory_space<vmem>>) dst(%dma_wait3A_1028 : memref<640x64xf32, #tpu.memory_space<hbm>>)
      tpu.yield
    }) : () -> ()
    %dma_wait3A_867 = arith.constant 40 : i32
    %dma_wait3A_868 = arith.constant 0 : i32
    %dma_wait3A_869 = arith.constant 0 : i32
    %dma_wait3A_870 = tpu.memref_slice %arg6[%dma_wait3A_868, %dma_wait3A_869] : memref<640x64xf32, #tpu.memory_space<vmem>> -> memref<128x64xf32, #tpu.memory_space<vmem>>
    %dma_wait3A_871 = arith.constant 0 : i32
    %dma_wait3A_872 = tpu.memref_slice %arg5[%dma_wait3A_867, %dma_wait3A_871] : memref<50x128xi32, #tpu.memory_space<vmem>> -> memref<1x128xi32, #tpu.memory_space<vmem>>
    %dma_wait3A_873 = tpu.memref_squeeze %dma_wait3A_872 : memref<1x128xi32, #tpu.memory_space<vmem>> -> memref<128xi32, #tpu.memory_space<vmem>>
    %dma_wait3A_874 = arith.constant 0 : i32
    %dma_wait3A_875 = arith.constant 0 : i32
    %dma_wait3A_876 = tpu.memref_slice %arg2[%dma_wait3A_874, %dma_wait3A_875] : memref<200000x64xf32, #tpu.memory_space<hbm>> -> memref<200000x64xf32, #tpu.memory_space<hbm>>
    tpu.wait_indirect_dma semaphore(%arg8 : memref<!tpu.dma_semaphore, #tpu.memory_space<semaphore_mem>>) src(%dma_wait3A_876 : memref<200000x64xf32, #tpu.memory_space<hbm>>) dst(%dma_wait3A_870 : memref<128x64xf32, #tpu.memory_space<vmem>>)
    %dma_wait3A_877 = arith.constant 41 : i32
    %dma_wait3A_878 = arith.constant 128 : i32
    %dma_wait3A_879 = arith.constant 0 : i32
    %dma_wait3A_880 = tpu.memref_slice %arg6[%dma_wait3A_878, %dma_wait3A_879] : memref<640x64xf32, #tpu.memory_space<vmem>> -> memref<128x64xf32, #tpu.memory_space<vmem>>
    %dma_wait3A_881 = arith.constant 0 : i32
    %dma_wait3A_882 = tpu.memref_slice %arg5[%dma_wait3A_877, %dma_wait3A_881] : memref<50x128xi32, #tpu.memory_space<vmem>> -> memref<1x128xi32, #tpu.memory_space<vmem>>
    %dma_wait3A_883 = tpu.memref_squeeze %dma_wait3A_882 : memref<1x128xi32, #tpu.memory_space<vmem>> -> memref<128xi32, #tpu.memory_space<vmem>>
    %dma_wait3A_884 = arith.constant 0 : i32
    %dma_wait3A_885 = arith.constant 0 : i32
    %dma_wait3A_886 = tpu.memref_slice %arg2[%dma_wait3A_884, %dma_wait3A_885] : memref<200000x64xf32, #tpu.memory_space<hbm>> -> memref<200000x64xf32, #tpu.memory_space<hbm>>
    tpu.wait_indirect_dma semaphore(%arg8 : memref<!tpu.dma_semaphore, #tpu.memory_space<semaphore_mem>>) src(%dma_wait3A_886 : memref<200000x64xf32, #tpu.memory_space<hbm>>) dst(%dma_wait3A_880 : memref<128x64xf32, #tpu.memory_space<vmem>>)
    %dma_wait3A_887 = arith.constant 42 : i32
    %dma_wait3A_888 = arith.constant 256 : i32
    %dma_wait3A_889 = arith.constant 0 : i32
    %dma_wait3A_890 = tpu.memref_slice %arg6[%dma_wait3A_888, %dma_wait3A_889] : memref<640x64xf32, #tpu.memory_space<vmem>> -> memref<128x64xf32, #tpu.memory_space<vmem>>
    %dma_wait3A_891 = arith.constant 0 : i32
    %dma_wait3A_892 = tpu.memref_slice %arg5[%dma_wait3A_887, %dma_wait3A_891] : memref<50x128xi32, #tpu.memory_space<vmem>> -> memref<1x128xi32, #tpu.memory_space<vmem>>
    %dma_wait3A_893 = tpu.memref_squeeze %dma_wait3A_892 : memref<1x128xi32, #tpu.memory_space<vmem>> -> memref<128xi32, #tpu.memory_space<vmem>>
    %dma_wait3A_894 = arith.constant 0 : i32
    %dma_wait3A_895 = arith.constant 0 : i32
    %dma_wait3A_896 = tpu.memref_slice %arg2[%dma_wait3A_894, %dma_wait3A_895] : memref<200000x64xf32, #tpu.memory_space<hbm>> -> memref<200000x64xf32, #tpu.memory_space<hbm>>
    tpu.wait_indirect_dma semaphore(%arg8 : memref<!tpu.dma_semaphore, #tpu.memory_space<semaphore_mem>>) src(%dma_wait3A_896 : memref<200000x64xf32, #tpu.memory_space<hbm>>) dst(%dma_wait3A_890 : memref<128x64xf32, #tpu.memory_space<vmem>>)
    %dma_wait3A_897 = arith.constant 43 : i32
    %dma_wait3A_898 = arith.constant 384 : i32
    %dma_wait3A_899 = arith.constant 0 : i32
    %dma_wait3A_900 = tpu.memref_slice %arg6[%dma_wait3A_898, %dma_wait3A_899] : memref<640x64xf32, #tpu.memory_space<vmem>> -> memref<128x64xf32, #tpu.memory_space<vmem>>
    %dma_wait3A_901 = arith.constant 0 : i32
    %dma_wait3A_902 = tpu.memref_slice %arg5[%dma_wait3A_897, %dma_wait3A_901] : memref<50x128xi32, #tpu.memory_space<vmem>> -> memref<1x128xi32, #tpu.memory_space<vmem>>
    %dma_wait3A_903 = tpu.memref_squeeze %dma_wait3A_902 : memref<1x128xi32, #tpu.memory_space<vmem>> -> memref<128xi32, #tpu.memory_space<vmem>>
    %dma_wait3A_904 = arith.constant 0 : i32
    %dma_wait3A_905 = arith.constant 0 : i32
    %dma_wait3A_906 = tpu.memref_slice %arg2[%dma_wait3A_904, %dma_wait3A_905] : memref<200000x64xf32, #tpu.memory_space<hbm>> -> memref<200000x64xf32, #tpu.memory_space<hbm>>
    tpu.wait_indirect_dma semaphore(%arg8 : memref<!tpu.dma_semaphore, #tpu.memory_space<semaphore_mem>>) src(%dma_wait3A_906 : memref<200000x64xf32, #tpu.memory_space<hbm>>) dst(%dma_wait3A_900 : memref<128x64xf32, #tpu.memory_space<vmem>>)
    %dma_wait3A_907 = arith.constant 44 : i32
    %dma_wait3A_908 = arith.constant 512 : i32
    %dma_wait3A_909 = arith.constant 0 : i32
    %dma_wait3A_910 = tpu.memref_slice %arg6[%dma_wait3A_908, %dma_wait3A_909] : memref<640x64xf32, #tpu.memory_space<vmem>> -> memref<128x64xf32, #tpu.memory_space<vmem>>
    %dma_wait3A_911 = arith.constant 0 : i32
    %dma_wait3A_912 = tpu.memref_slice %arg5[%dma_wait3A_907, %dma_wait3A_911] : memref<50x128xi32, #tpu.memory_space<vmem>> -> memref<1x128xi32, #tpu.memory_space<vmem>>
    %dma_wait3A_913 = tpu.memref_squeeze %dma_wait3A_912 : memref<1x128xi32, #tpu.memory_space<vmem>> -> memref<128xi32, #tpu.memory_space<vmem>>
    %dma_wait3A_914 = arith.constant 0 : i32
    %dma_wait3A_915 = arith.constant 0 : i32
    %dma_wait3A_916 = tpu.memref_slice %arg2[%dma_wait3A_914, %dma_wait3A_915] : memref<200000x64xf32, #tpu.memory_space<hbm>> -> memref<200000x64xf32, #tpu.memory_space<hbm>>
    tpu.wait_indirect_dma semaphore(%arg8 : memref<!tpu.dma_semaphore, #tpu.memory_space<semaphore_mem>>) src(%dma_wait3A_916 : memref<200000x64xf32, #tpu.memory_space<hbm>>) dst(%dma_wait3A_910 : memref<128x64xf32, #tpu.memory_space<vmem>>)
    %dma_start3A_917 = arith.constant 45 : i32
    %dma_start3A_918 = arith.constant 0 : i32
    %dma_start3A_919 = arith.constant 0 : i32
    %dma_start3A_920 = tpu.memref_slice %arg7[%dma_start3A_918, %dma_start3A_919] : memref<640x64xf32, #tpu.memory_space<vmem>> -> memref<128x64xf32, #tpu.memory_space<vmem>>
    %dma_start3A_921 = arith.constant 0 : i32
    %dma_start3A_922 = tpu.memref_slice %arg5[%dma_start3A_917, %dma_start3A_921] : memref<50x128xi32, #tpu.memory_space<vmem>> -> memref<1x128xi32, #tpu.memory_space<vmem>>
    %dma_start3A_923 = tpu.memref_squeeze %dma_start3A_922 : memref<1x128xi32, #tpu.memory_space<vmem>> -> memref<128xi32, #tpu.memory_space<vmem>>
    %dma_start3A_924 = arith.constant 0 : i32
    %dma_start3A_925 = arith.constant 0 : i32
    %dma_start3A_926 = tpu.memref_slice %arg2[%dma_start3A_924, %dma_start3A_925] : memref<200000x64xf32, #tpu.memory_space<hbm>> -> memref<200000x64xf32, #tpu.memory_space<hbm>>
    tpu.enqueue_indirect_dma source(%dma_start3A_926 : memref<200000x64xf32, #tpu.memory_space<hbm>>) target(%dma_start3A_920 : memref<128x64xf32, #tpu.memory_space<vmem>>) offsets(%dma_start3A_923 : memref<128xi32, #tpu.memory_space<vmem>>) semaphore(%arg9 : memref<!tpu.dma_semaphore, #tpu.memory_space<semaphore_mem>>)
    %dma_start3A_927 = arith.constant 46 : i32
    %dma_start3A_928 = arith.constant 128 : i32
    %dma_start3A_929 = arith.constant 0 : i32
    %dma_start3A_930 = tpu.memref_slice %arg7[%dma_start3A_928, %dma_start3A_929] : memref<640x64xf32, #tpu.memory_space<vmem>> -> memref<128x64xf32, #tpu.memory_space<vmem>>
    %dma_start3A_931 = arith.constant 0 : i32
    %dma_start3A_932 = tpu.memref_slice %arg5[%dma_start3A_927, %dma_start3A_931] : memref<50x128xi32, #tpu.memory_space<vmem>> -> memref<1x128xi32, #tpu.memory_space<vmem>>
    %dma_start3A_933 = tpu.memref_squeeze %dma_start3A_932 : memref<1x128xi32, #tpu.memory_space<vmem>> -> memref<128xi32, #tpu.memory_space<vmem>>
    %dma_start3A_934 = arith.constant 0 : i32
    %dma_start3A_935 = arith.constant 0 : i32
    %dma_start3A_936 = tpu.memref_slice %arg2[%dma_start3A_934, %dma_start3A_935] : memref<200000x64xf32, #tpu.memory_space<hbm>> -> memref<200000x64xf32, #tpu.memory_space<hbm>>
    tpu.enqueue_indirect_dma source(%dma_start3A_936 : memref<200000x64xf32, #tpu.memory_space<hbm>>) target(%dma_start3A_930 : memref<128x64xf32, #tpu.memory_space<vmem>>) offsets(%dma_start3A_933 : memref<128xi32, #tpu.memory_space<vmem>>) semaphore(%arg9 : memref<!tpu.dma_semaphore, #tpu.memory_space<semaphore_mem>>)
    %dma_start3A_937 = arith.constant 47 : i32
    %dma_start3A_938 = arith.constant 256 : i32
    %dma_start3A_939 = arith.constant 0 : i32
    %dma_start3A_940 = tpu.memref_slice %arg7[%dma_start3A_938, %dma_start3A_939] : memref<640x64xf32, #tpu.memory_space<vmem>> -> memref<128x64xf32, #tpu.memory_space<vmem>>
    %dma_start3A_941 = arith.constant 0 : i32
    %dma_start3A_942 = tpu.memref_slice %arg5[%dma_start3A_937, %dma_start3A_941] : memref<50x128xi32, #tpu.memory_space<vmem>> -> memref<1x128xi32, #tpu.memory_space<vmem>>
    %dma_start3A_943 = tpu.memref_squeeze %dma_start3A_942 : memref<1x128xi32, #tpu.memory_space<vmem>> -> memref<128xi32, #tpu.memory_space<vmem>>
    %dma_start3A_944 = arith.constant 0 : i32
    %dma_start3A_945 = arith.constant 0 : i32
    %dma_start3A_946 = tpu.memref_slice %arg2[%dma_start3A_944, %dma_start3A_945] : memref<200000x64xf32, #tpu.memory_space<hbm>> -> memref<200000x64xf32, #tpu.memory_space<hbm>>
    tpu.enqueue_indirect_dma source(%dma_start3A_946 : memref<200000x64xf32, #tpu.memory_space<hbm>>) target(%dma_start3A_940 : memref<128x64xf32, #tpu.memory_space<vmem>>) offsets(%dma_start3A_943 : memref<128xi32, #tpu.memory_space<vmem>>) semaphore(%arg9 : memref<!tpu.dma_semaphore, #tpu.memory_space<semaphore_mem>>)
    %dma_start3A_947 = arith.constant 48 : i32
    %dma_start3A_948 = arith.constant 384 : i32
    %dma_start3A_949 = arith.constant 0 : i32
    %dma_start3A_950 = tpu.memref_slice %arg7[%dma_start3A_948, %dma_start3A_949] : memref<640x64xf32, #tpu.memory_space<vmem>> -> memref<128x64xf32, #tpu.memory_space<vmem>>
    %dma_start3A_951 = arith.constant 0 : i32
    %dma_start3A_952 = tpu.memref_slice %arg5[%dma_start3A_947, %dma_start3A_951] : memref<50x128xi32, #tpu.memory_space<vmem>> -> memref<1x128xi32, #tpu.memory_space<vmem>>
    %dma_start3A_953 = tpu.memref_squeeze %dma_start3A_952 : memref<1x128xi32, #tpu.memory_space<vmem>> -> memref<128xi32, #tpu.memory_space<vmem>>
    %dma_start3A_954 = arith.constant 0 : i32
    %dma_start3A_955 = arith.constant 0 : i32
    %dma_start3A_956 = tpu.memref_slice %arg2[%dma_start3A_954, %dma_start3A_955] : memref<200000x64xf32, #tpu.memory_space<hbm>> -> memref<200000x64xf32, #tpu.memory_space<hbm>>
    tpu.enqueue_indirect_dma source(%dma_start3A_956 : memref<200000x64xf32, #tpu.memory_space<hbm>>) target(%dma_start3A_950 : memref<128x64xf32, #tpu.memory_space<vmem>>) offsets(%dma_start3A_953 : memref<128xi32, #tpu.memory_space<vmem>>) semaphore(%arg9 : memref<!tpu.dma_semaphore, #tpu.memory_space<semaphore_mem>>)
    %dma_start3A_957 = arith.constant 49 : i32
    %dma_start3A_958 = arith.constant 512 : i32
    %dma_start3A_959 = arith.constant 0 : i32
    %dma_start3A_960 = tpu.memref_slice %arg7[%dma_start3A_958, %dma_start3A_959] : memref<640x64xf32, #tpu.memory_space<vmem>> -> memref<128x64xf32, #tpu.memory_space<vmem>>
    %dma_start3A_961 = arith.constant 0 : i32
    %dma_start3A_962 = tpu.memref_slice %arg5[%dma_start3A_957, %dma_start3A_961] : memref<50x128xi32, #tpu.memory_space<vmem>> -> memref<1x128xi32, #tpu.memory_space<vmem>>
    %dma_start3A_963 = tpu.memref_squeeze %dma_start3A_962 : memref<1x128xi32, #tpu.memory_space<vmem>> -> memref<128xi32, #tpu.memory_space<vmem>>
    %dma_start3A_964 = arith.constant 0 : i32
    %dma_start3A_965 = arith.constant 0 : i32
    %dma_start3A_966 = tpu.memref_slice %arg2[%dma_start3A_964, %dma_start3A_965] : memref<200000x64xf32, #tpu.memory_space<hbm>> -> memref<200000x64xf32, #tpu.memory_space<hbm>>
    tpu.enqueue_indirect_dma source(%dma_start3A_966 : memref<200000x64xf32, #tpu.memory_space<hbm>>) target(%dma_start3A_960 : memref<128x64xf32, #tpu.memory_space<vmem>>) offsets(%dma_start3A_963 : memref<128xi32, #tpu.memory_space<vmem>>) semaphore(%arg9 : memref<!tpu.dma_semaphore, #tpu.memory_space<semaphore_mem>>)
    %add3A_967 = arith.constant 5120 : i32
    %add3A_968 = arith.addi %mul3A_2, %add3A_967 : i32
    "tpu.region"() ({
      %run_scoped3A = tpu.sem_alloc : memref<!tpu.dma_semaphore, #tpu.memory_space<semaphore_mem>>
      %dma_start3A_1021 = arith.constant 0 : i32
      %dma_start3A_1022 = tpu.memref_slice %arg4[%add3A_968, %dma_start3A_1021] : memref<204800x64xf32, #tpu.memory_space<hbm>> -> memref<640x64xf32, #tpu.memory_space<hbm>>
      %dma_start3A_1023 = arith.constant 0 : i32
      %dma_start3A_1024 = tpu.memref_slice %arg4[%add3A_968, %dma_start3A_1023] : memref<204800x64xf32, #tpu.memory_space<hbm>> -> memref<640x64xf32, #tpu.memory_space<hbm>>
      tpu.enqueue_dma source(%arg6 : memref<640x64xf32, #tpu.memory_space<vmem>>) target(%dma_start3A_1024 : memref<640x64xf32, #tpu.memory_space<hbm>>) target_semaphore(%run_scoped3A : memref<!tpu.dma_semaphore, #tpu.memory_space<semaphore_mem>>)
      %dma_wait3A_1025 = arith.constant 0 : i32
      %dma_wait3A_1026 = tpu.memref_slice %arg4[%add3A_968, %dma_wait3A_1025] : memref<204800x64xf32, #tpu.memory_space<hbm>> -> memref<640x64xf32, #tpu.memory_space<hbm>>
      %dma_wait3A_1027 = arith.constant 0 : i32
      %dma_wait3A_1028 = tpu.memref_slice %arg4[%add3A_968, %dma_wait3A_1027] : memref<204800x64xf32, #tpu.memory_space<hbm>> -> memref<640x64xf32, #tpu.memory_space<hbm>>
      tpu.wait_dma2 semaphore(%run_scoped3A : memref<!tpu.dma_semaphore, #tpu.memory_space<semaphore_mem>>) src(%arg6 : memref<640x64xf32, #tpu.memory_space<vmem>>) dst(%dma_wait3A_1028 : memref<640x64xf32, #tpu.memory_space<hbm>>)
      tpu.yield
    }) : () -> ()
    %dma_wait3A_969 = arith.constant 45 : i32
    %dma_wait3A_970 = arith.constant 0 : i32
    %dma_wait3A_971 = arith.constant 0 : i32
    %dma_wait3A_972 = tpu.memref_slice %arg7[%dma_wait3A_970, %dma_wait3A_971] : memref<640x64xf32, #tpu.memory_space<vmem>> -> memref<128x64xf32, #tpu.memory_space<vmem>>
    %dma_wait3A_973 = arith.constant 0 : i32
    %dma_wait3A_974 = tpu.memref_slice %arg5[%dma_wait3A_969, %dma_wait3A_973] : memref<50x128xi32, #tpu.memory_space<vmem>> -> memref<1x128xi32, #tpu.memory_space<vmem>>
    %dma_wait3A_975 = tpu.memref_squeeze %dma_wait3A_974 : memref<1x128xi32, #tpu.memory_space<vmem>> -> memref<128xi32, #tpu.memory_space<vmem>>
    %dma_wait3A_976 = arith.constant 0 : i32
    %dma_wait3A_977 = arith.constant 0 : i32
    %dma_wait3A_978 = tpu.memref_slice %arg2[%dma_wait3A_976, %dma_wait3A_977] : memref<200000x64xf32, #tpu.memory_space<hbm>> -> memref<200000x64xf32, #tpu.memory_space<hbm>>
    tpu.wait_indirect_dma semaphore(%arg9 : memref<!tpu.dma_semaphore, #tpu.memory_space<semaphore_mem>>) src(%dma_wait3A_978 : memref<200000x64xf32, #tpu.memory_space<hbm>>) dst(%dma_wait3A_972 : memref<128x64xf32, #tpu.memory_space<vmem>>)
    %dma_wait3A_979 = arith.constant 46 : i32
    %dma_wait3A_980 = arith.constant 128 : i32
    %dma_wait3A_981 = arith.constant 0 : i32
    %dma_wait3A_982 = tpu.memref_slice %arg7[%dma_wait3A_980, %dma_wait3A_981] : memref<640x64xf32, #tpu.memory_space<vmem>> -> memref<128x64xf32, #tpu.memory_space<vmem>>
    %dma_wait3A_983 = arith.constant 0 : i32
    %dma_wait3A_984 = tpu.memref_slice %arg5[%dma_wait3A_979, %dma_wait3A_983] : memref<50x128xi32, #tpu.memory_space<vmem>> -> memref<1x128xi32, #tpu.memory_space<vmem>>
    %dma_wait3A_985 = tpu.memref_squeeze %dma_wait3A_984 : memref<1x128xi32, #tpu.memory_space<vmem>> -> memref<128xi32, #tpu.memory_space<vmem>>
    %dma_wait3A_986 = arith.constant 0 : i32
    %dma_wait3A_987 = arith.constant 0 : i32
    %dma_wait3A_988 = tpu.memref_slice %arg2[%dma_wait3A_986, %dma_wait3A_987] : memref<200000x64xf32, #tpu.memory_space<hbm>> -> memref<200000x64xf32, #tpu.memory_space<hbm>>
    tpu.wait_indirect_dma semaphore(%arg9 : memref<!tpu.dma_semaphore, #tpu.memory_space<semaphore_mem>>) src(%dma_wait3A_988 : memref<200000x64xf32, #tpu.memory_space<hbm>>) dst(%dma_wait3A_982 : memref<128x64xf32, #tpu.memory_space<vmem>>)
    %dma_wait3A_989 = arith.constant 47 : i32
    %dma_wait3A_990 = arith.constant 256 : i32
    %dma_wait3A_991 = arith.constant 0 : i32
    %dma_wait3A_992 = tpu.memref_slice %arg7[%dma_wait3A_990, %dma_wait3A_991] : memref<640x64xf32, #tpu.memory_space<vmem>> -> memref<128x64xf32, #tpu.memory_space<vmem>>
    %dma_wait3A_993 = arith.constant 0 : i32
    %dma_wait3A_994 = tpu.memref_slice %arg5[%dma_wait3A_989, %dma_wait3A_993] : memref<50x128xi32, #tpu.memory_space<vmem>> -> memref<1x128xi32, #tpu.memory_space<vmem>>
    %dma_wait3A_995 = tpu.memref_squeeze %dma_wait3A_994 : memref<1x128xi32, #tpu.memory_space<vmem>> -> memref<128xi32, #tpu.memory_space<vmem>>
    %dma_wait3A_996 = arith.constant 0 : i32
    %dma_wait3A_997 = arith.constant 0 : i32
    %dma_wait3A_998 = tpu.memref_slice %arg2[%dma_wait3A_996, %dma_wait3A_997] : memref<200000x64xf32, #tpu.memory_space<hbm>> -> memref<200000x64xf32, #tpu.memory_space<hbm>>
    tpu.wait_indirect_dma semaphore(%arg9 : memref<!tpu.dma_semaphore, #tpu.memory_space<semaphore_mem>>) src(%dma_wait3A_998 : memref<200000x64xf32, #tpu.memory_space<hbm>>) dst(%dma_wait3A_992 : memref<128x64xf32, #tpu.memory_space<vmem>>)
    %dma_wait3A_999 = arith.constant 48 : i32
    %dma_wait3A_1000 = arith.constant 384 : i32
    %dma_wait3A_1001 = arith.constant 0 : i32
    %dma_wait3A_1002 = tpu.memref_slice %arg7[%dma_wait3A_1000, %dma_wait3A_1001] : memref<640x64xf32, #tpu.memory_space<vmem>> -> memref<128x64xf32, #tpu.memory_space<vmem>>
    %dma_wait3A_1003 = arith.constant 0 : i32
    %dma_wait3A_1004 = tpu.memref_slice %arg5[%dma_wait3A_999, %dma_wait3A_1003] : memref<50x128xi32, #tpu.memory_space<vmem>> -> memref<1x128xi32, #tpu.memory_space<vmem>>
    %dma_wait3A_1005 = tpu.memref_squeeze %dma_wait3A_1004 : memref<1x128xi32, #tpu.memory_space<vmem>> -> memref<128xi32, #tpu.memory_space<vmem>>
    %dma_wait3A_1006 = arith.constant 0 : i32
    %dma_wait3A_1007 = arith.constant 0 : i32
    %dma_wait3A_1008 = tpu.memref_slice %arg2[%dma_wait3A_1006, %dma_wait3A_1007] : memref<200000x64xf32, #tpu.memory_space<hbm>> -> memref<200000x64xf32, #tpu.memory_space<hbm>>
    tpu.wait_indirect_dma semaphore(%arg9 : memref<!tpu.dma_semaphore, #tpu.memory_space<semaphore_mem>>) src(%dma_wait3A_1008 : memref<200000x64xf32, #tpu.memory_space<hbm>>) dst(%dma_wait3A_1002 : memref<128x64xf32, #tpu.memory_space<vmem>>)
    %dma_wait3A_1009 = arith.constant 49 : i32
    %dma_wait3A_1010 = arith.constant 512 : i32
    %dma_wait3A_1011 = arith.constant 0 : i32
    %dma_wait3A_1012 = tpu.memref_slice %arg7[%dma_wait3A_1010, %dma_wait3A_1011] : memref<640x64xf32, #tpu.memory_space<vmem>> -> memref<128x64xf32, #tpu.memory_space<vmem>>
    %dma_wait3A_1013 = arith.constant 0 : i32
    %dma_wait3A_1014 = tpu.memref_slice %arg5[%dma_wait3A_1009, %dma_wait3A_1013] : memref<50x128xi32, #tpu.memory_space<vmem>> -> memref<1x128xi32, #tpu.memory_space<vmem>>
    %dma_wait3A_1015 = tpu.memref_squeeze %dma_wait3A_1014 : memref<1x128xi32, #tpu.memory_space<vmem>> -> memref<128xi32, #tpu.memory_space<vmem>>
    %dma_wait3A_1016 = arith.constant 0 : i32
    %dma_wait3A_1017 = arith.constant 0 : i32
    %dma_wait3A_1018 = tpu.memref_slice %arg2[%dma_wait3A_1016, %dma_wait3A_1017] : memref<200000x64xf32, #tpu.memory_space<hbm>> -> memref<200000x64xf32, #tpu.memory_space<hbm>>
    tpu.wait_indirect_dma semaphore(%arg9 : memref<!tpu.dma_semaphore, #tpu.memory_space<semaphore_mem>>) src(%dma_wait3A_1018 : memref<200000x64xf32, #tpu.memory_space<hbm>>) dst(%dma_wait3A_1012 : memref<128x64xf32, #tpu.memory_space<vmem>>)
    %add3A_1019 = arith.constant 5760 : i32
    %add3A_1020 = arith.addi %mul3A_2, %add3A_1019 : i32
    "tpu.region"() ({
      %run_scoped3A = tpu.sem_alloc : memref<!tpu.dma_semaphore, #tpu.memory_space<semaphore_mem>>
      %dma_start3A_1021 = arith.constant 0 : i32
      %dma_start3A_1022 = tpu.memref_slice %arg4[%add3A_1020, %dma_start3A_1021] : memref<204800x64xf32, #tpu.memory_space<hbm>> -> memref<640x64xf32, #tpu.memory_space<hbm>>
      %dma_start3A_1023 = arith.constant 0 : i32
      %dma_start3A_1024 = tpu.memref_slice %arg4[%add3A_1020, %dma_start3A_1023] : memref<204800x64xf32, #tpu.memory_space<hbm>> -> memref<640x64xf32, #tpu.memory_space<hbm>>
      tpu.enqueue_dma source(%arg7 : memref<640x64xf32, #tpu.memory_space<vmem>>) target(%dma_start3A_1024 : memref<640x64xf32, #tpu.memory_space<hbm>>) target_semaphore(%run_scoped3A : memref<!tpu.dma_semaphore, #tpu.memory_space<semaphore_mem>>)
      %dma_wait3A_1025 = arith.constant 0 : i32
      %dma_wait3A_1026 = tpu.memref_slice %arg4[%add3A_1020, %dma_wait3A_1025] : memref<204800x64xf32, #tpu.memory_space<hbm>> -> memref<640x64xf32, #tpu.memory_space<hbm>>
      %dma_wait3A_1027 = arith.constant 0 : i32
      %dma_wait3A_1028 = tpu.memref_slice %arg4[%add3A_1020, %dma_wait3A_1027] : memref<204800x64xf32, #tpu.memory_space<hbm>> -> memref<640x64xf32, #tpu.memory_space<hbm>>
      tpu.wait_dma2 semaphore(%run_scoped3A : memref<!tpu.dma_semaphore, #tpu.memory_space<semaphore_mem>>) src(%arg7 : memref<640x64xf32, #tpu.memory_space<vmem>>) dst(%dma_wait3A_1028 : memref<640x64xf32, #tpu.memory_space<hbm>>)
      tpu.yield
    }) : () -> ()
    return
  }
}

module attributes {stable_mosaic.version = 14 : i64} {
  func.func @_prep_body(%arg0: i32, %arg1: memref<64x12544xf32, #tpu.memory_space<vmem>>, %arg2: memref<64x12544xf32, #tpu.memory_space<vmem>>, %arg3: memref<12544x128xf32, #tpu.memory_space<vmem>>) attributes {dimension_semantics = [#tpu.dimension_semantics<arbitrary>], iteration_bounds = array<i64: 8>, scalar_prefetch = 0 : i64, scratch_operands = 0 : i64, tpu.core_type = #tpu.core_type<tc>, window_params = [{transform_indices = @transform_0, window_bounds = array<i64: 64, 12544>}, {transform_indices = @transform_1, window_bounds = array<i64: 64, 12544>}, {transform_indices = @transform_2, window_bounds = array<i64: 12544, 128>}]} {
    %get3A = arith.constant 0 : index
    %get3A_0 = arith.constant 0 : index
    %get3A_1 = vector.load %arg1[%get3A, %get3A_0] : memref<64x12544xf32, #tpu.memory_space<vmem>>, vector<64x12544xf32>
    %get3A_2 = arith.constant 0 : index
    %get3A_3 = arith.constant 0 : index
    %get3A_4 = vector.load %arg2[%get3A_2, %get3A_3] : memref<64x12544xf32, #tpu.memory_space<vmem>>, vector<64x12544xf32>
    %concatenate3A = tpu.concatenate %get3A_1, %get3A_4 in 0 : vector<64x12544xf32>, vector<64x12544xf32> -> vector<128x12544xf32>
    %transpose3A = tpu.transpose %concatenate3A, [1, 0] : vector<128x12544xf32> -> vector<12544x128xf32>
    %mul3A = arith.constant 8.000000e+00 : f32
    %mul3A_5 = vector.broadcast %mul3A : f32 to vector<12544x128xf32>
    %mul3A_6 = arith.mulf %transpose3A, %mul3A_5 : vector<12544x128xf32>
    %swap3A = arith.constant 0 : index
    %swap3A_7 = arith.constant 0 : index
    %swap3A_8 = vector.load %arg3[%swap3A, %swap3A_7] : memref<12544x128xf32, #tpu.memory_space<vmem>>, vector<12544x128xf32>
    tpu.vector_store %arg3[%swap3A, %swap3A_7], %mul3A_6 {strides = array<i32>} : memref<12544x128xf32, #tpu.memory_space<vmem>>, vector<12544x128xf32>,
    return
  }
  func.func @transform_0(%arg0: i32) -> (i32, i32) {
    %c0_i32 = arith.constant 0 : i32
    %c0_i32_0 = arith.constant 0 : i32
    return %c0_i32, %arg0 : i32, i32
  }
  func.func @transform_1(%arg0: i32) -> (i32, i32) {
    %c0_i32 = arith.constant 0 : i32
    %c0_i32_0 = arith.constant 0 : i32
    return %c0_i32, %arg0 : i32, i32
  }
  func.func @transform_2(%arg0: i32) -> (i32, i32) {
    %c0_i32 = arith.constant 0 : i32
    %c0_i32_0 = arith.constant 0 : i32
    return %arg0, %c0_i32 : i32, i32
  }
}

module attributes {stable_mosaic.version = 14 : i64} {
  func.func @_dense_m_body(%arg0: i32, %arg1: i32, %arg2: memref<6400x128xf32, #tpu.memory_space<vmem>>, %arg3: memref<1x6400x128xf32, #tpu.memory_space<vmem>>) attributes {dimension_semantics = [#tpu.dimension_semantics<arbitrary>, #tpu.dimension_semantics<arbitrary>], iteration_bounds = array<i64: 8, 2>, scalar_prefetch = 0 : i64, scratch_operands = 0 : i64, tpu.core_type = #tpu.core_type<tc>, window_params = [{transform_indices = @transform_0, window_bounds = array<i64: 6400, 128>}, {transform_indices = @transform_1, window_bounds = array<i64: 1, 6400, 128>}]} {
    %get3A = arith.constant 0 : index
    %get3A_0 = arith.constant 0 : index
    %get3A_1 = vector.load %arg2[%get3A, %get3A_0] : memref<6400x128xf32, #tpu.memory_space<vmem>>, vector<6400x128xf32>
    %transpose3A = tpu.transpose %get3A_1, [1, 0] : vector<6400x128xf32> -> vector<128x6400xf32>
    %reshape3A = vector.shape_cast %transpose3A : vector<128x6400xf32> to vector<2x64x50x128xf32>
    %transpose3A_2 = tpu.transpose %reshape3A, [2, 0, 1, 3] : vector<2x64x50x128xf32> -> vector<50x2x64x128xf32>
    %reshape3A_3 = vector.shape_cast %transpose3A_2 : vector<50x2x64x128xf32> to vector<6400x128xf32>
    %swap3A = arith.constant 0 : index
    %swap3A_4 = arith.constant 0 : index
    %swap3A_5 = arith.constant 0 : index
    %swap3A_6 = vector.load %arg3[%swap3A, %swap3A_4, %swap3A_5] : memref<1x6400x128xf32, #tpu.memory_space<vmem>>, vector<1x6400x128xf32>
    %swap3A_7 = vector.shape_cast %swap3A_6 : vector<1x6400x128xf32> to vector<6400x128xf32>
    %swap3A_8 = vector.shape_cast %reshape3A_3 : vector<6400x128xf32> to vector<1x6400x128xf32>
    tpu.vector_store %arg3[%swap3A, %swap3A_4, %swap3A_5], %swap3A_8 {strides = array<i32>} : memref<1x6400x128xf32, #tpu.memory_space<vmem>>, vector<1x6400x128xf32>,
    return
  }
  func.func @transform_0(%arg0: i32, %arg1: i32) -> (i32, i32) {
    %mul3A = arith.constant 2 : i32
    %mul3A_0 = arith.muli %mul3A, %arg0 : i32
    %add3A = arith.addi %mul3A_0, %arg1 : i32
    %c0_i32 = arith.constant 0 : i32
    %c0_i32_1 = arith.constant 0 : i32
    return %add3A, %c0_i32 : i32, i32
  }
  func.func @transform_1(%arg0: i32, %arg1: i32) -> (i32, i32, i32) {
    %c0_i32 = arith.constant 0 : i32
    %c0_i32_0 = arith.constant 0 : i32
    return %arg1, %c0_i32, %arg0 : i32, i32, i32
  }
}

module attributes {stable_mosaic.version = 14 : i64} {
  func.func @_dense_main_body(%arg0: i32, %arg1: i32, %arg2: memref<6400x128xf32, #tpu.memory_space<vmem>>, %arg3: memref<1x50x128xf32, #tpu.memory_space<vmem>>, %arg4: memref<128x128xf32, #tpu.memory_space<vmem>>, %arg5: memref<1x128xf32, #tpu.memory_space<vmem>>, %arg6: memref<1x6400x128xf32, #tpu.memory_space<vmem>>, %arg7: memref<1x6400x128xf32, #tpu.memory_space<vmem>>) attributes {dimension_semantics = [#tpu.dimension_semantics<arbitrary>, #tpu.dimension_semantics<arbitrary>], iteration_bounds = array<i64: 8, 2>, scalar_prefetch = 0 : i64, scratch_operands = 0 : i64, tpu.core_type = #tpu.core_type<tc>, window_params = [{transform_indices = @transform_0, window_bounds = array<i64: 6400, 128>}, {transform_indices = @transform_1, window_bounds = array<i64: 1, 50, 128>}, {pipeline_mode = #tpu.pipeline_mode<synchronous>, transform_indices = @transform_2, window_bounds = array<i64: 128, 128>}, {pipeline_mode = #tpu.pipeline_mode<synchronous>, transform_indices = @transform_3, window_bounds = array<i64: 1, 128>}, {transform_indices = @transform_4, window_bounds = array<i64: 1, 6400, 128>}, {transform_indices = @transform_5, window_bounds = array<i64: 1, 6400, 128>}]} {
    %get3A = arith.constant 0 : index
    %get3A_0 = arith.constant 0 : index
    %get3A_1 = vector.load %arg2[%get3A, %get3A_0] : memref<6400x128xf32, #tpu.memory_space<vmem>>, vector<6400x128xf32>
    %get3A_2 = arith.constant 0 : index
    %get3A_3 = arith.constant 0 : index
    %get3A_4 = arith.constant 0 : index
    %get3A_5 = vector.load %arg3[%get3A_2, %get3A_3, %get3A_4] : memref<1x50x128xf32, #tpu.memory_space<vmem>>, vector<1x50x128xf32>
    %get3A_6 = vector.shape_cast %get3A_5 : vector<1x50x128xf32> to vector<50x128xf32>
    %broadcast_in_dim3A = vector.shape_cast %get3A_6 : vector<50x128xf32> to vector<50x1x128xf32>
    %reshape3A = vector.shape_cast %get3A_1 : vector<6400x128xf32> to vector<50x128x128xf32>
    %add3A = vector.broadcast %broadcast_in_dim3A : vector<50x1x128xf32> to vector<50x128x128xf32>
    %add3A_7 = arith.addf %reshape3A, %add3A : vector<50x128x128xf32>
    %reshape3A_8 = vector.shape_cast %add3A_7 : vector<50x128x128xf32> to vector<6400x128xf32>
    %get3A_9 = arith.constant 0 : index
    %get3A_10 = arith.constant 0 : index
    %get3A_11 = vector.load %arg4[%get3A_9, %get3A_10] : memref<128x128xf32, #tpu.memory_space<vmem>>, vector<128x128xf32>
    %dot_general3A = arith.constant dense<0.000000e+00> : vector<6400x128xf32>
    %dot_general3A_12 = tpu.matmul %reshape3A_8, %get3A_11, %dot_general3A {dimension_numbers = #tpu.dot_dimension_numbers<[1], [0], [0], [1], [0, 0, 1, 1], [], []>, transpose_lhs_hint = false} : vector<6400x128xf32>, vector<128x128xf32>, vector<6400x128xf32> -> vector<6400x128xf32>
    %get3A_13 = arith.constant 0 : index
    %get3A_14 = arith.constant 0 : index
    %get3A_15 = vector.load %arg5[%get3A_13, %get3A_14] : memref<1x128xf32, #tpu.memory_space<vmem>>, vector<1x128xf32>
    %add3A_16 = vector.broadcast %get3A_15 : vector<1x128xf32> to vector<6400x128xf32>
    %add3A_17 = arith.addf %dot_general3A_12, %add3A_16 : vector<6400x128xf32>
    %mul3A = arith.mulf %reshape3A_8, %add3A_17 : vector<6400x128xf32>
    %transpose3A = tpu.transpose %mul3A, [1, 0] : vector<6400x128xf32> -> vector<128x6400xf32>
    %reshape3A_18 = vector.shape_cast %transpose3A : vector<128x6400xf32> to vector<2x64x50x128xf32>
    %transpose3A_19 = tpu.transpose %reshape3A_18, [2, 0, 1, 3] : vector<2x64x50x128xf32> -> vector<50x2x64x128xf32>
    %reshape3A_20 = vector.shape_cast %transpose3A_19 : vector<50x2x64x128xf32> to vector<6400x128xf32>
    %swap3A = arith.constant 0 : index
    %swap3A_21 = arith.constant 0 : index
    %swap3A_22 = arith.constant 0 : index
    %swap3A_23 = vector.load %arg6[%swap3A, %swap3A_21, %swap3A_22] : memref<1x6400x128xf32, #tpu.memory_space<vmem>>, vector<1x6400x128xf32>
    %swap3A_24 = vector.shape_cast %swap3A_23 : vector<1x6400x128xf32> to vector<6400x128xf32>
    %swap3A_25 = vector.shape_cast %reshape3A_20 : vector<6400x128xf32> to vector<1x6400x128xf32>
    tpu.vector_store %arg6[%swap3A, %swap3A_21, %swap3A_22], %swap3A_25 {strides = array<i32>} : memref<1x6400x128xf32, #tpu.memory_space<vmem>>, vector<1x6400x128xf32>,
    %transpose3A_26 = tpu.transpose %get3A_1, [1, 0] : vector<6400x128xf32> -> vector<128x6400xf32>
    %reshape3A_27 = vector.shape_cast %transpose3A_26 : vector<128x6400xf32> to vector<2x64x50x128xf32>
    %transpose3A_28 = tpu.transpose %reshape3A_27, [2, 0, 1, 3] : vector<2x64x50x128xf32> -> vector<50x2x64x128xf32>
    %reshape3A_29 = vector.shape_cast %transpose3A_28 : vector<50x2x64x128xf32> to vector<6400x128xf32>
    %swap3A_30 = arith.constant 0 : index
    %swap3A_31 = arith.constant 0 : index
    %swap3A_32 = arith.constant 0 : index
    %swap3A_33 = vector.load %arg7[%swap3A_30, %swap3A_31, %swap3A_32] : memref<1x6400x128xf32, #tpu.memory_space<vmem>>, vector<1x6400x128xf32>
    %swap3A_34 = vector.shape_cast %swap3A_33 : vector<1x6400x128xf32> to vector<6400x128xf32>
    %swap3A_35 = vector.shape_cast %reshape3A_29 : vector<6400x128xf32> to vector<1x6400x128xf32>
    tpu.vector_store %arg7[%swap3A_30, %swap3A_31, %swap3A_32], %swap3A_35 {strides = array<i32>} : memref<1x6400x128xf32, #tpu.memory_space<vmem>>, vector<1x6400x128xf32>,
    return
  }
  func.func @transform_0(%arg0: i32, %arg1: i32) -> (i32, i32) {
    %mul3A = arith.constant 2 : i32
    %mul3A_0 = arith.muli %mul3A, %arg0 : i32
    %add3A = arith.addi %mul3A_0, %arg1 : i32
    %c0_i32 = arith.constant 0 : i32
    %c0_i32_1 = arith.constant 0 : i32
    return %add3A, %c0_i32 : i32, i32
  }
  func.func @transform_1(%arg0: i32, %arg1: i32) -> (i32, i32, i32) {
    %c0_i32 = arith.constant 0 : i32
    %c0_i32_0 = arith.constant 0 : i32
    %c0_i32_1 = arith.constant 0 : i32
    return %arg1, %c0_i32, %c0_i32_0 : i32, i32, i32
  }
  func.func @transform_2(%arg0: i32, %arg1: i32) -> (i32, i32) {
    %c0_i32 = arith.constant 0 : i32
    %c0_i32_0 = arith.constant 0 : i32
    %c0_i32_1 = arith.constant 0 : i32
    return %c0_i32, %c0_i32_0 : i32, i32
  }
  func.func @transform_3(%arg0: i32, %arg1: i32) -> (i32, i32) {
    %c0_i32 = arith.constant 0 : i32
    %c0_i32_0 = arith.constant 0 : i32
    %c0_i32_1 = arith.constant 0 : i32
    return %c0_i32, %c0_i32_0 : i32, i32
  }
  func.func @transform_4(%arg0: i32, %arg1: i32) -> (i32, i32, i32) {
    %c0_i32 = arith.constant 0 : i32
    %c0_i32_0 = arith.constant 0 : i32
    return %arg1, %c0_i32, %arg0 : i32, i32, i32
  }
  func.func @transform_5(%arg0: i32, %arg1: i32) -> (i32, i32, i32) {
    %c0_i32 = arith.constant 0 : i32
    %c0_i32_0 = arith.constant 0 : i32
    return %arg1, %c0_i32, %arg0 : i32, i32, i32
  }
}

</mosaic_0001>

<sc_bundles>
// kernel: kernel.10.cloned.1.call-start
scs
__scs_entry_jumppad:
0x0: {  	(pc) =	sbr.rel $0x88, $3  }
0x1: {  	(tag) =	ssettag $0x0;
	lr =	simm.s32 $0x1  }
0x2: {  	[smem:$0x3F9A] =	sst lr;
	_ =	strace $0xD0000000  }
0x3: {  	_ = 	snop  }
0x4: {  	_ = 	snop  }
0x5: {  	_ = 	snop  }
0x6: {  	_ = 	snop  }
0x7: {  	_ = 	snop  }
__scs_overlays_trampoline_lowered:
0x8: {  	[smem:$0x3FA9] =	sst s0  }
0x9: {  	[smem:$0x3FAA] =	sst s1  }
0xa: {  	[smem:$0x3FAB] =	sst s2  }
0xb: {  	[smem:$0x3FAC] =	sst s3  }
0xc: {  	[smem:$0x3FAD] =	sst s4  }
0xd: {  	[smem:$0x3FAE] =	sst s5  }
0xe: {  	[smem:$0x3FAF] =	sst s6  }
0xf: {  	[smem:$0x3FB0] =	sst s7  }
0x10: {  	[smem:$0x3FB1] =	sst s8  }
0x11: {  	[smem:$0x3FB2] =	sst s9;
	s0 =	simm.s32 @!p0 $0x0  }
0x12: {  	s1 =	sld [smem:$0x3F98];
	s0 =	simm.s32 @p0 $0x1  }
0x13: {  	[smem:$0x3FB3] =	sst s0;
	s0 =	simm.s32 @!p1 $0x0  }
0x14: {  	s2 =	sld [smem:$0x3F97];
	s0 =	simm.s32 @p1 $0x1  }
0x15: {  	[smem:$0x3FB4] =	sst s0;
	s0 =	simm.s32 @!p2 $0x0  }
0x16: {  	s3 =	sld [smem:$0x3FDB];
	s0 =	simm.s32 @p2 $0x1  }
0x17: {  	s4 =	simm.s32 $0x1BF5;
	[smem:$0x3FB6] =	sst s0  }
0x18: {  	s0 =	sld [smem:$0x3F99];
	_ =	swait.ge [sflag:s4], $0x0  }
0x19: {  	s7 =	sld [smem:$0x3F9A]  }
0x1a: {  	s8 =	sadd.s32 $0xFFFFE003, lr  }
0x1b: {  	s9 =	sadd.s32 $0xFFFFFEF7, lr;
	s5 =	simm.s32 $0xFFFFFFFF;
	p2 =	slt.u32 s8, $0xFFFFF086  }
0x1c: {  	p1 =	slt.u32 s9, $0xF7A;
	s5 =	simm.s32 @!p2 $0x0  }
0x1d: {  	s5 =	simm.s32 @p1 $0x1;
	p0 =	seq.s32 s7, s2  }
0x1e: {  	s7 =	smul.u32 @!p0 $0xF7A, s2;
	p2 =	seq.s32 @!p0 s5, $0x0  }
0x1f: {  	s9 =	smul.u32 $0xF7A, s1;
	s8 =	simm.s32 @!p0 $0x1BF5;
	p2 =	por !p2, p0  }
0x20: {  	[sflag:s8] =	ssyncset.s32 @!p0 $0xFFFFF086;
	s6 =	sadd.s32 @!p0 s3, s7;
	s7 =	simm.s32 @!p0 $0x108  }
0x21: {  	s3 =	sadd.s32 s3, s9;
	s6 =	sadd.s32 @!p0 $0x88, s6;
	s7 =	simm.s32 @p2 $0x1082  }
0x22: {  	[simem:s7], [sflag:s8] =	dma.local @!p0 [hbm:s6], $0xF7A  }
0x23: {  	s9 =	sor.u32 $0xD0000000, s2;
	s6 =	simm.s32 $0x108;
	_ =	swait.ge @!p0 [sflag:s8], $0x0  }
0x24: {  	s3 =	sadd.s32 $0x88, s3;
	s6 =	simm.s32 @!p1 $0x1082;
	[sflag:s4] =	ssyncset.s32 $0xFFFFF086  }
0x25: {  	[simem:s6], [sflag:s4] =	dma.local [hbm:s3], $0xF7A  }
0x26: {  	[smem:$0x3F9A] =	sst s1;
	(tag) =	ssettag s2;
	_ =	strace s9  }
0x27: {  	s1 =	sld [smem:$0x3FAA]  }
0x28: {  	s2 =	sld [smem:$0x3FAB]  }
0x29: {  	s4 =	sld [smem:$0x3FAD]  }
0x2a: {  	p0 =	seq.s32 s5, $0x0;
	s5 =	sld [smem:$0x3FAE]  }
0x2b: {  	s6 =	sld [smem:$0x3FAF]  }
0x2c: {  	s7 =	sld [smem:$0x3FB0]  }
0x2d: {  	s3 =	simm.s32 $0x108;
	s8 =	sld [smem:$0x3FB1]  }
0x2e: {  	s3 =	simm.s32 @!p0 $0x1082;
	s9 =	sld [smem:$0x3FB2]  }
0x2f: {  	lr =	sadd.s32 s0, s3;
	s0 =	sld [smem:$0x3FA9]  }
0x30: {  	s3 =	sld [smem:$0x3FAC]  }
0x31: {  	[smem:$0x3FB5] =	sst s10  }
0x32: {  	s10 =	sld [smem:$0x3FB3];
	_ =	sdelay $0x3  }
0x33: {  	p0 =	seq.s32 s10, $0x1;
	s10 =	sld [smem:$0x3FB5];
	_ =	sdelay $0x3  }
0x34: {  	[smem:$0x3FB5] =	sst s10  }
0x35: {  	s10 =	sld [smem:$0x3FB4];
	_ =	sdelay $0x3  }
0x36: {  	p1 =	seq.s32 s10, $0x1;
	s10 =	sld [smem:$0x3FB5];
	_ =	sdelay $0x3  }
0x37: {  	[smem:$0x3FB5] =	sst s10  }
0x38: {  	s10 =	sld [smem:$0x3FB6]  }
0x39: {  	_ = 	snop;
	(pc) =	sbr.ind lr, $3  }
0x3a: {  	_ = 	snop  }
0x3b: {  	_ = 	snop  }
0x3c: {  	p2 =	seq.s32 s10, $0x1;
	s10 =	sld [smem:$0x3FB5]  }
0x3d: {  	_ =	shalt  }
0x3e: {  	_ =	shalt  }
0x3f: {  	_ =	shalt  }
0x40: {  	_ =	shalt  }
0x41: {  	_ =	shalt  }
0x42: {  	_ =	shalt  }
0x43: {  	_ =	shalt  }
0x44: {  	_ =	shalt  }
0x45: {  	_ =	shalt  }
0x46: {  	_ =	shalt  }
0x47: {  	_ =	shalt  }
0x48: {  	_ =	shalt  }
0x49: {  	_ =	shalt  }
0x4a: {  	_ =	shalt  }
0x4b: {  	_ =	shalt  }
0x4c: {  	_ =	shalt  }
0x4d: {  	_ =	shalt  }
0x4e: {  	_ =	shalt  }
0x4f: {  	_ =	shalt  }
0x50: {  	_ =	shalt  }
0x51: {  	_ =	shalt  }
0x52: {  	_ =	shalt  }
0x53: {  	_ =	shalt  }
0x54: {  	_ =	shalt  }
0x55: {  	_ =	shalt  }
0x56: {  	_ =	shalt  }
0x57: {  	_ =	shalt  }
0x58: {  	_ =	shalt  }
0x59: {  	_ =	shalt  }
0x5a: {  	_ =	shalt  }
0x5b: {  	_ =	shalt  }
0x5c: {  	_ =	shalt  }
0x5d: {  	_ =	shalt  }
0x5e: {  	_ =	shalt  }
0x5f: {  	_ =	shalt  }
0x60: {  	_ =	shalt  }
0x61: {  	_ =	shalt  }
0x62: {  	_ =	shalt  }
0x63: {  	_ =	shalt  }
0x64: {  	_ =	shalt  }
0x65: {  	_ =	shalt  }
0x66: {  	_ =	shalt  }
0x67: {  	_ =	shalt  }
0x68: {  	_ =	shalt  }
0x69: {  	_ =	shalt  }
0x6a: {  	_ =	shalt  }
0x6b: {  	_ =	shalt  }
0x6c: {  	_ =	shalt  }
0x6d: {  	_ =	shalt  }
0x6e: {  	_ =	shalt  }
0x6f: {  	_ =	shalt  }
0x70: {  	_ =	shalt  }
0x71: {  	_ =	shalt  }
0x72: {  	_ =	shalt  }
0x73: {  	_ =	shalt  }
0x74: {  	_ =	shalt  }
0x75: {  	_ =	shalt  }
0x76: {  	_ =	shalt  }
0x77: {  	_ =	shalt  }
0x78: {  	_ =	shalt  }
0x79: {  	_ =	shalt  }
0x7a: {  	_ =	shalt  }
0x7b: {  	_ =	shalt  }
0x7c: {  	_ =	shalt  }
0x7d: {  	_ =	shalt  }
0x7e: {  	_ =	shalt  }
0x7f: {  	_ =	shalt  }
0x80: {  	_ =	shalt  }
0x81: {  	_ =	shalt  }
0x82: {  	_ =	shalt  }
0x83: {  	_ =	shalt  }
0x84: {  	_ =	shalt  }
0x85: {  	_ =	shalt  }
0x86: {  	_ =	shalt  }
0x87: {  	_ =	shalt  }
.Lfunc_end0:
.L_simem_size_0:
called_computation.1_lowered:
.L_overlay_start_0:
0x88: {  	s2 =	sld [smem:$0x3FD9]  }
0x89: {  	s3 =	sld [smem:$0x3FFE];
	_ =	sdelay $0x1  }
0x8a: {  	s1 =	srdreg.scid  }
0x8b: {  	s0 =	sand.u32 $0x1, s1  }
0x8c: {  	s15 =	sshll.u32 s0, $0xA;
	s2 =	sadd.s32 s3, s2  }
0x8d: {  	s2 =	sadd.s32 s2, s15  }
0x8e: {  	[smem:$0x3FC1] =	sst s2  }
0x8f: {  	_ = 	snop  }
0x90: {  	s2 =	sld [smem:$0x3FD0];
	_ =	sdelay $0x2  }
0x91: {  	s16 =	simm.s32 $0xB;
	s4 =	simm.s32 $0x10  }
0x92: {  	[smem:s4], [sflag:s16] =	dma.local [hbm:s2], $0x1  }
0x93: {  	_ =	swait.eq [sflag:s16], $0x1  }
0x94: {  	[sflag:s16] =	ssyncset.done $0x0  }
0x95: {  	[sflag:s16] =	ssyncadd.s32 $0xFFFFFFFF  }
0x96: {  	s17 =	sld [smem:$0x10];
	(tm) =	ssettm $0x1  }
0x97: {  	s18 =	sld [smem:$0x3FFB];
	_ =	sdelay $0x3  }
0x98: {  	_ =	strace s18  }
0x99: {  	s2 =	sld [smem:$0x3FFC];
	_ =	sdelay $0x3  }
0x9a: {  	_ =	strace s2  }
0x9b: {  	s2 =	sld [smem:$0x3FFD];
	_ =	sdelay $0x3  }
0x9c: {  	_ =	strace s2  }
0x9d: {  	_ =	strace $0x8FFFFFFF  }
0x9e: {  	s19 =	sld [smem:$0x3FDB];
	_ =	sdelay $0x1  }
0x9f: {  	s20 =	simm.s32 $_scs_section_size  }
0xa0: {  	s5 =	simm.s32 $_size__tile_overlayer_lowered;
	s6 =	simm.s32 $_tile_overlayer_lowered  }
0xa1: {  	s7 =	simm.s32 $0x1BFF;
	s21 =	sshll.u32 s6, $0x1;
	s4 =	sadd.s32 s20, s19  }
0xa2: {  	s22 =	simm.s32 $0x0;
	s5 =	sshll.u32 s5, $0x1;
	s6 =	sadd.s32 s21, s4  }
0xa3: {  	[timem:s22], [sflag:s7] =	dma.local [hbm:s6], s5  }
0xa4: {  	_ =	swait.ge [sflag:s7], s5  }
0xa5: {  	s5 =	ssub.s32 $0x0, s5;
	[sflag:s7] =	ssyncset.done $0x0  }
0xa6: {  	[sflag:s7] =	ssyncadd.s32 s5;
	_ =	sdelay $0x1  }
0xa7: {  	s23 =	simm.s32 $0x1B8B  }
0xa8: {  	_ =	swait.ge [sflag:s23], $0x1  }
0xa9: {  	[sflag:s23] =	ssyncset.done $0x0  }
0xaa: {  	[sflag:s23] =	ssyncadd.s32 $0xFFFFFFFF  }
0xab: {  	s5 =	sld [smem:$0x0]  }
0xac: {  	s6 =	sand.u32 $0xFFFFFFFE, s1  }
0xad: {  	p0 =	sne.s32 s1, s6  }
0xae: {  	s6 =	sshll.u32 @p0 s6, $0xE  }
0xaf: {  	s6 =	sadd.s32 @p0 $0x11B8D, s6;
	s7 =	sshll.u32 @p0 s5, $0x11  }
0xb0: {  	s6 =	sor.u32 @p0 s7, s6  }
0xb1: {  	[sflag:s6] =	ssyncadd.remote.s32 @p0 $0x1;
	_ =	sdelay $0x1  }
0xb2: {  	s6 =	simm.s32 @p0 $0x1B8D  }
0xb3: {  	_ =	swait.eq @p0 [sflag:s6], $0x1  }
0xb4: {  	[sflag:s6] =	ssyncadd.s32 @p0 $0xFFFFFFFF  }
0xb5: {  	s7 =	sshll.u32 @!p0 s1, $0xE  }
0xb6: {  	s7 =	sor.u32 @!p0 $0x4000, s7;
	s6 =	simm.s32 @!p0 $0x1B8D  }
0xb7: {  	s5 =	sshll.u32 @!p0 s5, $0x11;
	s7 =	sadd.s32 @!p0 $0x11B8D, s7;
	_ =	swait.eq @!p0 [sflag:s6], $0x1  }
0xb8: {  	s5 =	sor.u32 @!p0 s5, s7;
	[sflag:s6] =	ssyncadd.s32 @!p0 $0xFFFFFFFF  }
0xb9: {  	s25 =	simm.s32 $0x1B8E;
	s24 =	sld [smem:$0x3FFE];
	[sflag:s5] =	ssyncadd.remote.s32 @!p0 $0x1  }
0xba: {  	s26 =	simm.s32 $execute0_lowered;
	[smem:$0x3FD2] =	sst s25  }
0xbb: {  	s6 =	sshll.u32 s26, $0x1;
	_ =	strace $0x80000049;
	[dreg:$0x1] =	wrdreg $0xFFFFFFFF  }
0xbc: {  	s28 =	simm.s32 $_size_execute0_lowered;
	s4 =	sadd.s32 s4, s6;
	[dreg:$0x0] =	wrdreg $0x0  }
0xbd: {  	s6 =	sshll.u32 s28, $0x1;
	[dreg:$0x2] =	wrdreg s4  }
0xbe: {  	[dreg:$0x3] =	wrdreg s6  }
0xbf: {  	[dreg:$0x4] =	wrdreg $0xC0  }
0xc0: {  	_ =	task [dreg:s22], $0x5FFFF  }
0xc1: {  	[dreg:$0x1] =	wrdreg $0xFFFFFFFF  }
0xc2: {  	[dreg:$0x0] =	wrdreg $0x60  }
0xc3: {  	[dreg:$0x2] =	wrdreg s17  }
0xc4: {  	[dreg:$0x3] =	wrdreg s24  }
0xc5: {  	[dreg:$0x4] =	wrdreg $0xA  }
0xc6: {  	_ =	task.clear_ibuf [dreg:s22], $0x5FFFF;
	_ =	strace $0x90000049  }
0xc7: {  	s29 =	simm.s32 $0xA;
	_ =	strace $0x8000004B  }
0xc8: {  	_ =	swait.ge [sflag:s29], $0x1  }
0xc9: {  	[sflag:s29] =	ssyncadd.s32 $0xFFFFFFFF  }
0xca: {  	_ =	strace $0x9000004B  }
0xcb: {  	_ =	sfence  }
0xcc: {  	s30 =	sld [smem:$0x0];
	_ =	sdelay $0x2  }
0xcd: {  	s31 =	sshll.u32 s1, $0xD;
	s1 =	sshrl.u32 s1, $0x2  }
0xce: {  	s4 =	sand.u32 $0x4000, s31;
	s1 =	sadd.s32 s1, s30  }
0xcf: {  	s0 =	sor.u32 s4, s0;
	s1 =	sshll.u32 s1, $0x11  }
0xd0: {  	s0 =	sor.u32 s1, s0  }
0xd1: {  	s0 =	sadd.s32 $0x8F2B, s0  }
0xd2: {  	[sflag:s0] =	ssyncadd.remote.s32 $0x1  }
0xd3: {  	_ =	sfence.sel $0xFFFF  }
0xd4: {  	[dreg:$0x0] =	wrdreg $0xFFFFFFFF;
	(pc) =	sbr.abs _section_cstart, $3  }
0xd5: {  	[dreg:$0x1] =	wrdreg $0xFFFFFFFF  }
0xd6: {  	_ =	task.clear_ibuf [dreg:s22], $0x2FFFF;
	_ =	strace $0x9FFFFFFF  }
0xd7: {  	(tm) =	ssettm $0x7FFFFFFF  }
tec
execute0_lowered:
.L_overlay_start_1:
0x0: {  	(tag) =	ssettag $0x1  }
0x1: {  	s3 =	rddreg [dreg:$0x0]  }
0x2: {  	s4 =	rddreg [dreg:$0x1];
	s2 =	simm.s32 $0x0  }
0x3: {  	s7 =	simm.s32 $0x100;
	[smem:$0x7FF] =	sst s2  }
0x4: {  	s8 =	simm.s32 $0x180;
	_ =	strace $0x8000004A;
	[dreg:$0xe] =	wrdreg s7  }
0x5: {  	s9 =	simm.s32 $0x200;
	[dreg:$0xf] =	wrdreg s8  }
0x6: {  	s10 =	simm.s32 $0x280;
	[dreg:$0x10] =	wrdreg s9  }
0x7: {  	s11 =	simm.s32 $0x300;
	[dreg:$0x11] =	wrdreg s10  }
0x8: {  	s12 =	simm.s32 $0x380;
	[dreg:$0x12] =	wrdreg s11  }
0x9: {  	s13 =	simm.s32 $0x400;
	[dreg:$0x13] =	wrdreg s12  }
0xa: {  	s14 =	simm.s32 $0x480;
	[dreg:$0x14] =	wrdreg s13  }
0xb: {  	s15 =	simm.s32 $0x500;
	[dreg:$0x15] =	wrdreg s14  }
0xc: {  	s16 =	simm.s32 $0x580;
	[dreg:$0x16] =	wrdreg s15  }
0xd: {  	s17 =	simm.s32 $0x600;
	[dreg:$0x17] =	wrdreg s16  }
0xe: {  	s19 =	simm.s32 $0x680;
	[dreg:$0x18] =	wrdreg s17  }
0xf: {  	[dreg:$0x19] =	wrdreg s19;
	s7 =	simm.s32 $0xB00  }
0x10: {  	s0 =	srdreg.scid;
	s8 =	simm.s32 $0xB80;
	[smem:$0x7EF] =	sst s7  }
0x11: {  	s18 =	stileid.u32;
	s9 =	simm.s32 $0xC00;
	[smem:$0x7F0] =	sst s8  }
0x12: {  	s1 =	sand.u32 $0x1, s0;
	s10 =	simm.s32 $0xC80;
	[smem:$0x7F1] =	sst s9  }
0x13: {  	s0 =	sshll.u32 s1, $0x4;
	s11 =	simm.s32 $0xD00;
	[smem:$0x7F2] =	sst s10  }
0x14: {  	s12 =	simm.s32 $0xD80;
	s0 =	sor.u32 s18, s0;
	[smem:$0x7F3] =	sst s11  }
0x15: {  	s13 =	simm.s32 $0xE00;
	[smem:$0x7F4] =	sst s12;
	s5 =	smul.u32 $0x320, s0  }
0x16: {  	s19 =	simm.s32 $0xE80;
	[smem:$0x7F5] =	sst s13;
	s6 =	smul.u32 $0x64000, s0  }
0x17: {  	[smem:$0x7F6] =	sst s19;
	s0 =	smul.u32 $0xC800, s0;
	s5 =	sadd.s32 s5, s4  }
0x18: {  	s4 =	sadd.s32 $0xDC00, s4;
	s6 =	sshrl.u32 s6, $0x3;
	s5 =	sadd.s32 $0x7800, s5  }
0x19: {  	s0 =	sadd.s32 s4, s0;
	s4 =	sadd.s32 s4, s6;
	[dreg:$0x3] =	wrdreg s5  }
0x1a: {  	s31 =	simm.s32 $0x1280;
	[dreg:$0x4] =	wrdreg s0;
	s20 =	sadd.s32 $0x1400, s4  }
0x1b: {  	s30 =	simm.s32 $0x1380;
	s21 =	sadd.s32 $0x2800, s4;
	[dreg:$0x5] =	wrdreg s20  }
0x1c: {  	s28 =	simm.s32 $0x1580;
	s22 =	sadd.s32 $0x3C00, s4;
	[dreg:$0x6] =	wrdreg s21  }
0x1d: {  	p0 =	por $0x0, $0x0;
	s23 =	sadd.s32 $0x5000, s4;
	[dreg:$0x7] =	wrdreg s22  }
0x1e: {  	s29 =	simm.s32 $0x1600;
	s24 =	sadd.s32 $0x6400, s4;
	[dreg:$0x8] =	wrdreg s23  }
0x1f: {  	s1 =	ssub.s32 $0x2, s1;
	s25 =	sadd.s32 $0x7800, s4;
	[dreg:$0x9] =	wrdreg s24  }
0x20: {  	s14 =	simm.s32 $0x3900;
	s26 =	sadd.s32 $0x8C00, s4;
	[dreg:$0xa] =	wrdreg s25  }
0x21: {  	s15 =	simm.s32 $0x5900;
	s5 =	sadd.s32 $0xA000, s4;
	[dreg:$0xb] =	wrdreg s26  }
0x22: {  	s16 =	simm.s32 $0x7900;
	s6 =	sadd.s32 $0xB400, s4;
	[dreg:$0xc] =	wrdreg s5  }
0x23: {  	s17 =	simm.s32 $0x9900;
	s7 =	simm.s32 $0x1900;
	[dreg:$0xd] =	wrdreg s6  }
0x24: {  	s9 =	simm.s32 $0x1;
	s20 =	simm.s32 $0x700;
	s0 =	rddreg [dreg:$0x3]  }
0x25: {  	s10 =	simm.s32 $0xD900;
	s21 =	simm.s32 $0x780;
	[dreg:$0x1a] =	wrdreg s20  }
0x26: {  	s11 =	simm.s32 $0xF900;
	s22 =	simm.s32 $0x800;
	[dreg:$0x1b] =	wrdreg s21  }
0x27: {  	s12 =	simm.s32 $0x11900;
	s23 =	simm.s32 $0x880;
	[dreg:$0x1c] =	wrdreg s22  }
0x28: {  	s13 =	simm.s32 $0x13900;
	s24 =	simm.s32 $0x900;
	[dreg:$0x1d] =	wrdreg s23  }
0x29: {  	s8 =	simm.s32 $0x2;
	s25 =	simm.s32 $0x980;
	[dreg:$0x1e] =	wrdreg s24  }
0x2a: {  	s19 =	simm.s32 $0x1880;
	s5 =	simm.s32 $0xA00;
	[dreg:$0x1f] =	wrdreg s25  }
0x2b: {  	s4 =	simm.s32 $0x3;
	s6 =	simm.s32 $0xA80;
	[smem:$0x7ED] =	sst s5  }
0x2c: {  	s26 =	sshrl.u32 s1, $0x1;
	[smem:$0x7EE] =	sst s6;
	s20 =	simm.s32 $0xF00  }
0x2d: {  	s1 =	ssub.s32 s1, s26;
	s21 =	simm.s32 $0xF80;
	[smem:$0x7F7] =	sst s20  }
0x2e: {  	s5 =	simm.s32 $0x80;
	s22 =	simm.s32 $0x1000;
	[smem:$0x7F8] =	sst s21  }
0x2f: {  	s23 =	simm.s32 $0x1080;
	s1 =	smax.u32 s1, $0x1;
	[smem:$0x7F9] =	sst s22  }
0x30: {  	s24 =	simm.s32 $0x1100;
	[smem:$0x7FA] =	sst s23;
	p1 =	sne.s32 s1, $0x1  }
.Ltmp0:
0x31: {  	s25 =	simm.s32 $0x1180;
	[smem:$0x7FB] =	sst s24;
	(pc) =	sbr.rel @!p1 .LBB2_1-.Ltmp0, $4  }
0x32: {  	s6 =	simm.s32 $0xB900;
	s26 =	simm.s32 $0x1200;
	[smem:$0x7FC] =	sst s25  }
0x33: {  	[smem:$0x7FD] =	sst s26;
	s24 =	simm.s32 $0x1300;
	s25 =	simm.s32 $0x1480  }
0x34: {  	s26 =	simm.s32 $0x1500;
	s20 =	simm.s32 $0x1680;
	s21 =	simm.s32 $0x1700  }
0x35: {  	s22 =	simm.s32 $0x1780;
	s23 =	simm.s32 $0x1800;
	s1 =	sadd.s32 $0xFFFFFFFF, s1  }
0x36: {  	[tilespmem:s2], [sflag:$0x3] =	stream.linear.gather [hbm4b:s0+s2], $0x1900, $0x38;
	[tilespmem:$0x15900] =	vst v63  }
0x37: {  	_ =	swait.ge [sflag:s4], $0x1900  }
0x38: {  	[sflag:s4] =	ssyncset.done $0x0  }
0x39: {  	[sflag:s4] =	ssyncadd.s32 $0xFFFFE700  }
0x3a: {  	[tilespmem:s7], [sflag:$0x1] =	stream.indirect.gather [hbm4b:s3+s5], $0x40, s2, s5, $0xb8;
	[tilespmem:$0x15900] =	vst v63  }
0x3b: {  	_ = 	snop  }
0x3c: {  	[tilespmem:s14], [sflag:$0x1] =	stream.indirect.gather [hbm4b:s3+s5], $0x40, s5, s5, $0xb8;
	[tilespmem:$0x15900] =	vst v63  }
0x3d: {  	s0 =	rddreg [dreg:$0xe]  }
0x3e: {  	[tilespmem:s15], [sflag:$0x1] =	stream.indirect.gather [hbm4b:s3+s5], $0x40, s0, s5, $0xb8;
	[tilespmem:$0x15900] =	vst v63  }
0x3f: {  	s18 =	smov.u32 s1;
	s1 =	rddreg [dreg:$0xf]  }
0x40: {  	[tilespmem:s16], [sflag:$0x1] =	stream.indirect.gather [hbm4b:s3+s5], $0x40, s1, s5, $0xb8;
	[tilespmem:$0x15900] =	vst v63  }
0x41: {  	s0 =	rddreg [dreg:$0x10]  }
0x42: {  	[tilespmem:s17], [sflag:$0x1] =	stream.indirect.gather [hbm4b:s3+s5], $0x40, s0, s5, $0xb8;
	[tilespmem:$0x15900] =	vst v63  }
0x43: {  	_ =	swait.ge [sflag:s9], $0x2000  }
0x44: {  	[sflag:s9] =	ssyncset.done $0x0  }
0x45: {  	[sflag:s9] =	ssyncadd.s32 $0xFFFFE000  }
0x46: {  	_ =	swait.ge [sflag:s9], $0x2000  }
0x47: {  	[sflag:s9] =	ssyncset.done $0x0  }
0x48: {  	[sflag:s9] =	ssyncadd.s32 $0xFFFFE000  }
0x49: {  	_ =	swait.ge [sflag:s9], $0x2000  }
0x4a: {  	[sflag:s9] =	ssyncset.done $0x0  }
0x4b: {  	[sflag:s9] =	ssyncadd.s32 $0xFFFFE000  }
0x4c: {  	_ =	swait.ge [sflag:s9], $0x2000  }
0x4d: {  	[sflag:s9] =	ssyncset.done $0x0  }
0x4e: {  	[sflag:s9] =	ssyncadd.s32 $0xFFFFE000  }
0x4f: {  	_ =	swait.ge [sflag:s9], $0x2000  }
0x50: {  	[sflag:s9] =	ssyncset.done $0x0  }
0x51: {  	s0 =	rddreg [dreg:$0x11];
	[sflag:s9] =	ssyncadd.s32 $0xFFFFE000  }
0x52: {  	[tilespmem:s6], [sflag:$0x2] =	stream.indirect.gather [hbm4b:s3+s5], $0x40, s0, s5, $0xb8;
	[tilespmem:$0x15900] =	vst v63  }
0x53: {  	s1 =	rddreg [dreg:$0x12]  }
0x54: {  	[tilespmem:s10], [sflag:$0x2] =	stream.indirect.gather [hbm4b:s3+s5], $0x40, s1, s5, $0xb8;
	[tilespmem:$0x15900] =	vst v63  }
0x55: {  	s0 =	rddreg [dreg:$0x13]  }
0x56: {  	[tilespmem:s11], [sflag:$0x2] =	stream.indirect.gather [hbm4b:s3+s5], $0x40, s0, s5, $0xb8;
	[tilespmem:$0x15900] =	vst v63  }
0x57: {  	s1 =	rddreg [dreg:$0x14]  }
0x58: {  	[tilespmem:s12], [sflag:$0x2] =	stream.indirect.gather [hbm4b:s3+s5], $0x40, s1, s5, $0xb8;
	[tilespmem:$0x15900] =	vst v63  }
0x59: {  	s0 =	rddreg [dreg:$0x15]  }
0x5a: {  	[tilespmem:s13], [sflag:$0x2] =	stream.indirect.gather [hbm4b:s3+s5], $0x40, s0, s5, $0xb8;
	[tilespmem:$0x15900] =	vst v63  }
0x5b: {  	s1 =	rddreg [dreg:$0x4]  }
0x5c: {  	[hbm4b:s1+s2] =	stream.linear.scatter [tilespmem:s7], [sflag:$0x3], $0xA000, $0x38;
	[tilespmem:$0x15900] =	vst v63  }
0x5d: {  	_ =	swait.ge [sflag:s4], $0xA000  }
0x5e: {  	[sflag:s4] =	ssyncset.done $0x0  }
0x5f: {  	[sflag:s4] =	ssyncadd.s32 $0xFFFF6000  }
0x60: {  	_ =	swait.ge [sflag:s8], $0x2000  }
0x61: {  	[sflag:s8] =	ssyncset.done $0x0  }
0x62: {  	[sflag:s8] =	ssyncadd.s32 $0xFFFFE000  }
0x63: {  	_ =	swait.ge [sflag:s8], $0x2000  }
0x64: {  	[sflag:s8] =	ssyncset.done $0x0  }
0x65: {  	[sflag:s8] =	ssyncadd.s32 $0xFFFFE000  }
0x66: {  	_ =	swait.ge [sflag:s8], $0x2000  }
0x67: {  	[sflag:s8] =	ssyncset.done $0x0  }
0x68: {  	[sflag:s8] =	ssyncadd.s32 $0xFFFFE000  }
0x69: {  	_ =	swait.ge [sflag:s8], $0x2000  }
0x6a: {  	[sflag:s8] =	ssyncset.done $0x0  }
0x6b: {  	[sflag:s8] =	ssyncadd.s32 $0xFFFFE000  }
0x6c: {  	_ =	swait.ge [sflag:s8], $0x2000  }
0x6d: {  	[sflag:s8] =	ssyncset.done $0x0  }
0x6e: {  	s0 =	rddreg [dreg:$0x16];
	[sflag:s8] =	ssyncadd.s32 $0xFFFFE000  }
0x6f: {  	[tilespmem:s7], [sflag:$0x1] =	stream.indirect.gather [hbm4b:s3+s5], $0x40, s0, s5, $0xb8;
	[tilespmem:$0x15900] =	vst v63  }
0x70: {  	s1 =	rddreg [dreg:$0x17]  }
0x71: {  	[tilespmem:s14], [sflag:$0x1] =	stream.indirect.gather [hbm4b:s3+s5], $0x40, s1, s5, $0xb8;
	[tilespmem:$0x15900] =	vst v63  }
0x72: {  	s0 =	rddreg [dreg:$0x18]  }
0x73: {  	[tilespmem:s15], [sflag:$0x1] =	stream.indirect.gather [hbm4b:s3+s5], $0x40, s0, s5, $0xb8;
	[tilespmem:$0x15900] =	vst v63  }
0x74: {  	s1 =	rddreg [dreg:$0x19]  }
0x75: {  	[tilespmem:s16], [sflag:$0x1] =	stream.indirect.gather [hbm4b:s3+s5], $0x40, s1, s5, $0xb8;
	[tilespmem:$0x15900] =	vst v63  }
0x76: {  	s0 =	rddreg [dreg:$0x1a]  }
0x77: {  	[tilespmem:s17], [sflag:$0x1] =	stream.indirect.gather [hbm4b:s3+s5], $0x40, s0, s5, $0xb8;
	[tilespmem:$0x15900] =	vst v63  }
0x78: {  	s1 =	rddreg [dreg:$0x5]  }
0x79: {  	[hbm4b:s1+s2] =	stream.linear.scatter [tilespmem:s6], [sflag:$0x3], $0xA000, $0x38;
	[tilespmem:$0x15900] =	vst v63  }
0x7a: {  	_ =	swait.ge [sflag:s4], $0xA000  }
0x7b: {  	[sflag:s4] =	ssyncset.done $0x0  }
0x7c: {  	[sflag:s4] =	ssyncadd.s32 $0xFFFF6000  }
0x7d: {  	_ =	swait.ge [sflag:s9], $0x2000  }
0x7e: {  	[sflag:s9] =	ssyncset.done $0x0  }
0x7f: {  	[sflag:s9] =	ssyncadd.s32 $0xFFFFE000  }
0x80: {  	_ =	swait.ge [sflag:s9], $0x2000  }
0x81: {  	[sflag:s9] =	ssyncset.done $0x0  }
0x82: {  	[sflag:s9] =	ssyncadd.s32 $0xFFFFE000  }
0x83: {  	_ =	swait.ge [sflag:s9], $0x2000  }
0x84: {  	[sflag:s9] =	ssyncset.done $0x0  }
0x85: {  	[sflag:s9] =	ssyncadd.s32 $0xFFFFE000  }
0x86: {  	_ =	swait.ge [sflag:s9], $0x2000  }
0x87: {  	[sflag:s9] =	ssyncset.done $0x0  }
0x88: {  	[sflag:s9] =	ssyncadd.s32 $0xFFFFE000  }
0x89: {  	_ =	swait.ge [sflag:s9], $0x2000  }
0x8a: {  	[sflag:s9] =	ssyncset.done $0x0  }
0x8b: {  	s0 =	rddreg [dreg:$0x1b];
	[sflag:s9] =	ssyncadd.s32 $0xFFFFE000  }
0x8c: {  	[tilespmem:s6], [sflag:$0x2] =	stream.indirect.gather [hbm4b:s3+s5], $0x40, s0, s5, $0xb8;
	[tilespmem:$0x15900] =	vst v63  }
0x8d: {  	s1 =	rddreg [dreg:$0x1c]  }
0x8e: {  	[tilespmem:s10], [sflag:$0x2] =	stream.indirect.gather [hbm4b:s3+s5], $0x40, s1, s5, $0xb8;
	[tilespmem:$0x15900] =	vst v63  }
0x8f: {  	s0 =	rddreg [dreg:$0x1d]  }
0x90: {  	[tilespmem:s11], [sflag:$0x2] =	stream.indirect.gather [hbm4b:s3+s5], $0x40, s0, s5, $0xb8;
	[tilespmem:$0x15900] =	vst v63  }
0x91: {  	s1 =	rddreg [dreg:$0x1e]  }
0x92: {  	[tilespmem:s12], [sflag:$0x2] =	stream.indirect.gather [hbm4b:s3+s5], $0x40, s1, s5, $0xb8;
	[tilespmem:$0x15900] =	vst v63  }
0x93: {  	s0 =	rddreg [dreg:$0x1f]  }
0x94: {  	[tilespmem:s13], [sflag:$0x2] =	stream.indirect.gather [hbm4b:s3+s5], $0x40, s0, s5, $0xb8;
	[tilespmem:$0x15900] =	vst v63  }
0x95: {  	s1 =	rddreg [dreg:$0x6]  }
0x96: {  	[hbm4b:s1+s2] =	stream.linear.scatter [tilespmem:s7], [sflag:$0x3], $0xA000, $0x38;
	[tilespmem:$0x15900] =	vst v63  }
0x97: {  	_ =	swait.ge [sflag:s4], $0xA000  }
0x98: {  	[sflag:s4] =	ssyncset.done $0x0  }
0x99: {  	[sflag:s4] =	ssyncadd.s32 $0xFFFF6000  }
0x9a: {  	_ =	swait.ge [sflag:s8], $0x2000  }
0x9b: {  	[sflag:s8] =	ssyncset.done $0x0  }
0x9c: {  	[sflag:s8] =	ssyncadd.s32 $0xFFFFE000  }
0x9d: {  	_ =	swait.ge [sflag:s8], $0x2000  }
0x9e: {  	[sflag:s8] =	ssyncset.done $0x0  }
0x9f: {  	[sflag:s8] =	ssyncadd.s32 $0xFFFFE000  }
0xa0: {  	_ =	swait.ge [sflag:s8], $0x2000  }
0xa1: {  	[sflag:s8] =	ssyncset.done $0x0  }
0xa2: {  	[sflag:s8] =	ssyncadd.s32 $0xFFFFE000  }
0xa3: {  	_ =	swait.ge [sflag:s8], $0x2000  }
0xa4: {  	[sflag:s8] =	ssyncset.done $0x0  }
0xa5: {  	[sflag:s8] =	ssyncadd.s32 $0xFFFFE000  }
0xa6: {  	_ =	swait.ge [sflag:s8], $0x2000  }
0xa7: {  	s0 =	sld [smem:$0x7ED]  }
0xa8: {  	[sflag:s8] =	ssyncset.done $0x0  }
0xa9: {  	s1 =	sld [smem:$0x7EE];
	[sflag:s8] =	ssyncadd.s32 $0xFFFFE000  }
0xaa: {  	[tilespmem:s7], [sflag:$0x1] =	stream.indirect.gather [hbm4b:s3+s5], $0x40, s0, s5, $0xb8;
	[tilespmem:$0x15900] =	vst v63  }
0xab: {  	s0 =	sld [smem:$0x7EF]  }
0xac: {  	[tilespmem:s14], [sflag:$0x1] =	stream.indirect.gather [hbm4b:s3+s5], $0x40, s1, s5, $0xb8;
	[tilespmem:$0x15900] =	vst v63  }
0xad: {  	s1 =	sld [smem:$0x7F0]  }
0xae: {  	[tilespmem:s15], [sflag:$0x1] =	stream.indirect.gather [hbm4b:s3+s5], $0x40, s0, s5, $0xb8;
	[tilespmem:$0x15900] =	vst v63  }
0xaf: {  	s0 =	sld [smem:$0x7F1]  }
0xb0: {  	[tilespmem:s16], [sflag:$0x1] =	stream.indirect.gather [hbm4b:s3+s5], $0x40, s1, s5, $0xb8;
	[tilespmem:$0x15900] =	vst v63  }
0xb1: {  	_ = 	snop  }
0xb2: {  	[tilespmem:s17], [sflag:$0x1] =	stream.indirect.gather [hbm4b:s3+s5], $0x40, s0, s5, $0xb8;
	[tilespmem:$0x15900] =	vst v63  }
0xb3: {  	s1 =	rddreg [dreg:$0x7]  }
0xb4: {  	[hbm4b:s1+s2] =	stream.linear.scatter [tilespmem:s6], [sflag:$0x3], $0xA000, $0x38;
	[tilespmem:$0x15900] =	vst v63  }
0xb5: {  	_ =	swait.ge [sflag:s4], $0xA000  }
0xb6: {  	[sflag:s4] =	ssyncset.done $0x0  }
0xb7: {  	[sflag:s4] =	ssyncadd.s32 $0xFFFF6000  }
0xb8: {  	_ =	swait.ge [sflag:s9], $0x2000  }
0xb9: {  	[sflag:s9] =	ssyncset.done $0x0  }
0xba: {  	[sflag:s9] =	ssyncadd.s32 $0xFFFFE000  }
0xbb: {  	_ =	swait.ge [sflag:s9], $0x2000  }
0xbc: {  	[sflag:s9] =	ssyncset.done $0x0  }
0xbd: {  	[sflag:s9] =	ssyncadd.s32 $0xFFFFE000  }
0xbe: {  	_ =	swait.ge [sflag:s9], $0x2000  }
0xbf: {  	[sflag:s9] =	ssyncset.done $0x0  }
0xc0: {  	[sflag:s9] =	ssyncadd.s32 $0xFFFFE000  }
0xc1: {  	_ =	swait.ge [sflag:s9], $0x2000  }
0xc2: {  	[sflag:s9] =	ssyncset.done $0x0  }
0xc3: {  	[sflag:s9] =	ssyncadd.s32 $0xFFFFE000  }
0xc4: {  	_ =	swait.ge [sflag:s9], $0x2000  }
0xc5: {  	s0 =	sld [smem:$0x7F2]  }
0xc6: {  	[sflag:s9] =	ssyncset.done $0x0  }
0xc7: {  	s1 =	sld [smem:$0x7F3];
	[sflag:s9] =	ssyncadd.s32 $0xFFFFE000  }
0xc8: {  	[tilespmem:s6], [sflag:$0x2] =	stream.indirect.gather [hbm4b:s3+s5], $0x40, s0, s5, $0xb8;
	[tilespmem:$0x15900] =	vst v63  }
0xc9: {  	s0 =	sld [smem:$0x7F4]  }
0xca: {  	[tilespmem:s10], [sflag:$0x2] =	stream.indirect.gather [hbm4b:s3+s5], $0x40, s1, s5, $0xb8;
	[tilespmem:$0x15900] =	vst v63  }
0xcb: {  	s1 =	sld [smem:$0x7F5]  }
0xcc: {  	[tilespmem:s11], [sflag:$0x2] =	stream.indirect.gather [hbm4b:s3+s5], $0x40, s0, s5, $0xb8;
	[tilespmem:$0x15900] =	vst v63  }
0xcd: {  	s0 =	sld [smem:$0x7F6]  }
0xce: {  	[tilespmem:s12], [sflag:$0x2] =	stream.indirect.gather [hbm4b:s3+s5], $0x40, s1, s5, $0xb8;
	[tilespmem:$0x15900] =	vst v63  }
0xcf: {  	_ = 	snop  }
0xd0: {  	[tilespmem:s13], [sflag:$0x2] =	stream.indirect.gather [hbm4b:s3+s5], $0x40, s0, s5, $0xb8;
	[tilespmem:$0x15900] =	vst v63  }
0xd1: {  	s1 =	rddreg [dreg:$0x8]  }
0xd2: {  	[hbm4b:s1+s2] =	stream.linear.scatter [tilespmem:s7], [sflag:$0x3], $0xA000, $0x38;
	[tilespmem:$0x15900] =	vst v63  }
0xd3: {  	_ =	swait.ge [sflag:s4], $0xA000  }
0xd4: {  	[sflag:s4] =	ssyncset.done $0x0  }
0xd5: {  	[sflag:s4] =	ssyncadd.s32 $0xFFFF6000  }
0xd6: {  	_ =	swait.ge [sflag:s8], $0x2000  }
0xd7: {  	[sflag:s8] =	ssyncset.done $0x0  }
0xd8: {  	[sflag:s8] =	ssyncadd.s32 $0xFFFFE000  }
0xd9: {  	_ =	swait.ge [sflag:s8], $0x2000  }
0xda: {  	[sflag:s8] =	ssyncset.done $0x0  }
0xdb: {  	[sflag:s8] =	ssyncadd.s32 $0xFFFFE000  }
0xdc: {  	_ =	swait.ge [sflag:s8], $0x2000  }
0xdd: {  	[sflag:s8] =	ssyncset.done $0x0  }
0xde: {  	[sflag:s8] =	ssyncadd.s32 $0xFFFFE000  }
0xdf: {  	_ =	swait.ge [sflag:s8], $0x2000  }
0xe0: {  	[sflag:s8] =	ssyncset.done $0x0  }
0xe1: {  	[sflag:s8] =	ssyncadd.s32 $0xFFFFE000  }
0xe2: {  	_ =	swait.ge [sflag:s8], $0x2000  }
0xe3: {  	s0 =	sld [smem:$0x7F7]  }
0xe4: {  	[sflag:s8] =	ssyncset.done $0x0  }
0xe5: {  	s1 =	sld [smem:$0x7F8];
	[sflag:s8] =	ssyncadd.s32 $0xFFFFE000  }
0xe6: {  	[tilespmem:s7], [sflag:$0x1] =	stream.indirect.gather [hbm4b:s3+s5], $0x40, s0, s5, $0xb8;
	[tilespmem:$0x15900] =	vst v63  }
0xe7: {  	s0 =	sld [smem:$0x7F9]  }
0xe8: {  	[tilespmem:s14], [sflag:$0x1] =	stream.indirect.gather [hbm4b:s3+s5], $0x40, s1, s5, $0xb8;
	[tilespmem:$0x15900] =	vst v63  }
0xe9: {  	s1 =	sld [smem:$0x7FA]  }
0xea: {  	[tilespmem:s15], [sflag:$0x1] =	stream.indirect.gather [hbm4b:s3+s5], $0x40, s0, s5, $0xb8;
	[tilespmem:$0x15900] =	vst v63  }
0xeb: {  	s0 =	sld [smem:$0x7FB]  }
0xec: {  	[tilespmem:s16], [sflag:$0x1] =	stream.indirect.gather [hbm4b:s3+s5], $0x40, s1, s5, $0xb8;
	[tilespmem:$0x15900] =	vst v63  }
0xed: {  	_ = 	snop  }
0xee: {  	[tilespmem:s17], [sflag:$0x1] =	stream.indirect.gather [hbm4b:s3+s5], $0x40, s0, s5, $0xb8;
	[tilespmem:$0x15900] =	vst v63  }
0xef: {  	s1 =	rddreg [dreg:$0x9]  }
0xf0: {  	[hbm4b:s1+s2] =	stream.linear.scatter [tilespmem:s6], [sflag:$0x3], $0xA000, $0x38;
	[tilespmem:$0x15900] =	vst v63  }
0xf1: {  	_ =	swait.ge [sflag:s4], $0xA000  }
0xf2: {  	[sflag:s4] =	ssyncset.done $0x0  }
0xf3: {  	[sflag:s4] =	ssyncadd.s32 $0xFFFF6000  }
0xf4: {  	_ =	swait.ge [sflag:s9], $0x2000  }
0xf5: {  	[sflag:s9] =	ssyncset.done $0x0  }
0xf6: {  	[sflag:s9] =	ssyncadd.s32 $0xFFFFE000  }
0xf7: {  	_ =	swait.ge [sflag:s9], $0x2000  }
0xf8: {  	[sflag:s9] =	ssyncset.done $0x0  }
0xf9: {  	[sflag:s9] =	ssyncadd.s32 $0xFFFFE000  }
0xfa: {  	_ =	swait.ge [sflag:s9], $0x2000  }
0xfb: {  	[sflag:s9] =	ssyncset.done $0x0  }
0xfc: {  	[sflag:s9] =	ssyncadd.s32 $0xFFFFE000  }
0xfd: {  	_ =	swait.ge [sflag:s9], $0x2000  }
0xfe: {  	[sflag:s9] =	ssyncset.done $0x0  }
0xff: {  	[sflag:s9] =	ssyncadd.s32 $0xFFFFE000  }
0x100: {  	_ =	swait.ge [sflag:s9], $0x2000  }
0x101: {  	s0 =	sld [smem:$0x7FC]  }
0x102: {  	[sflag:s9] =	ssyncset.done $0x0  }
0x103: {  	s1 =	sld [smem:$0x7FD];
	[sflag:s9] =	ssyncadd.s32 $0xFFFFE000  }
0x104: {  	[tilespmem:s6], [sflag:$0x2] =	stream.indirect.gather [hbm4b:s3+s5], $0x40, s0, s5, $0xb8;
	[tilespmem:$0x15900] =	vst v63  }
0x105: {  	_ = 	snop  }
0x106: {  	[tilespmem:s10], [sflag:$0x2] =	stream.indirect.gather [hbm4b:s3+s5], $0x40, s1, s5, $0xb8;
	[tilespmem:$0x15900] =	vst v63  }
0x107: {  	_ = 	snop  }
0x108: {  	[tilespmem:s11], [sflag:$0x2] =	stream.indirect.gather [hbm4b:s3+s5], $0x40, s31, s5, $0xb8;
	[tilespmem:$0x15900] =	vst v63  }
0x109: {  	_ = 	snop  }
0x10a: {  	[tilespmem:s12], [sflag:$0x2] =	stream.indirect.gather [hbm4b:s3+s5], $0x40, s24, s5, $0xb8;
	[tilespmem:$0x15900] =	vst v63  }
0x10b: {  	_ = 	snop  }
0x10c: {  	[tilespmem:s13], [sflag:$0x2] =	stream.indirect.gather [hbm4b:s3+s5], $0x40, s30, s5, $0xb8;
	[tilespmem:$0x15900] =	vst v63  }
0x10d: {  	s1 =	rddreg [dreg:$0xa]  }
0x10e: {  	[hbm4b:s1+s2] =	stream.linear.scatter [tilespmem:s7], [sflag:$0x3], $0xA000, $0x38;
	[tilespmem:$0x15900] =	vst v63  }
0x10f: {  	_ =	swait.ge [sflag:s4], $0xA000  }
0x110: {  	[sflag:s4] =	ssyncset.done $0x0  }
0x111: {  	[sflag:s4] =	ssyncadd.s32 $0xFFFF6000  }
0x112: {  	_ =	swait.ge [sflag:s8], $0x2000  }
0x113: {  	[sflag:s8] =	ssyncset.done $0x0  }
0x114: {  	[sflag:s8] =	ssyncadd.s32 $0xFFFFE000  }
0x115: {  	_ =	swait.ge [sflag:s8], $0x2000  }
0x116: {  	[sflag:s8] =	ssyncset.done $0x0  }
0x117: {  	[sflag:s8] =	ssyncadd.s32 $0xFFFFE000  }
0x118: {  	_ =	swait.ge [sflag:s8], $0x2000  }
0x119: {  	[sflag:s8] =	ssyncset.done $0x0  }
0x11a: {  	[sflag:s8] =	ssyncadd.s32 $0xFFFFE000  }
0x11b: {  	_ =	swait.ge [sflag:s8], $0x2000  }
0x11c: {  	[sflag:s8] =	ssyncset.done $0x0  }
0x11d: {  	[sflag:s8] =	ssyncadd.s32 $0xFFFFE000  }
0x11e: {  	_ =	swait.ge [sflag:s8], $0x2000  }
0x11f: {  	[sflag:s8] =	ssyncset.done $0x0  }
0x120: {  	s1 =	simm.s32 $0x1400;
	[sflag:s8] =	ssyncadd.s32 $0xFFFFE000  }
0x121: {  	[tilespmem:s7], [sflag:$0x1] =	stream.indirect.gather [hbm4b:s3+s5], $0x40, s1, s5, $0xb8;
	[tilespmem:$0x15900] =	vst v63  }
0x122: {  	_ = 	snop  }
0x123: {  	[tilespmem:s14], [sflag:$0x1] =	stream.indirect.gather [hbm4b:s3+s5], $0x40, s25, s5, $0xb8;
	[tilespmem:$0x15900] =	vst v63  }
0x124: {  	_ = 	snop  }
0x125: {  	[tilespmem:s15], [sflag:$0x1] =	stream.indirect.gather [hbm4b:s3+s5], $0x40, s26, s5, $0xb8;
	[tilespmem:$0x15900] =	vst v63  }
0x126: {  	_ = 	snop  }
0x127: {  	[tilespmem:s16], [sflag:$0x1] =	stream.indirect.gather [hbm4b:s3+s5], $0x40, s28, s5, $0xb8;
	[tilespmem:$0x15900] =	vst v63  }
0x128: {  	_ = 	snop  }
0x129: {  	[tilespmem:s17], [sflag:$0x1] =	stream.indirect.gather [hbm4b:s3+s5], $0x40, s29, s5, $0xb8;
	[tilespmem:$0x15900] =	vst v63  }
0x12a: {  	s1 =	rddreg [dreg:$0xb]  }
0x12b: {  	[hbm4b:s1+s2] =	stream.linear.scatter [tilespmem:s6], [sflag:$0x3], $0xA000, $0x38;
	[tilespmem:$0x15900] =	vst v63  }
0x12c: {  	_ =	swait.ge [sflag:s4], $0xA000  }
0x12d: {  	[sflag:s4] =	ssyncset.done $0x0  }
0x12e: {  	[sflag:s4] =	ssyncadd.s32 $0xFFFF6000  }
0x12f: {  	_ =	swait.ge [sflag:s9], $0x2000  }
0x130: {  	[sflag:s9] =	ssyncset.done $0x0  }
0x131: {  	[sflag:s9] =	ssyncadd.s32 $0xFFFFE000  }
0x132: {  	_ =	swait.ge [sflag:s9], $0x2000  }
0x133: {  	[sflag:s9] =	ssyncset.done $0x0  }
0x134: {  	[sflag:s9] =	ssyncadd.s32 $0xFFFFE000  }
0x135: {  	_ =	swait.ge [sflag:s9], $0x2000  }
0x136: {  	[sflag:s9] =	ssyncset.done $0x0  }
0x137: {  	[sflag:s9] =	ssyncadd.s32 $0xFFFFE000  }
0x138: {  	_ =	swait.ge [sflag:s9], $0x2000  }
0x139: {  	[sflag:s9] =	ssyncset.done $0x0  }
0x13a: {  	[sflag:s9] =	ssyncadd.s32 $0xFFFFE000  }
0x13b: {  	_ =	swait.ge [sflag:s9], $0x2000  }
0x13c: {  	[sflag:s9] =	ssyncset.done $0x0  }
0x13d: {  	[sflag:s9] =	ssyncadd.s32 $0xFFFFE000  }
0x13e: {  	[tilespmem:s6], [sflag:$0x2] =	stream.indirect.gather [hbm4b:s3+s5], $0x40, s20, s5, $0xb8;
	[tilespmem:$0x15900] =	vst v63  }
0x13f: {  	_ = 	snop  }
0x140: {  	[tilespmem:s10], [sflag:$0x2] =	stream.indirect.gather [hbm4b:s3+s5], $0x40, s21, s5, $0xb8;
	[tilespmem:$0x15900] =	vst v63  }
0x141: {  	_ = 	snop  }
0x142: {  	[tilespmem:s11], [sflag:$0x2] =	stream.indirect.gather [hbm4b:s3+s5], $0x40, s22, s5, $0xb8;
	[tilespmem:$0x15900] =	vst v63  }
0x143: {  	_ = 	snop  }
0x144: {  	[tilespmem:s12], [sflag:$0x2] =	stream.indirect.gather [hbm4b:s3+s5], $0x40, s23, s5, $0xb8;
	[tilespmem:$0x15900] =	vst v63  }
0x145: {  	_ = 	snop  }
0x146: {  	[tilespmem:s13], [sflag:$0x2] =	stream.indirect.gather [hbm4b:s3+s5], $0x40, s19, s5, $0xb8;
	[tilespmem:$0x15900] =	vst v63  }
0x147: {  	s1 =	rddreg [dreg:$0xc]  }
0x148: {  	[hbm4b:s1+s2] =	stream.linear.scatter [tilespmem:s7], [sflag:$0x3], $0xA000, $0x38;
	[tilespmem:$0x15900] =	vst v63  }
0x149: {  	_ =	swait.ge [sflag:s4], $0xA000  }
0x14a: {  	[sflag:s4] =	ssyncset.done $0x0  }
0x14b: {  	[sflag:s4] =	ssyncadd.s32 $0xFFFF6000  }
0x14c: {  	_ =	swait.ge [sflag:s8], $0x2000  }
0x14d: {  	[sflag:s8] =	ssyncset.done $0x0  }
0x14e: {  	[sflag:s8] =	ssyncadd.s32 $0xFFFFE000  }
0x14f: {  	_ =	swait.ge [sflag:s8], $0x2000  }
0x150: {  	[sflag:s8] =	ssyncset.done $0x0  }
0x151: {  	[sflag:s8] =	ssyncadd.s32 $0xFFFFE000  }
0x152: {  	_ =	swait.ge [sflag:s8], $0x2000  }
0x153: {  	[sflag:s8] =	ssyncset.done $0x0  }
0x154: {  	[sflag:s8] =	ssyncadd.s32 $0xFFFFE000  }
0x155: {  	_ =	swait.ge [sflag:s8], $0x2000  }
0x156: {  	[sflag:s8] =	ssyncset.done $0x0  }
0x157: {  	[sflag:s8] =	ssyncadd.s32 $0xFFFFE000  }
0x158: {  	p1 =	sne.s32 s18, $0x1;
	_ =	swait.ge [sflag:s8], $0x2000  }
.Ltmp1:
0x159: {  	[sflag:s8] =	ssyncset.done $0x0;
	(pc) =	sbr.rel @!p1 .LBB2_3-.Ltmp1, $4  }
0x15a: {  	s1 =	rddreg [dreg:$0xd];
	[sflag:s8] =	ssyncadd.s32 $0xFFFFE000  }
0x15b: {  	[hbm4b:s1+s2] =	stream.linear.scatter [tilespmem:s6], [sflag:$0x3], $0xA000, $0x38;
	[tilespmem:$0x15900] =	vst v63  }
0x15c: {  	p0 =	por $0x1, $0x1;
	_ =	swait.ge [sflag:s4], $0xA000  }
0x15d: {  	s1 =	sadd.s32 $0xFFFFFFFF, s18;
	s0 =	rddreg [dreg:$0x3];
	[sflag:s4] =	ssyncset.done $0x0  }
.LBB2_4:
0x15e: {  	[sflag:s4] =	ssyncadd.s32 $0xFFFF6000  }
0x15f: {  	[tilespmem:s2], [sflag:$0x3] =	stream.linear.gather [hbm4b:s0+s2], $0x1900, $0x38;
	[tilespmem:$0x15900] =	vst v63  }
0x160: {  	_ =	swait.ge [sflag:s4], $0x1900  }
0x161: {  	[sflag:s4] =	ssyncset.done $0x0  }
0x162: {  	[sflag:s4] =	ssyncadd.s32 $0xFFFFE700  }
0x163: {  	[tilespmem:s7], [sflag:$0x1] =	stream.indirect.gather [hbm4b:s3+s5], $0x40, s2, s5, $0xb8;
	[tilespmem:$0x15900] =	vst v63  }
0x164: {  	_ = 	snop  }
0x165: {  	[tilespmem:s14], [sflag:$0x1] =	stream.indirect.gather [hbm4b:s3+s5], $0x40, s5, s5, $0xb8;
	[tilespmem:$0x15900] =	vst v63  }
0x166: {  	s0 =	rddreg [dreg:$0xe]  }
0x167: {  	[tilespmem:s15], [sflag:$0x1] =	stream.indirect.gather [hbm4b:s3+s5], $0x40, s0, s5, $0xb8;
	[tilespmem:$0x15900] =	vst v63  }
0x168: {  	s18 =	rddreg [dreg:$0xf]  }
0x169: {  	[tilespmem:s16], [sflag:$0x1] =	stream.indirect.gather [hbm4b:s3+s5], $0x40, s18, s5, $0xb8;
	[tilespmem:$0x15900] =	vst v63  }
0x16a: {  	s0 =	rddreg [dreg:$0x10]  }
0x16b: {  	[tilespmem:s17], [sflag:$0x1] =	stream.indirect.gather [hbm4b:s3+s5], $0x40, s0, s5, $0xb8;
	[tilespmem:$0x15900] =	vst v63  }
0x16c: {  	_ =	swait.ge [sflag:s9], $0x2000  }
0x16d: {  	[sflag:s9] =	ssyncset.done $0x0  }
0x16e: {  	[sflag:s9] =	ssyncadd.s32 $0xFFFFE000  }
0x16f: {  	_ =	swait.ge [sflag:s9], $0x2000  }
0x170: {  	[sflag:s9] =	ssyncset.done $0x0  }
0x171: {  	[sflag:s9] =	ssyncadd.s32 $0xFFFFE000  }
0x172: {  	_ =	swait.ge [sflag:s9], $0x2000  }
0x173: {  	[sflag:s9] =	ssyncset.done $0x0  }
0x174: {  	[sflag:s9] =	ssyncadd.s32 $0xFFFFE000  }
0x175: {  	_ =	swait.ge [sflag:s9], $0x2000  }
0x176: {  	[sflag:s9] =	ssyncset.done $0x0  }
0x177: {  	[sflag:s9] =	ssyncadd.s32 $0xFFFFE000  }
0x178: {  	_ =	swait.ge [sflag:s9], $0x2000  }
0x179: {  	[sflag:s9] =	ssyncset.done $0x0  }
0x17a: {  	s0 =	rddreg [dreg:$0x11];
	[sflag:s9] =	ssyncadd.s32 $0xFFFFE000  }
0x17b: {  	[tilespmem:s6], [sflag:$0x2] =	stream.indirect.gather [hbm4b:s3+s5], $0x40, s0, s5, $0xb8;
	[tilespmem:$0x15900] =	vst v63  }
0x17c: {  	s18 =	rddreg [dreg:$0x12]  }
0x17d: {  	[tilespmem:s10], [sflag:$0x2] =	stream.indirect.gather [hbm4b:s3+s5], $0x40, s18, s5, $0xb8;
	[tilespmem:$0x15900] =	vst v63  }
0x17e: {  	s0 =	rddreg [dreg:$0x13]  }
0x17f: {  	[tilespmem:s11], [sflag:$0x2] =	stream.indirect.gather [hbm4b:s3+s5], $0x40, s0, s5, $0xb8;
	[tilespmem:$0x15900] =	vst v63  }
0x180: {  	s18 =	rddreg [dreg:$0x14]  }
0x181: {  	[tilespmem:s12], [sflag:$0x2] =	stream.indirect.gather [hbm4b:s3+s5], $0x40, s18, s5, $0xb8;
	[tilespmem:$0x15900] =	vst v63  }
0x182: {  	s0 =	rddreg [dreg:$0x15]  }
0x183: {  	[tilespmem:s13], [sflag:$0x2] =	stream.indirect.gather [hbm4b:s3+s5], $0x40, s0, s5, $0xb8;
	[tilespmem:$0x15900] =	vst v63  }
0x184: {  	s18 =	rddreg [dreg:$0x4]  }
0x185: {  	[hbm4b:s18+s2] =	stream.linear.scatter [tilespmem:s7], [sflag:$0x3], $0xA000, $0x38;
	[tilespmem:$0x15900] =	vst v63  }
0x186: {  	_ =	swait.ge [sflag:s4], $0xA000  }
0x187: {  	[sflag:s4] =	ssyncset.done $0x0  }
0x188: {  	[sflag:s4] =	ssyncadd.s32 $0xFFFF6000  }
0x189: {  	_ =	swait.ge [sflag:s8], $0x2000  }
0x18a: {  	[sflag:s8] =	ssyncset.done $0x0  }
0x18b: {  	[sflag:s8] =	ssyncadd.s32 $0xFFFFE000  }
0x18c: {  	_ =	swait.ge [sflag:s8], $0x2000  }
0x18d: {  	[sflag:s8] =	ssyncset.done $0x0  }
0x18e: {  	[sflag:s8] =	ssyncadd.s32 $0xFFFFE000  }
0x18f: {  	_ =	swait.ge [sflag:s8], $0x2000  }
0x190: {  	[sflag:s8] =	ssyncset.done $0x0  }
0x191: {  	[sflag:s8] =	ssyncadd.s32 $0xFFFFE000  }
0x192: {  	_ =	swait.ge [sflag:s8], $0x2000  }
0x193: {  	[sflag:s8] =	ssyncset.done $0x0  }
0x194: {  	[sflag:s8] =	ssyncadd.s32 $0xFFFFE000  }
0x195: {  	_ =	swait.ge [sflag:s8], $0x2000  }
0x196: {  	[sflag:s8] =	ssyncset.done $0x0  }
0x197: {  	s0 =	rddreg [dreg:$0x16];
	[sflag:s8] =	ssyncadd.s32 $0xFFFFE000  }
0x198: {  	[tilespmem:s7], [sflag:$0x1] =	stream.indirect.gather [hbm4b:s3+s5], $0x40, s0, s5, $0xb8;
	[tilespmem:$0x15900] =	vst v63  }
0x199: {  	s18 =	rddreg [dreg:$0x17]  }
0x19a: {  	[tilespmem:s14], [sflag:$0x1] =	stream.indirect.gather [hbm4b:s3+s5], $0x40, s18, s5, $0xb8;
	[tilespmem:$0x15900] =	vst v63  }
0x19b: {  	s0 =	rddreg [dreg:$0x18]  }
0x19c: {  	[tilespmem:s15], [sflag:$0x1] =	stream.indirect.gather [hbm4b:s3+s5], $0x40, s0, s5, $0xb8;
	[tilespmem:$0x15900] =	vst v63  }
0x19d: {  	s18 =	rddreg [dreg:$0x19]  }
0x19e: {  	[tilespmem:s16], [sflag:$0x1] =	stream.indirect.gather [hbm4b:s3+s5], $0x40, s18, s5, $0xb8;
	[tilespmem:$0x15900] =	vst v63  }
0x19f: {  	s0 =	rddreg [dreg:$0x1a]  }
0x1a0: {  	[tilespmem:s17], [sflag:$0x1] =	stream.indirect.gather [hbm4b:s3+s5], $0x40, s0, s5, $0xb8;
	[tilespmem:$0x15900] =	vst v63  }
0x1a1: {  	s18 =	rddreg [dreg:$0x5]  }
0x1a2: {  	[hbm4b:s18+s2] =	stream.linear.scatter [tilespmem:s6], [sflag:$0x3], $0xA000, $0x38;
	[tilespmem:$0x15900] =	vst v63  }
0x1a3: {  	_ =	swait.ge [sflag:s4], $0xA000  }
0x1a4: {  	[sflag:s4] =	ssyncset.done $0x0  }
0x1a5: {  	[sflag:s4] =	ssyncadd.s32 $0xFFFF6000  }
0x1a6: {  	_ =	swait.ge [sflag:s9], $0x2000  }
0x1a7: {  	[sflag:s9] =	ssyncset.done $0x0  }
0x1a8: {  	[sflag:s9] =	ssyncadd.s32 $0xFFFFE000  }
0x1a9: {  	_ =	swait.ge [sflag:s9], $0x2000  }
0x1aa: {  	[sflag:s9] =	ssyncset.done $0x0  }
0x1ab: {  	[sflag:s9] =	ssyncadd.s32 $0xFFFFE000  }
0x1ac: {  	_ =	swait.ge [sflag:s9], $0x2000  }
0x1ad: {  	[sflag:s9] =	ssyncset.done $0x0  }
0x1ae: {  	[sflag:s9] =	ssyncadd.s32 $0xFFFFE000  }
0x1af: {  	_ =	swait.ge [sflag:s9], $0x2000  }
0x1b0: {  	[sflag:s9] =	ssyncset.done $0x0  }
0x1b1: {  	[sflag:s9] =	ssyncadd.s32 $0xFFFFE000  }
0x1b2: {  	_ =	swait.ge [sflag:s9], $0x2000  }
0x1b3: {  	[sflag:s9] =	ssyncset.done $0x0  }
0x1b4: {  	s0 =	rddreg [dreg:$0x1b];
	[sflag:s9] =	ssyncadd.s32 $0xFFFFE000  }
0x1b5: {  	[tilespmem:s6], [sflag:$0x2] =	stream.indirect.gather [hbm4b:s3+s5], $0x40, s0, s5, $0xb8;
	[tilespmem:$0x15900] =	vst v63  }
0x1b6: {  	s18 =	rddreg [dreg:$0x1c]  }
0x1b7: {  	[tilespmem:s10], [sflag:$0x2] =	stream.indirect.gather [hbm4b:s3+s5], $0x40, s18, s5, $0xb8;
	[tilespmem:$0x15900] =	vst v63  }
0x1b8: {  	s0 =	rddreg [dreg:$0x1d]  }
0x1b9: {  	[tilespmem:s11], [sflag:$0x2] =	stream.indirect.gather [hbm4b:s3+s5], $0x40, s0, s5, $0xb8;
	[tilespmem:$0x15900] =	vst v63  }
0x1ba: {  	s18 =	rddreg [dreg:$0x1e]  }
0x1bb: {  	[tilespmem:s12], [sflag:$0x2] =	stream.indirect.gather [hbm4b:s3+s5], $0x40, s18, s5, $0xb8;
	[tilespmem:$0x15900] =	vst v63  }
0x1bc: {  	s0 =	rddreg [dreg:$0x1f]  }
0x1bd: {  	[tilespmem:s13], [sflag:$0x2] =	stream.indirect.gather [hbm4b:s3+s5], $0x40, s0, s5, $0xb8;
	[tilespmem:$0x15900] =	vst v63  }
0x1be: {  	s18 =	rddreg [dreg:$0x6]  }
0x1bf: {  	[hbm4b:s18+s2] =	stream.linear.scatter [tilespmem:s7], [sflag:$0x3], $0xA000, $0x38;
	[tilespmem:$0x15900] =	vst v63  }
0x1c0: {  	_ =	swait.ge [sflag:s4], $0xA000  }
0x1c1: {  	[sflag:s4] =	ssyncset.done $0x0  }
0x1c2: {  	[sflag:s4] =	ssyncadd.s32 $0xFFFF6000  }
0x1c3: {  	_ =	swait.ge [sflag:s8], $0x2000  }
0x1c4: {  	[sflag:s8] =	ssyncset.done $0x0  }
0x1c5: {  	[sflag:s8] =	ssyncadd.s32 $0xFFFFE000  }
0x1c6: {  	_ =	swait.ge [sflag:s8], $0x2000  }
0x1c7: {  	[sflag:s8] =	ssyncset.done $0x0  }
0x1c8: {  	[sflag:s8] =	ssyncadd.s32 $0xFFFFE000  }
0x1c9: {  	_ =	swait.ge [sflag:s8], $0x2000  }
0x1ca: {  	[sflag:s8] =	ssyncset.done $0x0  }
0x1cb: {  	[sflag:s8] =	ssyncadd.s32 $0xFFFFE000  }
0x1cc: {  	_ =	swait.ge [sflag:s8], $0x2000  }
0x1cd: {  	[sflag:s8] =	ssyncset.done $0x0  }
0x1ce: {  	[sflag:s8] =	ssyncadd.s32 $0xFFFFE000  }
0x1cf: {  	_ =	swait.ge [sflag:s8], $0x2000  }
0x1d0: {  	s0 =	sld [smem:$0x7ED]  }
0x1d1: {  	[sflag:s8] =	ssyncset.done $0x0  }
0x1d2: {  	s18 =	sld [smem:$0x7EE];
	[sflag:s8] =	ssyncadd.s32 $0xFFFFE000  }
0x1d3: {  	[tilespmem:s7], [sflag:$0x1] =	stream.indirect.gather [hbm4b:s3+s5], $0x40, s0, s5, $0xb8;
	[tilespmem:$0x15900] =	vst v63  }
0x1d4: {  	s0 =	sld [smem:$0x7EF]  }
0x1d5: {  	[tilespmem:s14], [sflag:$0x1] =	stream.indirect.gather [hbm4b:s3+s5], $0x40, s18, s5, $0xb8;
	[tilespmem:$0x15900] =	vst v63  }
0x1d6: {  	s18 =	sld [smem:$0x7F0]  }
0x1d7: {  	[tilespmem:s15], [sflag:$0x1] =	stream.indirect.gather [hbm4b:s3+s5], $0x40, s0, s5, $0xb8;
	[tilespmem:$0x15900] =	vst v63  }
0x1d8: {  	s0 =	sld [smem:$0x7F1]  }
0x1d9: {  	[tilespmem:s16], [sflag:$0x1] =	stream.indirect.gather [hbm4b:s3+s5], $0x40, s18, s5, $0xb8;
	[tilespmem:$0x15900] =	vst v63  }
0x1da: {  	_ = 	snop  }
0x1db: {  	[tilespmem:s17], [sflag:$0x1] =	stream.indirect.gather [hbm4b:s3+s5], $0x40, s0, s5, $0xb8;
	[tilespmem:$0x15900] =	vst v63  }
0x1dc: {  	s18 =	rddreg [dreg:$0x7]  }
0x1dd: {  	[hbm4b:s18+s2] =	stream.linear.scatter [tilespmem:s6], [sflag:$0x3], $0xA000, $0x38;
	[tilespmem:$0x15900] =	vst v63  }
0x1de: {  	_ =	swait.ge [sflag:s4], $0xA000  }
0x1df: {  	[sflag:s4] =	ssyncset.done $0x0  }
0x1e0: {  	[sflag:s4] =	ssyncadd.s32 $0xFFFF6000  }
0x1e1: {  	_ =	swait.ge [sflag:s9], $0x2000  }
0x1e2: {  	[sflag:s9] =	ssyncset.done $0x0  }
0x1e3: {  	[sflag:s9] =	ssyncadd.s32 $0xFFFFE000  }
0x1e4: {  	_ =	swait.ge [sflag:s9], $0x2000  }
0x1e5: {  	[sflag:s9] =	ssyncset.done $0x0  }
0x1e6: {  	[sflag:s9] =	ssyncadd.s32 $0xFFFFE000  }
0x1e7: {  	_ =	swait.ge [sflag:s9], $0x2000  }
0x1e8: {  	[sflag:s9] =	ssyncset.done $0x0  }
0x1e9: {  	[sflag:s9] =	ssyncadd.s32 $0xFFFFE000  }
0x1ea: {  	_ =	swait.ge [sflag:s9], $0x2000  }
0x1eb: {  	[sflag:s9] =	ssyncset.done $0x0  }
0x1ec: {  	[sflag:s9] =	ssyncadd.s32 $0xFFFFE000  }
0x1ed: {  	_ =	swait.ge [sflag:s9], $0x2000  }
0x1ee: {  	s0 =	sld [smem:$0x7F2]  }
0x1ef: {  	[sflag:s9] =	ssyncset.done $0x0  }
0x1f0: {  	s18 =	sld [smem:$0x7F3];
	[sflag:s9] =	ssyncadd.s32 $0xFFFFE000  }
0x1f1: {  	[tilespmem:s6], [sflag:$0x2] =	stream.indirect.gather [hbm4b:s3+s5], $0x40, s0, s5, $0xb8;
	[tilespmem:$0x15900] =	vst v63  }
0x1f2: {  	s0 =	sld [smem:$0x7F4]  }
0x1f3: {  	[tilespmem:s10], [sflag:$0x2] =	stream.indirect.gather [hbm4b:s3+s5], $0x40, s18, s5, $0xb8;
	[tilespmem:$0x15900] =	vst v63  }
0x1f4: {  	s18 =	sld [smem:$0x7F5]  }
0x1f5: {  	[tilespmem:s11], [sflag:$0x2] =	stream.indirect.gather [hbm4b:s3+s5], $0x40, s0, s5, $0xb8;
	[tilespmem:$0x15900] =	vst v63  }
0x1f6: {  	s0 =	sld [smem:$0x7F6]  }
0x1f7: {  	[tilespmem:s12], [sflag:$0x2] =	stream.indirect.gather [hbm4b:s3+s5], $0x40, s18, s5, $0xb8;
	[tilespmem:$0x15900] =	vst v63  }
0x1f8: {  	_ = 	snop  }
0x1f9: {  	[tilespmem:s13], [sflag:$0x2] =	stream.indirect.gather [hbm4b:s3+s5], $0x40, s0, s5, $0xb8;
	[tilespmem:$0x15900] =	vst v63  }
0x1fa: {  	s18 =	rddreg [dreg:$0x8]  }
0x1fb: {  	[hbm4b:s18+s2] =	stream.linear.scatter [tilespmem:s7], [sflag:$0x3], $0xA000, $0x38;
	[tilespmem:$0x15900] =	vst v63  }
0x1fc: {  	_ =	swait.ge [sflag:s4], $0xA000  }
0x1fd: {  	[sflag:s4] =	ssyncset.done $0x0  }
0x1fe: {  	[sflag:s4] =	ssyncadd.s32 $0xFFFF6000  }
0x1ff: {  	_ =	swait.ge [sflag:s8], $0x2000  }
0x200: {  	[sflag:s8] =	ssyncset.done $0x0  }
0x201: {  	[sflag:s8] =	ssyncadd.s32 $0xFFFFE000  }
0x202: {  	_ =	swait.ge [sflag:s8], $0x2000  }
0x203: {  	[sflag:s8] =	ssyncset.done $0x0  }
0x204: {  	[sflag:s8] =	ssyncadd.s32 $0xFFFFE000  }
0x205: {  	_ =	swait.ge [sflag:s8], $0x2000  }
0x206: {  	[sflag:s8] =	ssyncset.done $0x0  }
0x207: {  	[sflag:s8] =	ssyncadd.s32 $0xFFFFE000  }
0x208: {  	_ =	swait.ge [sflag:s8], $0x2000  }
0x209: {  	[sflag:s8] =	ssyncset.done $0x0  }
0x20a: {  	[sflag:s8] =	ssyncadd.s32 $0xFFFFE000  }
0x20b: {  	_ =	swait.ge [sflag:s8], $0x2000  }
0x20c: {  	s0 =	sld [smem:$0x7F7]  }
0x20d: {  	[sflag:s8] =	ssyncset.done $0x0  }
0x20e: {  	s18 =	sld [smem:$0x7F8];
	[sflag:s8] =	ssyncadd.s32 $0xFFFFE000  }
0x20f: {  	[tilespmem:s7], [sflag:$0x1] =	stream.indirect.gather [hbm4b:s3+s5], $0x40, s0, s5, $0xb8;
	[tilespmem:$0x15900] =	vst v63  }
0x210: {  	s0 =	sld [smem:$0x7F9]  }
0x211: {  	[tilespmem:s14], [sflag:$0x1] =	stream.indirect.gather [hbm4b:s3+s5], $0x40, s18, s5, $0xb8;
	[tilespmem:$0x15900] =	vst v63  }
0x212: {  	s18 =	sld [smem:$0x7FA]  }
0x213: {  	[tilespmem:s15], [sflag:$0x1] =	stream.indirect.gather [hbm4b:s3+s5], $0x40, s0, s5, $0xb8;
	[tilespmem:$0x15900] =	vst v63  }
0x214: {  	s0 =	sld [smem:$0x7FB]  }
0x215: {  	[tilespmem:s16], [sflag:$0x1] =	stream.indirect.gather [hbm4b:s3+s5], $0x40, s18, s5, $0xb8;
	[tilespmem:$0x15900] =	vst v63  }
0x216: {  	_ = 	snop  }
0x217: {  	[tilespmem:s17], [sflag:$0x1] =	stream.indirect.gather [hbm4b:s3+s5], $0x40, s0, s5, $0xb8;
	[tilespmem:$0x15900] =	vst v63  }
0x218: {  	s18 =	rddreg [dreg:$0x9]  }
0x219: {  	[hbm4b:s18+s2] =	stream.linear.scatter [tilespmem:s6], [sflag:$0x3], $0xA000, $0x38;
	[tilespmem:$0x15900] =	vst v63  }
0x21a: {  	_ =	swait.ge [sflag:s4], $0xA000  }
0x21b: {  	[sflag:s4] =	ssyncset.done $0x0  }
0x21c: {  	[sflag:s4] =	ssyncadd.s32 $0xFFFF6000  }
0x21d: {  	_ =	swait.ge [sflag:s9], $0x2000  }
0x21e: {  	[sflag:s9] =	ssyncset.done $0x0  }
0x21f: {  	[sflag:s9] =	ssyncadd.s32 $0xFFFFE000  }
0x220: {  	_ =	swait.ge [sflag:s9], $0x2000  }
0x221: {  	[sflag:s9] =	ssyncset.done $0x0  }
0x222: {  	[sflag:s9] =	ssyncadd.s32 $0xFFFFE000  }
0x223: {  	_ =	swait.ge [sflag:s9], $0x2000  }
0x224: {  	[sflag:s9] =	ssyncset.done $0x0  }
0x225: {  	[sflag:s9] =	ssyncadd.s32 $0xFFFFE000  }
0x226: {  	_ =	swait.ge [sflag:s9], $0x2000  }
0x227: {  	[sflag:s9] =	ssyncset.done $0x0  }
0x228: {  	[sflag:s9] =	ssyncadd.s32 $0xFFFFE000  }
0x229: {  	_ =	swait.ge [sflag:s9], $0x2000  }
0x22a: {  	s0 =	sld [smem:$0x7FC]  }
0x22b: {  	[sflag:s9] =	ssyncset.done $0x0  }
0x22c: {  	s18 =	sld [smem:$0x7FD];
	[sflag:s9] =	ssyncadd.s32 $0xFFFFE000  }
0x22d: {  	[tilespmem:s6], [sflag:$0x2] =	stream.indirect.gather [hbm4b:s3+s5], $0x40, s0, s5, $0xb8;
	[tilespmem:$0x15900] =	vst v63  }
0x22e: {  	_ = 	snop  }
0x22f: {  	[tilespmem:s10], [sflag:$0x2] =	stream.indirect.gather [hbm4b:s3+s5], $0x40, s18, s5, $0xb8;
	[tilespmem:$0x15900] =	vst v63  }
0x230: {  	_ = 	snop  }
0x231: {  	[tilespmem:s11], [sflag:$0x2] =	stream.indirect.gather [hbm4b:s3+s5], $0x40, s31, s5, $0xb8;
	[tilespmem:$0x15900] =	vst v63  }
0x232: {  	_ = 	snop  }
0x233: {  	[tilespmem:s12], [sflag:$0x2] =	stream.indirect.gather [hbm4b:s3+s5], $0x40, s24, s5, $0xb8;
	[tilespmem:$0x15900] =	vst v63  }
0x234: {  	_ = 	snop  }
0x235: {  	[tilespmem:s13], [sflag:$0x2] =	stream.indirect.gather [hbm4b:s3+s5], $0x40, s30, s5, $0xb8;
	[tilespmem:$0x15900] =	vst v63  }
0x236: {  	s18 =	rddreg [dreg:$0xa]  }
0x237: {  	[hbm4b:s18+s2] =	stream.linear.scatter [tilespmem:s7], [sflag:$0x3], $0xA000, $0x38;
	[tilespmem:$0x15900] =	vst v63  }
0x238: {  	_ =	swait.ge [sflag:s4], $0xA000  }
0x239: {  	[sflag:s4] =	ssyncset.done $0x0  }
0x23a: {  	[sflag:s4] =	ssyncadd.s32 $0xFFFF6000  }
0x23b: {  	_ =	swait.ge [sflag:s8], $0x2000  }
0x23c: {  	[sflag:s8] =	ssyncset.done $0x0  }
0x23d: {  	[sflag:s8] =	ssyncadd.s32 $0xFFFFE000  }
0x23e: {  	_ =	swait.ge [sflag:s8], $0x2000  }
0x23f: {  	[sflag:s8] =	ssyncset.done $0x0  }
0x240: {  	[sflag:s8] =	ssyncadd.s32 $0xFFFFE000  }
0x241: {  	_ =	swait.ge [sflag:s8], $0x2000  }
0x242: {  	[sflag:s8] =	ssyncset.done $0x0  }
0x243: {  	[sflag:s8] =	ssyncadd.s32 $0xFFFFE000  }
0x244: {  	_ =	swait.ge [sflag:s8], $0x2000  }
0x245: {  	[sflag:s8] =	ssyncset.done $0x0  }
0x246: {  	[sflag:s8] =	ssyncadd.s32 $0xFFFFE000  }
0x247: {  	_ =	swait.ge [sflag:s8], $0x2000  }
0x248: {  	[sflag:s8] =	ssyncset.done $0x0  }
0x249: {  	s18 =	simm.s32 $0x1400;
	[sflag:s8] =	ssyncadd.s32 $0xFFFFE000  }
0x24a: {  	[tilespmem:s7], [sflag:$0x1] =	stream.indirect.gather [hbm4b:s3+s5], $0x40, s18, s5, $0xb8;
	[tilespmem:$0x15900] =	vst v63  }
0x24b: {  	_ = 	snop  }
0x24c: {  	[tilespmem:s14], [sflag:$0x1] =	stream.indirect.gather [hbm4b:s3+s5], $0x40, s25, s5, $0xb8;
	[tilespmem:$0x15900] =	vst v63  }
0x24d: {  	_ = 	snop  }
0x24e: {  	[tilespmem:s15], [sflag:$0x1] =	stream.indirect.gather [hbm4b:s3+s5], $0x40, s26, s5, $0xb8;
	[tilespmem:$0x15900] =	vst v63  }
0x24f: {  	_ = 	snop  }
0x250: {  	[tilespmem:s16], [sflag:$0x1] =	stream.indirect.gather [hbm4b:s3+s5], $0x40, s28, s5, $0xb8;
	[tilespmem:$0x15900] =	vst v63  }
0x251: {  	_ = 	snop  }
0x252: {  	[tilespmem:s17], [sflag:$0x1] =	stream.indirect.gather [hbm4b:s3+s5], $0x40, s29, s5, $0xb8;
	[tilespmem:$0x15900] =	vst v63  }
0x253: {  	s18 =	rddreg [dreg:$0xb]  }
0x254: {  	[hbm4b:s18+s2] =	stream.linear.scatter [tilespmem:s6], [sflag:$0x3], $0xA000, $0x38;
	[tilespmem:$0x15900] =	vst v63  }
0x255: {  	_ =	swait.ge [sflag:s4], $0xA000  }
0x256: {  	[sflag:s4] =	ssyncset.done $0x0  }
0x257: {  	[sflag:s4] =	ssyncadd.s32 $0xFFFF6000  }
0x258: {  	_ =	swait.ge [sflag:s9], $0x2000  }
0x259: {  	[sflag:s9] =	ssyncset.done $0x0  }
0x25a: {  	[sflag:s9] =	ssyncadd.s32 $0xFFFFE000  }
0x25b: {  	_ =	swait.ge [sflag:s9], $0x2000  }
0x25c: {  	[sflag:s9] =	ssyncset.done $0x0  }
0x25d: {  	[sflag:s9] =	ssyncadd.s32 $0xFFFFE000  }
0x25e: {  	_ =	swait.ge [sflag:s9], $0x2000  }
0x25f: {  	[sflag:s9] =	ssyncset.done $0x0  }
0x260: {  	[sflag:s9] =	ssyncadd.s32 $0xFFFFE000  }
0x261: {  	_ =	swait.ge [sflag:s9], $0x2000  }
0x262: {  	[sflag:s9] =	ssyncset.done $0x0  }
0x263: {  	[sflag:s9] =	ssyncadd.s32 $0xFFFFE000  }
0x264: {  	_ =	swait.ge [sflag:s9], $0x2000  }
0x265: {  	[sflag:s9] =	ssyncset.done $0x0  }
0x266: {  	[sflag:s9] =	ssyncadd.s32 $0xFFFFE000  }
0x267: {  	[tilespmem:s6], [sflag:$0x2] =	stream.indirect.gather [hbm4b:s3+s5], $0x40, s20, s5, $0xb8;
	[tilespmem:$0x15900] =	vst v63  }
0x268: {  	_ = 	snop  }
0x269: {  	[tilespmem:s10], [sflag:$0x2] =	stream.indirect.gather [hbm4b:s3+s5], $0x40, s21, s5, $0xb8;
	[tilespmem:$0x15900] =	vst v63  }
0x26a: {  	_ = 	snop  }
0x26b: {  	[tilespmem:s11], [sflag:$0x2] =	stream.indirect.gather [hbm4b:s3+s5], $0x40, s22, s5, $0xb8;
	[tilespmem:$0x15900] =	vst v63  }
0x26c: {  	_ = 	snop  }
0x26d: {  	[tilespmem:s12], [sflag:$0x2] =	stream.indirect.gather [hbm4b:s3+s5], $0x40, s23, s5, $0xb8;
	[tilespmem:$0x15900] =	vst v63  }
0x26e: {  	_ = 	snop  }
0x26f: {  	[tilespmem:s13], [sflag:$0x2] =	stream.indirect.gather [hbm4b:s3+s5], $0x40, s19, s5, $0xb8;
	[tilespmem:$0x15900] =	vst v63  }
0x270: {  	s18 =	rddreg [dreg:$0xc]  }
0x271: {  	[hbm4b:s18+s2] =	stream.linear.scatter [tilespmem:s7], [sflag:$0x3], $0xA000, $0x38;
	[tilespmem:$0x15900] =	vst v63  }
0x272: {  	_ =	swait.ge [sflag:s4], $0xA000  }
0x273: {  	[sflag:s4] =	ssyncset.done $0x0  }
0x274: {  	[sflag:s4] =	ssyncadd.s32 $0xFFFF6000  }
0x275: {  	_ =	swait.ge [sflag:s8], $0x2000  }
0x276: {  	[sflag:s8] =	ssyncset.done $0x0  }
0x277: {  	[sflag:s8] =	ssyncadd.s32 $0xFFFFE000  }
0x278: {  	_ =	swait.ge [sflag:s8], $0x2000  }
0x279: {  	[sflag:s8] =	ssyncset.done $0x0  }
0x27a: {  	[sflag:s8] =	ssyncadd.s32 $0xFFFFE000  }
0x27b: {  	_ =	swait.ge [sflag:s8], $0x2000  }
0x27c: {  	[sflag:s8] =	ssyncset.done $0x0  }
0x27d: {  	[sflag:s8] =	ssyncadd.s32 $0xFFFFE000  }
0x27e: {  	_ =	swait.ge [sflag:s8], $0x2000  }
0x27f: {  	[sflag:s8] =	ssyncset.done $0x0  }
0x280: {  	[sflag:s8] =	ssyncadd.s32 $0xFFFFE000  }
0x281: {  	p1 =	sne.s32 s1, $0x1;
	_ =	swait.ge [sflag:s8], $0x2000  }
.Ltmp2:
0x282: {  	[sflag:s8] =	ssyncset.done $0x0;
	(pc) =	sbr.rel @p1 .LBB2_4-.Ltmp2, $4  }
0x283: {  	s18 =	rddreg [dreg:$0xd];
	[sflag:s8] =	ssyncadd.s32 $0xFFFFE000  }
0x284: {  	[hbm4b:s18+s2] =	stream.linear.scatter [tilespmem:s6], [sflag:$0x3], $0xA000, $0x38;
	[tilespmem:$0x15900] =	vst v63  }
0x285: {  	_ =	swait.ge [sflag:s4], $0xA000  }
0x286: {  	s1 =	sadd.s32 $0xFFFFFFFF, s1;
	s0 =	rddreg [dreg:$0x3];
	[sflag:s4] =	ssyncset.done $0x0  }
0x287: {  	s23 =	simm.s32 $0x1300  }
0x288: {  	s31 =	simm.s32 $0x1280;
	s30 =	simm.s32 $0x1380;
	s29 =	simm.s32 $0x1600  }
0x289: {  	s28 =	simm.s32 $0x1580;
	s26 =	simm.s32 $0x1500;
	s25 =	simm.s32 $0x1480  }
0x28a: {  	s24 =	simm.s32 $0x1400;
	s22 =	simm.s32 $0x1780;
	s21 =	simm.s32 $0x1700  }
0x28b: {  	s20 =	simm.s32 $0x1680;
	s19 =	simm.s32 $0x1880;
	s18 =	stileid.u32  }
.LBB2_6:
0x28c: {  	[sflag:s4] =	ssyncadd.s32 @p0 $0xFFFF6000  }
0x28d: {  	[tilespmem:s2], [sflag:$0x3] =	stream.linear.gather [hbm4b:s0+s2], $0x1900, $0x38;
	[tilespmem:$0x15900] =	vst v63  }
0x28e: {  	_ =	swait.ge [sflag:s4], $0x1900  }
0x28f: {  	[sflag:s4] =	ssyncset.done $0x0  }
0x290: {  	[sflag:s4] =	ssyncadd.s32 $0xFFFFE700  }
0x291: {  	[tilespmem:s7], [sflag:$0x1] =	stream.indirect.gather [hbm4b:s3+s5], $0x40, s2, s5, $0xb8;
	[tilespmem:$0x15900] =	vst v63  }
0x292: {  	_ = 	snop  }
0x293: {  	[tilespmem:s14], [sflag:$0x1] =	stream.indirect.gather [hbm4b:s3+s5], $0x40, s5, s5, $0xb8;
	[tilespmem:$0x15900] =	vst v63  }
0x294: {  	s0 =	rddreg [dreg:$0xe]  }
0x295: {  	[tilespmem:s15], [sflag:$0x1] =	stream.indirect.gather [hbm4b:s3+s5], $0x40, s0, s5, $0xb8;
	[tilespmem:$0x15900] =	vst v63  }
0x296: {  	s1 =	rddreg [dreg:$0xf]  }
0x297: {  	[tilespmem:s16], [sflag:$0x1] =	stream.indirect.gather [hbm4b:s3+s5], $0x40, s1, s5, $0xb8;
	[tilespmem:$0x15900] =	vst v63  }
0x298: {  	s0 =	rddreg [dreg:$0x10]  }
0x299: {  	[tilespmem:s17], [sflag:$0x1] =	stream.indirect.gather [hbm4b:s3+s5], $0x40, s0, s5, $0xb8;
	[tilespmem:$0x15900] =	vst v63  }
0x29a: {  	_ =	swait.ge [sflag:s9], $0x2000  }
0x29b: {  	[sflag:s9] =	ssyncset.done $0x0  }
0x29c: {  	[sflag:s9] =	ssyncadd.s32 $0xFFFFE000  }
0x29d: {  	_ =	swait.ge [sflag:s9], $0x2000  }
0x29e: {  	[sflag:s9] =	ssyncset.done $0x0  }
0x29f: {  	[sflag:s9] =	ssyncadd.s32 $0xFFFFE000  }
0x2a0: {  	_ =	swait.ge [sflag:s9], $0x2000  }
0x2a1: {  	[sflag:s9] =	ssyncset.done $0x0  }
0x2a2: {  	[sflag:s9] =	ssyncadd.s32 $0xFFFFE000  }
0x2a3: {  	_ =	swait.ge [sflag:s9], $0x2000  }
0x2a4: {  	[sflag:s9] =	ssyncset.done $0x0  }
0x2a5: {  	[sflag:s9] =	ssyncadd.s32 $0xFFFFE000  }
0x2a6: {  	_ =	swait.ge [sflag:s9], $0x2000  }
0x2a7: {  	[sflag:s9] =	ssyncset.done $0x0  }
0x2a8: {  	s0 =	rddreg [dreg:$0x11];
	[sflag:s9] =	ssyncadd.s32 $0xFFFFE000  }
0x2a9: {  	[tilespmem:s6], [sflag:$0x2] =	stream.indirect.gather [hbm4b:s3+s5], $0x40, s0, s5, $0xb8;
	[tilespmem:$0x15900] =	vst v63  }
0x2aa: {  	s1 =	rddreg [dreg:$0x12]  }
0x2ab: {  	[tilespmem:s10], [sflag:$0x2] =	stream.indirect.gather [hbm4b:s3+s5], $0x40, s1, s5, $0xb8;
	[tilespmem:$0x15900] =	vst v63  }
0x2ac: {  	s0 =	rddreg [dreg:$0x13]  }
0x2ad: {  	[tilespmem:s11], [sflag:$0x2] =	stream.indirect.gather [hbm4b:s3+s5], $0x40, s0, s5, $0xb8;
	[tilespmem:$0x15900] =	vst v63  }
0x2ae: {  	s1 =	rddreg [dreg:$0x14]  }
0x2af: {  	[tilespmem:s12], [sflag:$0x2] =	stream.indirect.gather [hbm4b:s3+s5], $0x40, s1, s5, $0xb8;
	[tilespmem:$0x15900] =	vst v63  }
0x2b0: {  	s0 =	rddreg [dreg:$0x15]  }
0x2b1: {  	[tilespmem:s13], [sflag:$0x2] =	stream.indirect.gather [hbm4b:s3+s5], $0x40, s0, s5, $0xb8;
	[tilespmem:$0x15900] =	vst v63  }
0x2b2: {  	s1 =	rddreg [dreg:$0x4]  }
0x2b3: {  	[hbm4b:s1+s2] =	stream.linear.scatter [tilespmem:s7], [sflag:$0x3], $0xA000, $0x38;
	[tilespmem:$0x15900] =	vst v63  }
0x2b4: {  	_ =	swait.ge [sflag:s4], $0xA000  }
0x2b5: {  	[sflag:s4] =	ssyncset.done $0x0  }
0x2b6: {  	[sflag:s4] =	ssyncadd.s32 $0xFFFF6000  }
0x2b7: {  	_ =	swait.ge [sflag:s8], $0x2000  }
0x2b8: {  	[sflag:s8] =	ssyncset.done $0x0  }
0x2b9: {  	[sflag:s8] =	ssyncadd.s32 $0xFFFFE000  }
0x2ba: {  	_ =	swait.ge [sflag:s8], $0x2000  }
0x2bb: {  	[sflag:s8] =	ssyncset.done $0x0  }
0x2bc: {  	[sflag:s8] =	ssyncadd.s32 $0xFFFFE000  }
0x2bd: {  	_ =	swait.ge [sflag:s8], $0x2000  }
0x2be: {  	[sflag:s8] =	ssyncset.done $0x0  }
0x2bf: {  	[sflag:s8] =	ssyncadd.s32 $0xFFFFE000  }
0x2c0: {  	_ =	swait.ge [sflag:s8], $0x2000  }
0x2c1: {  	[sflag:s8] =	ssyncset.done $0x0  }
0x2c2: {  	[sflag:s8] =	ssyncadd.s32 $0xFFFFE000  }
0x2c3: {  	_ =	swait.ge [sflag:s8], $0x2000  }
0x2c4: {  	[sflag:s8] =	ssyncset.done $0x0  }
0x2c5: {  	s0 =	rddreg [dreg:$0x16];
	[sflag:s8] =	ssyncadd.s32 $0xFFFFE000  }
0x2c6: {  	[tilespmem:s7], [sflag:$0x1] =	stream.indirect.gather [hbm4b:s3+s5], $0x40, s0, s5, $0xb8;
	[tilespmem:$0x15900] =	vst v63  }
0x2c7: {  	s1 =	rddreg [dreg:$0x17]  }
0x2c8: {  	[tilespmem:s14], [sflag:$0x1] =	stream.indirect.gather [hbm4b:s3+s5], $0x40, s1, s5, $0xb8;
	[tilespmem:$0x15900] =	vst v63  }
0x2c9: {  	s0 =	rddreg [dreg:$0x18]  }
0x2ca: {  	[tilespmem:s15], [sflag:$0x1] =	stream.indirect.gather [hbm4b:s3+s5], $0x40, s0, s5, $0xb8;
	[tilespmem:$0x15900] =	vst v63  }
0x2cb: {  	s1 =	rddreg [dreg:$0x19]  }
0x2cc: {  	[tilespmem:s16], [sflag:$0x1] =	stream.indirect.gather [hbm4b:s3+s5], $0x40, s1, s5, $0xb8;
	[tilespmem:$0x15900] =	vst v63  }
0x2cd: {  	s0 =	rddreg [dreg:$0x1a]  }
0x2ce: {  	[tilespmem:s17], [sflag:$0x1] =	stream.indirect.gather [hbm4b:s3+s5], $0x40, s0, s5, $0xb8;
	[tilespmem:$0x15900] =	vst v63  }
0x2cf: {  	s1 =	rddreg [dreg:$0x5]  }
0x2d0: {  	[hbm4b:s1+s2] =	stream.linear.scatter [tilespmem:s6], [sflag:$0x3], $0xA000, $0x38;
	[tilespmem:$0x15900] =	vst v63  }
0x2d1: {  	_ =	swait.ge [sflag:s4], $0xA000  }
0x2d2: {  	[sflag:s4] =	ssyncset.done $0x0  }
0x2d3: {  	[sflag:s4] =	ssyncadd.s32 $0xFFFF6000  }
0x2d4: {  	_ =	swait.ge [sflag:s9], $0x2000  }
0x2d5: {  	[sflag:s9] =	ssyncset.done $0x0  }
0x2d6: {  	[sflag:s9] =	ssyncadd.s32 $0xFFFFE000  }
0x2d7: {  	_ =	swait.ge [sflag:s9], $0x2000  }
0x2d8: {  	[sflag:s9] =	ssyncset.done $0x0  }
0x2d9: {  	[sflag:s9] =	ssyncadd.s32 $0xFFFFE000  }
0x2da: {  	_ =	swait.ge [sflag:s9], $0x2000  }
0x2db: {  	[sflag:s9] =	ssyncset.done $0x0  }
0x2dc: {  	[sflag:s9] =	ssyncadd.s32 $0xFFFFE000  }
0x2dd: {  	_ =	swait.ge [sflag:s9], $0x2000  }
0x2de: {  	[sflag:s9] =	ssyncset.done $0x0  }
0x2df: {  	[sflag:s9] =	ssyncadd.s32 $0xFFFFE000  }
0x2e0: {  	_ =	swait.ge [sflag:s9], $0x2000  }
0x2e1: {  	[sflag:s9] =	ssyncset.done $0x0  }
0x2e2: {  	s0 =	rddreg [dreg:$0x1b];
	[sflag:s9] =	ssyncadd.s32 $0xFFFFE000  }
0x2e3: {  	[tilespmem:s6], [sflag:$0x2] =	stream.indirect.gather [hbm4b:s3+s5], $0x40, s0, s5, $0xb8;
	[tilespmem:$0x15900] =	vst v63  }
0x2e4: {  	s1 =	rddreg [dreg:$0x1c]  }
0x2e5: {  	[tilespmem:s10], [sflag:$0x2] =	stream.indirect.gather [hbm4b:s3+s5], $0x40, s1, s5, $0xb8;
	[tilespmem:$0x15900] =	vst v63  }
0x2e6: {  	s0 =	rddreg [dreg:$0x1d]  }
0x2e7: {  	[tilespmem:s11], [sflag:$0x2] =	stream.indirect.gather [hbm4b:s3+s5], $0x40, s0, s5, $0xb8;
	[tilespmem:$0x15900] =	vst v63  }
0x2e8: {  	s1 =	rddreg [dreg:$0x1e]  }
0x2e9: {  	[tilespmem:s12], [sflag:$0x2] =	stream.indirect.gather [hbm4b:s3+s5], $0x40, s1, s5, $0xb8;
	[tilespmem:$0x15900] =	vst v63  }
0x2ea: {  	s0 =	rddreg [dreg:$0x1f]  }
0x2eb: {  	[tilespmem:s13], [sflag:$0x2] =	stream.indirect.gather [hbm4b:s3+s5], $0x40, s0, s5, $0xb8;
	[tilespmem:$0x15900] =	vst v63  }
0x2ec: {  	s1 =	rddreg [dreg:$0x6]  }
0x2ed: {  	[hbm4b:s1+s2] =	stream.linear.scatter [tilespmem:s7], [sflag:$0x3], $0xA000, $0x38;
	[tilespmem:$0x15900] =	vst v63  }
0x2ee: {  	_ =	swait.ge [sflag:s4], $0xA000  }
0x2ef: {  	[sflag:s4] =	ssyncset.done $0x0  }
0x2f0: {  	[sflag:s4] =	ssyncadd.s32 $0xFFFF6000  }
0x2f1: {  	_ =	swait.ge [sflag:s8], $0x2000  }
0x2f2: {  	[sflag:s8] =	ssyncset.done $0x0  }
0x2f3: {  	[sflag:s8] =	ssyncadd.s32 $0xFFFFE000  }
0x2f4: {  	_ =	swait.ge [sflag:s8], $0x2000  }
0x2f5: {  	[sflag:s8] =	ssyncset.done $0x0  }
0x2f6: {  	[sflag:s8] =	ssyncadd.s32 $0xFFFFE000  }
0x2f7: {  	_ =	swait.ge [sflag:s8], $0x2000  }
0x2f8: {  	[sflag:s8] =	ssyncset.done $0x0  }
0x2f9: {  	[sflag:s8] =	ssyncadd.s32 $0xFFFFE000  }
0x2fa: {  	_ =	swait.ge [sflag:s8], $0x2000  }
0x2fb: {  	[sflag:s8] =	ssyncset.done $0x0  }
0x2fc: {  	[sflag:s8] =	ssyncadd.s32 $0xFFFFE000  }
0x2fd: {  	_ =	swait.ge [sflag:s8], $0x2000  }
0x2fe: {  	s0 =	sld [smem:$0x7ED]  }
0x2ff: {  	[sflag:s8] =	ssyncset.done $0x0  }
0x300: {  	s1 =	sld [smem:$0x7EE];
	[sflag:s8] =	ssyncadd.s32 $0xFFFFE000  }
0x301: {  	[tilespmem:s7], [sflag:$0x1] =	stream.indirect.gather [hbm4b:s3+s5], $0x40, s0, s5, $0xb8;
	[tilespmem:$0x15900] =	vst v63  }
0x302: {  	s0 =	sld [smem:$0x7EF]  }
0x303: {  	[tilespmem:s14], [sflag:$0x1] =	stream.indirect.gather [hbm4b:s3+s5], $0x40, s1, s5, $0xb8;
	[tilespmem:$0x15900] =	vst v63  }
0x304: {  	s1 =	sld [smem:$0x7F0]  }
0x305: {  	[tilespmem:s15], [sflag:$0x1] =	stream.indirect.gather [hbm4b:s3+s5], $0x40, s0, s5, $0xb8;
	[tilespmem:$0x15900] =	vst v63  }
0x306: {  	s0 =	sld [smem:$0x7F1]  }
0x307: {  	[tilespmem:s16], [sflag:$0x1] =	stream.indirect.gather [hbm4b:s3+s5], $0x40, s1, s5, $0xb8;
	[tilespmem:$0x15900] =	vst v63  }
0x308: {  	_ = 	snop  }
0x309: {  	[tilespmem:s17], [sflag:$0x1] =	stream.indirect.gather [hbm4b:s3+s5], $0x40, s0, s5, $0xb8;
	[tilespmem:$0x15900] =	vst v63  }
0x30a: {  	s1 =	rddreg [dreg:$0x7]  }
0x30b: {  	[hbm4b:s1+s2] =	stream.linear.scatter [tilespmem:s6], [sflag:$0x3], $0xA000, $0x38;
	[tilespmem:$0x15900] =	vst v63  }
0x30c: {  	_ =	swait.ge [sflag:s4], $0xA000  }
0x30d: {  	[sflag:s4] =	ssyncset.done $0x0  }
0x30e: {  	[sflag:s4] =	ssyncadd.s32 $0xFFFF6000  }
0x30f: {  	_ =	swait.ge [sflag:s9], $0x2000  }
0x310: {  	[sflag:s9] =	ssyncset.done $0x0  }
0x311: {  	[sflag:s9] =	ssyncadd.s32 $0xFFFFE000  }
0x312: {  	_ =	swait.ge [sflag:s9], $0x2000  }
0x313: {  	[sflag:s9] =	ssyncset.done $0x0  }
0x314: {  	[sflag:s9] =	ssyncadd.s32 $0xFFFFE000  }
0x315: {  	_ =	swait.ge [sflag:s9], $0x2000  }
0x316: {  	[sflag:s9] =	ssyncset.done $0x0  }
0x317: {  	[sflag:s9] =	ssyncadd.s32 $0xFFFFE000  }
0x318: {  	_ =	swait.ge [sflag:s9], $0x2000  }
0x319: {  	[sflag:s9] =	ssyncset.done $0x0  }
0x31a: {  	[sflag:s9] =	ssyncadd.s32 $0xFFFFE000  }
0x31b: {  	_ =	swait.ge [sflag:s9], $0x2000  }
0x31c: {  	s0 =	sld [smem:$0x7F2]  }
0x31d: {  	[sflag:s9] =	ssyncset.done $0x0  }
0x31e: {  	s1 =	sld [smem:$0x7F3];
	[sflag:s9] =	ssyncadd.s32 $0xFFFFE000  }
0x31f: {  	[tilespmem:s6], [sflag:$0x2] =	stream.indirect.gather [hbm4b:s3+s5], $0x40, s0, s5, $0xb8;
	[tilespmem:$0x15900] =	vst v63  }
0x320: {  	s0 =	sld [smem:$0x7F4]  }
0x321: {  	[tilespmem:s10], [sflag:$0x2] =	stream.indirect.gather [hbm4b:s3+s5], $0x40, s1, s5, $0xb8;
	[tilespmem:$0x15900] =	vst v63  }
0x322: {  	s1 =	sld [smem:$0x7F5]  }
0x323: {  	[tilespmem:s11], [sflag:$0x2] =	stream.indirect.gather [hbm4b:s3+s5], $0x40, s0, s5, $0xb8;
	[tilespmem:$0x15900] =	vst v63  }
0x324: {  	s0 =	sld [smem:$0x7F6]  }
0x325: {  	[tilespmem:s12], [sflag:$0x2] =	stream.indirect.gather [hbm4b:s3+s5], $0x40, s1, s5, $0xb8;
	[tilespmem:$0x15900] =	vst v63  }
0x326: {  	_ = 	snop  }
0x327: {  	[tilespmem:s13], [sflag:$0x2] =	stream.indirect.gather [hbm4b:s3+s5], $0x40, s0, s5, $0xb8;
	[tilespmem:$0x15900] =	vst v63  }
0x328: {  	s1 =	rddreg [dreg:$0x8]  }
0x329: {  	[hbm4b:s1+s2] =	stream.linear.scatter [tilespmem:s7], [sflag:$0x3], $0xA000, $0x38;
	[tilespmem:$0x15900] =	vst v63  }
0x32a: {  	_ =	swait.ge [sflag:s4], $0xA000  }
0x32b: {  	[sflag:s4] =	ssyncset.done $0x0  }
0x32c: {  	[sflag:s4] =	ssyncadd.s32 $0xFFFF6000  }
0x32d: {  	_ =	swait.ge [sflag:s8], $0x2000  }
0x32e: {  	[sflag:s8] =	ssyncset.done $0x0  }
0x32f: {  	[sflag:s8] =	ssyncadd.s32 $0xFFFFE000  }
0x330: {  	_ =	swait.ge [sflag:s8], $0x2000  }
0x331: {  	[sflag:s8] =	ssyncset.done $0x0  }
0x332: {  	[sflag:s8] =	ssyncadd.s32 $0xFFFFE000  }
0x333: {  	_ =	swait.ge [sflag:s8], $0x2000  }
0x334: {  	[sflag:s8] =	ssyncset.done $0x0  }
0x335: {  	[sflag:s8] =	ssyncadd.s32 $0xFFFFE000  }
0x336: {  	_ =	swait.ge [sflag:s8], $0x2000  }
0x337: {  	[sflag:s8] =	ssyncset.done $0x0  }
0x338: {  	[sflag:s8] =	ssyncadd.s32 $0xFFFFE000  }
0x339: {  	_ =	swait.ge [sflag:s8], $0x2000  }
0x33a: {  	s0 =	sld [smem:$0x7F7]  }
0x33b: {  	[sflag:s8] =	ssyncset.done $0x0  }
0x33c: {  	s1 =	sld [smem:$0x7F8];
	[sflag:s8] =	ssyncadd.s32 $0xFFFFE000  }
0x33d: {  	[tilespmem:s7], [sflag:$0x1] =	stream.indirect.gather [hbm4b:s3+s5], $0x40, s0, s5, $0xb8;
	[tilespmem:$0x15900] =	vst v63  }
0x33e: {  	s0 =	sld [smem:$0x7F9]  }
0x33f: {  	[tilespmem:s14], [sflag:$0x1] =	stream.indirect.gather [hbm4b:s3+s5], $0x40, s1, s5, $0xb8;
	[tilespmem:$0x15900] =	vst v63  }
0x340: {  	s1 =	sld [smem:$0x7FA]  }
0x341: {  	[tilespmem:s15], [sflag:$0x1] =	stream.indirect.gather [hbm4b:s3+s5], $0x40, s0, s5, $0xb8;
	[tilespmem:$0x15900] =	vst v63  }
0x342: {  	s0 =	sld [smem:$0x7FB]  }
0x343: {  	[tilespmem:s16], [sflag:$0x1] =	stream.indirect.gather [hbm4b:s3+s5], $0x40, s1, s5, $0xb8;
	[tilespmem:$0x15900] =	vst v63  }
0x344: {  	_ = 	snop  }
0x345: {  	[tilespmem:s17], [sflag:$0x1] =	stream.indirect.gather [hbm4b:s3+s5], $0x40, s0, s5, $0xb8;
	[tilespmem:$0x15900] =	vst v63  }
0x346: {  	s1 =	rddreg [dreg:$0x9]  }
0x347: {  	[hbm4b:s1+s2] =	stream.linear.scatter [tilespmem:s6], [sflag:$0x3], $0xA000, $0x38;
	[tilespmem:$0x15900] =	vst v63  }
0x348: {  	_ =	swait.ge [sflag:s4], $0xA000  }
0x349: {  	[sflag:s4] =	ssyncset.done $0x0  }
0x34a: {  	[sflag:s4] =	ssyncadd.s32 $0xFFFF6000  }
0x34b: {  	_ =	swait.ge [sflag:s9], $0x2000  }
0x34c: {  	[sflag:s9] =	ssyncset.done $0x0  }
0x34d: {  	[sflag:s9] =	ssyncadd.s32 $0xFFFFE000  }
0x34e: {  	_ =	swait.ge [sflag:s9], $0x2000  }
0x34f: {  	[sflag:s9] =	ssyncset.done $0x0  }
0x350: {  	[sflag:s9] =	ssyncadd.s32 $0xFFFFE000  }
0x351: {  	_ =	swait.ge [sflag:s9], $0x2000  }
0x352: {  	[sflag:s9] =	ssyncset.done $0x0  }
0x353: {  	[sflag:s9] =	ssyncadd.s32 $0xFFFFE000  }
0x354: {  	_ =	swait.ge [sflag:s9], $0x2000  }
0x355: {  	[sflag:s9] =	ssyncset.done $0x0  }
0x356: {  	[sflag:s9] =	ssyncadd.s32 $0xFFFFE000  }
0x357: {  	_ =	swait.ge [sflag:s9], $0x2000  }
0x358: {  	s0 =	sld [smem:$0x7FC]  }
0x359: {  	[sflag:s9] =	ssyncset.done $0x0  }
0x35a: {  	s1 =	sld [smem:$0x7FD];
	[sflag:s9] =	ssyncadd.s32 $0xFFFFE000  }
0x35b: {  	[tilespmem:s6], [sflag:$0x2] =	stream.indirect.gather [hbm4b:s3+s5], $0x40, s0, s5, $0xb8;
	[tilespmem:$0x15900] =	vst v63  }
0x35c: {  	_ = 	snop  }
0x35d: {  	[tilespmem:s10], [sflag:$0x2] =	stream.indirect.gather [hbm4b:s3+s5], $0x40, s1, s5, $0xb8;
	[tilespmem:$0x15900] =	vst v63  }
0x35e: {  	_ = 	snop  }
0x35f: {  	[tilespmem:s11], [sflag:$0x2] =	stream.indirect.gather [hbm4b:s3+s5], $0x40, s31, s5, $0xb8;
	[tilespmem:$0x15900] =	vst v63  }
0x360: {  	_ = 	snop  }
0x361: {  	[tilespmem:s12], [sflag:$0x2] =	stream.indirect.gather [hbm4b:s3+s5], $0x40, s23, s5, $0xb8;
	[tilespmem:$0x15900] =	vst v63  }
0x362: {  	_ = 	snop  }
0x363: {  	[tilespmem:s13], [sflag:$0x2] =	stream.indirect.gather [hbm4b:s3+s5], $0x40, s30, s5, $0xb8;
	[tilespmem:$0x15900] =	vst v63  }
0x364: {  	s23 =	rddreg [dreg:$0xa]  }
0x365: {  	[hbm4b:s23+s2] =	stream.linear.scatter [tilespmem:s7], [sflag:$0x3], $0xA000, $0x38;
	[tilespmem:$0x15900] =	vst v63  }
0x366: {  	_ =	swait.ge [sflag:s4], $0xA000  }
0x367: {  	[sflag:s4] =	ssyncset.done $0x0  }
0x368: {  	[sflag:s4] =	ssyncadd.s32 $0xFFFF6000  }
0x369: {  	_ =	swait.ge [sflag:s8], $0x2000  }
0x36a: {  	[sflag:s8] =	ssyncset.done $0x0  }
0x36b: {  	[sflag:s8] =	ssyncadd.s32 $0xFFFFE000  }
0x36c: {  	_ =	swait.ge [sflag:s8], $0x2000  }
0x36d: {  	[sflag:s8] =	ssyncset.done $0x0  }
0x36e: {  	[sflag:s8] =	ssyncadd.s32 $0xFFFFE000  }
0x36f: {  	_ =	swait.ge [sflag:s8], $0x2000  }
0x370: {  	[sflag:s8] =	ssyncset.done $0x0  }
0x371: {  	[sflag:s8] =	ssyncadd.s32 $0xFFFFE000  }
0x372: {  	_ =	swait.ge [sflag:s8], $0x2000  }
0x373: {  	[sflag:s8] =	ssyncset.done $0x0  }
0x374: {  	[sflag:s8] =	ssyncadd.s32 $0xFFFFE000  }
0x375: {  	_ =	swait.ge [sflag:s8], $0x2000  }
0x376: {  	[sflag:s8] =	ssyncset.done $0x0  }
0x377: {  	[sflag:s8] =	ssyncadd.s32 $0xFFFFE000  }
0x378: {  	[tilespmem:s7], [sflag:$0x1] =	stream.indirect.gather [hbm4b:s3+s5], $0x40, s24, s5, $0xb8;
	[tilespmem:$0x15900] =	vst v63  }
0x379: {  	_ = 	snop  }
0x37a: {  	[tilespmem:s14], [sflag:$0x1] =	stream.indirect.gather [hbm4b:s3+s5], $0x40, s25, s5, $0xb8;
	[tilespmem:$0x15900] =	vst v63  }
0x37b: {  	_ = 	snop  }
0x37c: {  	[tilespmem:s15], [sflag:$0x1] =	stream.indirect.gather [hbm4b:s3+s5], $0x40, s26, s5, $0xb8;
	[tilespmem:$0x15900] =	vst v63  }
0x37d: {  	_ = 	snop  }
0x37e: {  	[tilespmem:s16], [sflag:$0x1] =	stream.indirect.gather [hbm4b:s3+s5], $0x40, s28, s5, $0xb8;
	[tilespmem:$0x15900] =	vst v63  }
0x37f: {  	_ = 	snop  }
0x380: {  	[tilespmem:s17], [sflag:$0x1] =	stream.indirect.gather [hbm4b:s3+s5], $0x40, s29, s5, $0xb8;
	[tilespmem:$0x15900] =	vst v63  }
0x381: {  	s28 =	rddreg [dreg:$0xb]  }
0x382: {  	[hbm4b:s28+s2] =	stream.linear.scatter [tilespmem:s6], [sflag:$0x3], $0xA000, $0x38;
	[tilespmem:$0x15900] =	vst v63  }
0x383: {  	_ =	swait.ge [sflag:s4], $0xA000  }
0x384: {  	[sflag:s4] =	ssyncset.done $0x0  }
0x385: {  	[sflag:s4] =	ssyncadd.s32 $0xFFFF6000  }
0x386: {  	_ =	swait.ge [sflag:s9], $0x2000  }
0x387: {  	[sflag:s9] =	ssyncset.done $0x0  }
0x388: {  	[sflag:s9] =	ssyncadd.s32 $0xFFFFE000  }
0x389: {  	_ =	swait.ge [sflag:s9], $0x2000  }
0x38a: {  	[sflag:s9] =	ssyncset.done $0x0  }
0x38b: {  	[sflag:s9] =	ssyncadd.s32 $0xFFFFE000  }
0x38c: {  	_ =	swait.ge [sflag:s9], $0x2000  }
0x38d: {  	[sflag:s9] =	ssyncset.done $0x0  }
0x38e: {  	[sflag:s9] =	ssyncadd.s32 $0xFFFFE000  }
0x38f: {  	_ =	swait.ge [sflag:s9], $0x2000  }
0x390: {  	[sflag:s9] =	ssyncset.done $0x0  }
0x391: {  	[sflag:s9] =	ssyncadd.s32 $0xFFFFE000  }
0x392: {  	_ =	swait.ge [sflag:s9], $0x2000  }
0x393: {  	[sflag:s9] =	ssyncset.done $0x0  }
0x394: {  	[sflag:s9] =	ssyncadd.s32 $0xFFFFE000  }
0x395: {  	[tilespmem:s6], [sflag:$0x2] =	stream.indirect.gather [hbm4b:s3+s5], $0x40, s20, s5, $0xb8;
	[tilespmem:$0x15900] =	vst v63  }
0x396: {  	_ = 	snop  }
0x397: {  	[tilespmem:s10], [sflag:$0x2] =	stream.indirect.gather [hbm4b:s3+s5], $0x40, s21, s5, $0xb8;
	[tilespmem:$0x15900] =	vst v63  }
0x398: {  	_ = 	snop  }
0x399: {  	[tilespmem:s11], [sflag:$0x2] =	stream.indirect.gather [hbm4b:s3+s5], $0x40, s22, s5, $0xb8;
	[tilespmem:$0x15900] =	vst v63  }
0x39a: {  	s29 =	simm.s32 $0x1800  }
0x39b: {  	[tilespmem:s12], [sflag:$0x2] =	stream.indirect.gather [hbm4b:s3+s5], $0x40, s29, s5, $0xb8;
	[tilespmem:$0x15900] =	vst v63  }
0x39c: {  	_ = 	snop  }
0x39d: {  	[tilespmem:s13], [sflag:$0x2] =	stream.indirect.gather [hbm4b:s3+s5], $0x40, s19, s5, $0xb8;
	[tilespmem:$0x15900] =	vst v63  }
0x39e: {  	s30 =	rddreg [dreg:$0xc]  }
0x39f: {  	[hbm4b:s30+s2] =	stream.linear.scatter [tilespmem:s7], [sflag:$0x3], $0xA000, $0x38;
	[tilespmem:$0x15900] =	vst v63  }
0x3a0: {  	_ =	swait.ge [sflag:s4], $0xA000  }
0x3a1: {  	[sflag:s4] =	ssyncset.done $0x0  }
0x3a2: {  	[sflag:s4] =	ssyncadd.s32 $0xFFFF6000  }
0x3a3: {  	_ =	swait.ge [sflag:s8], $0x2000  }
0x3a4: {  	[sflag:s8] =	ssyncset.done $0x0  }
0x3a5: {  	[sflag:s8] =	ssyncadd.s32 $0xFFFFE000  }
0x3a6: {  	_ =	swait.ge [sflag:s8], $0x2000  }
0x3a7: {  	[sflag:s8] =	ssyncset.done $0x0  }
0x3a8: {  	[sflag:s8] =	ssyncadd.s32 $0xFFFFE000  }
0x3a9: {  	_ =	swait.ge [sflag:s8], $0x2000  }
0x3aa: {  	[sflag:s8] =	ssyncset.done $0x0  }
0x3ab: {  	[sflag:s8] =	ssyncadd.s32 $0xFFFFE000  }
0x3ac: {  	_ =	swait.ge [sflag:s8], $0x2000  }
0x3ad: {  	[sflag:s8] =	ssyncset.done $0x0  }
0x3ae: {  	[sflag:s8] =	ssyncadd.s32 $0xFFFFE000  }
0x3af: {  	_ =	swait.ge [sflag:s8], $0x2000  }
0x3b0: {  	[sflag:s8] =	ssyncset.done $0x0  }
0x3b1: {  	s31 =	rddreg [dreg:$0xd];
	[sflag:s8] =	ssyncadd.s32 $0xFFFFE000  }
0x3b2: {  	[hbm4b:s31+s2] =	stream.linear.scatter [tilespmem:s6], [sflag:$0x3], $0xA000, $0x38;
	[tilespmem:$0x15900] =	vst v63  }
0x3b3: {  	_ =	swait.ge [sflag:s4], $0xA000  }
0x3b4: {  	[sflag:s4] =	ssyncset.done $0x0  }
0x3b5: {  	[sflag:s4] =	ssyncadd.s32 $0xFFFF6000  }
0x3b6: {  	_ =	sfence.sel $0x180000  }
0x3b7: {  	[bflag:$0x0] =	sbarrier.arrive $0xFFFF  }
0x3b8: {  	_ =	strace $0x9000004A  }
0x3b9: {  	[bflag:$0x2] =	sbarrier.arrive $0xFFFF  }
0x3ba: {  	p0 =	sne.s32 s18, $0x0;
	s0 =	rddreg [dreg:$0x2]  }
0x3bb: {  	s0 =	sadd.s32 @!p0 $0x100000, s0  }
0x3bc: {  	[sflag:s0] =	ssyncadd.tile.s32 @!p0 $0x1;
	_ =	shalt  }
.LBB2_1:
.Ltmp3:
0x3bd: {  	(pc) =	sbr.rel .LBB2_6-.Ltmp3, $4  }
0x3be: {  	s23 =	simm.s32 $0x1300;
	s31 =	simm.s32 $0x1280;
	s30 =	simm.s32 $0x1380  }
0x3bf: {  	s29 =	simm.s32 $0x1600;
	s28 =	simm.s32 $0x1580;
	s26 =	simm.s32 $0x1500  }
0x3c0: {  	s25 =	simm.s32 $0x1480;
	s24 =	simm.s32 $0x1400;
	s22 =	simm.s32 $0x1780  }
0x3c1: {  	s21 =	simm.s32 $0x1700;
	s20 =	simm.s32 $0x1680;
	s19 =	simm.s32 $0x1880  }
.LBB2_3:
.Ltmp4:
0x3c2: {  	s23 =	simm.s32 $0x1300;
	(pc) =	sbr.rel .LBB2_6-.Ltmp4, $4  }
0x3c3: {  	s31 =	simm.s32 $0x1280;
	s30 =	simm.s32 $0x1380;
	s29 =	simm.s32 $0x1600  }
0x3c4: {  	s28 =	simm.s32 $0x1580;
	s26 =	simm.s32 $0x1500;
	s25 =	simm.s32 $0x1480  }
0x3c5: {  	s24 =	simm.s32 $0x1400;
	s22 =	simm.s32 $0x1780;
	s21 =	simm.s32 $0x1700  }
0x3c6: {  	s20 =	simm.s32 $0x1680;
	s19 =	simm.s32 $0x1880;
	s18 =	stileid.u32  }
.Lfunc_end2:
_tile_overlayer_lowered:
.L_overlay_start_2:
0x3c7: {  	(tag) =	ssettag $0x2  }
0x3c8: {  	s0 =	rddreg [dreg:$0x0];
	s2 =	stileid.u32  }
0x3c9: {  	s1 =	rddreg [dreg:$0x1];
	p0 =	sne.s32 s2, $0x0  }
0x3ca: {  	s3 =	rddreg [dreg:$0x2];
	[bflag:$0x3] =	sbarrier.arrive $0xFFFF;
	s2 =	simm.s32 @!p0 $0x1C03  }
0x3cb: {  	[timem:s3], [sflag:s2] =	dma.local @!p0 [hbm:s0], s1  }
0x3cc: {  	s0 =	simm.s32 @!p0 $0x3  }
0x3cd: {  	_ =	swait.ge @!p0 [sflag:s0], s1  }
0x3ce: {  	s1 =	ssub.s32 @!p0 $0x0, s1;
	[sflag:s0] =	ssyncset.done @!p0 $0x0  }
0x3cf: {  	[sflag:s0] =	ssyncadd.s32 @!p0 s1  }
0x3d0: {  	[bflag:$0x3] =	sbarrier.arrive $0xFFFF  }
0x3d1: {  	_ =	shalt  }

// kernel: kernel.7.cloned.1.call-start
scs
__scs_entry_jumppad:
0x0: {  	(pc) =	sbr.rel $0x88, $3  }
0x1: {  	(tag) =	ssettag $0x0;
	lr =	simm.s32 $0x1  }
0x2: {  	[smem:$0x3F9A] =	sst lr;
	_ =	strace $0xD0000000  }
0x3: {  	_ = 	snop  }
0x4: {  	_ = 	snop  }
0x5: {  	_ = 	snop  }
0x6: {  	_ = 	snop  }
0x7: {  	_ = 	snop  }
__scs_overlays_trampoline_lowered:
0x8: {  	[smem:$0x3FA9] =	sst s0  }
0x9: {  	[smem:$0x3FAA] =	sst s1  }
0xa: {  	[smem:$0x3FAB] =	sst s2  }
0xb: {  	[smem:$0x3FAC] =	sst s3  }
0xc: {  	[smem:$0x3FAD] =	sst s4  }
0xd: {  	[smem:$0x3FAE] =	sst s5  }
0xe: {  	[smem:$0x3FAF] =	sst s6  }
0xf: {  	[smem:$0x3FB0] =	sst s7  }
0x10: {  	[smem:$0x3FB1] =	sst s8  }
0x11: {  	[smem:$0x3FB2] =	sst s9;
	s0 =	simm.s32 @!p0 $0x0  }
0x12: {  	s1 =	sld [smem:$0x3F98];
	s0 =	simm.s32 @p0 $0x1  }
0x13: {  	[smem:$0x3FB3] =	sst s0;
	s0 =	simm.s32 @!p1 $0x0  }
0x14: {  	s2 =	sld [smem:$0x3F97];
	s0 =	simm.s32 @p1 $0x1  }
0x15: {  	[smem:$0x3FB4] =	sst s0;
	s0 =	simm.s32 @!p2 $0x0  }
0x16: {  	s3 =	sld [smem:$0x3FDB];
	s0 =	simm.s32 @p2 $0x1  }
0x17: {  	s4 =	simm.s32 $0x1BF5;
	[smem:$0x3FB6] =	sst s0  }
0x18: {  	s0 =	sld [smem:$0x3F99];
	_ =	swait.ge [sflag:s4], $0x0  }
0x19: {  	s7 =	sld [smem:$0x3F9A]  }
0x1a: {  	s8 =	sadd.s32 $0xFFFFE003, lr  }
0x1b: {  	s9 =	sadd.s32 $0xFFFFFEF7, lr;
	s5 =	simm.s32 $0xFFFFFFFF;
	p2 =	slt.u32 s8, $0xFFFFF086  }
0x1c: {  	p1 =	slt.u32 s9, $0xF7A;
	s5 =	simm.s32 @!p2 $0x0  }
0x1d: {  	s5 =	simm.s32 @p1 $0x1;
	p0 =	seq.s32 s7, s2  }
0x1e: {  	s7 =	smul.u32 @!p0 $0xF7A, s2;
	p2 =	seq.s32 @!p0 s5, $0x0  }
0x1f: {  	s9 =	smul.u32 $0xF7A, s1;
	s8 =	simm.s32 @!p0 $0x1BF5;
	p2 =	por !p2, p0  }
0x20: {  	[sflag:s8] =	ssyncset.s32 @!p0 $0xFFFFF086;
	s6 =	sadd.s32 @!p0 s3, s7;
	s7 =	simm.s32 @!p0 $0x108  }
0x21: {  	s3 =	sadd.s32 s3, s9;
	s6 =	sadd.s32 @!p0 $0x88, s6;
	s7 =	simm.s32 @p2 $0x1082  }
0x22: {  	[simem:s7], [sflag:s8] =	dma.local @!p0 [hbm:s6], $0xF7A  }
0x23: {  	s9 =	sor.u32 $0xD0000000, s2;
	s6 =	simm.s32 $0x108;
	_ =	swait.ge @!p0 [sflag:s8], $0x0  }
0x24: {  	s3 =	sadd.s32 $0x88, s3;
	s6 =	simm.s32 @!p1 $0x1082;
	[sflag:s4] =	ssyncset.s32 $0xFFFFF086  }
0x25: {  	[simem:s6], [sflag:s4] =	dma.local [hbm:s3], $0xF7A  }
0x26: {  	[smem:$0x3F9A] =	sst s1;
	(tag) =	ssettag s2;
	_ =	strace s9  }
0x27: {  	s1 =	sld [smem:$0x3FAA]  }
0x28: {  	s2 =	sld [smem:$0x3FAB]  }
0x29: {  	s4 =	sld [smem:$0x3FAD]  }
0x2a: {  	p0 =	seq.s32 s5, $0x0;
	s5 =	sld [smem:$0x3FAE]  }
0x2b: {  	s6 =	sld [smem:$0x3FAF]  }
0x2c: {  	s7 =	sld [smem:$0x3FB0]  }
0x2d: {  	s3 =	simm.s32 $0x108;
	s8 =	sld [smem:$0x3FB1]  }
0x2e: {  	s3 =	simm.s32 @!p0 $0x1082;
	s9 =	sld [smem:$0x3FB2]  }
0x2f: {  	lr =	sadd.s32 s0, s3;
	s0 =	sld [smem:$0x3FA9]  }
0x30: {  	s3 =	sld [smem:$0x3FAC]  }
0x31: {  	[smem:$0x3FB5] =	sst s10  }
0x32: {  	s10 =	sld [smem:$0x3FB3];
	_ =	sdelay $0x3  }
0x33: {  	p0 =	seq.s32 s10, $0x1;
	s10 =	sld [smem:$0x3FB5];
	_ =	sdelay $0x3  }
0x34: {  	[smem:$0x3FB5] =	sst s10  }
0x35: {  	s10 =	sld [smem:$0x3FB4];
	_ =	sdelay $0x3  }
0x36: {  	p1 =	seq.s32 s10, $0x1;
	s10 =	sld [smem:$0x3FB5];
	_ =	sdelay $0x3  }
0x37: {  	[smem:$0x3FB5] =	sst s10  }
0x38: {  	s10 =	sld [smem:$0x3FB6]  }
0x39: {  	_ = 	snop;
	(pc) =	sbr.ind lr, $3  }
0x3a: {  	_ = 	snop  }
0x3b: {  	_ = 	snop  }
0x3c: {  	p2 =	seq.s32 s10, $0x1;
	s10 =	sld [smem:$0x3FB5]  }
0x3d: {  	_ =	shalt  }
0x3e: {  	_ =	shalt  }
0x3f: {  	_ =	shalt  }
0x40: {  	_ =	shalt  }
0x41: {  	_ =	shalt  }
0x42: {  	_ =	shalt  }
0x43: {  	_ =	shalt  }
0x44: {  	_ =	shalt  }
0x45: {  	_ =	shalt  }
0x46: {  	_ =	shalt  }
0x47: {  	_ =	shalt  }
0x48: {  	_ =	shalt  }
0x49: {  	_ =	shalt  }
0x4a: {  	_ =	shalt  }
0x4b: {  	_ =	shalt  }
0x4c: {  	_ =	shalt  }
0x4d: {  	_ =	shalt  }
0x4e: {  	_ =	shalt  }
0x4f: {  	_ =	shalt  }
0x50: {  	_ =	shalt  }
0x51: {  	_ =	shalt  }
0x52: {  	_ =	shalt  }
0x53: {  	_ =	shalt  }
0x54: {  	_ =	shalt  }
0x55: {  	_ =	shalt  }
0x56: {  	_ =	shalt  }
0x57: {  	_ =	shalt  }
0x58: {  	_ =	shalt  }
0x59: {  	_ =	shalt  }
0x5a: {  	_ =	shalt  }
0x5b: {  	_ =	shalt  }
0x5c: {  	_ =	shalt  }
0x5d: {  	_ =	shalt  }
0x5e: {  	_ =	shalt  }
0x5f: {  	_ =	shalt  }
0x60: {  	_ =	shalt  }
0x61: {  	_ =	shalt  }
0x62: {  	_ =	shalt  }
0x63: {  	_ =	shalt  }
0x64: {  	_ =	shalt  }
0x65: {  	_ =	shalt  }
0x66: {  	_ =	shalt  }
0x67: {  	_ =	shalt  }
0x68: {  	_ =	shalt  }
0x69: {  	_ =	shalt  }
0x6a: {  	_ =	shalt  }
0x6b: {  	_ =	shalt  }
0x6c: {  	_ =	shalt  }
0x6d: {  	_ =	shalt  }
0x6e: {  	_ =	shalt  }
0x6f: {  	_ =	shalt  }
0x70: {  	_ =	shalt  }
0x71: {  	_ =	shalt  }
0x72: {  	_ =	shalt  }
0x73: {  	_ =	shalt  }
0x74: {  	_ =	shalt  }
0x75: {  	_ =	shalt  }
0x76: {  	_ =	shalt  }
0x77: {  	_ =	shalt  }
0x78: {  	_ =	shalt  }
0x79: {  	_ =	shalt  }
0x7a: {  	_ =	shalt  }
0x7b: {  	_ =	shalt  }
0x7c: {  	_ =	shalt  }
0x7d: {  	_ =	shalt  }
0x7e: {  	_ =	shalt  }
0x7f: {  	_ =	shalt  }
0x80: {  	_ =	shalt  }
0x81: {  	_ =	shalt  }
0x82: {  	_ =	shalt  }
0x83: {  	_ =	shalt  }
0x84: {  	_ =	shalt  }
0x85: {  	_ =	shalt  }
0x86: {  	_ =	shalt  }
0x87: {  	_ =	shalt  }
.Lfunc_end0:
.L_simem_size_0:
called_computation_lowered:
.L_overlay_start_0:
0x88: {  	s2 =	sld [smem:$0x3FD9]  }
0x89: {  	s3 =	sld [smem:$0x3FFE];
	_ =	sdelay $0x1  }
0x8a: {  	s1 =	srdreg.scid  }
0x8b: {  	s0 =	sand.u32 $0x1, s1  }
0x8c: {  	s14 =	sshll.u32 s0, $0xA;
	s2 =	sadd.s32 s3, s2  }
0x8d: {  	s2 =	sadd.s32 s2, s14  }
0x8e: {  	[smem:$0x3FC1] =	sst s2  }
0x8f: {  	_ = 	snop  }
0x90: {  	s2 =	sld [smem:$0x3FD0];
	_ =	sdelay $0x2  }
0x91: {  	s15 =	simm.s32 $0xB;
	s4 =	simm.s32 $0x10  }
0x92: {  	[smem:s4], [sflag:s15] =	dma.local [hbm:s2], $0x1  }
0x93: {  	_ =	swait.eq [sflag:s15], $0x1  }
0x94: {  	[sflag:s15] =	ssyncset.done $0x0  }
0x95: {  	s16 =	sld [smem:$0x10];
	[sflag:s15] =	ssyncadd.s32 $0xFFFFFFFF  }
0x96: {  	s17 =	sld [smem:$0x11];
	(tm) =	ssettm $0x1  }
0x97: {  	s18 =	sld [smem:$0x3FFB];
	_ =	sdelay $0x3  }
0x98: {  	_ =	strace s18  }
0x99: {  	s4 =	sld [smem:$0x3FFC];
	_ =	sdelay $0x3  }
0x9a: {  	_ =	strace s4  }
0x9b: {  	s4 =	sld [smem:$0x3FFD];
	_ =	sdelay $0x3  }
0x9c: {  	_ =	strace s4  }
0x9d: {  	_ =	strace $0x8FFFFFFF  }
0x9e: {  	s19 =	sld [smem:$0x3FDB];
	_ =	sdelay $0x1  }
0x9f: {  	s5 =	simm.s32 $_scs_section_size  }
0xa0: {  	s6 =	simm.s32 $_size__tile_overlayer_lowered;
	s7 =	simm.s32 $_tile_overlayer_lowered  }
0xa1: {  	s22 =	simm.s32 $0x1BFF;
	s21 =	sshll.u32 s7, $0x1;
	s4 =	sadd.s32 s5, s19  }
0xa2: {  	s8 =	simm.s32 $0x0;
	s20 =	sshll.u32 s6, $0x1;
	s6 =	sadd.s32 s21, s4  }
0xa3: {  	[timem:s8], [sflag:s22] =	dma.local [hbm:s6], s20  }
0xa4: {  	_ =	swait.ge [sflag:s22], s20  }
0xa5: {  	s5 =	ssub.s32 $0x0, s20;
	[sflag:s22] =	ssyncset.done $0x0  }
0xa6: {  	[sflag:s22] =	ssyncadd.s32 s5;
	_ =	sdelay $0x1  }
0xa7: {  	s23 =	simm.s32 $0x1B8B  }
0xa8: {  	_ =	swait.ge [sflag:s23], $0x1  }
0xa9: {  	[sflag:s23] =	ssyncset.done $0x0  }
0xaa: {  	s25 =	simm.s32 $0x1B8E;
	s24 =	sld [smem:$0x3FFE];
	[sflag:s23] =	ssyncadd.s32 $0xFFFFFFFF  }
0xab: {  	s26 =	simm.s32 $execute0_lowered;
	[smem:$0x3FD2] =	sst s25  }
0xac: {  	s6 =	sshll.u32 s26, $0x1;
	_ =	strace $0x80000046;
	[dreg:$0x1] =	wrdreg $0xFFFFFFFF  }
0xad: {  	s28 =	simm.s32 $_size_execute0_lowered;
	s4 =	sadd.s32 s4, s6;
	[dreg:$0x0] =	wrdreg $0x0  }
0xae: {  	s6 =	sshll.u32 s28, $0x1;
	[dreg:$0x2] =	wrdreg s4  }
0xaf: {  	[dreg:$0x3] =	wrdreg s6  }
0xb0: {  	[dreg:$0x4] =	wrdreg $0xC0  }
0xb1: {  	_ =	task [dreg:s8], $0x5FFFF  }
0xb2: {  	[dreg:$0x1] =	wrdreg $0xFFFFFFFF  }
0xb3: {  	[dreg:$0x0] =	wrdreg $0x60  }
0xb4: {  	[dreg:$0x2] =	wrdreg s16  }
0xb5: {  	[dreg:$0x3] =	wrdreg s24  }
0xb6: {  	[dreg:$0x4] =	wrdreg s17  }
0xb7: {  	[dreg:$0x5] =	wrdreg $0x9  }
0xb8: {  	_ =	task.clear_ibuf [dreg:s8], $0x6FFFF;
	_ =	strace $0x90000046  }
0xb9: {  	s29 =	simm.s32 $0x9;
	_ =	strace $0x80000048  }
0xba: {  	_ =	swait.ge [sflag:s29], $0x1  }
0xbb: {  	[sflag:s29] =	ssyncadd.s32 $0xFFFFFFFF  }
0xbc: {  	_ =	strace $0x90000048  }
0xbd: {  	_ =	sfence  }
0xbe: {  	s30 =	sld [smem:$0x0];
	_ =	sdelay $0x2  }
0xbf: {  	s31 =	sshll.u32 s1, $0xD;
	s1 =	sshrl.u32 s1, $0x2  }
0xc0: {  	s3 =	sand.u32 $0x4000, s31;
	s1 =	sadd.s32 s1, s30  }
0xc1: {  	s0 =	sor.u32 s3, s0;
	s1 =	sshll.u32 s1, $0x11  }
0xc2: {  	s0 =	sor.u32 s1, s0  }
0xc3: {  	s0 =	sadd.s32 $0x8F2B, s0  }
0xc4: {  	[sflag:s0] =	ssyncadd.remote.s32 $0x1  }
0xc5: {  	_ =	sfence.sel $0xFFFF  }
0xc6: {  	[dreg:$0x0] =	wrdreg $0xFFFFFFFF;
	(pc) =	sbr.abs _section_cstart, $3  }
0xc7: {  	[dreg:$0x1] =	wrdreg $0xFFFFFFFF  }
0xc8: {  	_ =	task.clear_ibuf [dreg:s8], $0x2FFFF;
	_ =	strace $0x9FFFFFFF  }
0xc9: {  	(tm) =	ssettm $0x7FFFFFFF  }
tec
execute0_lowered:
.L_overlay_start_1:
0x0: {  	(tag) =	ssettag $0x1  }
0x1: {  	s3 =	rddreg [dreg:$0x0]  }
0x2: {  	s4 =	rddreg [dreg:$0x1]  }
0x3: {  	s5 =	rddreg [dreg:$0x2];
	s2 =	simm.s32 $0x0  }
0x4: {  	s8 =	simm.s32 $0x180;
	[smem:$0x7FF] =	sst s2  }
0x5: {  	s9 =	simm.s32 $0x200;
	_ =	strace $0x80000047;
	[dreg:$0x10] =	wrdreg s8  }
0x6: {  	s10 =	simm.s32 $0x280;
	[dreg:$0x11] =	wrdreg s9  }
0x7: {  	s11 =	simm.s32 $0x300;
	[dreg:$0x12] =	wrdreg s10  }
0x8: {  	s12 =	simm.s32 $0x380;
	[dreg:$0x13] =	wrdreg s11  }
0x9: {  	s13 =	simm.s32 $0x400;
	[dreg:$0x14] =	wrdreg s12  }
0xa: {  	s0 =	srdreg.scid;
	s14 =	simm.s32 $0x480;
	[dreg:$0x15] =	wrdreg s13  }
0xb: {  	s18 =	stileid.u32;
	s15 =	simm.s32 $0x500;
	[dreg:$0x16] =	wrdreg s14  }
0xc: {  	s16 =	simm.s32 $0x580;
	s1 =	sand.u32 $0x1, s0;
	[dreg:$0x17] =	wrdreg s15  }
0xd: {  	s0 =	sshll.u32 s1, $0x4;
	[dreg:$0x18] =	wrdreg s16;
	s8 =	simm.s32 $0xB80  }
0xe: {  	s9 =	simm.s32 $0xC00;
	s0 =	sor.u32 s18, s0;
	[smem:$0x7F0] =	sst s8  }
0xf: {  	s10 =	simm.s32 $0xC80;
	[smem:$0x7F1] =	sst s9;
	s6 =	smul.u32 $0x320, s0  }
0x10: {  	s11 =	simm.s32 $0xD00;
	[smem:$0x7F2] =	sst s10;
	s7 =	smul.u32 $0x64000, s0  }
0x11: {  	s12 =	simm.s32 $0xD80;
	[smem:$0x7F3] =	sst s11;
	s0 =	smul.u32 $0xC800, s0  }
0x12: {  	s13 =	simm.s32 $0xE00;
	[smem:$0x7F4] =	sst s12  }
0x13: {  	[smem:$0x7F5] =	sst s13;
	s4 =	sadd.s32 s6, s4;
	s0 =	sadd.s32 s5, s0  }
0x14: {  	s17 =	sshrl.u32 s7, $0x3;
	s7 =	simm.s32 $0x100;
	[dreg:$0x5] =	wrdreg s0  }
0x15: {  	s4 =	sadd.s32 $0x1400, s4;
	[dreg:$0xf] =	wrdreg s7  }
0x16: {  	s19 =	sadd.s32 s5, s17;
	s17 =	simm.s32 $0x600;
	[dreg:$0x4] =	wrdreg s4  }
0x17: {  	s7 =	simm.s32 $0xB00;
	[dreg:$0x19] =	wrdreg s17  }
0x18: {  	s20 =	sadd.s32 $0x1400, s19;
	[smem:$0x7EF] =	sst s7  }
0x19: {  	s21 =	sadd.s32 $0x2800, s19;
	[dreg:$0x6] =	wrdreg s20  }
0x1a: {  	s31 =	simm.s32 $0x1280;
	s22 =	sadd.s32 $0x3C00, s19;
	[dreg:$0x7] =	wrdreg s21  }
0x1b: {  	s30 =	simm.s32 $0x1380;
	s23 =	sadd.s32 $0x5000, s19;
	[dreg:$0x8] =	wrdreg s22  }
0x1c: {  	s28 =	simm.s32 $0x1580;
	s24 =	sadd.s32 $0x6400, s19;
	[dreg:$0x9] =	wrdreg s23  }
0x1d: {  	p0 =	por $0x0, $0x0;
	s25 =	sadd.s32 $0x7800, s19;
	[dreg:$0xa] =	wrdreg s24  }
0x1e: {  	s29 =	simm.s32 $0x1600;
	s26 =	sadd.s32 $0x8C00, s19;
	[dreg:$0xb] =	wrdreg s25  }
0x1f: {  	s1 =	ssub.s32 $0x2, s1;
	s5 =	sadd.s32 $0xA000, s19;
	[dreg:$0xc] =	wrdreg s26  }
0x20: {  	s14 =	simm.s32 $0x3900;
	s6 =	sadd.s32 $0xB400, s19;
	[dreg:$0xd] =	wrdreg s5  }
0x21: {  	s15 =	simm.s32 $0x5900;
	s19 =	simm.s32 $0x680;
	[dreg:$0xe] =	wrdreg s6  }
0x22: {  	s16 =	simm.s32 $0x7900;
	s9 =	simm.s32 $0x1;
	[dreg:$0x1a] =	wrdreg s19  }
0x23: {  	s10 =	simm.s32 $0xD900;
	s20 =	simm.s32 $0x700;
	s0 =	rddreg [dreg:$0x4]  }
0x24: {  	s11 =	simm.s32 $0xF900;
	s21 =	simm.s32 $0x780;
	[dreg:$0x1b] =	wrdreg s20  }
0x25: {  	s12 =	simm.s32 $0x11900;
	s22 =	simm.s32 $0x800;
	[dreg:$0x1c] =	wrdreg s21  }
0x26: {  	s13 =	simm.s32 $0x13900;
	s23 =	simm.s32 $0x880;
	[dreg:$0x1d] =	wrdreg s22  }
0x27: {  	s8 =	simm.s32 $0x2;
	s24 =	simm.s32 $0x900;
	[dreg:$0x1e] =	wrdreg s23  }
0x28: {  	s4 =	simm.s32 $0x3;
	s25 =	simm.s32 $0x980;
	[dreg:$0x1f] =	wrdreg s24  }
0x29: {  	s7 =	simm.s32 $0x1900;
	s5 =	simm.s32 $0xA00;
	[smem:$0x7EC] =	sst s25  }
0x2a: {  	s17 =	simm.s32 $0x9900;
	s6 =	simm.s32 $0xA80;
	[smem:$0x7ED] =	sst s5  }
0x2b: {  	s26 =	sshrl.u32 s1, $0x1;
	s19 =	simm.s32 $0xE80;
	[smem:$0x7EE] =	sst s6  }
0x2c: {  	s1 =	ssub.s32 s1, s26;
	[smem:$0x7F6] =	sst s19;
	s20 =	simm.s32 $0xF00  }
0x2d: {  	s5 =	simm.s32 $0x80;
	s21 =	simm.s32 $0xF80;
	[smem:$0x7F7] =	sst s20  }
0x2e: {  	s6 =	simm.s32 $0xB900;
	s22 =	simm.s32 $0x1000;
	[smem:$0x7F8] =	sst s21  }
0x2f: {  	s23 =	simm.s32 $0x1080;
	s1 =	smax.u32 s1, $0x1;
	[smem:$0x7F9] =	sst s22  }
0x30: {  	s24 =	simm.s32 $0x1100;
	[smem:$0x7FA] =	sst s23;
	p1 =	sne.s32 s1, $0x1  }
.Ltmp0:
0x31: {  	s25 =	simm.s32 $0x1180;
	[smem:$0x7FB] =	sst s24;
	(pc) =	sbr.rel @!p1 .LBB2_1-.Ltmp0, $4  }
0x32: {  	s26 =	simm.s32 $0x1200;
	s19 =	simm.s32 $0x1880;
	[smem:$0x7FC] =	sst s25  }
0x33: {  	[smem:$0x7FD] =	sst s26;
	s24 =	simm.s32 $0x1300;
	s25 =	simm.s32 $0x1480  }
0x34: {  	s26 =	simm.s32 $0x1500;
	s20 =	simm.s32 $0x1680;
	s21 =	simm.s32 $0x1700  }
0x35: {  	s22 =	simm.s32 $0x1780;
	s23 =	simm.s32 $0x1800;
	s1 =	sadd.s32 $0xFFFFFFFF, s1  }
0x36: {  	[tilespmem:s2], [sflag:$0x3] =	stream.linear.gather [hbm4b:s0+s2], $0x1900, $0x38;
	[tilespmem:$0x15900] =	vst v63  }
0x37: {  	_ =	swait.ge [sflag:s4], $0x1900  }
0x38: {  	[sflag:s4] =	ssyncset.done $0x0  }
0x39: {  	[sflag:s4] =	ssyncadd.s32 $0xFFFFE700  }
0x3a: {  	[tilespmem:s7], [sflag:$0x1] =	stream.indirect.gather [hbm4b:s3+s5], $0x40, s2, s5, $0xb8;
	[tilespmem:$0x15900] =	vst v63  }
0x3b: {  	_ = 	snop  }
0x3c: {  	[tilespmem:s14], [sflag:$0x1] =	stream.indirect.gather [hbm4b:s3+s5], $0x40, s5, s5, $0xb8;
	[tilespmem:$0x15900] =	vst v63  }
0x3d: {  	s0 =	rddreg [dreg:$0xf]  }
0x3e: {  	[tilespmem:s15], [sflag:$0x1] =	stream.indirect.gather [hbm4b:s3+s5], $0x40, s0, s5, $0xb8;
	[tilespmem:$0x15900] =	vst v63  }
0x3f: {  	s18 =	smov.u32 s1;
	s1 =	rddreg [dreg:$0x10]  }
0x40: {  	[tilespmem:s16], [sflag:$0x1] =	stream.indirect.gather [hbm4b:s3+s5], $0x40, s1, s5, $0xb8;
	[tilespmem:$0x15900] =	vst v63  }
0x41: {  	s0 =	rddreg [dreg:$0x11]  }
0x42: {  	[tilespmem:s17], [sflag:$0x1] =	stream.indirect.gather [hbm4b:s3+s5], $0x40, s0, s5, $0xb8;
	[tilespmem:$0x15900] =	vst v63  }
0x43: {  	_ =	swait.ge [sflag:s9], $0x2000  }
0x44: {  	[sflag:s9] =	ssyncset.done $0x0  }
0x45: {  	[sflag:s9] =	ssyncadd.s32 $0xFFFFE000  }
0x46: {  	_ =	swait.ge [sflag:s9], $0x2000  }
0x47: {  	[sflag:s9] =	ssyncset.done $0x0  }
0x48: {  	[sflag:s9] =	ssyncadd.s32 $0xFFFFE000  }
0x49: {  	_ =	swait.ge [sflag:s9], $0x2000  }
0x4a: {  	[sflag:s9] =	ssyncset.done $0x0  }
0x4b: {  	[sflag:s9] =	ssyncadd.s32 $0xFFFFE000  }
0x4c: {  	_ =	swait.ge [sflag:s9], $0x2000  }
0x4d: {  	[sflag:s9] =	ssyncset.done $0x0  }
0x4e: {  	[sflag:s9] =	ssyncadd.s32 $0xFFFFE000  }
0x4f: {  	_ =	swait.ge [sflag:s9], $0x2000  }
0x50: {  	[sflag:s9] =	ssyncset.done $0x0  }
0x51: {  	s0 =	rddreg [dreg:$0x12];
	[sflag:s9] =	ssyncadd.s32 $0xFFFFE000  }
0x52: {  	[tilespmem:s6], [sflag:$0x2] =	stream.indirect.gather [hbm4b:s3+s5], $0x40, s0, s5, $0xb8;
	[tilespmem:$0x15900] =	vst v63  }
0x53: {  	s1 =	rddreg [dreg:$0x13]  }
0x54: {  	[tilespmem:s10], [sflag:$0x2] =	stream.indirect.gather [hbm4b:s3+s5], $0x40, s1, s5, $0xb8;
	[tilespmem:$0x15900] =	vst v63  }
0x55: {  	s0 =	rddreg [dreg:$0x14]  }
0x56: {  	[tilespmem:s11], [sflag:$0x2] =	stream.indirect.gather [hbm4b:s3+s5], $0x40, s0, s5, $0xb8;
	[tilespmem:$0x15900] =	vst v63  }
0x57: {  	s1 =	rddreg [dreg:$0x15]  }
0x58: {  	[tilespmem:s12], [sflag:$0x2] =	stream.indirect.gather [hbm4b:s3+s5], $0x40, s1, s5, $0xb8;
	[tilespmem:$0x15900] =	vst v63  }
0x59: {  	s0 =	rddreg [dreg:$0x16]  }
0x5a: {  	[tilespmem:s13], [sflag:$0x2] =	stream.indirect.gather [hbm4b:s3+s5], $0x40, s0, s5, $0xb8;
	[tilespmem:$0x15900] =	vst v63  }
0x5b: {  	s1 =	rddreg [dreg:$0x5]  }
0x5c: {  	[hbm4b:s1+s2] =	stream.linear.scatter [tilespmem:s7], [sflag:$0x3], $0xA000, $0x38;
	[tilespmem:$0x15900] =	vst v63  }
0x5d: {  	_ =	swait.ge [sflag:s4], $0xA000  }
0x5e: {  	[sflag:s4] =	ssyncset.done $0x0  }
0x5f: {  	[sflag:s4] =	ssyncadd.s32 $0xFFFF6000  }
0x60: {  	_ =	swait.ge [sflag:s8], $0x2000  }
0x61: {  	[sflag:s8] =	ssyncset.done $0x0  }
0x62: {  	[sflag:s8] =	ssyncadd.s32 $0xFFFFE000  }
0x63: {  	_ =	swait.ge [sflag:s8], $0x2000  }
0x64: {  	[sflag:s8] =	ssyncset.done $0x0  }
0x65: {  	[sflag:s8] =	ssyncadd.s32 $0xFFFFE000  }
0x66: {  	_ =	swait.ge [sflag:s8], $0x2000  }
0x67: {  	[sflag:s8] =	ssyncset.done $0x0  }
0x68: {  	[sflag:s8] =	ssyncadd.s32 $0xFFFFE000  }
0x69: {  	_ =	swait.ge [sflag:s8], $0x2000  }
0x6a: {  	[sflag:s8] =	ssyncset.done $0x0  }
0x6b: {  	[sflag:s8] =	ssyncadd.s32 $0xFFFFE000  }
0x6c: {  	_ =	swait.ge [sflag:s8], $0x2000  }
0x6d: {  	[sflag:s8] =	ssyncset.done $0x0  }
0x6e: {  	s0 =	rddreg [dreg:$0x17];
	[sflag:s8] =	ssyncadd.s32 $0xFFFFE000  }
0x6f: {  	[tilespmem:s7], [sflag:$0x1] =	stream.indirect.gather [hbm4b:s3+s5], $0x40, s0, s5, $0xb8;
	[tilespmem:$0x15900] =	vst v63  }
0x70: {  	s1 =	rddreg [dreg:$0x18]  }
0x71: {  	[tilespmem:s14], [sflag:$0x1] =	stream.indirect.gather [hbm4b:s3+s5], $0x40, s1, s5, $0xb8;
	[tilespmem:$0x15900] =	vst v63  }
0x72: {  	s0 =	rddreg [dreg:$0x19]  }
0x73: {  	[tilespmem:s15], [sflag:$0x1] =	stream.indirect.gather [hbm4b:s3+s5], $0x40, s0, s5, $0xb8;
	[tilespmem:$0x15900] =	vst v63  }
0x74: {  	s1 =	rddreg [dreg:$0x1a]  }
0x75: {  	[tilespmem:s16], [sflag:$0x1] =	stream.indirect.gather [hbm4b:s3+s5], $0x40, s1, s5, $0xb8;
	[tilespmem:$0x15900] =	vst v63  }
0x76: {  	s0 =	rddreg [dreg:$0x1b]  }
0x77: {  	[tilespmem:s17], [sflag:$0x1] =	stream.indirect.gather [hbm4b:s3+s5], $0x40, s0, s5, $0xb8;
	[tilespmem:$0x15900] =	vst v63  }
0x78: {  	s1 =	rddreg [dreg:$0x6]  }
0x79: {  	[hbm4b:s1+s2] =	stream.linear.scatter [tilespmem:s6], [sflag:$0x3], $0xA000, $0x38;
	[tilespmem:$0x15900] =	vst v63  }
0x7a: {  	_ =	swait.ge [sflag:s4], $0xA000  }
0x7b: {  	[sflag:s4] =	ssyncset.done $0x0  }
0x7c: {  	[sflag:s4] =	ssyncadd.s32 $0xFFFF6000  }
0x7d: {  	_ =	swait.ge [sflag:s9], $0x2000  }
0x7e: {  	[sflag:s9] =	ssyncset.done $0x0  }
0x7f: {  	[sflag:s9] =	ssyncadd.s32 $0xFFFFE000  }
0x80: {  	_ =	swait.ge [sflag:s9], $0x2000  }
0x81: {  	[sflag:s9] =	ssyncset.done $0x0  }
0x82: {  	[sflag:s9] =	ssyncadd.s32 $0xFFFFE000  }
0x83: {  	_ =	swait.ge [sflag:s9], $0x2000  }
0x84: {  	[sflag:s9] =	ssyncset.done $0x0  }
0x85: {  	[sflag:s9] =	ssyncadd.s32 $0xFFFFE000  }
0x86: {  	_ =	swait.ge [sflag:s9], $0x2000  }
0x87: {  	[sflag:s9] =	ssyncset.done $0x0  }
0x88: {  	[sflag:s9] =	ssyncadd.s32 $0xFFFFE000  }
0x89: {  	_ =	swait.ge [sflag:s9], $0x2000  }
0x8a: {  	s0 =	rddreg [dreg:$0x1c];
	[sflag:s9] =	ssyncset.done $0x0  }
0x8b: {  	s1 =	rddreg [dreg:$0x1d];
	[sflag:s9] =	ssyncadd.s32 $0xFFFFE000  }
0x8c: {  	[tilespmem:s6], [sflag:$0x2] =	stream.indirect.gather [hbm4b:s3+s5], $0x40, s0, s5, $0xb8;
	[tilespmem:$0x15900] =	vst v63  }
0x8d: {  	s0 =	rddreg [dreg:$0x1e]  }
0x8e: {  	[tilespmem:s10], [sflag:$0x2] =	stream.indirect.gather [hbm4b:s3+s5], $0x40, s1, s5, $0xb8;
	[tilespmem:$0x15900] =	vst v63  }
0x8f: {  	s1 =	rddreg [dreg:$0x1f]  }
0x90: {  	[tilespmem:s11], [sflag:$0x2] =	stream.indirect.gather [hbm4b:s3+s5], $0x40, s0, s5, $0xb8;
	[tilespmem:$0x15900] =	vst v63  }
0x91: {  	s0 =	sld [smem:$0x7EC]  }
0x92: {  	[tilespmem:s12], [sflag:$0x2] =	stream.indirect.gather [hbm4b:s3+s5], $0x40, s1, s5, $0xb8;
	[tilespmem:$0x15900] =	vst v63  }
0x93: {  	_ = 	snop  }
0x94: {  	[tilespmem:s13], [sflag:$0x2] =	stream.indirect.gather [hbm4b:s3+s5], $0x40, s0, s5, $0xb8;
	[tilespmem:$0x15900] =	vst v63  }
0x95: {  	s1 =	rddreg [dreg:$0x7]  }
0x96: {  	[hbm4b:s1+s2] =	stream.linear.scatter [tilespmem:s7], [sflag:$0x3], $0xA000, $0x38;
	[tilespmem:$0x15900] =	vst v63  }
0x97: {  	_ =	swait.ge [sflag:s4], $0xA000  }
0x98: {  	[sflag:s4] =	ssyncset.done $0x0  }
0x99: {  	[sflag:s4] =	ssyncadd.s32 $0xFFFF6000  }
0x9a: {  	_ =	swait.ge [sflag:s8], $0x2000  }
0x9b: {  	[sflag:s8] =	ssyncset.done $0x0  }
0x9c: {  	[sflag:s8] =	ssyncadd.s32 $0xFFFFE000  }
0x9d: {  	_ =	swait.ge [sflag:s8], $0x2000  }
0x9e: {  	[sflag:s8] =	ssyncset.done $0x0  }
0x9f: {  	[sflag:s8] =	ssyncadd.s32 $0xFFFFE000  }
0xa0: {  	_ =	swait.ge [sflag:s8], $0x2000  }
0xa1: {  	[sflag:s8] =	ssyncset.done $0x0  }
0xa2: {  	[sflag:s8] =	ssyncadd.s32 $0xFFFFE000  }
0xa3: {  	_ =	swait.ge [sflag:s8], $0x2000  }
0xa4: {  	[sflag:s8] =	ssyncset.done $0x0  }
0xa5: {  	[sflag:s8] =	ssyncadd.s32 $0xFFFFE000  }
0xa6: {  	_ =	swait.ge [sflag:s8], $0x2000  }
0xa7: {  	s0 =	sld [smem:$0x7ED]  }
0xa8: {  	[sflag:s8] =	ssyncset.done $0x0  }
0xa9: {  	s1 =	sld [smem:$0x7EE];
	[sflag:s8] =	ssyncadd.s32 $0xFFFFE000  }
0xaa: {  	[tilespmem:s7], [sflag:$0x1] =	stream.indirect.gather [hbm4b:s3+s5], $0x40, s0, s5, $0xb8;
	[tilespmem:$0x15900] =	vst v63  }
0xab: {  	s0 =	sld [smem:$0x7EF]  }
0xac: {  	[tilespmem:s14], [sflag:$0x1] =	stream.indirect.gather [hbm4b:s3+s5], $0x40, s1, s5, $0xb8;
	[tilespmem:$0x15900] =	vst v63  }
0xad: {  	s1 =	sld [smem:$0x7F0]  }
0xae: {  	[tilespmem:s15], [sflag:$0x1] =	stream.indirect.gather [hbm4b:s3+s5], $0x40, s0, s5, $0xb8;
	[tilespmem:$0x15900] =	vst v63  }
0xaf: {  	s0 =	sld [smem:$0x7F1]  }
0xb0: {  	[tilespmem:s16], [sflag:$0x1] =	stream.indirect.gather [hbm4b:s3+s5], $0x40, s1, s5, $0xb8;
	[tilespmem:$0x15900] =	vst v63  }
0xb1: {  	_ = 	snop  }
0xb2: {  	[tilespmem:s17], [sflag:$0x1] =	stream.indirect.gather [hbm4b:s3+s5], $0x40, s0, s5, $0xb8;
	[tilespmem:$0x15900] =	vst v63  }
0xb3: {  	s1 =	rddreg [dreg:$0x8]  }
0xb4: {  	[hbm4b:s1+s2] =	stream.linear.scatter [tilespmem:s6], [sflag:$0x3], $0xA000, $0x38;
	[tilespmem:$0x15900] =	vst v63  }
0xb5: {  	_ =	swait.ge [sflag:s4], $0xA000  }
0xb6: {  	[sflag:s4] =	ssyncset.done $0x0  }
0xb7: {  	[sflag:s4] =	ssyncadd.s32 $0xFFFF6000  }
0xb8: {  	_ =	swait.ge [sflag:s9], $0x2000  }
0xb9: {  	[sflag:s9] =	ssyncset.done $0x0  }
0xba: {  	[sflag:s9] =	ssyncadd.s32 $0xFFFFE000  }
0xbb: {  	_ =	swait.ge [sflag:s9], $0x2000  }
0xbc: {  	[sflag:s9] =	ssyncset.done $0x0  }
0xbd: {  	[sflag:s9] =	ssyncadd.s32 $0xFFFFE000  }
0xbe: {  	_ =	swait.ge [sflag:s9], $0x2000  }
0xbf: {  	[sflag:s9] =	ssyncset.done $0x0  }
0xc0: {  	[sflag:s9] =	ssyncadd.s32 $0xFFFFE000  }
0xc1: {  	_ =	swait.ge [sflag:s9], $0x2000  }
0xc2: {  	[sflag:s9] =	ssyncset.done $0x0  }
0xc3: {  	[sflag:s9] =	ssyncadd.s32 $0xFFFFE000  }
0xc4: {  	_ =	swait.ge [sflag:s9], $0x2000  }
0xc5: {  	s0 =	sld [smem:$0x7F2]  }
0xc6: {  	[sflag:s9] =	ssyncset.done $0x0  }
0xc7: {  	s1 =	sld [smem:$0x7F3];
	[sflag:s9] =	ssyncadd.s32 $0xFFFFE000  }
0xc8: {  	[tilespmem:s6], [sflag:$0x2] =	stream.indirect.gather [hbm4b:s3+s5], $0x40, s0, s5, $0xb8;
	[tilespmem:$0x15900] =	vst v63  }
0xc9: {  	s0 =	sld [smem:$0x7F4]  }
0xca: {  	[tilespmem:s10], [sflag:$0x2] =	stream.indirect.gather [hbm4b:s3+s5], $0x40, s1, s5, $0xb8;
	[tilespmem:$0x15900] =	vst v63  }
0xcb: {  	s1 =	sld [smem:$0x7F5]  }
0xcc: {  	[tilespmem:s11], [sflag:$0x2] =	stream.indirect.gather [hbm4b:s3+s5], $0x40, s0, s5, $0xb8;
	[tilespmem:$0x15900] =	vst v63  }
0xcd: {  	s0 =	sld [smem:$0x7F6]  }
0xce: {  	[tilespmem:s12], [sflag:$0x2] =	stream.indirect.gather [hbm4b:s3+s5], $0x40, s1, s5, $0xb8;
	[tilespmem:$0x15900] =	vst v63  }
0xcf: {  	_ = 	snop  }
0xd0: {  	[tilespmem:s13], [sflag:$0x2] =	stream.indirect.gather [hbm4b:s3+s5], $0x40, s0, s5, $0xb8;
	[tilespmem:$0x15900] =	vst v63  }
0xd1: {  	s1 =	rddreg [dreg:$0x9]  }
0xd2: {  	[hbm4b:s1+s2] =	stream.linear.scatter [tilespmem:s7], [sflag:$0x3], $0xA000, $0x38;
	[tilespmem:$0x15900] =	vst v63  }
0xd3: {  	_ =	swait.ge [sflag:s4], $0xA000  }
0xd4: {  	[sflag:s4] =	ssyncset.done $0x0  }
0xd5: {  	[sflag:s4] =	ssyncadd.s32 $0xFFFF6000  }
0xd6: {  	_ =	swait.ge [sflag:s8], $0x2000  }
0xd7: {  	[sflag:s8] =	ssyncset.done $0x0  }
0xd8: {  	[sflag:s8] =	ssyncadd.s32 $0xFFFFE000  }
0xd9: {  	_ =	swait.ge [sflag:s8], $0x2000  }
0xda: {  	[sflag:s8] =	ssyncset.done $0x0  }
0xdb: {  	[sflag:s8] =	ssyncadd.s32 $0xFFFFE000  }
0xdc: {  	_ =	swait.ge [sflag:s8], $0x2000  }
0xdd: {  	[sflag:s8] =	ssyncset.done $0x0  }
0xde: {  	[sflag:s8] =	ssyncadd.s32 $0xFFFFE000  }
0xdf: {  	_ =	swait.ge [sflag:s8], $0x2000  }
0xe0: {  	[sflag:s8] =	ssyncset.done $0x0  }
0xe1: {  	[sflag:s8] =	ssyncadd.s32 $0xFFFFE000  }
0xe2: {  	_ =	swait.ge [sflag:s8], $0x2000  }
0xe3: {  	s0 =	sld [smem:$0x7F7]  }
0xe4: {  	[sflag:s8] =	ssyncset.done $0x0  }
0xe5: {  	s1 =	sld [smem:$0x7F8];
	[sflag:s8] =	ssyncadd.s32 $0xFFFFE000  }
0xe6: {  	[tilespmem:s7], [sflag:$0x1] =	stream.indirect.gather [hbm4b:s3+s5], $0x40, s0, s5, $0xb8;
	[tilespmem:$0x15900] =	vst v63  }
0xe7: {  	s0 =	sld [smem:$0x7F9]  }
0xe8: {  	[tilespmem:s14], [sflag:$0x1] =	stream.indirect.gather [hbm4b:s3+s5], $0x40, s1, s5, $0xb8;
	[tilespmem:$0x15900] =	vst v63  }
0xe9: {  	s1 =	sld [smem:$0x7FA]  }
0xea: {  	[tilespmem:s15], [sflag:$0x1] =	stream.indirect.gather [hbm4b:s3+s5], $0x40, s0, s5, $0xb8;
	[tilespmem:$0x15900] =	vst v63  }
0xeb: {  	s0 =	sld [smem:$0x7FB]  }
0xec: {  	[tilespmem:s16], [sflag:$0x1] =	stream.indirect.gather [hbm4b:s3+s5], $0x40, s1, s5, $0xb8;
	[tilespmem:$0x15900] =	vst v63  }
0xed: {  	_ = 	snop  }
0xee: {  	[tilespmem:s17], [sflag:$0x1] =	stream.indirect.gather [hbm4b:s3+s5], $0x40, s0, s5, $0xb8;
	[tilespmem:$0x15900] =	vst v63  }
0xef: {  	s1 =	rddreg [dreg:$0xa]  }
0xf0: {  	[hbm4b:s1+s2] =	stream.linear.scatter [tilespmem:s6], [sflag:$0x3], $0xA000, $0x38;
	[tilespmem:$0x15900] =	vst v63  }
0xf1: {  	_ =	swait.ge [sflag:s4], $0xA000  }
0xf2: {  	[sflag:s4] =	ssyncset.done $0x0  }
0xf3: {  	[sflag:s4] =	ssyncadd.s32 $0xFFFF6000  }
0xf4: {  	_ =	swait.ge [sflag:s9], $0x2000  }
0xf5: {  	[sflag:s9] =	ssyncset.done $0x0  }
0xf6: {  	[sflag:s9] =	ssyncadd.s32 $0xFFFFE000  }
0xf7: {  	_ =	swait.ge [sflag:s9], $0x2000  }
0xf8: {  	[sflag:s9] =	ssyncset.done $0x0  }
0xf9: {  	[sflag:s9] =	ssyncadd.s32 $0xFFFFE000  }
0xfa: {  	_ =	swait.ge [sflag:s9], $0x2000  }
0xfb: {  	[sflag:s9] =	ssyncset.done $0x0  }
0xfc: {  	[sflag:s9] =	ssyncadd.s32 $0xFFFFE000  }
0xfd: {  	_ =	swait.ge [sflag:s9], $0x2000  }
0xfe: {  	[sflag:s9] =	ssyncset.done $0x0  }
0xff: {  	[sflag:s9] =	ssyncadd.s32 $0xFFFFE000  }
0x100: {  	_ =	swait.ge [sflag:s9], $0x2000  }
0x101: {  	s0 =	sld [smem:$0x7FC]  }
0x102: {  	[sflag:s9] =	ssyncset.done $0x0  }
0x103: {  	s1 =	sld [smem:$0x7FD];
	[sflag:s9] =	ssyncadd.s32 $0xFFFFE000  }
0x104: {  	[tilespmem:s6], [sflag:$0x2] =	stream.indirect.gather [hbm4b:s3+s5], $0x40, s0, s5, $0xb8;
	[tilespmem:$0x15900] =	vst v63  }
0x105: {  	_ = 	snop  }
0x106: {  	[tilespmem:s10], [sflag:$0x2] =	stream.indirect.gather [hbm4b:s3+s5], $0x40, s1, s5, $0xb8;
	[tilespmem:$0x15900] =	vst v63  }
0x107: {  	_ = 	snop  }
0x108: {  	[tilespmem:s11], [sflag:$0x2] =	stream.indirect.gather [hbm4b:s3+s5], $0x40, s31, s5, $0xb8;
	[tilespmem:$0x15900] =	vst v63  }
0x109: {  	_ = 	snop  }
0x10a: {  	[tilespmem:s12], [sflag:$0x2] =	stream.indirect.gather [hbm4b:s3+s5], $0x40, s24, s5, $0xb8;
	[tilespmem:$0x15900] =	vst v63  }
0x10b: {  	_ = 	snop  }
0x10c: {  	[tilespmem:s13], [sflag:$0x2] =	stream.indirect.gather [hbm4b:s3+s5], $0x40, s30, s5, $0xb8;
	[tilespmem:$0x15900] =	vst v63  }
0x10d: {  	s1 =	rddreg [dreg:$0xb]  }
0x10e: {  	[hbm4b:s1+s2] =	stream.linear.scatter [tilespmem:s7], [sflag:$0x3], $0xA000, $0x38;
	[tilespmem:$0x15900] =	vst v63  }
0x10f: {  	_ =	swait.ge [sflag:s4], $0xA000  }
0x110: {  	[sflag:s4] =	ssyncset.done $0x0  }
0x111: {  	[sflag:s4] =	ssyncadd.s32 $0xFFFF6000  }
0x112: {  	_ =	swait.ge [sflag:s8], $0x2000  }
0x113: {  	[sflag:s8] =	ssyncset.done $0x0  }
0x114: {  	[sflag:s8] =	ssyncadd.s32 $0xFFFFE000  }
0x115: {  	_ =	swait.ge [sflag:s8], $0x2000  }
0x116: {  	[sflag:s8] =	ssyncset.done $0x0  }
0x117: {  	[sflag:s8] =	ssyncadd.s32 $0xFFFFE000  }
0x118: {  	_ =	swait.ge [sflag:s8], $0x2000  }
0x119: {  	[sflag:s8] =	ssyncset.done $0x0  }
0x11a: {  	[sflag:s8] =	ssyncadd.s32 $0xFFFFE000  }
0x11b: {  	_ =	swait.ge [sflag:s8], $0x2000  }
0x11c: {  	[sflag:s8] =	ssyncset.done $0x0  }
0x11d: {  	[sflag:s8] =	ssyncadd.s32 $0xFFFFE000  }
0x11e: {  	_ =	swait.ge [sflag:s8], $0x2000  }
0x11f: {  	[sflag:s8] =	ssyncset.done $0x0  }
0x120: {  	s1 =	simm.s32 $0x1400;
	[sflag:s8] =	ssyncadd.s32 $0xFFFFE000  }
0x121: {  	[tilespmem:s7], [sflag:$0x1] =	stream.indirect.gather [hbm4b:s3+s5], $0x40, s1, s5, $0xb8;
	[tilespmem:$0x15900] =	vst v63  }
0x122: {  	_ = 	snop  }
0x123: {  	[tilespmem:s14], [sflag:$0x1] =	stream.indirect.gather [hbm4b:s3+s5], $0x40, s25, s5, $0xb8;
	[tilespmem:$0x15900] =	vst v63  }
0x124: {  	_ = 	snop  }
0x125: {  	[tilespmem:s15], [sflag:$0x1] =	stream.indirect.gather [hbm4b:s3+s5], $0x40, s26, s5, $0xb8;
	[tilespmem:$0x15900] =	vst v63  }
0x126: {  	_ = 	snop  }
0x127: {  	[tilespmem:s16], [sflag:$0x1] =	stream.indirect.gather [hbm4b:s3+s5], $0x40, s28, s5, $0xb8;
	[tilespmem:$0x15900] =	vst v63  }
0x128: {  	_ = 	snop  }
0x129: {  	[tilespmem:s17], [sflag:$0x1] =	stream.indirect.gather [hbm4b:s3+s5], $0x40, s29, s5, $0xb8;
	[tilespmem:$0x15900] =	vst v63  }
0x12a: {  	s1 =	rddreg [dreg:$0xc]  }
0x12b: {  	[hbm4b:s1+s2] =	stream.linear.scatter [tilespmem:s6], [sflag:$0x3], $0xA000, $0x38;
	[tilespmem:$0x15900] =	vst v63  }
0x12c: {  	_ =	swait.ge [sflag:s4], $0xA000  }
0x12d: {  	[sflag:s4] =	ssyncset.done $0x0  }
0x12e: {  	[sflag:s4] =	ssyncadd.s32 $0xFFFF6000  }
0x12f: {  	_ =	swait.ge [sflag:s9], $0x2000  }
0x130: {  	[sflag:s9] =	ssyncset.done $0x0  }
0x131: {  	[sflag:s9] =	ssyncadd.s32 $0xFFFFE000  }
0x132: {  	_ =	swait.ge [sflag:s9], $0x2000  }
0x133: {  	[sflag:s9] =	ssyncset.done $0x0  }
0x134: {  	[sflag:s9] =	ssyncadd.s32 $0xFFFFE000  }
0x135: {  	_ =	swait.ge [sflag:s9], $0x2000  }
0x136: {  	[sflag:s9] =	ssyncset.done $0x0  }
0x137: {  	[sflag:s9] =	ssyncadd.s32 $0xFFFFE000  }
0x138: {  	_ =	swait.ge [sflag:s9], $0x2000  }
0x139: {  	[sflag:s9] =	ssyncset.done $0x0  }
0x13a: {  	[sflag:s9] =	ssyncadd.s32 $0xFFFFE000  }
0x13b: {  	_ =	swait.ge [sflag:s9], $0x2000  }
0x13c: {  	[sflag:s9] =	ssyncset.done $0x0  }
0x13d: {  	[sflag:s9] =	ssyncadd.s32 $0xFFFFE000  }
0x13e: {  	[tilespmem:s6], [sflag:$0x2] =	stream.indirect.gather [hbm4b:s3+s5], $0x40, s20, s5, $0xb8;
	[tilespmem:$0x15900] =	vst v63  }
0x13f: {  	_ = 	snop  }
0x140: {  	[tilespmem:s10], [sflag:$0x2] =	stream.indirect.gather [hbm4b:s3+s5], $0x40, s21, s5, $0xb8;
	[tilespmem:$0x15900] =	vst v63  }
0x141: {  	_ = 	snop  }
0x142: {  	[tilespmem:s11], [sflag:$0x2] =	stream.indirect.gather [hbm4b:s3+s5], $0x40, s22, s5, $0xb8;
	[tilespmem:$0x15900] =	vst v63  }
0x143: {  	_ = 	snop  }
0x144: {  	[tilespmem:s12], [sflag:$0x2] =	stream.indirect.gather [hbm4b:s3+s5], $0x40, s23, s5, $0xb8;
	[tilespmem:$0x15900] =	vst v63  }
0x145: {  	_ = 	snop  }
0x146: {  	[tilespmem:s13], [sflag:$0x2] =	stream.indirect.gather [hbm4b:s3+s5], $0x40, s19, s5, $0xb8;
	[tilespmem:$0x15900] =	vst v63  }
0x147: {  	s1 =	rddreg [dreg:$0xd]  }
0x148: {  	[hbm4b:s1+s2] =	stream.linear.scatter [tilespmem:s7], [sflag:$0x3], $0xA000, $0x38;
	[tilespmem:$0x15900] =	vst v63  }
0x149: {  	_ =	swait.ge [sflag:s4], $0xA000  }
0x14a: {  	[sflag:s4] =	ssyncset.done $0x0  }
0x14b: {  	[sflag:s4] =	ssyncadd.s32 $0xFFFF6000  }
0x14c: {  	_ =	swait.ge [sflag:s8], $0x2000  }
0x14d: {  	[sflag:s8] =	ssyncset.done $0x0  }
0x14e: {  	[sflag:s8] =	ssyncadd.s32 $0xFFFFE000  }
0x14f: {  	_ =	swait.ge [sflag:s8], $0x2000  }
0x150: {  	[sflag:s8] =	ssyncset.done $0x0  }
0x151: {  	[sflag:s8] =	ssyncadd.s32 $0xFFFFE000  }
0x152: {  	_ =	swait.ge [sflag:s8], $0x2000  }
0x153: {  	[sflag:s8] =	ssyncset.done $0x0  }
0x154: {  	[sflag:s8] =	ssyncadd.s32 $0xFFFFE000  }
0x155: {  	_ =	swait.ge [sflag:s8], $0x2000  }
0x156: {  	[sflag:s8] =	ssyncset.done $0x0  }
0x157: {  	[sflag:s8] =	ssyncadd.s32 $0xFFFFE000  }
0x158: {  	p1 =	sne.s32 s18, $0x1;
	_ =	swait.ge [sflag:s8], $0x2000  }
.Ltmp1:
0x159: {  	[sflag:s8] =	ssyncset.done $0x0;
	(pc) =	sbr.rel @!p1 .LBB2_3-.Ltmp1, $4  }
0x15a: {  	s1 =	rddreg [dreg:$0xe];
	[sflag:s8] =	ssyncadd.s32 $0xFFFFE000  }
0x15b: {  	[hbm4b:s1+s2] =	stream.linear.scatter [tilespmem:s6], [sflag:$0x3], $0xA000, $0x38;
	[tilespmem:$0x15900] =	vst v63  }
0x15c: {  	p0 =	por $0x1, $0x1;
	_ =	swait.ge [sflag:s4], $0xA000  }
0x15d: {  	s1 =	sadd.s32 $0xFFFFFFFF, s18;
	s0 =	rddreg [dreg:$0x4];
	[sflag:s4] =	ssyncset.done $0x0  }
.LBB2_4:
0x15e: {  	[sflag:s4] =	ssyncadd.s32 $0xFFFF6000  }
0x15f: {  	[tilespmem:s2], [sflag:$0x3] =	stream.linear.gather [hbm4b:s0+s2], $0x1900, $0x38;
	[tilespmem:$0x15900] =	vst v63  }
0x160: {  	_ =	swait.ge [sflag:s4], $0x1900  }
0x161: {  	[sflag:s4] =	ssyncset.done $0x0  }
0x162: {  	[sflag:s4] =	ssyncadd.s32 $0xFFFFE700  }
0x163: {  	[tilespmem:s7], [sflag:$0x1] =	stream.indirect.gather [hbm4b:s3+s5], $0x40, s2, s5, $0xb8;
	[tilespmem:$0x15900] =	vst v63  }
0x164: {  	_ = 	snop  }
0x165: {  	[tilespmem:s14], [sflag:$0x1] =	stream.indirect.gather [hbm4b:s3+s5], $0x40, s5, s5, $0xb8;
	[tilespmem:$0x15900] =	vst v63  }
0x166: {  	s0 =	rddreg [dreg:$0xf]  }
0x167: {  	[tilespmem:s15], [sflag:$0x1] =	stream.indirect.gather [hbm4b:s3+s5], $0x40, s0, s5, $0xb8;
	[tilespmem:$0x15900] =	vst v63  }
0x168: {  	s18 =	rddreg [dreg:$0x10]  }
0x169: {  	[tilespmem:s16], [sflag:$0x1] =	stream.indirect.gather [hbm4b:s3+s5], $0x40, s18, s5, $0xb8;
	[tilespmem:$0x15900] =	vst v63  }
0x16a: {  	s0 =	rddreg [dreg:$0x11]  }
0x16b: {  	[tilespmem:s17], [sflag:$0x1] =	stream.indirect.gather [hbm4b:s3+s5], $0x40, s0, s5, $0xb8;
	[tilespmem:$0x15900] =	vst v63  }
0x16c: {  	_ =	swait.ge [sflag:s9], $0x2000  }
0x16d: {  	[sflag:s9] =	ssyncset.done $0x0  }
0x16e: {  	[sflag:s9] =	ssyncadd.s32 $0xFFFFE000  }
0x16f: {  	_ =	swait.ge [sflag:s9], $0x2000  }
0x170: {  	[sflag:s9] =	ssyncset.done $0x0  }
0x171: {  	[sflag:s9] =	ssyncadd.s32 $0xFFFFE000  }
0x172: {  	_ =	swait.ge [sflag:s9], $0x2000  }
0x173: {  	[sflag:s9] =	ssyncset.done $0x0  }
0x174: {  	[sflag:s9] =	ssyncadd.s32 $0xFFFFE000  }
0x175: {  	_ =	swait.ge [sflag:s9], $0x2000  }
0x176: {  	[sflag:s9] =	ssyncset.done $0x0  }
0x177: {  	[sflag:s9] =	ssyncadd.s32 $0xFFFFE000  }
0x178: {  	_ =	swait.ge [sflag:s9], $0x2000  }
0x179: {  	[sflag:s9] =	ssyncset.done $0x0  }
0x17a: {  	s0 =	rddreg [dreg:$0x12];
	[sflag:s9] =	ssyncadd.s32 $0xFFFFE000  }
0x17b: {  	[tilespmem:s6], [sflag:$0x2] =	stream.indirect.gather [hbm4b:s3+s5], $0x40, s0, s5, $0xb8;
	[tilespmem:$0x15900] =	vst v63  }
0x17c: {  	s18 =	rddreg [dreg:$0x13]  }
0x17d: {  	[tilespmem:s10], [sflag:$0x2] =	stream.indirect.gather [hbm4b:s3+s5], $0x40, s18, s5, $0xb8;
	[tilespmem:$0x15900] =	vst v63  }
0x17e: {  	s0 =	rddreg [dreg:$0x14]  }
0x17f: {  	[tilespmem:s11], [sflag:$0x2] =	stream.indirect.gather [hbm4b:s3+s5], $0x40, s0, s5, $0xb8;
	[tilespmem:$0x15900] =	vst v63  }
0x180: {  	s18 =	rddreg [dreg:$0x15]  }
0x181: {  	[tilespmem:s12], [sflag:$0x2] =	stream.indirect.gather [hbm4b:s3+s5], $0x40, s18, s5, $0xb8;
	[tilespmem:$0x15900] =	vst v63  }
0x182: {  	s0 =	rddreg [dreg:$0x16]  }
0x183: {  	[tilespmem:s13], [sflag:$0x2] =	stream.indirect.gather [hbm4b:s3+s5], $0x40, s0, s5, $0xb8;
	[tilespmem:$0x15900] =	vst v63  }
0x184: {  	s18 =	rddreg [dreg:$0x5]  }
0x185: {  	[hbm4b:s18+s2] =	stream.linear.scatter [tilespmem:s7], [sflag:$0x3], $0xA000, $0x38;
	[tilespmem:$0x15900] =	vst v63  }
0x186: {  	_ =	swait.ge [sflag:s4], $0xA000  }
0x187: {  	[sflag:s4] =	ssyncset.done $0x0  }
0x188: {  	[sflag:s4] =	ssyncadd.s32 $0xFFFF6000  }
0x189: {  	_ =	swait.ge [sflag:s8], $0x2000  }
0x18a: {  	[sflag:s8] =	ssyncset.done $0x0  }
0x18b: {  	[sflag:s8] =	ssyncadd.s32 $0xFFFFE000  }
0x18c: {  	_ =	swait.ge [sflag:s8], $0x2000  }
0x18d: {  	[sflag:s8] =	ssyncset.done $0x0  }
0x18e: {  	[sflag:s8] =	ssyncadd.s32 $0xFFFFE000  }
0x18f: {  	_ =	swait.ge [sflag:s8], $0x2000  }
0x190: {  	[sflag:s8] =	ssyncset.done $0x0  }
0x191: {  	[sflag:s8] =	ssyncadd.s32 $0xFFFFE000  }
0x192: {  	_ =	swait.ge [sflag:s8], $0x2000  }
0x193: {  	[sflag:s8] =	ssyncset.done $0x0  }
0x194: {  	[sflag:s8] =	ssyncadd.s32 $0xFFFFE000  }
0x195: {  	_ =	swait.ge [sflag:s8], $0x2000  }
0x196: {  	[sflag:s8] =	ssyncset.done $0x0  }
0x197: {  	s0 =	rddreg [dreg:$0x17];
	[sflag:s8] =	ssyncadd.s32 $0xFFFFE000  }
0x198: {  	[tilespmem:s7], [sflag:$0x1] =	stream.indirect.gather [hbm4b:s3+s5], $0x40, s0, s5, $0xb8;
	[tilespmem:$0x15900] =	vst v63  }
0x199: {  	s18 =	rddreg [dreg:$0x18]  }
0x19a: {  	[tilespmem:s14], [sflag:$0x1] =	stream.indirect.gather [hbm4b:s3+s5], $0x40, s18, s5, $0xb8;
	[tilespmem:$0x15900] =	vst v63  }
0x19b: {  	s0 =	rddreg [dreg:$0x19]  }
0x19c: {  	[tilespmem:s15], [sflag:$0x1] =	stream.indirect.gather [hbm4b:s3+s5], $0x40, s0, s5, $0xb8;
	[tilespmem:$0x15900] =	vst v63  }
0x19d: {  	s18 =	rddreg [dreg:$0x1a]  }
0x19e: {  	[tilespmem:s16], [sflag:$0x1] =	stream.indirect.gather [hbm4b:s3+s5], $0x40, s18, s5, $0xb8;
	[tilespmem:$0x15900] =	vst v63  }
0x19f: {  	s0 =	rddreg [dreg:$0x1b]  }
0x1a0: {  	[tilespmem:s17], [sflag:$0x1] =	stream.indirect.gather [hbm4b:s3+s5], $0x40, s0, s5, $0xb8;
	[tilespmem:$0x15900] =	vst v63  }
0x1a1: {  	s18 =	rddreg [dreg:$0x6]  }
0x1a2: {  	[hbm4b:s18+s2] =	stream.linear.scatter [tilespmem:s6], [sflag:$0x3], $0xA000, $0x38;
	[tilespmem:$0x15900] =	vst v63  }
0x1a3: {  	_ =	swait.ge [sflag:s4], $0xA000  }
0x1a4: {  	[sflag:s4] =	ssyncset.done $0x0  }
0x1a5: {  	[sflag:s4] =	ssyncadd.s32 $0xFFFF6000  }
0x1a6: {  	_ =	swait.ge [sflag:s9], $0x2000  }
0x1a7: {  	[sflag:s9] =	ssyncset.done $0x0  }
0x1a8: {  	[sflag:s9] =	ssyncadd.s32 $0xFFFFE000  }
0x1a9: {  	_ =	swait.ge [sflag:s9], $0x2000  }
0x1aa: {  	[sflag:s9] =	ssyncset.done $0x0  }
0x1ab: {  	[sflag:s9] =	ssyncadd.s32 $0xFFFFE000  }
0x1ac: {  	_ =	swait.ge [sflag:s9], $0x2000  }
0x1ad: {  	[sflag:s9] =	ssyncset.done $0x0  }
0x1ae: {  	[sflag:s9] =	ssyncadd.s32 $0xFFFFE000  }
0x1af: {  	_ =	swait.ge [sflag:s9], $0x2000  }
0x1b0: {  	[sflag:s9] =	ssyncset.done $0x0  }
0x1b1: {  	[sflag:s9] =	ssyncadd.s32 $0xFFFFE000  }
0x1b2: {  	_ =	swait.ge [sflag:s9], $0x2000  }
0x1b3: {  	s0 =	rddreg [dreg:$0x1c];
	[sflag:s9] =	ssyncset.done $0x0  }
0x1b4: {  	s18 =	rddreg [dreg:$0x1d];
	[sflag:s9] =	ssyncadd.s32 $0xFFFFE000  }
0x1b5: {  	[tilespmem:s6], [sflag:$0x2] =	stream.indirect.gather [hbm4b:s3+s5], $0x40, s0, s5, $0xb8;
	[tilespmem:$0x15900] =	vst v63  }
0x1b6: {  	s0 =	rddreg [dreg:$0x1e]  }
0x1b7: {  	[tilespmem:s10], [sflag:$0x2] =	stream.indirect.gather [hbm4b:s3+s5], $0x40, s18, s5, $0xb8;
	[tilespmem:$0x15900] =	vst v63  }
0x1b8: {  	s18 =	rddreg [dreg:$0x1f]  }
0x1b9: {  	[tilespmem:s11], [sflag:$0x2] =	stream.indirect.gather [hbm4b:s3+s5], $0x40, s0, s5, $0xb8;
	[tilespmem:$0x15900] =	vst v63  }
0x1ba: {  	s0 =	sld [smem:$0x7EC]  }
0x1bb: {  	[tilespmem:s12], [sflag:$0x2] =	stream.indirect.gather [hbm4b:s3+s5], $0x40, s18, s5, $0xb8;
	[tilespmem:$0x15900] =	vst v63  }
0x1bc: {  	_ = 	snop  }
0x1bd: {  	[tilespmem:s13], [sflag:$0x2] =	stream.indirect.gather [hbm4b:s3+s5], $0x40, s0, s5, $0xb8;
	[tilespmem:$0x15900] =	vst v63  }
0x1be: {  	s18 =	rddreg [dreg:$0x7]  }
0x1bf: {  	[hbm4b:s18+s2] =	stream.linear.scatter [tilespmem:s7], [sflag:$0x3], $0xA000, $0x38;
	[tilespmem:$0x15900] =	vst v63  }
0x1c0: {  	_ =	swait.ge [sflag:s4], $0xA000  }
0x1c1: {  	[sflag:s4] =	ssyncset.done $0x0  }
0x1c2: {  	[sflag:s4] =	ssyncadd.s32 $0xFFFF6000  }
0x1c3: {  	_ =	swait.ge [sflag:s8], $0x2000  }
0x1c4: {  	[sflag:s8] =	ssyncset.done $0x0  }
0x1c5: {  	[sflag:s8] =	ssyncadd.s32 $0xFFFFE000  }
0x1c6: {  	_ =	swait.ge [sflag:s8], $0x2000  }
0x1c7: {  	[sflag:s8] =	ssyncset.done $0x0  }
0x1c8: {  	[sflag:s8] =	ssyncadd.s32 $0xFFFFE000  }
0x1c9: {  	_ =	swait.ge [sflag:s8], $0x2000  }
0x1ca: {  	[sflag:s8] =	ssyncset.done $0x0  }
0x1cb: {  	[sflag:s8] =	ssyncadd.s32 $0xFFFFE000  }
0x1cc: {  	_ =	swait.ge [sflag:s8], $0x2000  }
0x1cd: {  	[sflag:s8] =	ssyncset.done $0x0  }
0x1ce: {  	[sflag:s8] =	ssyncadd.s32 $0xFFFFE000  }
0x1cf: {  	_ =	swait.ge [sflag:s8], $0x2000  }
0x1d0: {  	s0 =	sld [smem:$0x7ED]  }
0x1d1: {  	[sflag:s8] =	ssyncset.done $0x0  }
0x1d2: {  	s18 =	sld [smem:$0x7EE];
	[sflag:s8] =	ssyncadd.s32 $0xFFFFE000  }
0x1d3: {  	[tilespmem:s7], [sflag:$0x1] =	stream.indirect.gather [hbm4b:s3+s5], $0x40, s0, s5, $0xb8;
	[tilespmem:$0x15900] =	vst v63  }
0x1d4: {  	s0 =	sld [smem:$0x7EF]  }
0x1d5: {  	[tilespmem:s14], [sflag:$0x1] =	stream.indirect.gather [hbm4b:s3+s5], $0x40, s18, s5, $0xb8;
	[tilespmem:$0x15900] =	vst v63  }
0x1d6: {  	s18 =	sld [smem:$0x7F0]  }
0x1d7: {  	[tilespmem:s15], [sflag:$0x1] =	stream.indirect.gather [hbm4b:s3+s5], $0x40, s0, s5, $0xb8;
	[tilespmem:$0x15900] =	vst v63  }
0x1d8: {  	s0 =	sld [smem:$0x7F1]  }
0x1d9: {  	[tilespmem:s16], [sflag:$0x1] =	stream.indirect.gather [hbm4b:s3+s5], $0x40, s18, s5, $0xb8;
	[tilespmem:$0x15900] =	vst v63  }
0x1da: {  	_ = 	snop  }
0x1db: {  	[tilespmem:s17], [sflag:$0x1] =	stream.indirect.gather [hbm4b:s3+s5], $0x40, s0, s5, $0xb8;
	[tilespmem:$0x15900] =	vst v63  }
0x1dc: {  	s18 =	rddreg [dreg:$0x8]  }
0x1dd: {  	[hbm4b:s18+s2] =	stream.linear.scatter [tilespmem:s6], [sflag:$0x3], $0xA000, $0x38;
	[tilespmem:$0x15900] =	vst v63  }
0x1de: {  	_ =	swait.ge [sflag:s4], $0xA000  }
0x1df: {  	[sflag:s4] =	ssyncset.done $0x0  }
0x1e0: {  	[sflag:s4] =	ssyncadd.s32 $0xFFFF6000  }
0x1e1: {  	_ =	swait.ge [sflag:s9], $0x2000  }
0x1e2: {  	[sflag:s9] =	ssyncset.done $0x0  }
0x1e3: {  	[sflag:s9] =	ssyncadd.s32 $0xFFFFE000  }
0x1e4: {  	_ =	swait.ge [sflag:s9], $0x2000  }
0x1e5: {  	[sflag:s9] =	ssyncset.done $0x0  }
0x1e6: {  	[sflag:s9] =	ssyncadd.s32 $0xFFFFE000  }
0x1e7: {  	_ =	swait.ge [sflag:s9], $0x2000  }
0x1e8: {  	[sflag:s9] =	ssyncset.done $0x0  }
0x1e9: {  	[sflag:s9] =	ssyncadd.s32 $0xFFFFE000  }
0x1ea: {  	_ =	swait.ge [sflag:s9], $0x2000  }
0x1eb: {  	[sflag:s9] =	ssyncset.done $0x0  }
0x1ec: {  	[sflag:s9] =	ssyncadd.s32 $0xFFFFE000  }
0x1ed: {  	_ =	swait.ge [sflag:s9], $0x2000  }
0x1ee: {  	s0 =	sld [smem:$0x7F2]  }
0x1ef: {  	[sflag:s9] =	ssyncset.done $0x0  }
0x1f0: {  	s18 =	sld [smem:$0x7F3];
	[sflag:s9] =	ssyncadd.s32 $0xFFFFE000  }
0x1f1: {  	[tilespmem:s6], [sflag:$0x2] =	stream.indirect.gather [hbm4b:s3+s5], $0x40, s0, s5, $0xb8;
	[tilespmem:$0x15900] =	vst v63  }
0x1f2: {  	s0 =	sld [smem:$0x7F4]  }
0x1f3: {  	[tilespmem:s10], [sflag:$0x2] =	stream.indirect.gather [hbm4b:s3+s5], $0x40, s18, s5, $0xb8;
	[tilespmem:$0x15900] =	vst v63  }
0x1f4: {  	s18 =	sld [smem:$0x7F5]  }
0x1f5: {  	[tilespmem:s11], [sflag:$0x2] =	stream.indirect.gather [hbm4b:s3+s5], $0x40, s0, s5, $0xb8;
	[tilespmem:$0x15900] =	vst v63  }
0x1f6: {  	s0 =	sld [smem:$0x7F6]  }
0x1f7: {  	[tilespmem:s12], [sflag:$0x2] =	stream.indirect.gather [hbm4b:s3+s5], $0x40, s18, s5, $0xb8;
	[tilespmem:$0x15900] =	vst v63  }
0x1f8: {  	_ = 	snop  }
0x1f9: {  	[tilespmem:s13], [sflag:$0x2] =	stream.indirect.gather [hbm4b:s3+s5], $0x40, s0, s5, $0xb8;
	[tilespmem:$0x15900] =	vst v63  }
0x1fa: {  	s18 =	rddreg [dreg:$0x9]  }
0x1fb: {  	[hbm4b:s18+s2] =	stream.linear.scatter [tilespmem:s7], [sflag:$0x3], $0xA000, $0x38;
	[tilespmem:$0x15900] =	vst v63  }
0x1fc: {  	_ =	swait.ge [sflag:s4], $0xA000  }
0x1fd: {  	[sflag:s4] =	ssyncset.done $0x0  }
0x1fe: {  	[sflag:s4] =	ssyncadd.s32 $0xFFFF6000  }
0x1ff: {  	_ =	swait.ge [sflag:s8], $0x2000  }
0x200: {  	[sflag:s8] =	ssyncset.done $0x0  }
0x201: {  	[sflag:s8] =	ssyncadd.s32 $0xFFFFE000  }
0x202: {  	_ =	swait.ge [sflag:s8], $0x2000  }
0x203: {  	[sflag:s8] =	ssyncset.done $0x0  }
0x204: {  	[sflag:s8] =	ssyncadd.s32 $0xFFFFE000  }
0x205: {  	_ =	swait.ge [sflag:s8], $0x2000  }
0x206: {  	[sflag:s8] =	ssyncset.done $0x0  }
0x207: {  	[sflag:s8] =	ssyncadd.s32 $0xFFFFE000  }
0x208: {  	_ =	swait.ge [sflag:s8], $0x2000  }
0x209: {  	[sflag:s8] =	ssyncset.done $0x0  }
0x20a: {  	[sflag:s8] =	ssyncadd.s32 $0xFFFFE000  }
0x20b: {  	_ =	swait.ge [sflag:s8], $0x2000  }
0x20c: {  	s0 =	sld [smem:$0x7F7]  }
0x20d: {  	[sflag:s8] =	ssyncset.done $0x0  }
0x20e: {  	s18 =	sld [smem:$0x7F8];
	[sflag:s8] =	ssyncadd.s32 $0xFFFFE000  }
0x20f: {  	[tilespmem:s7], [sflag:$0x1] =	stream.indirect.gather [hbm4b:s3+s5], $0x40, s0, s5, $0xb8;
	[tilespmem:$0x15900] =	vst v63  }
0x210: {  	s0 =	sld [smem:$0x7F9]  }
0x211: {  	[tilespmem:s14], [sflag:$0x1] =	stream.indirect.gather [hbm4b:s3+s5], $0x40, s18, s5, $0xb8;
	[tilespmem:$0x15900] =	vst v63  }
0x212: {  	s18 =	sld [smem:$0x7FA]  }
0x213: {  	[tilespmem:s15], [sflag:$0x1] =	stream.indirect.gather [hbm4b:s3+s5], $0x40, s0, s5, $0xb8;
	[tilespmem:$0x15900] =	vst v63  }
0x214: {  	s0 =	sld [smem:$0x7FB]  }
0x215: {  	[tilespmem:s16], [sflag:$0x1] =	stream.indirect.gather [hbm4b:s3+s5], $0x40, s18, s5, $0xb8;
	[tilespmem:$0x15900] =	vst v63  }
0x216: {  	_ = 	snop  }
0x217: {  	[tilespmem:s17], [sflag:$0x1] =	stream.indirect.gather [hbm4b:s3+s5], $0x40, s0, s5, $0xb8;
	[tilespmem:$0x15900] =	vst v63  }
0x218: {  	s18 =	rddreg [dreg:$0xa]  }
0x219: {  	[hbm4b:s18+s2] =	stream.linear.scatter [tilespmem:s6], [sflag:$0x3], $0xA000, $0x38;
	[tilespmem:$0x15900] =	vst v63  }
0x21a: {  	_ =	swait.ge [sflag:s4], $0xA000  }
0x21b: {  	[sflag:s4] =	ssyncset.done $0x0  }
0x21c: {  	[sflag:s4] =	ssyncadd.s32 $0xFFFF6000  }
0x21d: {  	_ =	swait.ge [sflag:s9], $0x2000  }
0x21e: {  	[sflag:s9] =	ssyncset.done $0x0  }
0x21f: {  	[sflag:s9] =	ssyncadd.s32 $0xFFFFE000  }
0x220: {  	_ =	swait.ge [sflag:s9], $0x2000  }
0x221: {  	[sflag:s9] =	ssyncset.done $0x0  }
0x222: {  	[sflag:s9] =	ssyncadd.s32 $0xFFFFE000  }
0x223: {  	_ =	swait.ge [sflag:s9], $0x2000  }
0x224: {  	[sflag:s9] =	ssyncset.done $0x0  }
0x225: {  	[sflag:s9] =	ssyncadd.s32 $0xFFFFE000  }
0x226: {  	_ =	swait.ge [sflag:s9], $0x2000  }
0x227: {  	[sflag:s9] =	ssyncset.done $0x0  }
0x228: {  	[sflag:s9] =	ssyncadd.s32 $0xFFFFE000  }
0x229: {  	_ =	swait.ge [sflag:s9], $0x2000  }
0x22a: {  	s0 =	sld [smem:$0x7FC]  }
0x22b: {  	[sflag:s9] =	ssyncset.done $0x0  }
0x22c: {  	s18 =	sld [smem:$0x7FD];
	[sflag:s9] =	ssyncadd.s32 $0xFFFFE000  }
0x22d: {  	[tilespmem:s6], [sflag:$0x2] =	stream.indirect.gather [hbm4b:s3+s5], $0x40, s0, s5, $0xb8;
	[tilespmem:$0x15900] =	vst v63  }
0x22e: {  	_ = 	snop  }
0x22f: {  	[tilespmem:s10], [sflag:$0x2] =	stream.indirect.gather [hbm4b:s3+s5], $0x40, s18, s5, $0xb8;
	[tilespmem:$0x15900] =	vst v63  }
0x230: {  	_ = 	snop  }
0x231: {  	[tilespmem:s11], [sflag:$0x2] =	stream.indirect.gather [hbm4b:s3+s5], $0x40, s31, s5, $0xb8;
	[tilespmem:$0x15900] =	vst v63  }
0x232: {  	_ = 	snop  }
0x233: {  	[tilespmem:s12], [sflag:$0x2] =	stream.indirect.gather [hbm4b:s3+s5], $0x40, s24, s5, $0xb8;
	[tilespmem:$0x15900] =	vst v63  }
0x234: {  	_ = 	snop  }
0x235: {  	[tilespmem:s13], [sflag:$0x2] =	stream.indirect.gather [hbm4b:s3+s5], $0x40, s30, s5, $0xb8;
	[tilespmem:$0x15900] =	vst v63  }
0x236: {  	s18 =	rddreg [dreg:$0xb]  }
0x237: {  	[hbm4b:s18+s2] =	stream.linear.scatter [tilespmem:s7], [sflag:$0x3], $0xA000, $0x38;
	[tilespmem:$0x15900] =	vst v63  }
0x238: {  	_ =	swait.ge [sflag:s4], $0xA000  }
0x239: {  	[sflag:s4] =	ssyncset.done $0x0  }
0x23a: {  	[sflag:s4] =	ssyncadd.s32 $0xFFFF6000  }
0x23b: {  	_ =	swait.ge [sflag:s8], $0x2000  }
0x23c: {  	[sflag:s8] =	ssyncset.done $0x0  }
0x23d: {  	[sflag:s8] =	ssyncadd.s32 $0xFFFFE000  }
0x23e: {  	_ =	swait.ge [sflag:s8], $0x2000  }
0x23f: {  	[sflag:s8] =	ssyncset.done $0x0  }
0x240: {  	[sflag:s8] =	ssyncadd.s32 $0xFFFFE000  }
0x241: {  	_ =	swait.ge [sflag:s8], $0x2000  }
0x242: {  	[sflag:s8] =	ssyncset.done $0x0  }
0x243: {  	[sflag:s8] =	ssyncadd.s32 $0xFFFFE000  }
0x244: {  	_ =	swait.ge [sflag:s8], $0x2000  }
0x245: {  	[sflag:s8] =	ssyncset.done $0x0  }
0x246: {  	[sflag:s8] =	ssyncadd.s32 $0xFFFFE000  }
0x247: {  	_ =	swait.ge [sflag:s8], $0x2000  }
0x248: {  	[sflag:s8] =	ssyncset.done $0x0  }
0x249: {  	s18 =	simm.s32 $0x1400;
	[sflag:s8] =	ssyncadd.s32 $0xFFFFE000  }
0x24a: {  	[tilespmem:s7], [sflag:$0x1] =	stream.indirect.gather [hbm4b:s3+s5], $0x40, s18, s5, $0xb8;
	[tilespmem:$0x15900] =	vst v63  }
0x24b: {  	_ = 	snop  }
0x24c: {  	[tilespmem:s14], [sflag:$0x1] =	stream.indirect.gather [hbm4b:s3+s5], $0x40, s25, s5, $0xb8;
	[tilespmem:$0x15900] =	vst v63  }
0x24d: {  	_ = 	snop  }
0x24e: {  	[tilespmem:s15], [sflag:$0x1] =	stream.indirect.gather [hbm4b:s3+s5], $0x40, s26, s5, $0xb8;
	[tilespmem:$0x15900] =	vst v63  }
0x24f: {  	_ = 	snop  }
0x250: {  	[tilespmem:s16], [sflag:$0x1] =	stream.indirect.gather [hbm4b:s3+s5], $0x40, s28, s5, $0xb8;
	[tilespmem:$0x15900] =	vst v63  }
0x251: {  	_ = 	snop  }
0x252: {  	[tilespmem:s17], [sflag:$0x1] =	stream.indirect.gather [hbm4b:s3+s5], $0x40, s29, s5, $0xb8;
	[tilespmem:$0x15900] =	vst v63  }
0x253: {  	s18 =	rddreg [dreg:$0xc]  }
0x254: {  	[hbm4b:s18+s2] =	stream.linear.scatter [tilespmem:s6], [sflag:$0x3], $0xA000, $0x38;
	[tilespmem:$0x15900] =	vst v63  }
0x255: {  	_ =	swait.ge [sflag:s4], $0xA000  }
0x256: {  	[sflag:s4] =	ssyncset.done $0x0  }
0x257: {  	[sflag:s4] =	ssyncadd.s32 $0xFFFF6000  }
0x258: {  	_ =	swait.ge [sflag:s9], $0x2000  }
0x259: {  	[sflag:s9] =	ssyncset.done $0x0  }
0x25a: {  	[sflag:s9] =	ssyncadd.s32 $0xFFFFE000  }
0x25b: {  	_ =	swait.ge [sflag:s9], $0x2000  }
0x25c: {  	[sflag:s9] =	ssyncset.done $0x0  }
0x25d: {  	[sflag:s9] =	ssyncadd.s32 $0xFFFFE000  }
0x25e: {  	_ =	swait.ge [sflag:s9], $0x2000  }
0x25f: {  	[sflag:s9] =	ssyncset.done $0x0  }
0x260: {  	[sflag:s9] =	ssyncadd.s32 $0xFFFFE000  }
0x261: {  	_ =	swait.ge [sflag:s9], $0x2000  }
0x262: {  	[sflag:s9] =	ssyncset.done $0x0  }
0x263: {  	[sflag:s9] =	ssyncadd.s32 $0xFFFFE000  }
0x264: {  	_ =	swait.ge [sflag:s9], $0x2000  }
0x265: {  	[sflag:s9] =	ssyncset.done $0x0  }
0x266: {  	[sflag:s9] =	ssyncadd.s32 $0xFFFFE000  }
0x267: {  	[tilespmem:s6], [sflag:$0x2] =	stream.indirect.gather [hbm4b:s3+s5], $0x40, s20, s5, $0xb8;
	[tilespmem:$0x15900] =	vst v63  }
0x268: {  	_ = 	snop  }
0x269: {  	[tilespmem:s10], [sflag:$0x2] =	stream.indirect.gather [hbm4b:s3+s5], $0x40, s21, s5, $0xb8;
	[tilespmem:$0x15900] =	vst v63  }
0x26a: {  	_ = 	snop  }
0x26b: {  	[tilespmem:s11], [sflag:$0x2] =	stream.indirect.gather [hbm4b:s3+s5], $0x40, s22, s5, $0xb8;
	[tilespmem:$0x15900] =	vst v63  }
0x26c: {  	_ = 	snop  }
0x26d: {  	[tilespmem:s12], [sflag:$0x2] =	stream.indirect.gather [hbm4b:s3+s5], $0x40, s23, s5, $0xb8;
	[tilespmem:$0x15900] =	vst v63  }
0x26e: {  	_ = 	snop  }
0x26f: {  	[tilespmem:s13], [sflag:$0x2] =	stream.indirect.gather [hbm4b:s3+s5], $0x40, s19, s5, $0xb8;
	[tilespmem:$0x15900] =	vst v63  }
0x270: {  	s18 =	rddreg [dreg:$0xd]  }
0x271: {  	[hbm4b:s18+s2] =	stream.linear.scatter [tilespmem:s7], [sflag:$0x3], $0xA000, $0x38;
	[tilespmem:$0x15900] =	vst v63  }
0x272: {  	_ =	swait.ge [sflag:s4], $0xA000  }
0x273: {  	[sflag:s4] =	ssyncset.done $0x0  }
0x274: {  	[sflag:s4] =	ssyncadd.s32 $0xFFFF6000  }
0x275: {  	_ =	swait.ge [sflag:s8], $0x2000  }
0x276: {  	[sflag:s8] =	ssyncset.done $0x0  }
0x277: {  	[sflag:s8] =	ssyncadd.s32 $0xFFFFE000  }
0x278: {  	_ =	swait.ge [sflag:s8], $0x2000  }
0x279: {  	[sflag:s8] =	ssyncset.done $0x0  }
0x27a: {  	[sflag:s8] =	ssyncadd.s32 $0xFFFFE000  }
0x27b: {  	_ =	swait.ge [sflag:s8], $0x2000  }
0x27c: {  	[sflag:s8] =	ssyncset.done $0x0  }
0x27d: {  	[sflag:s8] =	ssyncadd.s32 $0xFFFFE000  }
0x27e: {  	_ =	swait.ge [sflag:s8], $0x2000  }
0x27f: {  	[sflag:s8] =	ssyncset.done $0x0  }
0x280: {  	[sflag:s8] =	ssyncadd.s32 $0xFFFFE000  }
0x281: {  	p1 =	sne.s32 s1, $0x1;
	_ =	swait.ge [sflag:s8], $0x2000  }
.Ltmp2:
0x282: {  	[sflag:s8] =	ssyncset.done $0x0;
	(pc) =	sbr.rel @p1 .LBB2_4-.Ltmp2, $4  }
0x283: {  	s18 =	rddreg [dreg:$0xe];
	[sflag:s8] =	ssyncadd.s32 $0xFFFFE000  }
0x284: {  	[hbm4b:s18+s2] =	stream.linear.scatter [tilespmem:s6], [sflag:$0x3], $0xA000, $0x38;
	[tilespmem:$0x15900] =	vst v63  }
0x285: {  	_ =	swait.ge [sflag:s4], $0xA000  }
0x286: {  	s1 =	sadd.s32 $0xFFFFFFFF, s1;
	s0 =	rddreg [dreg:$0x4];
	[sflag:s4] =	ssyncset.done $0x0  }
0x287: {  	s23 =	simm.s32 $0x1300  }
0x288: {  	s31 =	simm.s32 $0x1280;
	s30 =	simm.s32 $0x1380;
	s29 =	simm.s32 $0x1600  }
0x289: {  	s28 =	simm.s32 $0x1580;
	s26 =	simm.s32 $0x1500;
	s25 =	simm.s32 $0x1480  }
0x28a: {  	s24 =	simm.s32 $0x1400;
	s22 =	simm.s32 $0x1780;
	s21 =	simm.s32 $0x1700  }
0x28b: {  	s20 =	simm.s32 $0x1680;
	s19 =	simm.s32 $0x1880;
	s18 =	stileid.u32  }
.LBB2_6:
0x28c: {  	[sflag:s4] =	ssyncadd.s32 @p0 $0xFFFF6000  }
0x28d: {  	[tilespmem:s2], [sflag:$0x3] =	stream.linear.gather [hbm4b:s0+s2], $0x1900, $0x38;
	[tilespmem:$0x15900] =	vst v63  }
0x28e: {  	_ =	swait.ge [sflag:s4], $0x1900  }
0x28f: {  	[sflag:s4] =	ssyncset.done $0x0  }
0x290: {  	[sflag:s4] =	ssyncadd.s32 $0xFFFFE700  }
0x291: {  	[tilespmem:s7], [sflag:$0x1] =	stream.indirect.gather [hbm4b:s3+s5], $0x40, s2, s5, $0xb8;
	[tilespmem:$0x15900] =	vst v63  }
0x292: {  	_ = 	snop  }
0x293: {  	[tilespmem:s14], [sflag:$0x1] =	stream.indirect.gather [hbm4b:s3+s5], $0x40, s5, s5, $0xb8;
	[tilespmem:$0x15900] =	vst v63  }
0x294: {  	s0 =	rddreg [dreg:$0xf]  }
0x295: {  	[tilespmem:s15], [sflag:$0x1] =	stream.indirect.gather [hbm4b:s3+s5], $0x40, s0, s5, $0xb8;
	[tilespmem:$0x15900] =	vst v63  }
0x296: {  	s1 =	rddreg [dreg:$0x10]  }
0x297: {  	[tilespmem:s16], [sflag:$0x1] =	stream.indirect.gather [hbm4b:s3+s5], $0x40, s1, s5, $0xb8;
	[tilespmem:$0x15900] =	vst v63  }
0x298: {  	s0 =	rddreg [dreg:$0x11]  }
0x299: {  	[tilespmem:s17], [sflag:$0x1] =	stream.indirect.gather [hbm4b:s3+s5], $0x40, s0, s5, $0xb8;
	[tilespmem:$0x15900] =	vst v63  }
0x29a: {  	_ =	swait.ge [sflag:s9], $0x2000  }
0x29b: {  	[sflag:s9] =	ssyncset.done $0x0  }
0x29c: {  	[sflag:s9] =	ssyncadd.s32 $0xFFFFE000  }
0x29d: {  	_ =	swait.ge [sflag:s9], $0x2000  }
0x29e: {  	[sflag:s9] =	ssyncset.done $0x0  }
0x29f: {  	[sflag:s9] =	ssyncadd.s32 $0xFFFFE000  }
0x2a0: {  	_ =	swait.ge [sflag:s9], $0x2000  }
0x2a1: {  	[sflag:s9] =	ssyncset.done $0x0  }
0x2a2: {  	[sflag:s9] =	ssyncadd.s32 $0xFFFFE000  }
0x2a3: {  	_ =	swait.ge [sflag:s9], $0x2000  }
0x2a4: {  	[sflag:s9] =	ssyncset.done $0x0  }
0x2a5: {  	[sflag:s9] =	ssyncadd.s32 $0xFFFFE000  }
0x2a6: {  	_ =	swait.ge [sflag:s9], $0x2000  }
0x2a7: {  	[sflag:s9] =	ssyncset.done $0x0  }
0x2a8: {  	s0 =	rddreg [dreg:$0x12];
	[sflag:s9] =	ssyncadd.s32 $0xFFFFE000  }
0x2a9: {  	[tilespmem:s6], [sflag:$0x2] =	stream.indirect.gather [hbm4b:s3+s5], $0x40, s0, s5, $0xb8;
	[tilespmem:$0x15900] =	vst v63  }
0x2aa: {  	s1 =	rddreg [dreg:$0x13]  }
0x2ab: {  	[tilespmem:s10], [sflag:$0x2] =	stream.indirect.gather [hbm4b:s3+s5], $0x40, s1, s5, $0xb8;
	[tilespmem:$0x15900] =	vst v63  }
0x2ac: {  	s0 =	rddreg [dreg:$0x14]  }
0x2ad: {  	[tilespmem:s11], [sflag:$0x2] =	stream.indirect.gather [hbm4b:s3+s5], $0x40, s0, s5, $0xb8;
	[tilespmem:$0x15900] =	vst v63  }
0x2ae: {  	s1 =	rddreg [dreg:$0x15]  }
0x2af: {  	[tilespmem:s12], [sflag:$0x2] =	stream.indirect.gather [hbm4b:s3+s5], $0x40, s1, s5, $0xb8;
	[tilespmem:$0x15900] =	vst v63  }
0x2b0: {  	s0 =	rddreg [dreg:$0x16]  }
0x2b1: {  	[tilespmem:s13], [sflag:$0x2] =	stream.indirect.gather [hbm4b:s3+s5], $0x40, s0, s5, $0xb8;
	[tilespmem:$0x15900] =	vst v63  }
0x2b2: {  	s1 =	rddreg [dreg:$0x5]  }
0x2b3: {  	[hbm4b:s1+s2] =	stream.linear.scatter [tilespmem:s7], [sflag:$0x3], $0xA000, $0x38;
	[tilespmem:$0x15900] =	vst v63  }
0x2b4: {  	_ =	swait.ge [sflag:s4], $0xA000  }
0x2b5: {  	[sflag:s4] =	ssyncset.done $0x0  }
0x2b6: {  	[sflag:s4] =	ssyncadd.s32 $0xFFFF6000  }
0x2b7: {  	_ =	swait.ge [sflag:s8], $0x2000  }
0x2b8: {  	[sflag:s8] =	ssyncset.done $0x0  }
0x2b9: {  	[sflag:s8] =	ssyncadd.s32 $0xFFFFE000  }
0x2ba: {  	_ =	swait.ge [sflag:s8], $0x2000  }
0x2bb: {  	[sflag:s8] =	ssyncset.done $0x0  }
0x2bc: {  	[sflag:s8] =	ssyncadd.s32 $0xFFFFE000  }
0x2bd: {  	_ =	swait.ge [sflag:s8], $0x2000  }
0x2be: {  	[sflag:s8] =	ssyncset.done $0x0  }
0x2bf: {  	[sflag:s8] =	ssyncadd.s32 $0xFFFFE000  }
0x2c0: {  	_ =	swait.ge [sflag:s8], $0x2000  }
0x2c1: {  	[sflag:s8] =	ssyncset.done $0x0  }
0x2c2: {  	[sflag:s8] =	ssyncadd.s32 $0xFFFFE000  }
0x2c3: {  	_ =	swait.ge [sflag:s8], $0x2000  }
0x2c4: {  	[sflag:s8] =	ssyncset.done $0x0  }
0x2c5: {  	s0 =	rddreg [dreg:$0x17];
	[sflag:s8] =	ssyncadd.s32 $0xFFFFE000  }
0x2c6: {  	[tilespmem:s7], [sflag:$0x1] =	stream.indirect.gather [hbm4b:s3+s5], $0x40, s0, s5, $0xb8;
	[tilespmem:$0x15900] =	vst v63  }
0x2c7: {  	s1 =	rddreg [dreg:$0x18]  }
0x2c8: {  	[tilespmem:s14], [sflag:$0x1] =	stream.indirect.gather [hbm4b:s3+s5], $0x40, s1, s5, $0xb8;
	[tilespmem:$0x15900] =	vst v63  }
0x2c9: {  	s0 =	rddreg [dreg:$0x19]  }
0x2ca: {  	[tilespmem:s15], [sflag:$0x1] =	stream.indirect.gather [hbm4b:s3+s5], $0x40, s0, s5, $0xb8;
	[tilespmem:$0x15900] =	vst v63  }
0x2cb: {  	s1 =	rddreg [dreg:$0x1a]  }
0x2cc: {  	[tilespmem:s16], [sflag:$0x1] =	stream.indirect.gather [hbm4b:s3+s5], $0x40, s1, s5, $0xb8;
	[tilespmem:$0x15900] =	vst v63  }
0x2cd: {  	s0 =	rddreg [dreg:$0x1b]  }
0x2ce: {  	[tilespmem:s17], [sflag:$0x1] =	stream.indirect.gather [hbm4b:s3+s5], $0x40, s0, s5, $0xb8;
	[tilespmem:$0x15900] =	vst v63  }
0x2cf: {  	s1 =	rddreg [dreg:$0x6]  }
0x2d0: {  	[hbm4b:s1+s2] =	stream.linear.scatter [tilespmem:s6], [sflag:$0x3], $0xA000, $0x38;
	[tilespmem:$0x15900] =	vst v63  }
0x2d1: {  	_ =	swait.ge [sflag:s4], $0xA000  }
0x2d2: {  	[sflag:s4] =	ssyncset.done $0x0  }
0x2d3: {  	[sflag:s4] =	ssyncadd.s32 $0xFFFF6000  }
0x2d4: {  	_ =	swait.ge [sflag:s9], $0x2000  }
0x2d5: {  	[sflag:s9] =	ssyncset.done $0x0  }
0x2d6: {  	[sflag:s9] =	ssyncadd.s32 $0xFFFFE000  }
0x2d7: {  	_ =	swait.ge [sflag:s9], $0x2000  }
0x2d8: {  	[sflag:s9] =	ssyncset.done $0x0  }
0x2d9: {  	[sflag:s9] =	ssyncadd.s32 $0xFFFFE000  }
0x2da: {  	_ =	swait.ge [sflag:s9], $0x2000  }
0x2db: {  	[sflag:s9] =	ssyncset.done $0x0  }
0x2dc: {  	[sflag:s9] =	ssyncadd.s32 $0xFFFFE000  }
0x2dd: {  	_ =	swait.ge [sflag:s9], $0x2000  }
0x2de: {  	[sflag:s9] =	ssyncset.done $0x0  }
0x2df: {  	[sflag:s9] =	ssyncadd.s32 $0xFFFFE000  }
0x2e0: {  	_ =	swait.ge [sflag:s9], $0x2000  }
0x2e1: {  	s0 =	rddreg [dreg:$0x1c];
	[sflag:s9] =	ssyncset.done $0x0  }
0x2e2: {  	s1 =	rddreg [dreg:$0x1d];
	[sflag:s9] =	ssyncadd.s32 $0xFFFFE000  }
0x2e3: {  	[tilespmem:s6], [sflag:$0x2] =	stream.indirect.gather [hbm4b:s3+s5], $0x40, s0, s5, $0xb8;
	[tilespmem:$0x15900] =	vst v63  }
0x2e4: {  	s0 =	rddreg [dreg:$0x1e]  }
0x2e5: {  	[tilespmem:s10], [sflag:$0x2] =	stream.indirect.gather [hbm4b:s3+s5], $0x40, s1, s5, $0xb8;
	[tilespmem:$0x15900] =	vst v63  }
0x2e6: {  	s1 =	rddreg [dreg:$0x1f]  }
0x2e7: {  	[tilespmem:s11], [sflag:$0x2] =	stream.indirect.gather [hbm4b:s3+s5], $0x40, s0, s5, $0xb8;
	[tilespmem:$0x15900] =	vst v63  }
0x2e8: {  	s0 =	sld [smem:$0x7EC]  }
0x2e9: {  	[tilespmem:s12], [sflag:$0x2] =	stream.indirect.gather [hbm4b:s3+s5], $0x40, s1, s5, $0xb8;
	[tilespmem:$0x15900] =	vst v63  }
0x2ea: {  	_ = 	snop  }
0x2eb: {  	[tilespmem:s13], [sflag:$0x2] =	stream.indirect.gather [hbm4b:s3+s5], $0x40, s0, s5, $0xb8;
	[tilespmem:$0x15900] =	vst v63  }
0x2ec: {  	s1 =	rddreg [dreg:$0x7]  }
0x2ed: {  	[hbm4b:s1+s2] =	stream.linear.scatter [tilespmem:s7], [sflag:$0x3], $0xA000, $0x38;
	[tilespmem:$0x15900] =	vst v63  }
0x2ee: {  	_ =	swait.ge [sflag:s4], $0xA000  }
0x2ef: {  	[sflag:s4] =	ssyncset.done $0x0  }
0x2f0: {  	[sflag:s4] =	ssyncadd.s32 $0xFFFF6000  }
0x2f1: {  	_ =	swait.ge [sflag:s8], $0x2000  }
0x2f2: {  	[sflag:s8] =	ssyncset.done $0x0  }
0x2f3: {  	[sflag:s8] =	ssyncadd.s32 $0xFFFFE000  }
0x2f4: {  	_ =	swait.ge [sflag:s8], $0x2000  }
0x2f5: {  	[sflag:s8] =	ssyncset.done $0x0  }
0x2f6: {  	[sflag:s8] =	ssyncadd.s32 $0xFFFFE000  }
0x2f7: {  	_ =	swait.ge [sflag:s8], $0x2000  }
0x2f8: {  	[sflag:s8] =	ssyncset.done $0x0  }
0x2f9: {  	[sflag:s8] =	ssyncadd.s32 $0xFFFFE000  }
0x2fa: {  	_ =	swait.ge [sflag:s8], $0x2000  }
0x2fb: {  	[sflag:s8] =	ssyncset.done $0x0  }
0x2fc: {  	[sflag:s8] =	ssyncadd.s32 $0xFFFFE000  }
0x2fd: {  	_ =	swait.ge [sflag:s8], $0x2000  }
0x2fe: {  	s0 =	sld [smem:$0x7ED]  }
0x2ff: {  	[sflag:s8] =	ssyncset.done $0x0  }
0x300: {  	s1 =	sld [smem:$0x7EE];
	[sflag:s8] =	ssyncadd.s32 $0xFFFFE000  }
0x301: {  	[tilespmem:s7], [sflag:$0x1] =	stream.indirect.gather [hbm4b:s3+s5], $0x40, s0, s5, $0xb8;
	[tilespmem:$0x15900] =	vst v63  }
0x302: {  	s0 =	sld [smem:$0x7EF]  }
0x303: {  	[tilespmem:s14], [sflag:$0x1] =	stream.indirect.gather [hbm4b:s3+s5], $0x40, s1, s5, $0xb8;
	[tilespmem:$0x15900] =	vst v63  }
0x304: {  	s1 =	sld [smem:$0x7F0]  }
0x305: {  	[tilespmem:s15], [sflag:$0x1] =	stream.indirect.gather [hbm4b:s3+s5], $0x40, s0, s5, $0xb8;
	[tilespmem:$0x15900] =	vst v63  }
0x306: {  	s0 =	sld [smem:$0x7F1]  }
0x307: {  	[tilespmem:s16], [sflag:$0x1] =	stream.indirect.gather [hbm4b:s3+s5], $0x40, s1, s5, $0xb8;
	[tilespmem:$0x15900] =	vst v63  }
0x308: {  	_ = 	snop  }
0x309: {  	[tilespmem:s17], [sflag:$0x1] =	stream.indirect.gather [hbm4b:s3+s5], $0x40, s0, s5, $0xb8;
	[tilespmem:$0x15900] =	vst v63  }
0x30a: {  	s1 =	rddreg [dreg:$0x8]  }
0x30b: {  	[hbm4b:s1+s2] =	stream.linear.scatter [tilespmem:s6], [sflag:$0x3], $0xA000, $0x38;
	[tilespmem:$0x15900] =	vst v63  }
0x30c: {  	_ =	swait.ge [sflag:s4], $0xA000  }
0x30d: {  	[sflag:s4] =	ssyncset.done $0x0  }
0x30e: {  	[sflag:s4] =	ssyncadd.s32 $0xFFFF6000  }
0x30f: {  	_ =	swait.ge [sflag:s9], $0x2000  }
0x310: {  	[sflag:s9] =	ssyncset.done $0x0  }
0x311: {  	[sflag:s9] =	ssyncadd.s32 $0xFFFFE000  }
0x312: {  	_ =	swait.ge [sflag:s9], $0x2000  }
0x313: {  	[sflag:s9] =	ssyncset.done $0x0  }
0x314: {  	[sflag:s9] =	ssyncadd.s32 $0xFFFFE000  }
0x315: {  	_ =	swait.ge [sflag:s9], $0x2000  }
0x316: {  	[sflag:s9] =	ssyncset.done $0x0  }
0x317: {  	[sflag:s9] =	ssyncadd.s32 $0xFFFFE000  }
0x318: {  	_ =	swait.ge [sflag:s9], $0x2000  }
0x319: {  	[sflag:s9] =	ssyncset.done $0x0  }
0x31a: {  	[sflag:s9] =	ssyncadd.s32 $0xFFFFE000  }
0x31b: {  	_ =	swait.ge [sflag:s9], $0x2000  }
0x31c: {  	s0 =	sld [smem:$0x7F2]  }
0x31d: {  	[sflag:s9] =	ssyncset.done $0x0  }
0x31e: {  	s1 =	sld [smem:$0x7F3];
	[sflag:s9] =	ssyncadd.s32 $0xFFFFE000  }
0x31f: {  	[tilespmem:s6], [sflag:$0x2] =	stream.indirect.gather [hbm4b:s3+s5], $0x40, s0, s5, $0xb8;
	[tilespmem:$0x15900] =	vst v63  }
0x320: {  	s0 =	sld [smem:$0x7F4]  }
0x321: {  	[tilespmem:s10], [sflag:$0x2] =	stream.indirect.gather [hbm4b:s3+s5], $0x40, s1, s5, $0xb8;
	[tilespmem:$0x15900] =	vst v63  }
0x322: {  	s1 =	sld [smem:$0x7F5]  }
0x323: {  	[tilespmem:s11], [sflag:$0x2] =	stream.indirect.gather [hbm4b:s3+s5], $0x40, s0, s5, $0xb8;
	[tilespmem:$0x15900] =	vst v63  }
0x324: {  	s0 =	sld [smem:$0x7F6]  }
0x325: {  	[tilespmem:s12], [sflag:$0x2] =	stream.indirect.gather [hbm4b:s3+s5], $0x40, s1, s5, $0xb8;
	[tilespmem:$0x15900] =	vst v63  }
0x326: {  	_ = 	snop  }
0x327: {  	[tilespmem:s13], [sflag:$0x2] =	stream.indirect.gather [hbm4b:s3+s5], $0x40, s0, s5, $0xb8;
	[tilespmem:$0x15900] =	vst v63  }
0x328: {  	s1 =	rddreg [dreg:$0x9]  }
0x329: {  	[hbm4b:s1+s2] =	stream.linear.scatter [tilespmem:s7], [sflag:$0x3], $0xA000, $0x38;
	[tilespmem:$0x15900] =	vst v63  }
0x32a: {  	_ =	swait.ge [sflag:s4], $0xA000  }
0x32b: {  	[sflag:s4] =	ssyncset.done $0x0  }
0x32c: {  	[sflag:s4] =	ssyncadd.s32 $0xFFFF6000  }
0x32d: {  	_ =	swait.ge [sflag:s8], $0x2000  }
0x32e: {  	[sflag:s8] =	ssyncset.done $0x0  }
0x32f: {  	[sflag:s8] =	ssyncadd.s32 $0xFFFFE000  }
0x330: {  	_ =	swait.ge [sflag:s8], $0x2000  }
0x331: {  	[sflag:s8] =	ssyncset.done $0x0  }
0x332: {  	[sflag:s8] =	ssyncadd.s32 $0xFFFFE000  }
0x333: {  	_ =	swait.ge [sflag:s8], $0x2000  }
0x334: {  	[sflag:s8] =	ssyncset.done $0x0  }
0x335: {  	[sflag:s8] =	ssyncadd.s32 $0xFFFFE000  }
0x336: {  	_ =	swait.ge [sflag:s8], $0x2000  }
0x337: {  	[sflag:s8] =	ssyncset.done $0x0  }
0x338: {  	[sflag:s8] =	ssyncadd.s32 $0xFFFFE000  }
0x339: {  	_ =	swait.ge [sflag:s8], $0x2000  }
0x33a: {  	s0 =	sld [smem:$0x7F7]  }
0x33b: {  	[sflag:s8] =	ssyncset.done $0x0  }
0x33c: {  	s1 =	sld [smem:$0x7F8];
	[sflag:s8] =	ssyncadd.s32 $0xFFFFE000  }
0x33d: {  	[tilespmem:s7], [sflag:$0x1] =	stream.indirect.gather [hbm4b:s3+s5], $0x40, s0, s5, $0xb8;
	[tilespmem:$0x15900] =	vst v63  }
0x33e: {  	s0 =	sld [smem:$0x7F9]  }
0x33f: {  	[tilespmem:s14], [sflag:$0x1] =	stream.indirect.gather [hbm4b:s3+s5], $0x40, s1, s5, $0xb8;
	[tilespmem:$0x15900] =	vst v63  }
0x340: {  	s1 =	sld [smem:$0x7FA]  }
0x341: {  	[tilespmem:s15], [sflag:$0x1] =	stream.indirect.gather [hbm4b:s3+s5], $0x40, s0, s5, $0xb8;
	[tilespmem:$0x15900] =	vst v63  }
0x342: {  	s0 =	sld [smem:$0x7FB]  }
0x343: {  	[tilespmem:s16], [sflag:$0x1] =	stream.indirect.gather [hbm4b:s3+s5], $0x40, s1, s5, $0xb8;
	[tilespmem:$0x15900] =	vst v63  }
0x344: {  	_ = 	snop  }
0x345: {  	[tilespmem:s17], [sflag:$0x1] =	stream.indirect.gather [hbm4b:s3+s5], $0x40, s0, s5, $0xb8;
	[tilespmem:$0x15900] =	vst v63  }
0x346: {  	s1 =	rddreg [dreg:$0xa]  }
0x347: {  	[hbm4b:s1+s2] =	stream.linear.scatter [tilespmem:s6], [sflag:$0x3], $0xA000, $0x38;
	[tilespmem:$0x15900] =	vst v63  }
0x348: {  	_ =	swait.ge [sflag:s4], $0xA000  }
0x349: {  	[sflag:s4] =	ssyncset.done $0x0  }
0x34a: {  	[sflag:s4] =	ssyncadd.s32 $0xFFFF6000  }
0x34b: {  	_ =	swait.ge [sflag:s9], $0x2000  }
0x34c: {  	[sflag:s9] =	ssyncset.done $0x0  }
0x34d: {  	[sflag:s9] =	ssyncadd.s32 $0xFFFFE000  }
0x34e: {  	_ =	swait.ge [sflag:s9], $0x2000  }
0x34f: {  	[sflag:s9] =	ssyncset.done $0x0  }
0x350: {  	[sflag:s9] =	ssyncadd.s32 $0xFFFFE000  }
0x351: {  	_ =	swait.ge [sflag:s9], $0x2000  }
0x352: {  	[sflag:s9] =	ssyncset.done $0x0  }
0x353: {  	[sflag:s9] =	ssyncadd.s32 $0xFFFFE000  }
0x354: {  	_ =	swait.ge [sflag:s9], $0x2000  }
0x355: {  	[sflag:s9] =	ssyncset.done $0x0  }
0x356: {  	[sflag:s9] =	ssyncadd.s32 $0xFFFFE000  }
0x357: {  	_ =	swait.ge [sflag:s9], $0x2000  }
0x358: {  	s0 =	sld [smem:$0x7FC]  }
0x359: {  	[sflag:s9] =	ssyncset.done $0x0  }
0x35a: {  	s1 =	sld [smem:$0x7FD];
	[sflag:s9] =	ssyncadd.s32 $0xFFFFE000  }
0x35b: {  	[tilespmem:s6], [sflag:$0x2] =	stream.indirect.gather [hbm4b:s3+s5], $0x40, s0, s5, $0xb8;
	[tilespmem:$0x15900] =	vst v63  }
0x35c: {  	_ = 	snop  }
0x35d: {  	[tilespmem:s10], [sflag:$0x2] =	stream.indirect.gather [hbm4b:s3+s5], $0x40, s1, s5, $0xb8;
	[tilespmem:$0x15900] =	vst v63  }
0x35e: {  	_ = 	snop  }
0x35f: {  	[tilespmem:s11], [sflag:$0x2] =	stream.indirect.gather [hbm4b:s3+s5], $0x40, s31, s5, $0xb8;
	[tilespmem:$0x15900] =	vst v63  }
0x360: {  	_ = 	snop  }
0x361: {  	[tilespmem:s12], [sflag:$0x2] =	stream.indirect.gather [hbm4b:s3+s5], $0x40, s23, s5, $0xb8;
	[tilespmem:$0x15900] =	vst v63  }
0x362: {  	_ = 	snop  }
0x363: {  	[tilespmem:s13], [sflag:$0x2] =	stream.indirect.gather [hbm4b:s3+s5], $0x40, s30, s5, $0xb8;
	[tilespmem:$0x15900] =	vst v63  }
0x364: {  	s23 =	rddreg [dreg:$0xb]  }
0x365: {  	[hbm4b:s23+s2] =	stream.linear.scatter [tilespmem:s7], [sflag:$0x3], $0xA000, $0x38;
	[tilespmem:$0x15900] =	vst v63  }
0x366: {  	_ =	swait.ge [sflag:s4], $0xA000  }
0x367: {  	[sflag:s4] =	ssyncset.done $0x0  }
0x368: {  	[sflag:s4] =	ssyncadd.s32 $0xFFFF6000  }
0x369: {  	_ =	swait.ge [sflag:s8], $0x2000  }
0x36a: {  	[sflag:s8] =	ssyncset.done $0x0  }
0x36b: {  	[sflag:s8] =	ssyncadd.s32 $0xFFFFE000  }
0x36c: {  	_ =	swait.ge [sflag:s8], $0x2000  }
0x36d: {  	[sflag:s8] =	ssyncset.done $0x0  }
0x36e: {  	[sflag:s8] =	ssyncadd.s32 $0xFFFFE000  }
0x36f: {  	_ =	swait.ge [sflag:s8], $0x2000  }
0x370: {  	[sflag:s8] =	ssyncset.done $0x0  }
0x371: {  	[sflag:s8] =	ssyncadd.s32 $0xFFFFE000  }
0x372: {  	_ =	swait.ge [sflag:s8], $0x2000  }
0x373: {  	[sflag:s8] =	ssyncset.done $0x0  }
0x374: {  	[sflag:s8] =	ssyncadd.s32 $0xFFFFE000  }
0x375: {  	_ =	swait.ge [sflag:s8], $0x2000  }
0x376: {  	[sflag:s8] =	ssyncset.done $0x0  }
0x377: {  	[sflag:s8] =	ssyncadd.s32 $0xFFFFE000  }
0x378: {  	[tilespmem:s7], [sflag:$0x1] =	stream.indirect.gather [hbm4b:s3+s5], $0x40, s24, s5, $0xb8;
	[tilespmem:$0x15900] =	vst v63  }
0x379: {  	_ = 	snop  }
0x37a: {  	[tilespmem:s14], [sflag:$0x1] =	stream.indirect.gather [hbm4b:s3+s5], $0x40, s25, s5, $0xb8;
	[tilespmem:$0x15900] =	vst v63  }
0x37b: {  	_ = 	snop  }
0x37c: {  	[tilespmem:s15], [sflag:$0x1] =	stream.indirect.gather [hbm4b:s3+s5], $0x40, s26, s5, $0xb8;
	[tilespmem:$0x15900] =	vst v63  }
0x37d: {  	_ = 	snop  }
0x37e: {  	[tilespmem:s16], [sflag:$0x1] =	stream.indirect.gather [hbm4b:s3+s5], $0x40, s28, s5, $0xb8;
	[tilespmem:$0x15900] =	vst v63  }
0x37f: {  	_ = 	snop  }
0x380: {  	[tilespmem:s17], [sflag:$0x1] =	stream.indirect.gather [hbm4b:s3+s5], $0x40, s29, s5, $0xb8;
	[tilespmem:$0x15900] =	vst v63  }
0x381: {  	s28 =	rddreg [dreg:$0xc]  }
0x382: {  	[hbm4b:s28+s2] =	stream.linear.scatter [tilespmem:s6], [sflag:$0x3], $0xA000, $0x38;
	[tilespmem:$0x15900] =	vst v63  }
0x383: {  	_ =	swait.ge [sflag:s4], $0xA000  }
0x384: {  	[sflag:s4] =	ssyncset.done $0x0  }
0x385: {  	[sflag:s4] =	ssyncadd.s32 $0xFFFF6000  }
0x386: {  	_ =	swait.ge [sflag:s9], $0x2000  }
0x387: {  	[sflag:s9] =	ssyncset.done $0x0  }
0x388: {  	[sflag:s9] =	ssyncadd.s32 $0xFFFFE000  }
0x389: {  	_ =	swait.ge [sflag:s9], $0x2000  }
0x38a: {  	[sflag:s9] =	ssyncset.done $0x0  }
0x38b: {  	[sflag:s9] =	ssyncadd.s32 $0xFFFFE000  }
0x38c: {  	_ =	swait.ge [sflag:s9], $0x2000  }
0x38d: {  	[sflag:s9] =	ssyncset.done $0x0  }
0x38e: {  	[sflag:s9] =	ssyncadd.s32 $0xFFFFE000  }
0x38f: {  	_ =	swait.ge [sflag:s9], $0x2000  }
0x390: {  	[sflag:s9] =	ssyncset.done $0x0  }
0x391: {  	[sflag:s9] =	ssyncadd.s32 $0xFFFFE000  }
0x392: {  	_ =	swait.ge [sflag:s9], $0x2000  }
0x393: {  	[sflag:s9] =	ssyncset.done $0x0  }
0x394: {  	[sflag:s9] =	ssyncadd.s32 $0xFFFFE000  }
0x395: {  	[tilespmem:s6], [sflag:$0x2] =	stream.indirect.gather [hbm4b:s3+s5], $0x40, s20, s5, $0xb8;
	[tilespmem:$0x15900] =	vst v63  }
0x396: {  	_ = 	snop  }
0x397: {  	[tilespmem:s10], [sflag:$0x2] =	stream.indirect.gather [hbm4b:s3+s5], $0x40, s21, s5, $0xb8;
	[tilespmem:$0x15900] =	vst v63  }
0x398: {  	_ = 	snop  }
0x399: {  	[tilespmem:s11], [sflag:$0x2] =	stream.indirect.gather [hbm4b:s3+s5], $0x40, s22, s5, $0xb8;
	[tilespmem:$0x15900] =	vst v63  }
0x39a: {  	s29 =	simm.s32 $0x1800  }
0x39b: {  	[tilespmem:s12], [sflag:$0x2] =	stream.indirect.gather [hbm4b:s3+s5], $0x40, s29, s5, $0xb8;
	[tilespmem:$0x15900] =	vst v63  }
0x39c: {  	_ = 	snop  }
0x39d: {  	[tilespmem:s13], [sflag:$0x2] =	stream.indirect.gather [hbm4b:s3+s5], $0x40, s19, s5, $0xb8;
	[tilespmem:$0x15900] =	vst v63  }
0x39e: {  	s30 =	rddreg [dreg:$0xd]  }
0x39f: {  	[hbm4b:s30+s2] =	stream.linear.scatter [tilespmem:s7], [sflag:$0x3], $0xA000, $0x38;
	[tilespmem:$0x15900] =	vst v63  }
0x3a0: {  	_ =	swait.ge [sflag:s4], $0xA000  }
0x3a1: {  	[sflag:s4] =	ssyncset.done $0x0  }
0x3a2: {  	[sflag:s4] =	ssyncadd.s32 $0xFFFF6000  }
0x3a3: {  	_ =	swait.ge [sflag:s8], $0x2000  }
0x3a4: {  	[sflag:s8] =	ssyncset.done $0x0  }
0x3a5: {  	[sflag:s8] =	ssyncadd.s32 $0xFFFFE000  }
0x3a6: {  	_ =	swait.ge [sflag:s8], $0x2000  }
0x3a7: {  	[sflag:s8] =	ssyncset.done $0x0  }
0x3a8: {  	[sflag:s8] =	ssyncadd.s32 $0xFFFFE000  }
0x3a9: {  	_ =	swait.ge [sflag:s8], $0x2000  }
0x3aa: {  	[sflag:s8] =	ssyncset.done $0x0  }
0x3ab: {  	[sflag:s8] =	ssyncadd.s32 $0xFFFFE000  }
0x3ac: {  	_ =	swait.ge [sflag:s8], $0x2000  }
0x3ad: {  	[sflag:s8] =	ssyncset.done $0x0  }
0x3ae: {  	[sflag:s8] =	ssyncadd.s32 $0xFFFFE000  }
0x3af: {  	_ =	swait.ge [sflag:s8], $0x2000  }
0x3b0: {  	[sflag:s8] =	ssyncset.done $0x0  }
0x3b1: {  	s31 =	rddreg [dreg:$0xe];
	[sflag:s8] =	ssyncadd.s32 $0xFFFFE000  }
0x3b2: {  	[hbm4b:s31+s2] =	stream.linear.scatter [tilespmem:s6], [sflag:$0x3], $0xA000, $0x38;
	[tilespmem:$0x15900] =	vst v63  }
0x3b3: {  	_ =	swait.ge [sflag:s4], $0xA000  }
0x3b4: {  	[sflag:s4] =	ssyncset.done $0x0  }
0x3b5: {  	[sflag:s4] =	ssyncadd.s32 $0xFFFF6000  }
0x3b6: {  	_ =	sfence.sel $0x180000  }
0x3b7: {  	[bflag:$0x0] =	sbarrier.arrive $0xFFFF  }
0x3b8: {  	_ =	strace $0x90000047  }
0x3b9: {  	[bflag:$0x2] =	sbarrier.arrive $0xFFFF  }
0x3ba: {  	p0 =	sne.s32 s18, $0x0;
	s0 =	rddreg [dreg:$0x3]  }
0x3bb: {  	s0 =	sadd.s32 @!p0 $0x100000, s0  }
0x3bc: {  	[sflag:s0] =	ssyncadd.tile.s32 @!p0 $0x1;
	_ =	shalt  }
.LBB2_1:
.Ltmp3:
0x3bd: {  	(pc) =	sbr.rel .LBB2_6-.Ltmp3, $4  }
0x3be: {  	s23 =	simm.s32 $0x1300;
	s31 =	simm.s32 $0x1280;
	s30 =	simm.s32 $0x1380  }
0x3bf: {  	s29 =	simm.s32 $0x1600;
	s28 =	simm.s32 $0x1580;
	s26 =	simm.s32 $0x1500  }
0x3c0: {  	s25 =	simm.s32 $0x1480;
	s24 =	simm.s32 $0x1400;
	s22 =	simm.s32 $0x1780  }
0x3c1: {  	s21 =	simm.s32 $0x1700;
	s20 =	simm.s32 $0x1680;
	s19 =	simm.s32 $0x1880  }
.LBB2_3:
.Ltmp4:
0x3c2: {  	s23 =	simm.s32 $0x1300;
	(pc) =	sbr.rel .LBB2_6-.Ltmp4, $4  }
0x3c3: {  	s31 =	simm.s32 $0x1280;
	s30 =	simm.s32 $0x1380;
	s29 =	simm.s32 $0x1600  }
0x3c4: {  	s28 =	simm.s32 $0x1580;
	s26 =	simm.s32 $0x1500;
	s25 =	simm.s32 $0x1480  }
0x3c5: {  	s24 =	simm.s32 $0x1400;
	s22 =	simm.s32 $0x1780;
	s21 =	simm.s32 $0x1700  }
0x3c6: {  	s20 =	simm.s32 $0x1680;
	s19 =	simm.s32 $0x1880;
	s18 =	stileid.u32  }
.Lfunc_end2:
_tile_overlayer_lowered:
.L_overlay_start_2:
0x3c7: {  	(tag) =	ssettag $0x2  }
0x3c8: {  	s0 =	rddreg [dreg:$0x0];
	s2 =	stileid.u32  }
0x3c9: {  	s1 =	rddreg [dreg:$0x1];
	p0 =	sne.s32 s2, $0x0  }
0x3ca: {  	s3 =	rddreg [dreg:$0x2];
	[bflag:$0x3] =	sbarrier.arrive $0xFFFF;
	s2 =	simm.s32 @!p0 $0x1C03  }
0x3cb: {  	[timem:s3], [sflag:s2] =	dma.local @!p0 [hbm:s0], s1  }
0x3cc: {  	s0 =	simm.s32 @!p0 $0x3  }
0x3cd: {  	_ =	swait.ge @!p0 [sflag:s0], s1  }
0x3ce: {  	s1 =	ssub.s32 @!p0 $0x0, s1;
	[sflag:s0] =	ssyncset.done @!p0 $0x0  }
0x3cf: {  	[sflag:s0] =	ssyncadd.s32 @!p0 s1  }
0x3d0: {  	[bflag:$0x3] =	sbarrier.arrive $0xFFFF  }
0x3d1: {  	_ =	shalt  }

</sc_bundles>
